<compile_context>
chip_gen: v7x
topology: tpu7x:2x2x1
jax: 0.10.2.dev20260603
libtpu: 0.0.44.dev20260713+nightly
codegen_flags: <defaults>
</compile_context>

<pallas_src>
import jax
import jax.numpy as jnp
from jax import lax
from jax.experimental import pallas as pl
from jax.experimental.pallas import tpu as pltpu
from jax.experimental.pallas import tpu_sc as plsc

NW = 32
LANES = 16
ROWS_PER_W = 32
ROW = 256
NRC = 4


def _sc_body(acts_hbm, lbl_hbm, s_out, t_out, c_out,
             acts_v0, acts_v1, acts_v2, lbl_slab,
             acc_s, acc_t, acc_c, res_v, sems):
    cid = lax.axis_index("c")
    sid = lax.axis_index("s")
    wid = sid * 2 + cid
    b = wid // 8
    row0 = (wid % 8) * ROWS_PER_W
    acts_bufs = (acts_v0, acts_v1, acts_v2)
    nch = ROWS_PER_W // NRC

    zeros = jnp.zeros((LANES,), jnp.float32)
    for k in range(2 * LANES):
        acc_s[pl.ds(k * LANES, LANES)] = zeros
        acc_t[pl.ds(k * LANES, LANES)] = zeros
        acc_c[pl.ds(k * LANES, LANES)] = zeros

    lane = lax.iota(jnp.int32, LANES)
    lane32 = lane * 32
    ones = jnp.ones((LANES,), jnp.float32)
    zero16 = jnp.zeros((LANES,), jnp.int32)

    def start_dma(ch, buf):
        r = row0 + ch * NRC
        pltpu.async_copy(acts_hbm.at[b, pl.ds(r, NRC)], acts_bufs[buf],
                         sems.at[buf])

    def wait_dma(ch, buf):
        r = row0 + ch * NRC
        pltpu.make_async_copy(acts_hbm.at[b, pl.ds(r, NRC)], acts_bufs[buf],
                              sems.at[buf]).wait()

    def process(buf, ch):
        acts_v = acts_bufs[buf]

        @plsc.parallel_loop(0, (NRC * ROW) // LANES, unroll=8)
        def grp_body(i):
            rloc = i >> 4
            cbase = (i & 15) * LANES
            lb = lbl_slab[ch * NRC + rloc, pl.ds(cbase, LANES)] - 1
            valid = lb >= 0
            col0 = jnp.maximum(lb * 4, 0)
            acc0 = lane32 + col0
            pix = lane + cbase
            plsc.addupdate_scatter(acc_c, [acc0], ones, mask=valid)
            for j in range(4):
                x = plsc.load_gather(acts_v, [zero16 + rloc, col0 + j, pix])
                e = jnp.exp(x)
                plsc.addupdate_scatter(acc_s, [acc0 + j], e, mask=valid)
                plsc.addupdate_scatter(acc_t, [acc0 + j], x * e, mask=valid)

    start_dma(0, 0)
    start_dma(1, 1)
    pltpu.sync_copy(lbl_hbm.at[b, pl.ds(row0, ROWS_PER_W)], lbl_slab)
    for ch in range(nch):
        buf = ch % 3
        wait_dma(ch, buf)
        if ch + 2 < nch:
            start_dma(ch + 2, (ch + 2) % 3)
        process(buf, ch)

    for half in range(2):
        sl = pl.ds(half * LANES, LANES)
        fs = zeros
        ft = zeros
        fc = zeros
        for r in range(LANES):
            rsl = pl.ds(r * 32 + half * LANES, LANES)
            fs = fs + acc_s[rsl]
            ft = ft + acc_t[rsl]
            fc = fc + acc_c[rsl]
        res_v[0, sl] = fs
        res_v[1, sl] = ft
        res_v[2, sl] = fc
    pltpu.sync_copy(res_v.at[0], s_out.at[wid])
    pltpu.sync_copy(res_v.at[1], t_out.at[wid])
    pltpu.sync_copy(res_v.at[2], c_out.at[wid])


def _tc_finish(s_ref, t_ref, c_ref, pcp_ref, out_ref):
    w_per_b = s_ref.shape[0] // 4
    S = s_ref[...].reshape(4, w_per_b, 32).sum(axis=1)
    T = t_ref[...].reshape(4, w_per_b, 32).sum(axis=1)
    C = c_ref[...].reshape(4, w_per_b, 32).sum(axis=1)
    ent = jnp.log(S) - T / S
    ent_pp = ent / jnp.log(jnp.maximum(C, 2.0))
    valid = (C >= 2.0) & (pcp_ref[...] > 0.0)
    loss_sum = jnp.sum(jnp.where(valid, ent_pp, 0.0)) * 0.25
    total = jnp.sum(jnp.where(valid, 0.25, 0.0))
    res = jnp.where(total > 0.0, loss_sum / total, 0.0)
    out_ref[...] = jnp.broadcast_to(res, (1, 1))


@jax.jit
def _run(acts, labels, pci):
    P = pci.shape[0]
    acts = jnp.transpose(acts, (0, 1, 3, 2))

    proto = jnp.arange(P)
    pcp = jnp.sum(pci, axis=0)[proto // 4].astype(jnp.float32).reshape(1, P)

    mesh = plsc.VectorSubcoreMesh(core_axis_name="c", subcore_axis_name="s")
    f32 = jnp.float32
    sc = pl.kernel(
        _sc_body,
        out_type=(
            jax.ShapeDtypeStruct((NW, P), f32),
            jax.ShapeDtypeStruct((NW, P), f32),
            jax.ShapeDtypeStruct((NW, P), f32),
        ),
        mesh=mesh,
        compiler_params=pltpu.CompilerParams(
            needs_layout_passes=False,
            use_tc_tiling_on_sc=True,
        ),
        scratch_types=[
            pltpu.VMEM((NRC, P, ROW), f32),
            pltpu.VMEM((NRC, P, ROW), f32),
            pltpu.VMEM((NRC, P, ROW), f32),
            pltpu.VMEM((ROWS_PER_W, ROW), jnp.int32),
            pltpu.VMEM((LANES * P,), f32),
            pltpu.VMEM((LANES * P,), f32),
            pltpu.VMEM((LANES * P,), f32),
            pltpu.VMEM((3, P), f32),
            pltpu.SemaphoreType.DMA((3,)),
        ],
    )
    s_p, t_p, c_p = sc(acts, labels)

    out = pl.pallas_call(
        _tc_finish,
        out_shape=jax.ShapeDtypeStruct((1, 1), f32),
    )(s_p, t_p, c_p, pcp)
    return out.reshape(())


def kernel(prototype_activations, target_labels, prototype_class_identity):
    return _run(prototype_activations, target_labels,
                prototype_class_identity)

# --- scband reference (transcript-rebuilt; emitter-appended) ---
"""Pipeline reference for scband-entropy-spat-loss-18769007083963 (READ-ONLY COPY).

The authoritative reference and input builder live on the scoring server;
editing this copy changes nothing except your own understanding.
"""

import jax, jax.numpy as jnp
import numpy as np


def setup_inputs(seed: int = 0) -> dict:
    key = jax.random.key(seed)
    k1, k2 = jax.random.split(key)
    prototype_activations = jax.random.normal(k1, (4, 256, 256, 32), dtype=jnp.float32)
    target_labels = jax.random.randint(k2, (4, 256, 256), 0, 9)
    prototype_class_identity = jnp.repeat(jnp.eye(8, dtype=jnp.int32), 4, axis=0)
    return {
        "prototype_activations": prototype_activations,
        "target_labels": target_labels,
        "prototype_class_identity": prototype_class_identity,
    }


def reference(prototype_activations, target_labels, prototype_class_identity):
    B = target_labels.shape[0]
    labels = target_labels.reshape(B, -1) - 1
    pci = prototype_class_identity
    P, C = pci.shape
    k = P // C
    acts = prototype_activations.reshape(B, -1, P)
    neg_inf = jnp.asarray(-jnp.inf, dtype=acts.dtype)
    losses = []
    valids = []
    for cls_i in range(C):
        cls_mask = labels == cls_i
        counts = jnp.sum(cls_mask, axis=1)
        proto_count = jnp.sum(pci[:, cls_i])
        proto_weights = pci[cls_i * k:(cls_i + 1) * k, cls_i].astype(acts.dtype)
        sub = acts[:, :, cls_i * k:(cls_i + 1) * k] * proto_weights[None, None, :]
        masked = jnp.where(cls_mask[:, :, None], sub, neg_inf)
        logp = jax.nn.log_softmax(masked, axis=1)
        prob = jax.nn.softmax(masked, axis=1)
        ent = jnp.sum(jnp.where(cls_mask[:, :, None], -prob * logp, 0.0), axis=1)
        safe_counts = jnp.maximum(counts, 2)
        log_norm = jnp.log(safe_counts.astype(acts.dtype))
        ent_per_proto = ent / log_norm[:, None]
        losses.append(jnp.mean(ent_per_proto, axis=1))
        valids.append((counts >= 2) & (proto_count > 0))
    loss_arr = jnp.stack(losses, axis=1)
    valid_arr = jnp.stack(valids, axis=1)
    total = jnp.sum(valid_arr)
    loss_sum = jnp.sum(jnp.where(valid_arr, loss_arr, 0.0))
    return jnp.where(
        total > 0,
        loss_sum / total.astype(loss_arr.dtype),
        jnp.asarray(0.0, dtype=jnp.float32),
    )

if __name__ == "__main__":
    import jax
    _d = setup_inputs()
    print(jax.jit(kernel)(*tuple(_d.values())))

</pallas_src>

<mosaic_0001>
#map = affine_map<(d0, d1) -> (0, 0, 0, 0)>
#map1 = affine_map<(d0, d1) -> (0, 0, 0)>
#map2 = affine_map<(d0, d1) -> (0, 0)>
module attributes {stable_mosaic.version = 14 : i64} {
  func.func @_sc_body(%arg0: i32, %arg1: i32, %arg2: memref<4x256x32x256xf32, #tpu.memory_space<hbm>>, %arg3: memref<4x256x256xi32, #tpu.memory_space<hbm>>, %arg4: memref<32x32xf32, #tpu.memory_space<hbm>>, %arg5: memref<32x32xf32, #tpu.memory_space<hbm>>, %arg6: memref<32x32xf32, #tpu.memory_space<hbm>>, %arg7: memref<4x32x256xf32, #tpu.memory_space<vmem>>, %arg8: memref<4x32x256xf32, #tpu.memory_space<vmem>>, %arg9: memref<4x32x256xf32, #tpu.memory_space<vmem>>, %arg10: memref<32x256xi32, #tpu.memory_space<vmem>>, %arg11: memref<512xf32, #tpu.memory_space<vmem>>, %arg12: memref<512xf32, #tpu.memory_space<vmem>>, %arg13: memref<512xf32, #tpu.memory_space<vmem>>, %arg14: memref<3x32xf32, #tpu.memory_space<vmem>>, %arg15: memref<3x!tpu.dma_semaphore, #tpu.memory_space<semaphore_mem>>) attributes {dimension_semantics = [#tpu.dimension_semantics<core_parallel>, #tpu.dimension_semantics<subcore_parallel>], iteration_bounds = array<i64: 2, 16>, scalar_prefetch = 0 : i64, scratch_operands = 9 : i64, tpu.core_type = #tpu.core_type<sc_vector_subcore>, window_params = [{transform_indices = #map}, {transform_indices = #map1}, {transform_indices = #map2}, {transform_indices = #map2}, {transform_indices = #map2}]} {
    %mul3A = arith.constant 2 : i32
    %mul3A_0 = arith.muli %arg1, %mul3A : i32
    %add3A = arith.addi %mul3A_0, %arg0 : i32
    %jit3A = arith.constant 8 : i32
    %div3A = arith.divsi %add3A, %jit3A : i32
    %sign3A = arith.constant 0 : i32
    %sign3A_1 = arith.cmpi sgt, %add3A, %sign3A : i32
    %sign3A_2 = arith.extui %sign3A_1 : i1 to i32
    %sign3A_3 = arith.constant 0 : i32
    %sign3A_4 = arith.cmpi slt, %add3A, %sign3A_3 : i32
    %sign3A_5 = arith.extui %sign3A_4 : i1 to i32
    %sign3A_6 = arith.subi %sign3A_2, %sign3A_5 : i32
    %sign3A_7 = arith.constant 0 : i32
    %sign3A_8 = arith.cmpi sgt, %jit3A, %sign3A_7 : i32
    %sign3A_9 = arith.extui %sign3A_8 : i1 to i32
    %sign3A_10 = arith.constant 0 : i32
    %sign3A_11 = arith.cmpi slt, %jit3A, %sign3A_10 : i32
    %sign3A_12 = arith.extui %sign3A_11 : i1 to i32
    %sign3A_13 = arith.subi %sign3A_9, %sign3A_12 : i32
    %ne3A = arith.cmpi ne, %sign3A_6, %sign3A_13 : i32
    %rem3A = arith.remsi %add3A, %jit3A : i32
    %ne3A_14 = arith.constant 0 : i32
    %ne3A_15 = arith.cmpi ne, %rem3A, %ne3A_14 : i32
    %and3A = arith.andi %ne3A, %ne3A_15 : i1
    %sub3A = arith.constant 1 : i32
    %sub3A_16 = arith.subi %div3A, %sub3A : i32
    %select_n3A = arith.select %and3A, %sub3A_16, %div3A : i32
    %jit3A_17 = arith.constant 8 : i32
    %eq3A = arith.constant 0 : i32
    %eq3A_18 = arith.cmpi eq, %jit3A_17, %eq3A : i32
    %jit3A_19 = arith.constant 1 : i32
    %select_n3A_20 = arith.select %eq3A_18, %jit3A_19, %jit3A_17 : i32
    %rem3A_21 = arith.remsi %add3A, %select_n3A_20 : i32
    %ne3A_22 = arith.constant 0 : i32
    %ne3A_23 = arith.cmpi ne, %rem3A_21, %ne3A_22 : i32
    %lt3A = arith.constant 0 : i32
    %lt3A_24 = arith.cmpi slt, %rem3A_21, %lt3A : i32
    %lt3A_25 = arith.constant 0 : i32
    %lt3A_26 = arith.cmpi slt, %select_n3A_20, %lt3A_25 : i32
    %ne3A_27 = arith.xori %lt3A_24, %lt3A_26 : i1
    %and3A_28 = arith.andi %ne3A_27, %ne3A_23 : i1
    %add3A_29 = arith.addi %rem3A_21, %select_n3A_20 : i32
    %select_n3A_30 = arith.select %and3A_28, %add3A_29, %rem3A_21 : i32
    %mul3A_31 = arith.constant 32 : i32
    %mul3A_32 = arith.muli %select_n3A_30, %mul3A_31 : i32
    %broadcast_in_dim3A = arith.constant 0.000000e+00 : f32
    %broadcast_in_dim3A_33 = vector.broadcast %broadcast_in_dim3A : f32 to vector<16xf32>
    %swap3A = arith.constant 0 : index
    %swap3A_34 = tpu.vector_load %arg11[%swap3A] {strides = array<i32>} : memref<512xf32, #tpu.memory_space<vmem>>, vector<16xf32>,
    tpu.vector_store %arg11[%swap3A], %broadcast_in_dim3A_33 {strides = array<i32>} : memref<512xf32, #tpu.memory_space<vmem>>, vector<16xf32>,
    %swap3A_35 = arith.constant 0 : index
    %swap3A_36 = tpu.vector_load %arg12[%swap3A_35] {strides = array<i32>} : memref<512xf32, #tpu.memory_space<vmem>>, vector<16xf32>,
    tpu.vector_store %arg12[%swap3A_35], %broadcast_in_dim3A_33 {strides = array<i32>} : memref<512xf32, #tpu.memory_space<vmem>>, vector<16xf32>,
    %swap3A_37 = arith.constant 0 : index
    %swap3A_38 = tpu.vector_load %arg13[%swap3A_37] {strides = array<i32>} : memref<512xf32, #tpu.memory_space<vmem>>, vector<16xf32>,
    tpu.vector_store %arg13[%swap3A_37], %broadcast_in_dim3A_33 {strides = array<i32>} : memref<512xf32, #tpu.memory_space<vmem>>, vector<16xf32>,
    %swap3A_39 = arith.constant 16 : index
    %swap3A_40 = tpu.vector_load %arg11[%swap3A_39] {strides = array<i32>} : memref<512xf32, #tpu.memory_space<vmem>>, vector<16xf32>,
    tpu.vector_store %arg11[%swap3A_39], %broadcast_in_dim3A_33 {strides = array<i32>} : memref<512xf32, #tpu.memory_space<vmem>>, vector<16xf32>,
    %swap3A_41 = arith.constant 16 : index
    %swap3A_42 = tpu.vector_load %arg12[%swap3A_41] {strides = array<i32>} : memref<512xf32, #tpu.memory_space<vmem>>, vector<16xf32>,
    tpu.vector_store %arg12[%swap3A_41], %broadcast_in_dim3A_33 {strides = array<i32>} : memref<512xf32, #tpu.memory_space<vmem>>, vector<16xf32>,
    %swap3A_43 = arith.constant 16 : index
    %swap3A_44 = tpu.vector_load %arg13[%swap3A_43] {strides = array<i32>} : memref<512xf32, #tpu.memory_space<vmem>>, vector<16xf32>,
    tpu.vector_store %arg13[%swap3A_43], %broadcast_in_dim3A_33 {strides = array<i32>} : memref<512xf32, #tpu.memory_space<vmem>>, vector<16xf32>,
    %swap3A_45 = arith.constant 32 : index
    %swap3A_46 = tpu.vector_load %arg11[%swap3A_45] {strides = array<i32>} : memref<512xf32, #tpu.memory_space<vmem>>, vector<16xf32>,
    tpu.vector_store %arg11[%swap3A_45], %broadcast_in_dim3A_33 {strides = array<i32>} : memref<512xf32, #tpu.memory_space<vmem>>, vector<16xf32>,
    %swap3A_47 = arith.constant 32 : index
    %swap3A_48 = tpu.vector_load %arg12[%swap3A_47] {strides = array<i32>} : memref<512xf32, #tpu.memory_space<vmem>>, vector<16xf32>,
    tpu.vector_store %arg12[%swap3A_47], %broadcast_in_dim3A_33 {strides = array<i32>} : memref<512xf32, #tpu.memory_space<vmem>>, vector<16xf32>,
    %swap3A_49 = arith.constant 32 : index
    %swap3A_50 = tpu.vector_load %arg13[%swap3A_49] {strides = array<i32>} : memref<512xf32, #tpu.memory_space<vmem>>, vector<16xf32>,
    tpu.vector_store %arg13[%swap3A_49], %broadcast_in_dim3A_33 {strides = array<i32>} : memref<512xf32, #tpu.memory_space<vmem>>, vector<16xf32>,
    %swap3A_51 = arith.constant 48 : index
    %swap3A_52 = tpu.vector_load %arg11[%swap3A_51] {strides = array<i32>} : memref<512xf32, #tpu.memory_space<vmem>>, vector<16xf32>,
    tpu.vector_store %arg11[%swap3A_51], %broadcast_in_dim3A_33 {strides = array<i32>} : memref<512xf32, #tpu.memory_space<vmem>>, vector<16xf32>,
    %swap3A_53 = arith.constant 48 : index
    %swap3A_54 = tpu.vector_load %arg12[%swap3A_53] {strides = array<i32>} : memref<512xf32, #tpu.memory_space<vmem>>, vector<16xf32>,
    tpu.vector_store %arg12[%swap3A_53], %broadcast_in_dim3A_33 {strides = array<i32>} : memref<512xf32, #tpu.memory_space<vmem>>, vector<16xf32>,
    %swap3A_55 = arith.constant 48 : index
    %swap3A_56 = tpu.vector_load %arg13[%swap3A_55] {strides = array<i32>} : memref<512xf32, #tpu.memory_space<vmem>>, vector<16xf32>,
    tpu.vector_store %arg13[%swap3A_55], %broadcast_in_dim3A_33 {strides = array<i32>} : memref<512xf32, #tpu.memory_space<vmem>>, vector<16xf32>,
    %swap3A_57 = arith.constant 64 : index
    %swap3A_58 = tpu.vector_load %arg11[%swap3A_57] {strides = array<i32>} : memref<512xf32, #tpu.memory_space<vmem>>, vector<16xf32>,
    tpu.vector_store %arg11[%swap3A_57], %broadcast_in_dim3A_33 {strides = array<i32>} : memref<512xf32, #tpu.memory_space<vmem>>, vector<16xf32>,
    %swap3A_59 = arith.constant 64 : index
    %swap3A_60 = tpu.vector_load %arg12[%swap3A_59] {strides = array<i32>} : memref<512xf32, #tpu.memory_space<vmem>>, vector<16xf32>,
    tpu.vector_store %arg12[%swap3A_59], %broadcast_in_dim3A_33 {strides = array<i32>} : memref<512xf32, #tpu.memory_space<vmem>>, vector<16xf32>,
    %swap3A_61 = arith.constant 64 : index
    %swap3A_62 = tpu.vector_load %arg13[%swap3A_61] {strides = array<i32>} : memref<512xf32, #tpu.memory_space<vmem>>, vector<16xf32>,
    tpu.vector_store %arg13[%swap3A_61], %broadcast_in_dim3A_33 {strides = array<i32>} : memref<512xf32, #tpu.memory_space<vmem>>, vector<16xf32>,
    %swap3A_63 = arith.constant 80 : index
    %swap3A_64 = tpu.vector_load %arg11[%swap3A_63] {strides = array<i32>} : memref<512xf32, #tpu.memory_space<vmem>>, vector<16xf32>,
    tpu.vector_store %arg11[%swap3A_63], %broadcast_in_dim3A_33 {strides = array<i32>} : memref<512xf32, #tpu.memory_space<vmem>>, vector<16xf32>,
    %swap3A_65 = arith.constant 80 : index
    %swap3A_66 = tpu.vector_load %arg12[%swap3A_65] {strides = array<i32>} : memref<512xf32, #tpu.memory_space<vmem>>, vector<16xf32>,
    tpu.vector_store %arg12[%swap3A_65], %broadcast_in_dim3A_33 {strides = array<i32>} : memref<512xf32, #tpu.memory_space<vmem>>, vector<16xf32>,
    %swap3A_67 = arith.constant 80 : index
    %swap3A_68 = tpu.vector_load %arg13[%swap3A_67] {strides = array<i32>} : memref<512xf32, #tpu.memory_space<vmem>>, vector<16xf32>,
    tpu.vector_store %arg13[%swap3A_67], %broadcast_in_dim3A_33 {strides = array<i32>} : memref<512xf32, #tpu.memory_space<vmem>>, vector<16xf32>,
    %swap3A_69 = arith.constant 96 : index
    %swap3A_70 = tpu.vector_load %arg11[%swap3A_69] {strides = array<i32>} : memref<512xf32, #tpu.memory_space<vmem>>, vector<16xf32>,
    tpu.vector_store %arg11[%swap3A_69], %broadcast_in_dim3A_33 {strides = array<i32>} : memref<512xf32, #tpu.memory_space<vmem>>, vector<16xf32>,
    %swap3A_71 = arith.constant 96 : index
    %swap3A_72 = tpu.vector_load %arg12[%swap3A_71] {strides = array<i32>} : memref<512xf32, #tpu.memory_space<vmem>>, vector<16xf32>,
    tpu.vector_store %arg12[%swap3A_71], %broadcast_in_dim3A_33 {strides = array<i32>} : memref<512xf32, #tpu.memory_space<vmem>>, vector<16xf32>,
    %swap3A_73 = arith.constant 96 : index
    %swap3A_74 = tpu.vector_load %arg13[%swap3A_73] {strides = array<i32>} : memref<512xf32, #tpu.memory_space<vmem>>, vector<16xf32>,
    tpu.vector_store %arg13[%swap3A_73], %broadcast_in_dim3A_33 {strides = array<i32>} : memref<512xf32, #tpu.memory_space<vmem>>, vector<16xf32>,
    %swap3A_75 = arith.constant 112 : index
    %swap3A_76 = tpu.vector_load %arg11[%swap3A_75] {strides = array<i32>} : memref<512xf32, #tpu.memory_space<vmem>>, vector<16xf32>,
    tpu.vector_store %arg11[%swap3A_75], %broadcast_in_dim3A_33 {strides = array<i32>} : memref<512xf32, #tpu.memory_space<vmem>>, vector<16xf32>,
    %swap3A_77 = arith.constant 112 : index
    %swap3A_78 = tpu.vector_load %arg12[%swap3A_77] {strides = array<i32>} : memref<512xf32, #tpu.memory_space<vmem>>, vector<16xf32>,
    tpu.vector_store %arg12[%swap3A_77], %broadcast_in_dim3A_33 {strides = array<i32>} : memref<512xf32, #tpu.memory_space<vmem>>, vector<16xf32>,
    %swap3A_79 = arith.constant 112 : index
    %swap3A_80 = tpu.vector_load %arg13[%swap3A_79] {strides = array<i32>} : memref<512xf32, #tpu.memory_space<vmem>>, vector<16xf32>,
    tpu.vector_store %arg13[%swap3A_79], %broadcast_in_dim3A_33 {strides = array<i32>} : memref<512xf32, #tpu.memory_space<vmem>>, vector<16xf32>,
    %swap3A_81 = arith.constant 128 : index
    %swap3A_82 = tpu.vector_load %arg11[%swap3A_81] {strides = array<i32>} : memref<512xf32, #tpu.memory_space<vmem>>, vector<16xf32>,
    tpu.vector_store %arg11[%swap3A_81], %broadcast_in_dim3A_33 {strides = array<i32>} : memref<512xf32, #tpu.memory_space<vmem>>, vector<16xf32>,
    %swap3A_83 = arith.constant 128 : index
    %swap3A_84 = tpu.vector_load %arg12[%swap3A_83] {strides = array<i32>} : memref<512xf32, #tpu.memory_space<vmem>>, vector<16xf32>,
    tpu.vector_store %arg12[%swap3A_83], %broadcast_in_dim3A_33 {strides = array<i32>} : memref<512xf32, #tpu.memory_space<vmem>>, vector<16xf32>,
    %swap3A_85 = arith.constant 128 : index
    %swap3A_86 = tpu.vector_load %arg13[%swap3A_85] {strides = array<i32>} : memref<512xf32, #tpu.memory_space<vmem>>, vector<16xf32>,
    tpu.vector_store %arg13[%swap3A_85], %broadcast_in_dim3A_33 {strides = array<i32>} : memref<512xf32, #tpu.memory_space<vmem>>, vector<16xf32>,
    %swap3A_87 = arith.constant 144 : index
    %swap3A_88 = tpu.vector_load %arg11[%swap3A_87] {strides = array<i32>} : memref<512xf32, #tpu.memory_space<vmem>>, vector<16xf32>,
    tpu.vector_store %arg11[%swap3A_87], %broadcast_in_dim3A_33 {strides = array<i32>} : memref<512xf32, #tpu.memory_space<vmem>>, vector<16xf32>,
    %swap3A_89 = arith.constant 144 : index
    %swap3A_90 = tpu.vector_load %arg12[%swap3A_89] {strides = array<i32>} : memref<512xf32, #tpu.memory_space<vmem>>, vector<16xf32>,
    tpu.vector_store %arg12[%swap3A_89], %broadcast_in_dim3A_33 {strides = array<i32>} : memref<512xf32, #tpu.memory_space<vmem>>, vector<16xf32>,
    %swap3A_91 = arith.constant 144 : index
    %swap3A_92 = tpu.vector_load %arg13[%swap3A_91] {strides = array<i32>} : memref<512xf32, #tpu.memory_space<vmem>>, vector<16xf32>,
    tpu.vector_store %arg13[%swap3A_91], %broadcast_in_dim3A_33 {strides = array<i32>} : memref<512xf32, #tpu.memory_space<vmem>>, vector<16xf32>,
    %swap3A_93 = arith.constant 160 : index
    %swap3A_94 = tpu.vector_load %arg11[%swap3A_93] {strides = array<i32>} : memref<512xf32, #tpu.memory_space<vmem>>, vector<16xf32>,
    tpu.vector_store %arg11[%swap3A_93], %broadcast_in_dim3A_33 {strides = array<i32>} : memref<512xf32, #tpu.memory_space<vmem>>, vector<16xf32>,
    %swap3A_95 = arith.constant 160 : index
    %swap3A_96 = tpu.vector_load %arg12[%swap3A_95] {strides = array<i32>} : memref<512xf32, #tpu.memory_space<vmem>>, vector<16xf32>,
    tpu.vector_store %arg12[%swap3A_95], %broadcast_in_dim3A_33 {strides = array<i32>} : memref<512xf32, #tpu.memory_space<vmem>>, vector<16xf32>,
    %swap3A_97 = arith.constant 160 : index
    %swap3A_98 = tpu.vector_load %arg13[%swap3A_97] {strides = array<i32>} : memref<512xf32, #tpu.memory_space<vmem>>, vector<16xf32>,
    tpu.vector_store %arg13[%swap3A_97], %broadcast_in_dim3A_33 {strides = array<i32>} : memref<512xf32, #tpu.memory_space<vmem>>, vector<16xf32>,
    %swap3A_99 = arith.constant 176 : index
    %swap3A_100 = tpu.vector_load %arg11[%swap3A_99] {strides = array<i32>} : memref<512xf32, #tpu.memory_space<vmem>>, vector<16xf32>,
    tpu.vector_store %arg11[%swap3A_99], %broadcast_in_dim3A_33 {strides = array<i32>} : memref<512xf32, #tpu.memory_space<vmem>>, vector<16xf32>,
    %swap3A_101 = arith.constant 176 : index
    %swap3A_102 = tpu.vector_load %arg12[%swap3A_101] {strides = array<i32>} : memref<512xf32, #tpu.memory_space<vmem>>, vector<16xf32>,
    tpu.vector_store %arg12[%swap3A_101], %broadcast_in_dim3A_33 {strides = array<i32>} : memref<512xf32, #tpu.memory_space<vmem>>, vector<16xf32>,
    %swap3A_103 = arith.constant 176 : index
    %swap3A_104 = tpu.vector_load %arg13[%swap3A_103] {strides = array<i32>} : memref<512xf32, #tpu.memory_space<vmem>>, vector<16xf32>,
    tpu.vector_store %arg13[%swap3A_103], %broadcast_in_dim3A_33 {strides = array<i32>} : memref<512xf32, #tpu.memory_space<vmem>>, vector<16xf32>,
    %swap3A_105 = arith.constant 192 : index
    %swap3A_106 = tpu.vector_load %arg11[%swap3A_105] {strides = array<i32>} : memref<512xf32, #tpu.memory_space<vmem>>, vector<16xf32>,
    tpu.vector_store %arg11[%swap3A_105], %broadcast_in_dim3A_33 {strides = array<i32>} : memref<512xf32, #tpu.memory_space<vmem>>, vector<16xf32>,
    %swap3A_107 = arith.constant 192 : index
    %swap3A_108 = tpu.vector_load %arg12[%swap3A_107] {strides = array<i32>} : memref<512xf32, #tpu.memory_space<vmem>>, vector<16xf32>,
    tpu.vector_store %arg12[%swap3A_107], %broadcast_in_dim3A_33 {strides = array<i32>} : memref<512xf32, #tpu.memory_space<vmem>>, vector<16xf32>,
    %swap3A_109 = arith.constant 192 : index
    %swap3A_110 = tpu.vector_load %arg13[%swap3A_109] {strides = array<i32>} : memref<512xf32, #tpu.memory_space<vmem>>, vector<16xf32>,
    tpu.vector_store %arg13[%swap3A_109], %broadcast_in_dim3A_33 {strides = array<i32>} : memref<512xf32, #tpu.memory_space<vmem>>, vector<16xf32>,
    %swap3A_111 = arith.constant 208 : index
    %swap3A_112 = tpu.vector_load %arg11[%swap3A_111] {strides = array<i32>} : memref<512xf32, #tpu.memory_space<vmem>>, vector<16xf32>,
    tpu.vector_store %arg11[%swap3A_111], %broadcast_in_dim3A_33 {strides = array<i32>} : memref<512xf32, #tpu.memory_space<vmem>>, vector<16xf32>,
    %swap3A_113 = arith.constant 208 : index
    %swap3A_114 = tpu.vector_load %arg12[%swap3A_113] {strides = array<i32>} : memref<512xf32, #tpu.memory_space<vmem>>, vector<16xf32>,
    tpu.vector_store %arg12[%swap3A_113], %broadcast_in_dim3A_33 {strides = array<i32>} : memref<512xf32, #tpu.memory_space<vmem>>, vector<16xf32>,
    %swap3A_115 = arith.constant 208 : index
    %swap3A_116 = tpu.vector_load %arg13[%swap3A_115] {strides = array<i32>} : memref<512xf32, #tpu.memory_space<vmem>>, vector<16xf32>,
    tpu.vector_store %arg13[%swap3A_115], %broadcast_in_dim3A_33 {strides = array<i32>} : memref<512xf32, #tpu.memory_space<vmem>>, vector<16xf32>,
    %swap3A_117 = arith.constant 224 : index
    %swap3A_118 = tpu.vector_load %arg11[%swap3A_117] {strides = array<i32>} : memref<512xf32, #tpu.memory_space<vmem>>, vector<16xf32>,
    tpu.vector_store %arg11[%swap3A_117], %broadcast_in_dim3A_33 {strides = array<i32>} : memref<512xf32, #tpu.memory_space<vmem>>, vector<16xf32>,
    %swap3A_119 = arith.constant 224 : index
    %swap3A_120 = tpu.vector_load %arg12[%swap3A_119] {strides = array<i32>} : memref<512xf32, #tpu.memory_space<vmem>>, vector<16xf32>,
    tpu.vector_store %arg12[%swap3A_119], %broadcast_in_dim3A_33 {strides = array<i32>} : memref<512xf32, #tpu.memory_space<vmem>>, vector<16xf32>,
    %swap3A_121 = arith.constant 224 : index
    %swap3A_122 = tpu.vector_load %arg13[%swap3A_121] {strides = array<i32>} : memref<512xf32, #tpu.memory_space<vmem>>, vector<16xf32>,
    tpu.vector_store %arg13[%swap3A_121], %broadcast_in_dim3A_33 {strides = array<i32>} : memref<512xf32, #tpu.memory_space<vmem>>, vector<16xf32>,
    %swap3A_123 = arith.constant 240 : index
    %swap3A_124 = tpu.vector_load %arg11[%swap3A_123] {strides = array<i32>} : memref<512xf32, #tpu.memory_space<vmem>>, vector<16xf32>,
    tpu.vector_store %arg11[%swap3A_123], %broadcast_in_dim3A_33 {strides = array<i32>} : memref<512xf32, #tpu.memory_space<vmem>>, vector<16xf32>,
    %swap3A_125 = arith.constant 240 : index
    %swap3A_126 = tpu.vector_load %arg12[%swap3A_125] {strides = array<i32>} : memref<512xf32, #tpu.memory_space<vmem>>, vector<16xf32>,
    tpu.vector_store %arg12[%swap3A_125], %broadcast_in_dim3A_33 {strides = array<i32>} : memref<512xf32, #tpu.memory_space<vmem>>, vector<16xf32>,
    %swap3A_127 = arith.constant 240 : index
    %swap3A_128 = tpu.vector_load %arg13[%swap3A_127] {strides = array<i32>} : memref<512xf32, #tpu.memory_space<vmem>>, vector<16xf32>,
    tpu.vector_store %arg13[%swap3A_127], %broadcast_in_dim3A_33 {strides = array<i32>} : memref<512xf32, #tpu.memory_space<vmem>>, vector<16xf32>,
    %swap3A_129 = arith.constant 256 : index
    %swap3A_130 = tpu.vector_load %arg11[%swap3A_129] {strides = array<i32>} : memref<512xf32, #tpu.memory_space<vmem>>, vector<16xf32>,
    tpu.vector_store %arg11[%swap3A_129], %broadcast_in_dim3A_33 {strides = array<i32>} : memref<512xf32, #tpu.memory_space<vmem>>, vector<16xf32>,
    %swap3A_131 = arith.constant 256 : index
    %swap3A_132 = tpu.vector_load %arg12[%swap3A_131] {strides = array<i32>} : memref<512xf32, #tpu.memory_space<vmem>>, vector<16xf32>,
    tpu.vector_store %arg12[%swap3A_131], %broadcast_in_dim3A_33 {strides = array<i32>} : memref<512xf32, #tpu.memory_space<vmem>>, vector<16xf32>,
    %swap3A_133 = arith.constant 256 : index
    %swap3A_134 = tpu.vector_load %arg13[%swap3A_133] {strides = array<i32>} : memref<512xf32, #tpu.memory_space<vmem>>, vector<16xf32>,
    tpu.vector_store %arg13[%swap3A_133], %broadcast_in_dim3A_33 {strides = array<i32>} : memref<512xf32, #tpu.memory_space<vmem>>, vector<16xf32>,
    %swap3A_135 = arith.constant 272 : index
    %swap3A_136 = tpu.vector_load %arg11[%swap3A_135] {strides = array<i32>} : memref<512xf32, #tpu.memory_space<vmem>>, vector<16xf32>,
    tpu.vector_store %arg11[%swap3A_135], %broadcast_in_dim3A_33 {strides = array<i32>} : memref<512xf32, #tpu.memory_space<vmem>>, vector<16xf32>,
    %swap3A_137 = arith.constant 272 : index
    %swap3A_138 = tpu.vector_load %arg12[%swap3A_137] {strides = array<i32>} : memref<512xf32, #tpu.memory_space<vmem>>, vector<16xf32>,
    tpu.vector_store %arg12[%swap3A_137], %broadcast_in_dim3A_33 {strides = array<i32>} : memref<512xf32, #tpu.memory_space<vmem>>, vector<16xf32>,
    %swap3A_139 = arith.constant 272 : index
    %swap3A_140 = tpu.vector_load %arg13[%swap3A_139] {strides = array<i32>} : memref<512xf32, #tpu.memory_space<vmem>>, vector<16xf32>,
    tpu.vector_store %arg13[%swap3A_139], %broadcast_in_dim3A_33 {strides = array<i32>} : memref<512xf32, #tpu.memory_space<vmem>>, vector<16xf32>,
    %swap3A_141 = arith.constant 288 : index
    %swap3A_142 = tpu.vector_load %arg11[%swap3A_141] {strides = array<i32>} : memref<512xf32, #tpu.memory_space<vmem>>, vector<16xf32>,
    tpu.vector_store %arg11[%swap3A_141], %broadcast_in_dim3A_33 {strides = array<i32>} : memref<512xf32, #tpu.memory_space<vmem>>, vector<16xf32>,
    %swap3A_143 = arith.constant 288 : index
    %swap3A_144 = tpu.vector_load %arg12[%swap3A_143] {strides = array<i32>} : memref<512xf32, #tpu.memory_space<vmem>>, vector<16xf32>,
    tpu.vector_store %arg12[%swap3A_143], %broadcast_in_dim3A_33 {strides = array<i32>} : memref<512xf32, #tpu.memory_space<vmem>>, vector<16xf32>,
    %swap3A_145 = arith.constant 288 : index
    %swap3A_146 = tpu.vector_load %arg13[%swap3A_145] {strides = array<i32>} : memref<512xf32, #tpu.memory_space<vmem>>, vector<16xf32>,
    tpu.vector_store %arg13[%swap3A_145], %broadcast_in_dim3A_33 {strides = array<i32>} : memref<512xf32, #tpu.memory_space<vmem>>, vector<16xf32>,
    %swap3A_147 = arith.constant 304 : index
    %swap3A_148 = tpu.vector_load %arg11[%swap3A_147] {strides = array<i32>} : memref<512xf32, #tpu.memory_space<vmem>>, vector<16xf32>,
    tpu.vector_store %arg11[%swap3A_147], %broadcast_in_dim3A_33 {strides = array<i32>} : memref<512xf32, #tpu.memory_space<vmem>>, vector<16xf32>,
    %swap3A_149 = arith.constant 304 : index
    %swap3A_150 = tpu.vector_load %arg12[%swap3A_149] {strides = array<i32>} : memref<512xf32, #tpu.memory_space<vmem>>, vector<16xf32>,
    tpu.vector_store %arg12[%swap3A_149], %broadcast_in_dim3A_33 {strides = array<i32>} : memref<512xf32, #tpu.memory_space<vmem>>, vector<16xf32>,
    %swap3A_151 = arith.constant 304 : index
    %swap3A_152 = tpu.vector_load %arg13[%swap3A_151] {strides = array<i32>} : memref<512xf32, #tpu.memory_space<vmem>>, vector<16xf32>,
    tpu.vector_store %arg13[%swap3A_151], %broadcast_in_dim3A_33 {strides = array<i32>} : memref<512xf32, #tpu.memory_space<vmem>>, vector<16xf32>,
    %swap3A_153 = arith.constant 320 : index
    %swap3A_154 = tpu.vector_load %arg11[%swap3A_153] {strides = array<i32>} : memref<512xf32, #tpu.memory_space<vmem>>, vector<16xf32>,
    tpu.vector_store %arg11[%swap3A_153], %broadcast_in_dim3A_33 {strides = array<i32>} : memref<512xf32, #tpu.memory_space<vmem>>, vector<16xf32>,
    %swap3A_155 = arith.constant 320 : index
    %swap3A_156 = tpu.vector_load %arg12[%swap3A_155] {strides = array<i32>} : memref<512xf32, #tpu.memory_space<vmem>>, vector<16xf32>,
    tpu.vector_store %arg12[%swap3A_155], %broadcast_in_dim3A_33 {strides = array<i32>} : memref<512xf32, #tpu.memory_space<vmem>>, vector<16xf32>,
    %swap3A_157 = arith.constant 320 : index
    %swap3A_158 = tpu.vector_load %arg13[%swap3A_157] {strides = array<i32>} : memref<512xf32, #tpu.memory_space<vmem>>, vector<16xf32>,
    tpu.vector_store %arg13[%swap3A_157], %broadcast_in_dim3A_33 {strides = array<i32>} : memref<512xf32, #tpu.memory_space<vmem>>, vector<16xf32>,
    %swap3A_159 = arith.constant 336 : index
    %swap3A_160 = tpu.vector_load %arg11[%swap3A_159] {strides = array<i32>} : memref<512xf32, #tpu.memory_space<vmem>>, vector<16xf32>,
    tpu.vector_store %arg11[%swap3A_159], %broadcast_in_dim3A_33 {strides = array<i32>} : memref<512xf32, #tpu.memory_space<vmem>>, vector<16xf32>,
    %swap3A_161 = arith.constant 336 : index
    %swap3A_162 = tpu.vector_load %arg12[%swap3A_161] {strides = array<i32>} : memref<512xf32, #tpu.memory_space<vmem>>, vector<16xf32>,
    tpu.vector_store %arg12[%swap3A_161], %broadcast_in_dim3A_33 {strides = array<i32>} : memref<512xf32, #tpu.memory_space<vmem>>, vector<16xf32>,
    %swap3A_163 = arith.constant 336 : index
    %swap3A_164 = tpu.vector_load %arg13[%swap3A_163] {strides = array<i32>} : memref<512xf32, #tpu.memory_space<vmem>>, vector<16xf32>,
    tpu.vector_store %arg13[%swap3A_163], %broadcast_in_dim3A_33 {strides = array<i32>} : memref<512xf32, #tpu.memory_space<vmem>>, vector<16xf32>,
    %swap3A_165 = arith.constant 352 : index
    %swap3A_166 = tpu.vector_load %arg11[%swap3A_165] {strides = array<i32>} : memref<512xf32, #tpu.memory_space<vmem>>, vector<16xf32>,
    tpu.vector_store %arg11[%swap3A_165], %broadcast_in_dim3A_33 {strides = array<i32>} : memref<512xf32, #tpu.memory_space<vmem>>, vector<16xf32>,
    %swap3A_167 = arith.constant 352 : index
    %swap3A_168 = tpu.vector_load %arg12[%swap3A_167] {strides = array<i32>} : memref<512xf32, #tpu.memory_space<vmem>>, vector<16xf32>,
    tpu.vector_store %arg12[%swap3A_167], %broadcast_in_dim3A_33 {strides = array<i32>} : memref<512xf32, #tpu.memory_space<vmem>>, vector<16xf32>,
    %swap3A_169 = arith.constant 352 : index
    %swap3A_170 = tpu.vector_load %arg13[%swap3A_169] {strides = array<i32>} : memref<512xf32, #tpu.memory_space<vmem>>, vector<16xf32>,
    tpu.vector_store %arg13[%swap3A_169], %broadcast_in_dim3A_33 {strides = array<i32>} : memref<512xf32, #tpu.memory_space<vmem>>, vector<16xf32>,
    %swap3A_171 = arith.constant 368 : index
    %swap3A_172 = tpu.vector_load %arg11[%swap3A_171] {strides = array<i32>} : memref<512xf32, #tpu.memory_space<vmem>>, vector<16xf32>,
    tpu.vector_store %arg11[%swap3A_171], %broadcast_in_dim3A_33 {strides = array<i32>} : memref<512xf32, #tpu.memory_space<vmem>>, vector<16xf32>,
    %swap3A_173 = arith.constant 368 : index
    %swap3A_174 = tpu.vector_load %arg12[%swap3A_173] {strides = array<i32>} : memref<512xf32, #tpu.memory_space<vmem>>, vector<16xf32>,
    tpu.vector_store %arg12[%swap3A_173], %broadcast_in_dim3A_33 {strides = array<i32>} : memref<512xf32, #tpu.memory_space<vmem>>, vector<16xf32>,
    %swap3A_175 = arith.constant 368 : index
    %swap3A_176 = tpu.vector_load %arg13[%swap3A_175] {strides = array<i32>} : memref<512xf32, #tpu.memory_space<vmem>>, vector<16xf32>,
    tpu.vector_store %arg13[%swap3A_175], %broadcast_in_dim3A_33 {strides = array<i32>} : memref<512xf32, #tpu.memory_space<vmem>>, vector<16xf32>,
    %swap3A_177 = arith.constant 384 : index
    %swap3A_178 = tpu.vector_load %arg11[%swap3A_177] {strides = array<i32>} : memref<512xf32, #tpu.memory_space<vmem>>, vector<16xf32>,
    tpu.vector_store %arg11[%swap3A_177], %broadcast_in_dim3A_33 {strides = array<i32>} : memref<512xf32, #tpu.memory_space<vmem>>, vector<16xf32>,
    %swap3A_179 = arith.constant 384 : index
    %swap3A_180 = tpu.vector_load %arg12[%swap3A_179] {strides = array<i32>} : memref<512xf32, #tpu.memory_space<vmem>>, vector<16xf32>,
    tpu.vector_store %arg12[%swap3A_179], %broadcast_in_dim3A_33 {strides = array<i32>} : memref<512xf32, #tpu.memory_space<vmem>>, vector<16xf32>,
    %swap3A_181 = arith.constant 384 : index
    %swap3A_182 = tpu.vector_load %arg13[%swap3A_181] {strides = array<i32>} : memref<512xf32, #tpu.memory_space<vmem>>, vector<16xf32>,
    tpu.vector_store %arg13[%swap3A_181], %broadcast_in_dim3A_33 {strides = array<i32>} : memref<512xf32, #tpu.memory_space<vmem>>, vector<16xf32>,
    %swap3A_183 = arith.constant 400 : index
    %swap3A_184 = tpu.vector_load %arg11[%swap3A_183] {strides = array<i32>} : memref<512xf32, #tpu.memory_space<vmem>>, vector<16xf32>,
    tpu.vector_store %arg11[%swap3A_183], %broadcast_in_dim3A_33 {strides = array<i32>} : memref<512xf32, #tpu.memory_space<vmem>>, vector<16xf32>,
    %swap3A_185 = arith.constant 400 : index
    %swap3A_186 = tpu.vector_load %arg12[%swap3A_185] {strides = array<i32>} : memref<512xf32, #tpu.memory_space<vmem>>, vector<16xf32>,
    tpu.vector_store %arg12[%swap3A_185], %broadcast_in_dim3A_33 {strides = array<i32>} : memref<512xf32, #tpu.memory_space<vmem>>, vector<16xf32>,
    %swap3A_187 = arith.constant 400 : index
    %swap3A_188 = tpu.vector_load %arg13[%swap3A_187] {strides = array<i32>} : memref<512xf32, #tpu.memory_space<vmem>>, vector<16xf32>,
    tpu.vector_store %arg13[%swap3A_187], %broadcast_in_dim3A_33 {strides = array<i32>} : memref<512xf32, #tpu.memory_space<vmem>>, vector<16xf32>,
    %swap3A_189 = arith.constant 416 : index
    %swap3A_190 = tpu.vector_load %arg11[%swap3A_189] {strides = array<i32>} : memref<512xf32, #tpu.memory_space<vmem>>, vector<16xf32>,
    tpu.vector_store %arg11[%swap3A_189], %broadcast_in_dim3A_33 {strides = array<i32>} : memref<512xf32, #tpu.memory_space<vmem>>, vector<16xf32>,
    %swap3A_191 = arith.constant 416 : index
    %swap3A_192 = tpu.vector_load %arg12[%swap3A_191] {strides = array<i32>} : memref<512xf32, #tpu.memory_space<vmem>>, vector<16xf32>,
    tpu.vector_store %arg12[%swap3A_191], %broadcast_in_dim3A_33 {strides = array<i32>} : memref<512xf32, #tpu.memory_space<vmem>>, vector<16xf32>,
    %swap3A_193 = arith.constant 416 : index
    %swap3A_194 = tpu.vector_load %arg13[%swap3A_193] {strides = array<i32>} : memref<512xf32, #tpu.memory_space<vmem>>, vector<16xf32>,
    tpu.vector_store %arg13[%swap3A_193], %broadcast_in_dim3A_33 {strides = array<i32>} : memref<512xf32, #tpu.memory_space<vmem>>, vector<16xf32>,
    %swap3A_195 = arith.constant 432 : index
    %swap3A_196 = tpu.vector_load %arg11[%swap3A_195] {strides = array<i32>} : memref<512xf32, #tpu.memory_space<vmem>>, vector<16xf32>,
    tpu.vector_store %arg11[%swap3A_195], %broadcast_in_dim3A_33 {strides = array<i32>} : memref<512xf32, #tpu.memory_space<vmem>>, vector<16xf32>,
    %swap3A_197 = arith.constant 432 : index
    %swap3A_198 = tpu.vector_load %arg12[%swap3A_197] {strides = array<i32>} : memref<512xf32, #tpu.memory_space<vmem>>, vector<16xf32>,
    tpu.vector_store %arg12[%swap3A_197], %broadcast_in_dim3A_33 {strides = array<i32>} : memref<512xf32, #tpu.memory_space<vmem>>, vector<16xf32>,
    %swap3A_199 = arith.constant 432 : index
    %swap3A_200 = tpu.vector_load %arg13[%swap3A_199] {strides = array<i32>} : memref<512xf32, #tpu.memory_space<vmem>>, vector<16xf32>,
    tpu.vector_store %arg13[%swap3A_199], %broadcast_in_dim3A_33 {strides = array<i32>} : memref<512xf32, #tpu.memory_space<vmem>>, vector<16xf32>,
    %swap3A_201 = arith.constant 448 : index
    %swap3A_202 = tpu.vector_load %arg11[%swap3A_201] {strides = array<i32>} : memref<512xf32, #tpu.memory_space<vmem>>, vector<16xf32>,
    tpu.vector_store %arg11[%swap3A_201], %broadcast_in_dim3A_33 {strides = array<i32>} : memref<512xf32, #tpu.memory_space<vmem>>, vector<16xf32>,
    %swap3A_203 = arith.constant 448 : index
    %swap3A_204 = tpu.vector_load %arg12[%swap3A_203] {strides = array<i32>} : memref<512xf32, #tpu.memory_space<vmem>>, vector<16xf32>,
    tpu.vector_store %arg12[%swap3A_203], %broadcast_in_dim3A_33 {strides = array<i32>} : memref<512xf32, #tpu.memory_space<vmem>>, vector<16xf32>,
    %swap3A_205 = arith.constant 448 : index
    %swap3A_206 = tpu.vector_load %arg13[%swap3A_205] {strides = array<i32>} : memref<512xf32, #tpu.memory_space<vmem>>, vector<16xf32>,
    tpu.vector_store %arg13[%swap3A_205], %broadcast_in_dim3A_33 {strides = array<i32>} : memref<512xf32, #tpu.memory_space<vmem>>, vector<16xf32>,
    %swap3A_207 = arith.constant 464 : index
    %swap3A_208 = tpu.vector_load %arg11[%swap3A_207] {strides = array<i32>} : memref<512xf32, #tpu.memory_space<vmem>>, vector<16xf32>,
    tpu.vector_store %arg11[%swap3A_207], %broadcast_in_dim3A_33 {strides = array<i32>} : memref<512xf32, #tpu.memory_space<vmem>>, vector<16xf32>,
    %swap3A_209 = arith.constant 464 : index
    %swap3A_210 = tpu.vector_load %arg12[%swap3A_209] {strides = array<i32>} : memref<512xf32, #tpu.memory_space<vmem>>, vector<16xf32>,
    tpu.vector_store %arg12[%swap3A_209], %broadcast_in_dim3A_33 {strides = array<i32>} : memref<512xf32, #tpu.memory_space<vmem>>, vector<16xf32>,
    %swap3A_211 = arith.constant 464 : index
    %swap3A_212 = tpu.vector_load %arg13[%swap3A_211] {strides = array<i32>} : memref<512xf32, #tpu.memory_space<vmem>>, vector<16xf32>,
    tpu.vector_store %arg13[%swap3A_211], %broadcast_in_dim3A_33 {strides = array<i32>} : memref<512xf32, #tpu.memory_space<vmem>>, vector<16xf32>,
    %swap3A_213 = arith.constant 480 : index
    %swap3A_214 = tpu.vector_load %arg11[%swap3A_213] {strides = array<i32>} : memref<512xf32, #tpu.memory_space<vmem>>, vector<16xf32>,
    tpu.vector_store %arg11[%swap3A_213], %broadcast_in_dim3A_33 {strides = array<i32>} : memref<512xf32, #tpu.memory_space<vmem>>, vector<16xf32>,
    %swap3A_215 = arith.constant 480 : index
    %swap3A_216 = tpu.vector_load %arg12[%swap3A_215] {strides = array<i32>} : memref<512xf32, #tpu.memory_space<vmem>>, vector<16xf32>,
    tpu.vector_store %arg12[%swap3A_215], %broadcast_in_dim3A_33 {strides = array<i32>} : memref<512xf32, #tpu.memory_space<vmem>>, vector<16xf32>,
    %swap3A_217 = arith.constant 480 : index
    %swap3A_218 = tpu.vector_load %arg13[%swap3A_217] {strides = array<i32>} : memref<512xf32, #tpu.memory_space<vmem>>, vector<16xf32>,
    tpu.vector_store %arg13[%swap3A_217], %broadcast_in_dim3A_33 {strides = array<i32>} : memref<512xf32, #tpu.memory_space<vmem>>, vector<16xf32>,
    %swap3A_219 = arith.constant 496 : index
    %swap3A_220 = tpu.vector_load %arg11[%swap3A_219] {strides = array<i32>} : memref<512xf32, #tpu.memory_space<vmem>>, vector<16xf32>,
    tpu.vector_store %arg11[%swap3A_219], %broadcast_in_dim3A_33 {strides = array<i32>} : memref<512xf32, #tpu.memory_space<vmem>>, vector<16xf32>,
    %swap3A_221 = arith.constant 496 : index
    %swap3A_222 = tpu.vector_load %arg12[%swap3A_221] {strides = array<i32>} : memref<512xf32, #tpu.memory_space<vmem>>, vector<16xf32>,
    tpu.vector_store %arg12[%swap3A_221], %broadcast_in_dim3A_33 {strides = array<i32>} : memref<512xf32, #tpu.memory_space<vmem>>, vector<16xf32>,
    %swap3A_223 = arith.constant 496 : index
    %swap3A_224 = tpu.vector_load %arg13[%swap3A_223] {strides = array<i32>} : memref<512xf32, #tpu.memory_space<vmem>>, vector<16xf32>,
    tpu.vector_store %arg13[%swap3A_223], %broadcast_in_dim3A_33 {strides = array<i32>} : memref<512xf32, #tpu.memory_space<vmem>>, vector<16xf32>,
    %iota3A = tpu.iota {dimensions = array<i32: 0>} : vector<16xi32>
    %mul3A_225 = arith.constant 32 : i32
    %mul3A_226 = vector.broadcast %mul3A_225 : i32 to vector<16xi32>
    %mul3A_227 = arith.muli %iota3A, %mul3A_226 : vector<16xi32>
    %broadcast_in_dim3A_228 = arith.constant 1.000000e+00 : f32
    %broadcast_in_dim3A_229 = vector.broadcast %broadcast_in_dim3A_228 : f32 to vector<16xf32>
    %broadcast_in_dim3A_230 = arith.constant 0 : i32
    %broadcast_in_dim3A_231 = vector.broadcast %broadcast_in_dim3A_230 : i32 to vector<16xi32>
    %add3A_232 = arith.constant 0 : i32
    %add3A_233 = arith.addi %mul3A_32, %add3A_232 : i32
    %dma_start3A = arith.constant 0 : i32
    %dma_start3A_234 = arith.constant 0 : i32
    %dma_start3A_235 = arith.constant 0 : i32
    %dma_start3A_236 = tpu.memref_slice %arg2[%select_n3A, %add3A_233, %dma_start3A_234, %dma_start3A_235] : memref<4x256x32x256xf32, #tpu.memory_space<hbm>> -> memref<1x4x32x256xf32, #tpu.memory_space<hbm>>
    %dma_start3A_237 = tpu.memref_squeeze %dma_start3A_236 : memref<1x4x32x256xf32, #tpu.memory_space<hbm>> -> memref<4x32x256xf32, #tpu.memory_space<hbm>>
    %dma_start3A_238 = tpu.memref_slice %arg15[%dma_start3A] : memref<3x!tpu.dma_semaphore, #tpu.memory_space<semaphore_mem>> -> memref<1x!tpu.dma_semaphore, #tpu.memory_space<semaphore_mem>>
    %dma_start3A_239 = tpu.memref_squeeze %dma_start3A_238 : memref<1x!tpu.dma_semaphore, #tpu.memory_space<semaphore_mem>> -> memref<!tpu.dma_semaphore, #tpu.memory_space<semaphore_mem>>
    %dma_start3A_240 = arith.constant 0 : i32
    %dma_start3A_241 = arith.constant 0 : i32
    %dma_start3A_242 = tpu.memref_slice %arg2[%select_n3A, %add3A_233, %dma_start3A_240, %dma_start3A_241] : memref<4x256x32x256xf32, #tpu.memory_space<hbm>> -> memref<1x4x32x256xf32, #tpu.memory_space<hbm>>
    %dma_start3A_243 = tpu.memref_squeeze %dma_start3A_242 : memref<1x4x32x256xf32, #tpu.memory_space<hbm>> -> memref<4x32x256xf32, #tpu.memory_space<hbm>>
    tpu.enqueue_dma source(%dma_start3A_243 : memref<4x32x256xf32, #tpu.memory_space<hbm>>) target(%arg7 : memref<4x32x256xf32, #tpu.memory_space<vmem>>) target_semaphore(%dma_start3A_239 : memref<!tpu.dma_semaphore, #tpu.memory_space<semaphore_mem>>)
    %add3A_244 = arith.constant 4 : i32
    %add3A_245 = arith.addi %mul3A_32, %add3A_244 : i32
    %dma_start3A_246 = arith.constant 1 : i32
    %dma_start3A_247 = arith.constant 0 : i32
    %dma_start3A_248 = arith.constant 0 : i32
    %dma_start3A_249 = tpu.memref_slice %arg2[%select_n3A, %add3A_245, %dma_start3A_247, %dma_start3A_248] : memref<4x256x32x256xf32, #tpu.memory_space<hbm>> -> memref<1x4x32x256xf32, #tpu.memory_space<hbm>>
    %dma_start3A_250 = tpu.memref_squeeze %dma_start3A_249 : memref<1x4x32x256xf32, #tpu.memory_space<hbm>> -> memref<4x32x256xf32, #tpu.memory_space<hbm>>
    %dma_start3A_251 = tpu.memref_slice %arg15[%dma_start3A_246] : memref<3x!tpu.dma_semaphore, #tpu.memory_space<semaphore_mem>> -> memref<1x!tpu.dma_semaphore, #tpu.memory_space<semaphore_mem>>
    %dma_start3A_252 = tpu.memref_squeeze %dma_start3A_251 : memref<1x!tpu.dma_semaphore, #tpu.memory_space<semaphore_mem>> -> memref<!tpu.dma_semaphore, #tpu.memory_space<semaphore_mem>>
    %dma_start3A_253 = arith.constant 0 : i32
    %dma_start3A_254 = arith.constant 0 : i32
    %dma_start3A_255 = tpu.memref_slice %arg2[%select_n3A, %add3A_245, %dma_start3A_253, %dma_start3A_254] : memref<4x256x32x256xf32, #tpu.memory_space<hbm>> -> memref<1x4x32x256xf32, #tpu.memory_space<hbm>>
    %dma_start3A_256 = tpu.memref_squeeze %dma_start3A_255 : memref<1x4x32x256xf32, #tpu.memory_space<hbm>> -> memref<4x32x256xf32, #tpu.memory_space<hbm>>
    tpu.enqueue_dma source(%dma_start3A_256 : memref<4x32x256xf32, #tpu.memory_space<hbm>>) target(%arg8 : memref<4x32x256xf32, #tpu.memory_space<vmem>>) target_semaphore(%dma_start3A_252 : memref<!tpu.dma_semaphore, #tpu.memory_space<semaphore_mem>>)
    "tpu.region"() ({
      %run_scoped3A_774 = tpu.sem_alloc : memref<!tpu.dma_semaphore, #tpu.memory_space<semaphore_mem>>
      %dma_start3A_775 = arith.constant 0 : i32
      %dma_start3A_776 = tpu.memref_slice %arg3[%select_n3A, %mul3A_32, %dma_start3A_775] : memref<4x256x256xi32, #tpu.memory_space<hbm>> -> memref<1x32x256xi32, #tpu.memory_space<hbm>>
      %dma_start3A_777 = tpu.memref_squeeze %dma_start3A_776 : memref<1x32x256xi32, #tpu.memory_space<hbm>> -> memref<32x256xi32, #tpu.memory_space<hbm>>
      %dma_start3A_778 = arith.constant 0 : i32
      %dma_start3A_779 = tpu.memref_slice %arg3[%select_n3A, %mul3A_32, %dma_start3A_778] : memref<4x256x256xi32, #tpu.memory_space<hbm>> -> memref<1x32x256xi32, #tpu.memory_space<hbm>>
      %dma_start3A_780 = tpu.memref_squeeze %dma_start3A_779 : memref<1x32x256xi32, #tpu.memory_space<hbm>> -> memref<32x256xi32, #tpu.memory_space<hbm>>
      tpu.enqueue_dma source(%dma_start3A_780 : memref<32x256xi32, #tpu.memory_space<hbm>>) target(%arg10 : memref<32x256xi32, #tpu.memory_space<vmem>>) target_semaphore(%run_scoped3A_774 : memref<!tpu.dma_semaphore, #tpu.memory_space<semaphore_mem>>)
      %dma_wait3A_781 = arith.constant 0 : i32
      %dma_wait3A_782 = tpu.memref_slice %arg3[%select_n3A, %mul3A_32, %dma_wait3A_781] : memref<4x256x256xi32, #tpu.memory_space<hbm>> -> memref<1x32x256xi32, #tpu.memory_space<hbm>>
      %dma_wait3A_783 = tpu.memref_squeeze %dma_wait3A_782 : memref<1x32x256xi32, #tpu.memory_space<hbm>> -> memref<32x256xi32, #tpu.memory_space<hbm>>
      %dma_wait3A_784 = arith.constant 0 : i32
      %dma_wait3A_785 = tpu.memref_slice %arg3[%select_n3A, %mul3A_32, %dma_wait3A_784] : memref<4x256x256xi32, #tpu.memory_space<hbm>> -> memref<1x32x256xi32, #tpu.memory_space<hbm>>
      %dma_wait3A_786 = tpu.memref_squeeze %dma_wait3A_785 : memref<1x32x256xi32, #tpu.memory_space<hbm>> -> memref<32x256xi32, #tpu.memory_space<hbm>>
      tpu.wait_dma2 semaphore(%run_scoped3A_774 : memref<!tpu.dma_semaphore, #tpu.memory_space<semaphore_mem>>) src(%dma_wait3A_786 : memref<32x256xi32, #tpu.memory_space<hbm>>) dst(%arg10 : memref<32x256xi32, #tpu.memory_space<vmem>>)
      tpu.yield
    }) : () -> ()
    %add3A_257 = arith.constant 0 : i32
    %add3A_258 = arith.addi %mul3A_32, %add3A_257 : i32
    %dma_wait3A = arith.constant 0 : i32
    %dma_wait3A_259 = arith.constant 0 : i32
    %dma_wait3A_260 = arith.constant 0 : i32
    %dma_wait3A_261 = tpu.memref_slice %arg2[%select_n3A, %add3A_258, %dma_wait3A_259, %dma_wait3A_260] : memref<4x256x32x256xf32, #tpu.memory_space<hbm>> -> memref<1x4x32x256xf32, #tpu.memory_space<hbm>>
    %dma_wait3A_262 = tpu.memref_squeeze %dma_wait3A_261 : memref<1x4x32x256xf32, #tpu.memory_space<hbm>> -> memref<4x32x256xf32, #tpu.memory_space<hbm>>
    %dma_wait3A_263 = tpu.memref_slice %arg15[%dma_wait3A] : memref<3x!tpu.dma_semaphore, #tpu.memory_space<semaphore_mem>> -> memref<1x!tpu.dma_semaphore, #tpu.memory_space<semaphore_mem>>
    %dma_wait3A_264 = tpu.memref_squeeze %dma_wait3A_263 : memref<1x!tpu.dma_semaphore, #tpu.memory_space<semaphore_mem>> -> memref<!tpu.dma_semaphore, #tpu.memory_space<semaphore_mem>>
    %dma_wait3A_265 = arith.constant 0 : i32
    %dma_wait3A_266 = arith.constant 0 : i32
    %dma_wait3A_267 = tpu.memref_slice %arg2[%select_n3A, %add3A_258, %dma_wait3A_265, %dma_wait3A_266] : memref<4x256x32x256xf32, #tpu.memory_space<hbm>> -> memref<1x4x32x256xf32, #tpu.memory_space<hbm>>
    %dma_wait3A_268 = tpu.memref_squeeze %dma_wait3A_267 : memref<1x4x32x256xf32, #tpu.memory_space<hbm>> -> memref<4x32x256xf32, #tpu.memory_space<hbm>>
    tpu.wait_dma2 semaphore(%dma_wait3A_264 : memref<!tpu.dma_semaphore, #tpu.memory_space<semaphore_mem>>) src(%dma_wait3A_268 : memref<4x32x256xf32, #tpu.memory_space<hbm>>) dst(%arg7 : memref<4x32x256xf32, #tpu.memory_space<vmem>>)
    %add3A_269 = arith.constant 8 : i32
    %add3A_270 = arith.addi %mul3A_32, %add3A_269 : i32
    %dma_start3A_271 = arith.constant 2 : i32
    %dma_start3A_272 = arith.constant 0 : i32
    %dma_start3A_273 = arith.constant 0 : i32
    %dma_start3A_274 = tpu.memref_slice %arg2[%select_n3A, %add3A_270, %dma_start3A_272, %dma_start3A_273] : memref<4x256x32x256xf32, #tpu.memory_space<hbm>> -> memref<1x4x32x256xf32, #tpu.memory_space<hbm>>
    %dma_start3A_275 = tpu.memref_squeeze %dma_start3A_274 : memref<1x4x32x256xf32, #tpu.memory_space<hbm>> -> memref<4x32x256xf32, #tpu.memory_space<hbm>>
    %dma_start3A_276 = tpu.memref_slice %arg15[%dma_start3A_271] : memref<3x!tpu.dma_semaphore, #tpu.memory_space<semaphore_mem>> -> memref<1x!tpu.dma_semaphore, #tpu.memory_space<semaphore_mem>>
    %dma_start3A_277 = tpu.memref_squeeze %dma_start3A_276 : memref<1x!tpu.dma_semaphore, #tpu.memory_space<semaphore_mem>> -> memref<!tpu.dma_semaphore, #tpu.memory_space<semaphore_mem>>
    %dma_start3A_278 = arith.constant 0 : i32
    %dma_start3A_279 = arith.constant 0 : i32
    %dma_start3A_280 = tpu.memref_slice %arg2[%select_n3A, %add3A_270, %dma_start3A_278, %dma_start3A_279] : memref<4x256x32x256xf32, #tpu.memory_space<hbm>> -> memref<1x4x32x256xf32, #tpu.memory_space<hbm>>
    %dma_start3A_281 = tpu.memref_squeeze %dma_start3A_280 : memref<1x4x32x256xf32, #tpu.memory_space<hbm>> -> memref<4x32x256xf32, #tpu.memory_space<hbm>>
    tpu.enqueue_dma source(%dma_start3A_281 : memref<4x32x256xf32, #tpu.memory_space<hbm>>) target(%arg9 : memref<4x32x256xf32, #tpu.memory_space<vmem>>) target_semaphore(%dma_start3A_277 : memref<!tpu.dma_semaphore, #tpu.memory_space<semaphore_mem>>)
    %parallel_loop3A = arith.constant 0 : i32
    %parallel_loop3A_282 = arith.constant 64 : i32
    %parallel_loop3A_283 = arith.constant 1 : i32
    scf.for %parallel_loop3A_774 = %parallel_loop3A to %parallel_loop3A_282 step %parallel_loop3A_283  : i32 {
      %parallel_loop3A_775 = arith.constant 4 : i32
      %parallel_loop3A_776 = arith.shrsi %parallel_loop3A_774, %parallel_loop3A_775 : i32
      %parallel_loop3A_777 = arith.constant 15 : i32
      %parallel_loop3A_778 = arith.andi %parallel_loop3A_774, %parallel_loop3A_777 : i32
      %parallel_loop3A_779 = arith.constant 16 : i32
      %parallel_loop3A_780 = arith.muli %parallel_loop3A_778, %parallel_loop3A_779 : i32
      %parallel_loop3A_781 = arith.constant 0 : i32
      %parallel_loop3A_782 = arith.addi %parallel_loop3A_781, %parallel_loop3A_776 : i32
      %parallel_loop3A_783 = arith.index_cast %parallel_loop3A_782 : i32 to index
      %parallel_loop3A_784 = arith.index_cast %parallel_loop3A_780 : i32 to index
      %parallel_loop3A_785 = tpu.vector_load %arg10[%parallel_loop3A_783, %parallel_loop3A_784] {strides = array<i32>} : memref<32x256xi32, #tpu.memory_space<vmem>>, vector<16xi32>,
      %parallel_loop3A_786 = arith.constant 1 : i32
      %parallel_loop3A_787 = vector.broadcast %parallel_loop3A_786 : i32 to vector<16xi32>
      %parallel_loop3A_788 = arith.subi %parallel_loop3A_785, %parallel_loop3A_787 : vector<16xi32>
      %parallel_loop3A_789 = arith.constant 0 : i32
      %parallel_loop3A_790 = vector.broadcast %parallel_loop3A_789 : i32 to vector<16xi32>
      %parallel_loop3A_791 = arith.cmpi sge, %parallel_loop3A_788, %parallel_loop3A_790 : vector<16xi32>
      %parallel_loop3A_792 = arith.constant 4 : i32
      %parallel_loop3A_793 = vector.broadcast %parallel_loop3A_792 : i32 to vector<16xi32>
      %parallel_loop3A_794 = arith.muli %parallel_loop3A_788, %parallel_loop3A_793 : vector<16xi32>
      %parallel_loop3A_795 = arith.constant 0 : i32
      %parallel_loop3A_796 = vector.broadcast %parallel_loop3A_795 : i32 to vector<16xi32>
      %parallel_loop3A_797 = arith.maxsi %parallel_loop3A_794, %parallel_loop3A_796 : vector<16xi32>
      %parallel_loop3A_798 = arith.addi %mul3A_227, %parallel_loop3A_797 : vector<16xi32>
      %parallel_loop3A_799 = vector.broadcast %parallel_loop3A_780 : i32 to vector<16xi32>
      %parallel_loop3A_800 = arith.addi %iota3A, %parallel_loop3A_799 : vector<16xi32>
      tpu.vector_store_idx %arg13[%parallel_loop3A_798], %broadcast_in_dim3A_229 masked %parallel_loop3A_791 {add = true} : memref<512xf32, #tpu.memory_space<vmem>>[vector<16xi32>], vector<16xf32>, vector<16xi1>
      %parallel_loop3A_801 = vector.broadcast %parallel_loop3A_776 : i32 to vector<16xi32>
      %parallel_loop3A_802 = arith.addi %broadcast_in_dim3A_231, %parallel_loop3A_801 : vector<16xi32>
      %parallel_loop3A_803 = arith.constant 0 : i32
      %parallel_loop3A_804 = vector.broadcast %parallel_loop3A_803 : i32 to vector<16xi32>
      %parallel_loop3A_805 = arith.addi %parallel_loop3A_797, %parallel_loop3A_804 : vector<16xi32>
      %parallel_loop3A_806 = tpu.vector_load_idx %arg7[%parallel_loop3A_802, %parallel_loop3A_805, %parallel_loop3A_800] : memref<4x32x256xf32, #tpu.memory_space<vmem>>[vector<16xi32>, vector<16xi32>, vector<16xi32>], vector<16xf32>,
      %parallel_loop3A_807 = math.exp %parallel_loop3A_806 : vector<16xf32>
      %parallel_loop3A_808 = arith.constant 0 : i32
      %parallel_loop3A_809 = vector.broadcast %parallel_loop3A_808 : i32 to vector<16xi32>
      %parallel_loop3A_810 = arith.addi %parallel_loop3A_798, %parallel_loop3A_809 : vector<16xi32>
      tpu.vector_store_idx %arg11[%parallel_loop3A_810], %parallel_loop3A_807 masked %parallel_loop3A_791 {add = true} : memref<512xf32, #tpu.memory_space<vmem>>[vector<16xi32>], vector<16xf32>, vector<16xi1>
      %parallel_loop3A_811 = arith.constant 0 : i32
      %parallel_loop3A_812 = vector.broadcast %parallel_loop3A_811 : i32 to vector<16xi32>
      %parallel_loop3A_813 = arith.addi %parallel_loop3A_798, %parallel_loop3A_812 : vector<16xi32>
      %parallel_loop3A_814 = arith.mulf %parallel_loop3A_806, %parallel_loop3A_807 : vector<16xf32>
      tpu.vector_store_idx %arg12[%parallel_loop3A_813], %parallel_loop3A_814 masked %parallel_loop3A_791 {add = true} : memref<512xf32, #tpu.memory_space<vmem>>[vector<16xi32>], vector<16xf32>, vector<16xi1>
      %parallel_loop3A_815 = vector.broadcast %parallel_loop3A_776 : i32 to vector<16xi32>
      %parallel_loop3A_816 = arith.addi %broadcast_in_dim3A_231, %parallel_loop3A_815 : vector<16xi32>
      %parallel_loop3A_817 = arith.constant 1 : i32
      %parallel_loop3A_818 = vector.broadcast %parallel_loop3A_817 : i32 to vector<16xi32>
      %parallel_loop3A_819 = arith.addi %parallel_loop3A_797, %parallel_loop3A_818 : vector<16xi32>
      %parallel_loop3A_820 = tpu.vector_load_idx %arg7[%parallel_loop3A_816, %parallel_loop3A_819, %parallel_loop3A_800] : memref<4x32x256xf32, #tpu.memory_space<vmem>>[vector<16xi32>, vector<16xi32>, vector<16xi32>], vector<16xf32>,
      %parallel_loop3A_821 = math.exp %parallel_loop3A_820 : vector<16xf32>
      %parallel_loop3A_822 = arith.constant 1 : i32
      %parallel_loop3A_823 = vector.broadcast %parallel_loop3A_822 : i32 to vector<16xi32>
      %parallel_loop3A_824 = arith.addi %parallel_loop3A_798, %parallel_loop3A_823 : vector<16xi32>
      tpu.vector_store_idx %arg11[%parallel_loop3A_824], %parallel_loop3A_821 masked %parallel_loop3A_791 {add = true} : memref<512xf32, #tpu.memory_space<vmem>>[vector<16xi32>], vector<16xf32>, vector<16xi1>
      %parallel_loop3A_825 = arith.constant 1 : i32
      %parallel_loop3A_826 = vector.broadcast %parallel_loop3A_825 : i32 to vector<16xi32>
      %parallel_loop3A_827 = arith.addi %parallel_loop3A_798, %parallel_loop3A_826 : vector<16xi32>
      %parallel_loop3A_828 = arith.mulf %parallel_loop3A_820, %parallel_loop3A_821 : vector<16xf32>
      tpu.vector_store_idx %arg12[%parallel_loop3A_827], %parallel_loop3A_828 masked %parallel_loop3A_791 {add = true} : memref<512xf32, #tpu.memory_space<vmem>>[vector<16xi32>], vector<16xf32>, vector<16xi1>
      %parallel_loop3A_829 = vector.broadcast %parallel_loop3A_776 : i32 to vector<16xi32>
      %parallel_loop3A_830 = arith.addi %broadcast_in_dim3A_231, %parallel_loop3A_829 : vector<16xi32>
      %parallel_loop3A_831 = arith.constant 2 : i32
      %parallel_loop3A_832 = vector.broadcast %parallel_loop3A_831 : i32 to vector<16xi32>
      %parallel_loop3A_833 = arith.addi %parallel_loop3A_797, %parallel_loop3A_832 : vector<16xi32>
      %parallel_loop3A_834 = tpu.vector_load_idx %arg7[%parallel_loop3A_830, %parallel_loop3A_833, %parallel_loop3A_800] : memref<4x32x256xf32, #tpu.memory_space<vmem>>[vector<16xi32>, vector<16xi32>, vector<16xi32>], vector<16xf32>,
      %parallel_loop3A_835 = math.exp %parallel_loop3A_834 : vector<16xf32>
      %parallel_loop3A_836 = arith.constant 2 : i32
      %parallel_loop3A_837 = vector.broadcast %parallel_loop3A_836 : i32 to vector<16xi32>
      %parallel_loop3A_838 = arith.addi %parallel_loop3A_798, %parallel_loop3A_837 : vector<16xi32>
      tpu.vector_store_idx %arg11[%parallel_loop3A_838], %parallel_loop3A_835 masked %parallel_loop3A_791 {add = true} : memref<512xf32, #tpu.memory_space<vmem>>[vector<16xi32>], vector<16xf32>, vector<16xi1>
      %parallel_loop3A_839 = arith.constant 2 : i32
      %parallel_loop3A_840 = vector.broadcast %parallel_loop3A_839 : i32 to vector<16xi32>
      %parallel_loop3A_841 = arith.addi %parallel_loop3A_798, %parallel_loop3A_840 : vector<16xi32>
      %parallel_loop3A_842 = arith.mulf %parallel_loop3A_834, %parallel_loop3A_835 : vector<16xf32>
      tpu.vector_store_idx %arg12[%parallel_loop3A_841], %parallel_loop3A_842 masked %parallel_loop3A_791 {add = true} : memref<512xf32, #tpu.memory_space<vmem>>[vector<16xi32>], vector<16xf32>, vector<16xi1>
      %parallel_loop3A_843 = vector.broadcast %parallel_loop3A_776 : i32 to vector<16xi32>
      %parallel_loop3A_844 = arith.addi %broadcast_in_dim3A_231, %parallel_loop3A_843 : vector<16xi32>
      %parallel_loop3A_845 = arith.constant 3 : i32
      %parallel_loop3A_846 = vector.broadcast %parallel_loop3A_845 : i32 to vector<16xi32>
      %parallel_loop3A_847 = arith.addi %parallel_loop3A_797, %parallel_loop3A_846 : vector<16xi32>
      %parallel_loop3A_848 = tpu.vector_load_idx %arg7[%parallel_loop3A_844, %parallel_loop3A_847, %parallel_loop3A_800] : memref<4x32x256xf32, #tpu.memory_space<vmem>>[vector<16xi32>, vector<16xi32>, vector<16xi32>], vector<16xf32>,
      %parallel_loop3A_849 = math.exp %parallel_loop3A_848 : vector<16xf32>
      %parallel_loop3A_850 = arith.constant 3 : i32
      %parallel_loop3A_851 = vector.broadcast %parallel_loop3A_850 : i32 to vector<16xi32>
      %parallel_loop3A_852 = arith.addi %parallel_loop3A_798, %parallel_loop3A_851 : vector<16xi32>
      tpu.vector_store_idx %arg11[%parallel_loop3A_852], %parallel_loop3A_849 masked %parallel_loop3A_791 {add = true} : memref<512xf32, #tpu.memory_space<vmem>>[vector<16xi32>], vector<16xf32>, vector<16xi1>
      %parallel_loop3A_853 = arith.constant 3 : i32
      %parallel_loop3A_854 = vector.broadcast %parallel_loop3A_853 : i32 to vector<16xi32>
      %parallel_loop3A_855 = arith.addi %parallel_loop3A_798, %parallel_loop3A_854 : vector<16xi32>
      %parallel_loop3A_856 = arith.mulf %parallel_loop3A_848, %parallel_loop3A_849 : vector<16xf32>
      tpu.vector_store_idx %arg12[%parallel_loop3A_855], %parallel_loop3A_856 masked %parallel_loop3A_791 {add = true} : memref<512xf32, #tpu.memory_space<vmem>>[vector<16xi32>], vector<16xf32>, vector<16xi1>
    } {sc.loop_unroll_factor = 8 : i64, sc.parallel_access}
    %add3A_284 = arith.constant 4 : i32
    %add3A_285 = arith.addi %mul3A_32, %add3A_284 : i32
    %dma_wait3A_286 = arith.constant 1 : i32
    %dma_wait3A_287 = arith.constant 0 : i32
    %dma_wait3A_288 = arith.constant 0 : i32
    %dma_wait3A_289 = tpu.memref_slice %arg2[%select_n3A, %add3A_285, %dma_wait3A_287, %dma_wait3A_288] : memref<4x256x32x256xf32, #tpu.memory_space<hbm>> -> memref<1x4x32x256xf32, #tpu.memory_space<hbm>>
    %dma_wait3A_290 = tpu.memref_squeeze %dma_wait3A_289 : memref<1x4x32x256xf32, #tpu.memory_space<hbm>> -> memref<4x32x256xf32, #tpu.memory_space<hbm>>
    %dma_wait3A_291 = tpu.memref_slice %arg15[%dma_wait3A_286] : memref<3x!tpu.dma_semaphore, #tpu.memory_space<semaphore_mem>> -> memref<1x!tpu.dma_semaphore, #tpu.memory_space<semaphore_mem>>
    %dma_wait3A_292 = tpu.memref_squeeze %dma_wait3A_291 : memref<1x!tpu.dma_semaphore, #tpu.memory_space<semaphore_mem>> -> memref<!tpu.dma_semaphore, #tpu.memory_space<semaphore_mem>>
    %dma_wait3A_293 = arith.constant 0 : i32
    %dma_wait3A_294 = arith.constant 0 : i32
    %dma_wait3A_295 = tpu.memref_slice %arg2[%select_n3A, %add3A_285, %dma_wait3A_293, %dma_wait3A_294] : memref<4x256x32x256xf32, #tpu.memory_space<hbm>> -> memref<1x4x32x256xf32, #tpu.memory_space<hbm>>
    %dma_wait3A_296 = tpu.memref_squeeze %dma_wait3A_295 : memref<1x4x32x256xf32, #tpu.memory_space<hbm>> -> memref<4x32x256xf32, #tpu.memory_space<hbm>>
    tpu.wait_dma2 semaphore(%dma_wait3A_292 : memref<!tpu.dma_semaphore, #tpu.memory_space<semaphore_mem>>) src(%dma_wait3A_296 : memref<4x32x256xf32, #tpu.memory_space<hbm>>) dst(%arg8 : memref<4x32x256xf32, #tpu.memory_space<vmem>>)
    %add3A_297 = arith.constant 12 : i32
    %add3A_298 = arith.addi %mul3A_32, %add3A_297 : i32
    %dma_start3A_299 = arith.constant 0 : i32
    %dma_start3A_300 = arith.constant 0 : i32
    %dma_start3A_301 = arith.constant 0 : i32
    %dma_start3A_302 = tpu.memref_slice %arg2[%select_n3A, %add3A_298, %dma_start3A_300, %dma_start3A_301] : memref<4x256x32x256xf32, #tpu.memory_space<hbm>> -> memref<1x4x32x256xf32, #tpu.memory_space<hbm>>
    %dma_start3A_303 = tpu.memref_squeeze %dma_start3A_302 : memref<1x4x32x256xf32, #tpu.memory_space<hbm>> -> memref<4x32x256xf32, #tpu.memory_space<hbm>>
    %dma_start3A_304 = tpu.memref_slice %arg15[%dma_start3A_299] : memref<3x!tpu.dma_semaphore, #tpu.memory_space<semaphore_mem>> -> memref<1x!tpu.dma_semaphore, #tpu.memory_space<semaphore_mem>>
    %dma_start3A_305 = tpu.memref_squeeze %dma_start3A_304 : memref<1x!tpu.dma_semaphore, #tpu.memory_space<semaphore_mem>> -> memref<!tpu.dma_semaphore, #tpu.memory_space<semaphore_mem>>
    %dma_start3A_306 = arith.constant 0 : i32
    %dma_start3A_307 = arith.constant 0 : i32
    %dma_start3A_308 = tpu.memref_slice %arg2[%select_n3A, %add3A_298, %dma_start3A_306, %dma_start3A_307] : memref<4x256x32x256xf32, #tpu.memory_space<hbm>> -> memref<1x4x32x256xf32, #tpu.memory_space<hbm>>
    %dma_start3A_309 = tpu.memref_squeeze %dma_start3A_308 : memref<1x4x32x256xf32, #tpu.memory_space<hbm>> -> memref<4x32x256xf32, #tpu.memory_space<hbm>>
    tpu.enqueue_dma source(%dma_start3A_309 : memref<4x32x256xf32, #tpu.memory_space<hbm>>) target(%arg7 : memref<4x32x256xf32, #tpu.memory_space<vmem>>) target_semaphore(%dma_start3A_305 : memref<!tpu.dma_semaphore, #tpu.memory_space<semaphore_mem>>)
    %parallel_loop3A_310 = arith.constant 0 : i32
    %parallel_loop3A_311 = arith.constant 64 : i32
    %parallel_loop3A_312 = arith.constant 1 : i32
    scf.for %parallel_loop3A_774 = %parallel_loop3A_310 to %parallel_loop3A_311 step %parallel_loop3A_312  : i32 {
      %parallel_loop3A_775 = arith.constant 4 : i32
      %parallel_loop3A_776 = arith.shrsi %parallel_loop3A_774, %parallel_loop3A_775 : i32
      %parallel_loop3A_777 = arith.constant 15 : i32
      %parallel_loop3A_778 = arith.andi %parallel_loop3A_774, %parallel_loop3A_777 : i32
      %parallel_loop3A_779 = arith.constant 16 : i32
      %parallel_loop3A_780 = arith.muli %parallel_loop3A_778, %parallel_loop3A_779 : i32
      %parallel_loop3A_781 = arith.constant 4 : i32
      %parallel_loop3A_782 = arith.addi %parallel_loop3A_781, %parallel_loop3A_776 : i32
      %parallel_loop3A_783 = arith.index_cast %parallel_loop3A_782 : i32 to index
      %parallel_loop3A_784 = arith.index_cast %parallel_loop3A_780 : i32 to index
      %parallel_loop3A_785 = tpu.vector_load %arg10[%parallel_loop3A_783, %parallel_loop3A_784] {strides = array<i32>} : memref<32x256xi32, #tpu.memory_space<vmem>>, vector<16xi32>,
      %parallel_loop3A_786 = arith.constant 1 : i32
      %parallel_loop3A_787 = vector.broadcast %parallel_loop3A_786 : i32 to vector<16xi32>
      %parallel_loop3A_788 = arith.subi %parallel_loop3A_785, %parallel_loop3A_787 : vector<16xi32>
      %parallel_loop3A_789 = arith.constant 0 : i32
      %parallel_loop3A_790 = vector.broadcast %parallel_loop3A_789 : i32 to vector<16xi32>
      %parallel_loop3A_791 = arith.cmpi sge, %parallel_loop3A_788, %parallel_loop3A_790 : vector<16xi32>
      %parallel_loop3A_792 = arith.constant 4 : i32
      %parallel_loop3A_793 = vector.broadcast %parallel_loop3A_792 : i32 to vector<16xi32>
      %parallel_loop3A_794 = arith.muli %parallel_loop3A_788, %parallel_loop3A_793 : vector<16xi32>
      %parallel_loop3A_795 = arith.constant 0 : i32
      %parallel_loop3A_796 = vector.broadcast %parallel_loop3A_795 : i32 to vector<16xi32>
      %parallel_loop3A_797 = arith.maxsi %parallel_loop3A_794, %parallel_loop3A_796 : vector<16xi32>
      %parallel_loop3A_798 = arith.addi %mul3A_227, %parallel_loop3A_797 : vector<16xi32>
      %parallel_loop3A_799 = vector.broadcast %parallel_loop3A_780 : i32 to vector<16xi32>
      %parallel_loop3A_800 = arith.addi %iota3A, %parallel_loop3A_799 : vector<16xi32>
      tpu.vector_store_idx %arg13[%parallel_loop3A_798], %broadcast_in_dim3A_229 masked %parallel_loop3A_791 {add = true} : memref<512xf32, #tpu.memory_space<vmem>>[vector<16xi32>], vector<16xf32>, vector<16xi1>
      %parallel_loop3A_801 = vector.broadcast %parallel_loop3A_776 : i32 to vector<16xi32>
      %parallel_loop3A_802 = arith.addi %broadcast_in_dim3A_231, %parallel_loop3A_801 : vector<16xi32>
      %parallel_loop3A_803 = arith.constant 0 : i32
      %parallel_loop3A_804 = vector.broadcast %parallel_loop3A_803 : i32 to vector<16xi32>
      %parallel_loop3A_805 = arith.addi %parallel_loop3A_797, %parallel_loop3A_804 : vector<16xi32>
      %parallel_loop3A_806 = tpu.vector_load_idx %arg8[%parallel_loop3A_802, %parallel_loop3A_805, %parallel_loop3A_800] : memref<4x32x256xf32, #tpu.memory_space<vmem>>[vector<16xi32>, vector<16xi32>, vector<16xi32>], vector<16xf32>,
      %parallel_loop3A_807 = math.exp %parallel_loop3A_806 : vector<16xf32>
      %parallel_loop3A_808 = arith.constant 0 : i32
      %parallel_loop3A_809 = vector.broadcast %parallel_loop3A_808 : i32 to vector<16xi32>
      %parallel_loop3A_810 = arith.addi %parallel_loop3A_798, %parallel_loop3A_809 : vector<16xi32>
      tpu.vector_store_idx %arg11[%parallel_loop3A_810], %parallel_loop3A_807 masked %parallel_loop3A_791 {add = true} : memref<512xf32, #tpu.memory_space<vmem>>[vector<16xi32>], vector<16xf32>, vector<16xi1>
      %parallel_loop3A_811 = arith.constant 0 : i32
      %parallel_loop3A_812 = vector.broadcast %parallel_loop3A_811 : i32 to vector<16xi32>
      %parallel_loop3A_813 = arith.addi %parallel_loop3A_798, %parallel_loop3A_812 : vector<16xi32>
      %parallel_loop3A_814 = arith.mulf %parallel_loop3A_806, %parallel_loop3A_807 : vector<16xf32>
      tpu.vector_store_idx %arg12[%parallel_loop3A_813], %parallel_loop3A_814 masked %parallel_loop3A_791 {add = true} : memref<512xf32, #tpu.memory_space<vmem>>[vector<16xi32>], vector<16xf32>, vector<16xi1>
      %parallel_loop3A_815 = vector.broadcast %parallel_loop3A_776 : i32 to vector<16xi32>
      %parallel_loop3A_816 = arith.addi %broadcast_in_dim3A_231, %parallel_loop3A_815 : vector<16xi32>
      %parallel_loop3A_817 = arith.constant 1 : i32
      %parallel_loop3A_818 = vector.broadcast %parallel_loop3A_817 : i32 to vector<16xi32>
      %parallel_loop3A_819 = arith.addi %parallel_loop3A_797, %parallel_loop3A_818 : vector<16xi32>
      %parallel_loop3A_820 = tpu.vector_load_idx %arg8[%parallel_loop3A_816, %parallel_loop3A_819, %parallel_loop3A_800] : memref<4x32x256xf32, #tpu.memory_space<vmem>>[vector<16xi32>, vector<16xi32>, vector<16xi32>], vector<16xf32>,
      %parallel_loop3A_821 = math.exp %parallel_loop3A_820 : vector<16xf32>
      %parallel_loop3A_822 = arith.constant 1 : i32
      %parallel_loop3A_823 = vector.broadcast %parallel_loop3A_822 : i32 to vector<16xi32>
      %parallel_loop3A_824 = arith.addi %parallel_loop3A_798, %parallel_loop3A_823 : vector<16xi32>
      tpu.vector_store_idx %arg11[%parallel_loop3A_824], %parallel_loop3A_821 masked %parallel_loop3A_791 {add = true} : memref<512xf32, #tpu.memory_space<vmem>>[vector<16xi32>], vector<16xf32>, vector<16xi1>
      %parallel_loop3A_825 = arith.constant 1 : i32
      %parallel_loop3A_826 = vector.broadcast %parallel_loop3A_825 : i32 to vector<16xi32>
      %parallel_loop3A_827 = arith.addi %parallel_loop3A_798, %parallel_loop3A_826 : vector<16xi32>
      %parallel_loop3A_828 = arith.mulf %parallel_loop3A_820, %parallel_loop3A_821 : vector<16xf32>
      tpu.vector_store_idx %arg12[%parallel_loop3A_827], %parallel_loop3A_828 masked %parallel_loop3A_791 {add = true} : memref<512xf32, #tpu.memory_space<vmem>>[vector<16xi32>], vector<16xf32>, vector<16xi1>
      %parallel_loop3A_829 = vector.broadcast %parallel_loop3A_776 : i32 to vector<16xi32>
      %parallel_loop3A_830 = arith.addi %broadcast_in_dim3A_231, %parallel_loop3A_829 : vector<16xi32>
      %parallel_loop3A_831 = arith.constant 2 : i32
      %parallel_loop3A_832 = vector.broadcast %parallel_loop3A_831 : i32 to vector<16xi32>
      %parallel_loop3A_833 = arith.addi %parallel_loop3A_797, %parallel_loop3A_832 : vector<16xi32>
      %parallel_loop3A_834 = tpu.vector_load_idx %arg8[%parallel_loop3A_830, %parallel_loop3A_833, %parallel_loop3A_800] : memref<4x32x256xf32, #tpu.memory_space<vmem>>[vector<16xi32>, vector<16xi32>, vector<16xi32>], vector<16xf32>,
      %parallel_loop3A_835 = math.exp %parallel_loop3A_834 : vector<16xf32>
      %parallel_loop3A_836 = arith.constant 2 : i32
      %parallel_loop3A_837 = vector.broadcast %parallel_loop3A_836 : i32 to vector<16xi32>
      %parallel_loop3A_838 = arith.addi %parallel_loop3A_798, %parallel_loop3A_837 : vector<16xi32>
      tpu.vector_store_idx %arg11[%parallel_loop3A_838], %parallel_loop3A_835 masked %parallel_loop3A_791 {add = true} : memref<512xf32, #tpu.memory_space<vmem>>[vector<16xi32>], vector<16xf32>, vector<16xi1>
      %parallel_loop3A_839 = arith.constant 2 : i32
      %parallel_loop3A_840 = vector.broadcast %parallel_loop3A_839 : i32 to vector<16xi32>
      %parallel_loop3A_841 = arith.addi %parallel_loop3A_798, %parallel_loop3A_840 : vector<16xi32>
      %parallel_loop3A_842 = arith.mulf %parallel_loop3A_834, %parallel_loop3A_835 : vector<16xf32>
      tpu.vector_store_idx %arg12[%parallel_loop3A_841], %parallel_loop3A_842 masked %parallel_loop3A_791 {add = true} : memref<512xf32, #tpu.memory_space<vmem>>[vector<16xi32>], vector<16xf32>, vector<16xi1>
      %parallel_loop3A_843 = vector.broadcast %parallel_loop3A_776 : i32 to vector<16xi32>
      %parallel_loop3A_844 = arith.addi %broadcast_in_dim3A_231, %parallel_loop3A_843 : vector<16xi32>
      %parallel_loop3A_845 = arith.constant 3 : i32
      %parallel_loop3A_846 = vector.broadcast %parallel_loop3A_845 : i32 to vector<16xi32>
      %parallel_loop3A_847 = arith.addi %parallel_loop3A_797, %parallel_loop3A_846 : vector<16xi32>
      %parallel_loop3A_848 = tpu.vector_load_idx %arg8[%parallel_loop3A_844, %parallel_loop3A_847, %parallel_loop3A_800] : memref<4x32x256xf32, #tpu.memory_space<vmem>>[vector<16xi32>, vector<16xi32>, vector<16xi32>], vector<16xf32>,
      %parallel_loop3A_849 = math.exp %parallel_loop3A_848 : vector<16xf32>
      %parallel_loop3A_850 = arith.constant 3 : i32
      %parallel_loop3A_851 = vector.broadcast %parallel_loop3A_850 : i32 to vector<16xi32>
      %parallel_loop3A_852 = arith.addi %parallel_loop3A_798, %parallel_loop3A_851 : vector<16xi32>
      tpu.vector_store_idx %arg11[%parallel_loop3A_852], %parallel_loop3A_849 masked %parallel_loop3A_791 {add = true} : memref<512xf32, #tpu.memory_space<vmem>>[vector<16xi32>], vector<16xf32>, vector<16xi1>
      %parallel_loop3A_853 = arith.constant 3 : i32
      %parallel_loop3A_854 = vector.broadcast %parallel_loop3A_853 : i32 to vector<16xi32>
      %parallel_loop3A_855 = arith.addi %parallel_loop3A_798, %parallel_loop3A_854 : vector<16xi32>
      %parallel_loop3A_856 = arith.mulf %parallel_loop3A_848, %parallel_loop3A_849 : vector<16xf32>
      tpu.vector_store_idx %arg12[%parallel_loop3A_855], %parallel_loop3A_856 masked %parallel_loop3A_791 {add = true} : memref<512xf32, #tpu.memory_space<vmem>>[vector<16xi32>], vector<16xf32>, vector<16xi1>
    } {sc.loop_unroll_factor = 8 : i64, sc.parallel_access}
    %add3A_313 = arith.constant 8 : i32
    %add3A_314 = arith.addi %mul3A_32, %add3A_313 : i32
    %dma_wait3A_315 = arith.constant 2 : i32
    %dma_wait3A_316 = arith.constant 0 : i32
    %dma_wait3A_317 = arith.constant 0 : i32
    %dma_wait3A_318 = tpu.memref_slice %arg2[%select_n3A, %add3A_314, %dma_wait3A_316, %dma_wait3A_317] : memref<4x256x32x256xf32, #tpu.memory_space<hbm>> -> memref<1x4x32x256xf32, #tpu.memory_space<hbm>>
    %dma_wait3A_319 = tpu.memref_squeeze %dma_wait3A_318 : memref<1x4x32x256xf32, #tpu.memory_space<hbm>> -> memref<4x32x256xf32, #tpu.memory_space<hbm>>
    %dma_wait3A_320 = tpu.memref_slice %arg15[%dma_wait3A_315] : memref<3x!tpu.dma_semaphore, #tpu.memory_space<semaphore_mem>> -> memref<1x!tpu.dma_semaphore, #tpu.memory_space<semaphore_mem>>
    %dma_wait3A_321 = tpu.memref_squeeze %dma_wait3A_320 : memref<1x!tpu.dma_semaphore, #tpu.memory_space<semaphore_mem>> -> memref<!tpu.dma_semaphore, #tpu.memory_space<semaphore_mem>>
    %dma_wait3A_322 = arith.constant 0 : i32
    %dma_wait3A_323 = arith.constant 0 : i32
    %dma_wait3A_324 = tpu.memref_slice %arg2[%select_n3A, %add3A_314, %dma_wait3A_322, %dma_wait3A_323] : memref<4x256x32x256xf32, #tpu.memory_space<hbm>> -> memref<1x4x32x256xf32, #tpu.memory_space<hbm>>
    %dma_wait3A_325 = tpu.memref_squeeze %dma_wait3A_324 : memref<1x4x32x256xf32, #tpu.memory_space<hbm>> -> memref<4x32x256xf32, #tpu.memory_space<hbm>>
    tpu.wait_dma2 semaphore(%dma_wait3A_321 : memref<!tpu.dma_semaphore, #tpu.memory_space<semaphore_mem>>) src(%dma_wait3A_325 : memref<4x32x256xf32, #tpu.memory_space<hbm>>) dst(%arg9 : memref<4x32x256xf32, #tpu.memory_space<vmem>>)
    %add3A_326 = arith.constant 16 : i32
    %add3A_327 = arith.addi %mul3A_32, %add3A_326 : i32
    %dma_start3A_328 = arith.constant 1 : i32
    %dma_start3A_329 = arith.constant 0 : i32
    %dma_start3A_330 = arith.constant 0 : i32
    %dma_start3A_331 = tpu.memref_slice %arg2[%select_n3A, %add3A_327, %dma_start3A_329, %dma_start3A_330] : memref<4x256x32x256xf32, #tpu.memory_space<hbm>> -> memref<1x4x32x256xf32, #tpu.memory_space<hbm>>
    %dma_start3A_332 = tpu.memref_squeeze %dma_start3A_331 : memref<1x4x32x256xf32, #tpu.memory_space<hbm>> -> memref<4x32x256xf32, #tpu.memory_space<hbm>>
    %dma_start3A_333 = tpu.memref_slice %arg15[%dma_start3A_328] : memref<3x!tpu.dma_semaphore, #tpu.memory_space<semaphore_mem>> -> memref<1x!tpu.dma_semaphore, #tpu.memory_space<semaphore_mem>>
    %dma_start3A_334 = tpu.memref_squeeze %dma_start3A_333 : memref<1x!tpu.dma_semaphore, #tpu.memory_space<semaphore_mem>> -> memref<!tpu.dma_semaphore, #tpu.memory_space<semaphore_mem>>
    %dma_start3A_335 = arith.constant 0 : i32
    %dma_start3A_336 = arith.constant 0 : i32
    %dma_start3A_337 = tpu.memref_slice %arg2[%select_n3A, %add3A_327, %dma_start3A_335, %dma_start3A_336] : memref<4x256x32x256xf32, #tpu.memory_space<hbm>> -> memref<1x4x32x256xf32, #tpu.memory_space<hbm>>
    %dma_start3A_338 = tpu.memref_squeeze %dma_start3A_337 : memref<1x4x32x256xf32, #tpu.memory_space<hbm>> -> memref<4x32x256xf32, #tpu.memory_space<hbm>>
    tpu.enqueue_dma source(%dma_start3A_338 : memref<4x32x256xf32, #tpu.memory_space<hbm>>) target(%arg8 : memref<4x32x256xf32, #tpu.memory_space<vmem>>) target_semaphore(%dma_start3A_334 : memref<!tpu.dma_semaphore, #tpu.memory_space<semaphore_mem>>)
    %parallel_loop3A_339 = arith.constant 0 : i32
    %parallel_loop3A_340 = arith.constant 64 : i32
    %parallel_loop3A_341 = arith.constant 1 : i32
    scf.for %parallel_loop3A_774 = %parallel_loop3A_339 to %parallel_loop3A_340 step %parallel_loop3A_341  : i32 {
      %parallel_loop3A_775 = arith.constant 4 : i32
      %parallel_loop3A_776 = arith.shrsi %parallel_loop3A_774, %parallel_loop3A_775 : i32
      %parallel_loop3A_777 = arith.constant 15 : i32
      %parallel_loop3A_778 = arith.andi %parallel_loop3A_774, %parallel_loop3A_777 : i32
      %parallel_loop3A_779 = arith.constant 16 : i32
      %parallel_loop3A_780 = arith.muli %parallel_loop3A_778, %parallel_loop3A_779 : i32
      %parallel_loop3A_781 = arith.constant 8 : i32
      %parallel_loop3A_782 = arith.addi %parallel_loop3A_781, %parallel_loop3A_776 : i32
      %parallel_loop3A_783 = arith.index_cast %parallel_loop3A_782 : i32 to index
      %parallel_loop3A_784 = arith.index_cast %parallel_loop3A_780 : i32 to index
      %parallel_loop3A_785 = tpu.vector_load %arg10[%parallel_loop3A_783, %parallel_loop3A_784] {strides = array<i32>} : memref<32x256xi32, #tpu.memory_space<vmem>>, vector<16xi32>,
      %parallel_loop3A_786 = arith.constant 1 : i32
      %parallel_loop3A_787 = vector.broadcast %parallel_loop3A_786 : i32 to vector<16xi32>
      %parallel_loop3A_788 = arith.subi %parallel_loop3A_785, %parallel_loop3A_787 : vector<16xi32>
      %parallel_loop3A_789 = arith.constant 0 : i32
      %parallel_loop3A_790 = vector.broadcast %parallel_loop3A_789 : i32 to vector<16xi32>
      %parallel_loop3A_791 = arith.cmpi sge, %parallel_loop3A_788, %parallel_loop3A_790 : vector<16xi32>
      %parallel_loop3A_792 = arith.constant 4 : i32
      %parallel_loop3A_793 = vector.broadcast %parallel_loop3A_792 : i32 to vector<16xi32>
      %parallel_loop3A_794 = arith.muli %parallel_loop3A_788, %parallel_loop3A_793 : vector<16xi32>
      %parallel_loop3A_795 = arith.constant 0 : i32
      %parallel_loop3A_796 = vector.broadcast %parallel_loop3A_795 : i32 to vector<16xi32>
      %parallel_loop3A_797 = arith.maxsi %parallel_loop3A_794, %parallel_loop3A_796 : vector<16xi32>
      %parallel_loop3A_798 = arith.addi %mul3A_227, %parallel_loop3A_797 : vector<16xi32>
      %parallel_loop3A_799 = vector.broadcast %parallel_loop3A_780 : i32 to vector<16xi32>
      %parallel_loop3A_800 = arith.addi %iota3A, %parallel_loop3A_799 : vector<16xi32>
      tpu.vector_store_idx %arg13[%parallel_loop3A_798], %broadcast_in_dim3A_229 masked %parallel_loop3A_791 {add = true} : memref<512xf32, #tpu.memory_space<vmem>>[vector<16xi32>], vector<16xf32>, vector<16xi1>
      %parallel_loop3A_801 = vector.broadcast %parallel_loop3A_776 : i32 to vector<16xi32>
      %parallel_loop3A_802 = arith.addi %broadcast_in_dim3A_231, %parallel_loop3A_801 : vector<16xi32>
      %parallel_loop3A_803 = arith.constant 0 : i32
      %parallel_loop3A_804 = vector.broadcast %parallel_loop3A_803 : i32 to vector<16xi32>
      %parallel_loop3A_805 = arith.addi %parallel_loop3A_797, %parallel_loop3A_804 : vector<16xi32>
      %parallel_loop3A_806 = tpu.vector_load_idx %arg9[%parallel_loop3A_802, %parallel_loop3A_805, %parallel_loop3A_800] : memref<4x32x256xf32, #tpu.memory_space<vmem>>[vector<16xi32>, vector<16xi32>, vector<16xi32>], vector<16xf32>,
      %parallel_loop3A_807 = math.exp %parallel_loop3A_806 : vector<16xf32>
      %parallel_loop3A_808 = arith.constant 0 : i32
      %parallel_loop3A_809 = vector.broadcast %parallel_loop3A_808 : i32 to vector<16xi32>
      %parallel_loop3A_810 = arith.addi %parallel_loop3A_798, %parallel_loop3A_809 : vector<16xi32>
      tpu.vector_store_idx %arg11[%parallel_loop3A_810], %parallel_loop3A_807 masked %parallel_loop3A_791 {add = true} : memref<512xf32, #tpu.memory_space<vmem>>[vector<16xi32>], vector<16xf32>, vector<16xi1>
      %parallel_loop3A_811 = arith.constant 0 : i32
      %parallel_loop3A_812 = vector.broadcast %parallel_loop3A_811 : i32 to vector<16xi32>
      %parallel_loop3A_813 = arith.addi %parallel_loop3A_798, %parallel_loop3A_812 : vector<16xi32>
      %parallel_loop3A_814 = arith.mulf %parallel_loop3A_806, %parallel_loop3A_807 : vector<16xf32>
      tpu.vector_store_idx %arg12[%parallel_loop3A_813], %parallel_loop3A_814 masked %parallel_loop3A_791 {add = true} : memref<512xf32, #tpu.memory_space<vmem>>[vector<16xi32>], vector<16xf32>, vector<16xi1>
      %parallel_loop3A_815 = vector.broadcast %parallel_loop3A_776 : i32 to vector<16xi32>
      %parallel_loop3A_816 = arith.addi %broadcast_in_dim3A_231, %parallel_loop3A_815 : vector<16xi32>
      %parallel_loop3A_817 = arith.constant 1 : i32
      %parallel_loop3A_818 = vector.broadcast %parallel_loop3A_817 : i32 to vector<16xi32>
      %parallel_loop3A_819 = arith.addi %parallel_loop3A_797, %parallel_loop3A_818 : vector<16xi32>
      %parallel_loop3A_820 = tpu.vector_load_idx %arg9[%parallel_loop3A_816, %parallel_loop3A_819, %parallel_loop3A_800] : memref<4x32x256xf32, #tpu.memory_space<vmem>>[vector<16xi32>, vector<16xi32>, vector<16xi32>], vector<16xf32>,
      %parallel_loop3A_821 = math.exp %parallel_loop3A_820 : vector<16xf32>
      %parallel_loop3A_822 = arith.constant 1 : i32
      %parallel_loop3A_823 = vector.broadcast %parallel_loop3A_822 : i32 to vector<16xi32>
      %parallel_loop3A_824 = arith.addi %parallel_loop3A_798, %parallel_loop3A_823 : vector<16xi32>
      tpu.vector_store_idx %arg11[%parallel_loop3A_824], %parallel_loop3A_821 masked %parallel_loop3A_791 {add = true} : memref<512xf32, #tpu.memory_space<vmem>>[vector<16xi32>], vector<16xf32>, vector<16xi1>
      %parallel_loop3A_825 = arith.constant 1 : i32
      %parallel_loop3A_826 = vector.broadcast %parallel_loop3A_825 : i32 to vector<16xi32>
      %parallel_loop3A_827 = arith.addi %parallel_loop3A_798, %parallel_loop3A_826 : vector<16xi32>
      %parallel_loop3A_828 = arith.mulf %parallel_loop3A_820, %parallel_loop3A_821 : vector<16xf32>
      tpu.vector_store_idx %arg12[%parallel_loop3A_827], %parallel_loop3A_828 masked %parallel_loop3A_791 {add = true} : memref<512xf32, #tpu.memory_space<vmem>>[vector<16xi32>], vector<16xf32>, vector<16xi1>
      %parallel_loop3A_829 = vector.broadcast %parallel_loop3A_776 : i32 to vector<16xi32>
      %parallel_loop3A_830 = arith.addi %broadcast_in_dim3A_231, %parallel_loop3A_829 : vector<16xi32>
      %parallel_loop3A_831 = arith.constant 2 : i32
      %parallel_loop3A_832 = vector.broadcast %parallel_loop3A_831 : i32 to vector<16xi32>
      %parallel_loop3A_833 = arith.addi %parallel_loop3A_797, %parallel_loop3A_832 : vector<16xi32>
      %parallel_loop3A_834 = tpu.vector_load_idx %arg9[%parallel_loop3A_830, %parallel_loop3A_833, %parallel_loop3A_800] : memref<4x32x256xf32, #tpu.memory_space<vmem>>[vector<16xi32>, vector<16xi32>, vector<16xi32>], vector<16xf32>,
      %parallel_loop3A_835 = math.exp %parallel_loop3A_834 : vector<16xf32>
      %parallel_loop3A_836 = arith.constant 2 : i32
      %parallel_loop3A_837 = vector.broadcast %parallel_loop3A_836 : i32 to vector<16xi32>
      %parallel_loop3A_838 = arith.addi %parallel_loop3A_798, %parallel_loop3A_837 : vector<16xi32>
      tpu.vector_store_idx %arg11[%parallel_loop3A_838], %parallel_loop3A_835 masked %parallel_loop3A_791 {add = true} : memref<512xf32, #tpu.memory_space<vmem>>[vector<16xi32>], vector<16xf32>, vector<16xi1>
      %parallel_loop3A_839 = arith.constant 2 : i32
      %parallel_loop3A_840 = vector.broadcast %parallel_loop3A_839 : i32 to vector<16xi32>
      %parallel_loop3A_841 = arith.addi %parallel_loop3A_798, %parallel_loop3A_840 : vector<16xi32>
      %parallel_loop3A_842 = arith.mulf %parallel_loop3A_834, %parallel_loop3A_835 : vector<16xf32>
      tpu.vector_store_idx %arg12[%parallel_loop3A_841], %parallel_loop3A_842 masked %parallel_loop3A_791 {add = true} : memref<512xf32, #tpu.memory_space<vmem>>[vector<16xi32>], vector<16xf32>, vector<16xi1>
      %parallel_loop3A_843 = vector.broadcast %parallel_loop3A_776 : i32 to vector<16xi32>
      %parallel_loop3A_844 = arith.addi %broadcast_in_dim3A_231, %parallel_loop3A_843 : vector<16xi32>
      %parallel_loop3A_845 = arith.constant 3 : i32
      %parallel_loop3A_846 = vector.broadcast %parallel_loop3A_845 : i32 to vector<16xi32>
      %parallel_loop3A_847 = arith.addi %parallel_loop3A_797, %parallel_loop3A_846 : vector<16xi32>
      %parallel_loop3A_848 = tpu.vector_load_idx %arg9[%parallel_loop3A_844, %parallel_loop3A_847, %parallel_loop3A_800] : memref<4x32x256xf32, #tpu.memory_space<vmem>>[vector<16xi32>, vector<16xi32>, vector<16xi32>], vector<16xf32>,
      %parallel_loop3A_849 = math.exp %parallel_loop3A_848 : vector<16xf32>
      %parallel_loop3A_850 = arith.constant 3 : i32
      %parallel_loop3A_851 = vector.broadcast %parallel_loop3A_850 : i32 to vector<16xi32>
      %parallel_loop3A_852 = arith.addi %parallel_loop3A_798, %parallel_loop3A_851 : vector<16xi32>
      tpu.vector_store_idx %arg11[%parallel_loop3A_852], %parallel_loop3A_849 masked %parallel_loop3A_791 {add = true} : memref<512xf32, #tpu.memory_space<vmem>>[vector<16xi32>], vector<16xf32>, vector<16xi1>
      %parallel_loop3A_853 = arith.constant 3 : i32
      %parallel_loop3A_854 = vector.broadcast %parallel_loop3A_853 : i32 to vector<16xi32>
      %parallel_loop3A_855 = arith.addi %parallel_loop3A_798, %parallel_loop3A_854 : vector<16xi32>
      %parallel_loop3A_856 = arith.mulf %parallel_loop3A_848, %parallel_loop3A_849 : vector<16xf32>
      tpu.vector_store_idx %arg12[%parallel_loop3A_855], %parallel_loop3A_856 masked %parallel_loop3A_791 {add = true} : memref<512xf32, #tpu.memory_space<vmem>>[vector<16xi32>], vector<16xf32>, vector<16xi1>
    } {sc.loop_unroll_factor = 8 : i64, sc.parallel_access}
    %add3A_342 = arith.constant 12 : i32
    %add3A_343 = arith.addi %mul3A_32, %add3A_342 : i32
    %dma_wait3A_344 = arith.constant 0 : i32
    %dma_wait3A_345 = arith.constant 0 : i32
    %dma_wait3A_346 = arith.constant 0 : i32
    %dma_wait3A_347 = tpu.memref_slice %arg2[%select_n3A, %add3A_343, %dma_wait3A_345, %dma_wait3A_346] : memref<4x256x32x256xf32, #tpu.memory_space<hbm>> -> memref<1x4x32x256xf32, #tpu.memory_space<hbm>>
    %dma_wait3A_348 = tpu.memref_squeeze %dma_wait3A_347 : memref<1x4x32x256xf32, #tpu.memory_space<hbm>> -> memref<4x32x256xf32, #tpu.memory_space<hbm>>
    %dma_wait3A_349 = tpu.memref_slice %arg15[%dma_wait3A_344] : memref<3x!tpu.dma_semaphore, #tpu.memory_space<semaphore_mem>> -> memref<1x!tpu.dma_semaphore, #tpu.memory_space<semaphore_mem>>
    %dma_wait3A_350 = tpu.memref_squeeze %dma_wait3A_349 : memref<1x!tpu.dma_semaphore, #tpu.memory_space<semaphore_mem>> -> memref<!tpu.dma_semaphore, #tpu.memory_space<semaphore_mem>>
    %dma_wait3A_351 = arith.constant 0 : i32
    %dma_wait3A_352 = arith.constant 0 : i32
    %dma_wait3A_353 = tpu.memref_slice %arg2[%select_n3A, %add3A_343, %dma_wait3A_351, %dma_wait3A_352] : memref<4x256x32x256xf32, #tpu.memory_space<hbm>> -> memref<1x4x32x256xf32, #tpu.memory_space<hbm>>
    %dma_wait3A_354 = tpu.memref_squeeze %dma_wait3A_353 : memref<1x4x32x256xf32, #tpu.memory_space<hbm>> -> memref<4x32x256xf32, #tpu.memory_space<hbm>>
    tpu.wait_dma2 semaphore(%dma_wait3A_350 : memref<!tpu.dma_semaphore, #tpu.memory_space<semaphore_mem>>) src(%dma_wait3A_354 : memref<4x32x256xf32, #tpu.memory_space<hbm>>) dst(%arg7 : memref<4x32x256xf32, #tpu.memory_space<vmem>>)
    %add3A_355 = arith.constant 20 : i32
    %add3A_356 = arith.addi %mul3A_32, %add3A_355 : i32
    %dma_start3A_357 = arith.constant 2 : i32
    %dma_start3A_358 = arith.constant 0 : i32
    %dma_start3A_359 = arith.constant 0 : i32
    %dma_start3A_360 = tpu.memref_slice %arg2[%select_n3A, %add3A_356, %dma_start3A_358, %dma_start3A_359] : memref<4x256x32x256xf32, #tpu.memory_space<hbm>> -> memref<1x4x32x256xf32, #tpu.memory_space<hbm>>
    %dma_start3A_361 = tpu.memref_squeeze %dma_start3A_360 : memref<1x4x32x256xf32, #tpu.memory_space<hbm>> -> memref<4x32x256xf32, #tpu.memory_space<hbm>>
    %dma_start3A_362 = tpu.memref_slice %arg15[%dma_start3A_357] : memref<3x!tpu.dma_semaphore, #tpu.memory_space<semaphore_mem>> -> memref<1x!tpu.dma_semaphore, #tpu.memory_space<semaphore_mem>>
    %dma_start3A_363 = tpu.memref_squeeze %dma_start3A_362 : memref<1x!tpu.dma_semaphore, #tpu.memory_space<semaphore_mem>> -> memref<!tpu.dma_semaphore, #tpu.memory_space<semaphore_mem>>
    %dma_start3A_364 = arith.constant 0 : i32
    %dma_start3A_365 = arith.constant 0 : i32
    %dma_start3A_366 = tpu.memref_slice %arg2[%select_n3A, %add3A_356, %dma_start3A_364, %dma_start3A_365] : memref<4x256x32x256xf32, #tpu.memory_space<hbm>> -> memref<1x4x32x256xf32, #tpu.memory_space<hbm>>
    %dma_start3A_367 = tpu.memref_squeeze %dma_start3A_366 : memref<1x4x32x256xf32, #tpu.memory_space<hbm>> -> memref<4x32x256xf32, #tpu.memory_space<hbm>>
    tpu.enqueue_dma source(%dma_start3A_367 : memref<4x32x256xf32, #tpu.memory_space<hbm>>) target(%arg9 : memref<4x32x256xf32, #tpu.memory_space<vmem>>) target_semaphore(%dma_start3A_363 : memref<!tpu.dma_semaphore, #tpu.memory_space<semaphore_mem>>)
    %parallel_loop3A_368 = arith.constant 0 : i32
    %parallel_loop3A_369 = arith.constant 64 : i32
    %parallel_loop3A_370 = arith.constant 1 : i32
    scf.for %parallel_loop3A_774 = %parallel_loop3A_368 to %parallel_loop3A_369 step %parallel_loop3A_370  : i32 {
      %parallel_loop3A_775 = arith.constant 4 : i32
      %parallel_loop3A_776 = arith.shrsi %parallel_loop3A_774, %parallel_loop3A_775 : i32
      %parallel_loop3A_777 = arith.constant 15 : i32
      %parallel_loop3A_778 = arith.andi %parallel_loop3A_774, %parallel_loop3A_777 : i32
      %parallel_loop3A_779 = arith.constant 16 : i32
      %parallel_loop3A_780 = arith.muli %parallel_loop3A_778, %parallel_loop3A_779 : i32
      %parallel_loop3A_781 = arith.constant 12 : i32
      %parallel_loop3A_782 = arith.addi %parallel_loop3A_781, %parallel_loop3A_776 : i32
      %parallel_loop3A_783 = arith.index_cast %parallel_loop3A_782 : i32 to index
      %parallel_loop3A_784 = arith.index_cast %parallel_loop3A_780 : i32 to index
      %parallel_loop3A_785 = tpu.vector_load %arg10[%parallel_loop3A_783, %parallel_loop3A_784] {strides = array<i32>} : memref<32x256xi32, #tpu.memory_space<vmem>>, vector<16xi32>,
      %parallel_loop3A_786 = arith.constant 1 : i32
      %parallel_loop3A_787 = vector.broadcast %parallel_loop3A_786 : i32 to vector<16xi32>
      %parallel_loop3A_788 = arith.subi %parallel_loop3A_785, %parallel_loop3A_787 : vector<16xi32>
      %parallel_loop3A_789 = arith.constant 0 : i32
      %parallel_loop3A_790 = vector.broadcast %parallel_loop3A_789 : i32 to vector<16xi32>
      %parallel_loop3A_791 = arith.cmpi sge, %parallel_loop3A_788, %parallel_loop3A_790 : vector<16xi32>
      %parallel_loop3A_792 = arith.constant 4 : i32
      %parallel_loop3A_793 = vector.broadcast %parallel_loop3A_792 : i32 to vector<16xi32>
      %parallel_loop3A_794 = arith.muli %parallel_loop3A_788, %parallel_loop3A_793 : vector<16xi32>
      %parallel_loop3A_795 = arith.constant 0 : i32
      %parallel_loop3A_796 = vector.broadcast %parallel_loop3A_795 : i32 to vector<16xi32>
      %parallel_loop3A_797 = arith.maxsi %parallel_loop3A_794, %parallel_loop3A_796 : vector<16xi32>
      %parallel_loop3A_798 = arith.addi %mul3A_227, %parallel_loop3A_797 : vector<16xi32>
      %parallel_loop3A_799 = vector.broadcast %parallel_loop3A_780 : i32 to vector<16xi32>
      %parallel_loop3A_800 = arith.addi %iota3A, %parallel_loop3A_799 : vector<16xi32>
      tpu.vector_store_idx %arg13[%parallel_loop3A_798], %broadcast_in_dim3A_229 masked %parallel_loop3A_791 {add = true} : memref<512xf32, #tpu.memory_space<vmem>>[vector<16xi32>], vector<16xf32>, vector<16xi1>
      %parallel_loop3A_801 = vector.broadcast %parallel_loop3A_776 : i32 to vector<16xi32>
      %parallel_loop3A_802 = arith.addi %broadcast_in_dim3A_231, %parallel_loop3A_801 : vector<16xi32>
      %parallel_loop3A_803 = arith.constant 0 : i32
      %parallel_loop3A_804 = vector.broadcast %parallel_loop3A_803 : i32 to vector<16xi32>
      %parallel_loop3A_805 = arith.addi %parallel_loop3A_797, %parallel_loop3A_804 : vector<16xi32>
      %parallel_loop3A_806 = tpu.vector_load_idx %arg7[%parallel_loop3A_802, %parallel_loop3A_805, %parallel_loop3A_800] : memref<4x32x256xf32, #tpu.memory_space<vmem>>[vector<16xi32>, vector<16xi32>, vector<16xi32>], vector<16xf32>,
      %parallel_loop3A_807 = math.exp %parallel_loop3A_806 : vector<16xf32>
      %parallel_loop3A_808 = arith.constant 0 : i32
      %parallel_loop3A_809 = vector.broadcast %parallel_loop3A_808 : i32 to vector<16xi32>
      %parallel_loop3A_810 = arith.addi %parallel_loop3A_798, %parallel_loop3A_809 : vector<16xi32>
      tpu.vector_store_idx %arg11[%parallel_loop3A_810], %parallel_loop3A_807 masked %parallel_loop3A_791 {add = true} : memref<512xf32, #tpu.memory_space<vmem>>[vector<16xi32>], vector<16xf32>, vector<16xi1>
      %parallel_loop3A_811 = arith.constant 0 : i32
      %parallel_loop3A_812 = vector.broadcast %parallel_loop3A_811 : i32 to vector<16xi32>
      %parallel_loop3A_813 = arith.addi %parallel_loop3A_798, %parallel_loop3A_812 : vector<16xi32>
      %parallel_loop3A_814 = arith.mulf %parallel_loop3A_806, %parallel_loop3A_807 : vector<16xf32>
      tpu.vector_store_idx %arg12[%parallel_loop3A_813], %parallel_loop3A_814 masked %parallel_loop3A_791 {add = true} : memref<512xf32, #tpu.memory_space<vmem>>[vector<16xi32>], vector<16xf32>, vector<16xi1>
      %parallel_loop3A_815 = vector.broadcast %parallel_loop3A_776 : i32 to vector<16xi32>
      %parallel_loop3A_816 = arith.addi %broadcast_in_dim3A_231, %parallel_loop3A_815 : vector<16xi32>
      %parallel_loop3A_817 = arith.constant 1 : i32
      %parallel_loop3A_818 = vector.broadcast %parallel_loop3A_817 : i32 to vector<16xi32>
      %parallel_loop3A_819 = arith.addi %parallel_loop3A_797, %parallel_loop3A_818 : vector<16xi32>
      %parallel_loop3A_820 = tpu.vector_load_idx %arg7[%parallel_loop3A_816, %parallel_loop3A_819, %parallel_loop3A_800] : memref<4x32x256xf32, #tpu.memory_space<vmem>>[vector<16xi32>, vector<16xi32>, vector<16xi32>], vector<16xf32>,
      %parallel_loop3A_821 = math.exp %parallel_loop3A_820 : vector<16xf32>
      %parallel_loop3A_822 = arith.constant 1 : i32
      %parallel_loop3A_823 = vector.broadcast %parallel_loop3A_822 : i32 to vector<16xi32>
      %parallel_loop3A_824 = arith.addi %parallel_loop3A_798, %parallel_loop3A_823 : vector<16xi32>
      tpu.vector_store_idx %arg11[%parallel_loop3A_824], %parallel_loop3A_821 masked %parallel_loop3A_791 {add = true} : memref<512xf32, #tpu.memory_space<vmem>>[vector<16xi32>], vector<16xf32>, vector<16xi1>
      %parallel_loop3A_825 = arith.constant 1 : i32
      %parallel_loop3A_826 = vector.broadcast %parallel_loop3A_825 : i32 to vector<16xi32>
      %parallel_loop3A_827 = arith.addi %parallel_loop3A_798, %parallel_loop3A_826 : vector<16xi32>
      %parallel_loop3A_828 = arith.mulf %parallel_loop3A_820, %parallel_loop3A_821 : vector<16xf32>
      tpu.vector_store_idx %arg12[%parallel_loop3A_827], %parallel_loop3A_828 masked %parallel_loop3A_791 {add = true} : memref<512xf32, #tpu.memory_space<vmem>>[vector<16xi32>], vector<16xf32>, vector<16xi1>
      %parallel_loop3A_829 = vector.broadcast %parallel_loop3A_776 : i32 to vector<16xi32>
      %parallel_loop3A_830 = arith.addi %broadcast_in_dim3A_231, %parallel_loop3A_829 : vector<16xi32>
      %parallel_loop3A_831 = arith.constant 2 : i32
      %parallel_loop3A_832 = vector.broadcast %parallel_loop3A_831 : i32 to vector<16xi32>
      %parallel_loop3A_833 = arith.addi %parallel_loop3A_797, %parallel_loop3A_832 : vector<16xi32>
      %parallel_loop3A_834 = tpu.vector_load_idx %arg7[%parallel_loop3A_830, %parallel_loop3A_833, %parallel_loop3A_800] : memref<4x32x256xf32, #tpu.memory_space<vmem>>[vector<16xi32>, vector<16xi32>, vector<16xi32>], vector<16xf32>,
      %parallel_loop3A_835 = math.exp %parallel_loop3A_834 : vector<16xf32>
      %parallel_loop3A_836 = arith.constant 2 : i32
      %parallel_loop3A_837 = vector.broadcast %parallel_loop3A_836 : i32 to vector<16xi32>
      %parallel_loop3A_838 = arith.addi %parallel_loop3A_798, %parallel_loop3A_837 : vector<16xi32>
      tpu.vector_store_idx %arg11[%parallel_loop3A_838], %parallel_loop3A_835 masked %parallel_loop3A_791 {add = true} : memref<512xf32, #tpu.memory_space<vmem>>[vector<16xi32>], vector<16xf32>, vector<16xi1>
      %parallel_loop3A_839 = arith.constant 2 : i32
      %parallel_loop3A_840 = vector.broadcast %parallel_loop3A_839 : i32 to vector<16xi32>
      %parallel_loop3A_841 = arith.addi %parallel_loop3A_798, %parallel_loop3A_840 : vector<16xi32>
      %parallel_loop3A_842 = arith.mulf %parallel_loop3A_834, %parallel_loop3A_835 : vector<16xf32>
      tpu.vector_store_idx %arg12[%parallel_loop3A_841], %parallel_loop3A_842 masked %parallel_loop3A_791 {add = true} : memref<512xf32, #tpu.memory_space<vmem>>[vector<16xi32>], vector<16xf32>, vector<16xi1>
      %parallel_loop3A_843 = vector.broadcast %parallel_loop3A_776 : i32 to vector<16xi32>
      %parallel_loop3A_844 = arith.addi %broadcast_in_dim3A_231, %parallel_loop3A_843 : vector<16xi32>
      %parallel_loop3A_845 = arith.constant 3 : i32
      %parallel_loop3A_846 = vector.broadcast %parallel_loop3A_845 : i32 to vector<16xi32>
      %parallel_loop3A_847 = arith.addi %parallel_loop3A_797, %parallel_loop3A_846 : vector<16xi32>
      %parallel_loop3A_848 = tpu.vector_load_idx %arg7[%parallel_loop3A_844, %parallel_loop3A_847, %parallel_loop3A_800] : memref<4x32x256xf32, #tpu.memory_space<vmem>>[vector<16xi32>, vector<16xi32>, vector<16xi32>], vector<16xf32>,
      %parallel_loop3A_849 = math.exp %parallel_loop3A_848 : vector<16xf32>
      %parallel_loop3A_850 = arith.constant 3 : i32
      %parallel_loop3A_851 = vector.broadcast %parallel_loop3A_850 : i32 to vector<16xi32>
      %parallel_loop3A_852 = arith.addi %parallel_loop3A_798, %parallel_loop3A_851 : vector<16xi32>
      tpu.vector_store_idx %arg11[%parallel_loop3A_852], %parallel_loop3A_849 masked %parallel_loop3A_791 {add = true} : memref<512xf32, #tpu.memory_space<vmem>>[vector<16xi32>], vector<16xf32>, vector<16xi1>
      %parallel_loop3A_853 = arith.constant 3 : i32
      %parallel_loop3A_854 = vector.broadcast %parallel_loop3A_853 : i32 to vector<16xi32>
      %parallel_loop3A_855 = arith.addi %parallel_loop3A_798, %parallel_loop3A_854 : vector<16xi32>
      %parallel_loop3A_856 = arith.mulf %parallel_loop3A_848, %parallel_loop3A_849 : vector<16xf32>
      tpu.vector_store_idx %arg12[%parallel_loop3A_855], %parallel_loop3A_856 masked %parallel_loop3A_791 {add = true} : memref<512xf32, #tpu.memory_space<vmem>>[vector<16xi32>], vector<16xf32>, vector<16xi1>
    } {sc.loop_unroll_factor = 8 : i64, sc.parallel_access}
    %add3A_371 = arith.constant 16 : i32
    %add3A_372 = arith.addi %mul3A_32, %add3A_371 : i32
    %dma_wait3A_373 = arith.constant 1 : i32
    %dma_wait3A_374 = arith.constant 0 : i32
    %dma_wait3A_375 = arith.constant 0 : i32
    %dma_wait3A_376 = tpu.memref_slice %arg2[%select_n3A, %add3A_372, %dma_wait3A_374, %dma_wait3A_375] : memref<4x256x32x256xf32, #tpu.memory_space<hbm>> -> memref<1x4x32x256xf32, #tpu.memory_space<hbm>>
    %dma_wait3A_377 = tpu.memref_squeeze %dma_wait3A_376 : memref<1x4x32x256xf32, #tpu.memory_space<hbm>> -> memref<4x32x256xf32, #tpu.memory_space<hbm>>
    %dma_wait3A_378 = tpu.memref_slice %arg15[%dma_wait3A_373] : memref<3x!tpu.dma_semaphore, #tpu.memory_space<semaphore_mem>> -> memref<1x!tpu.dma_semaphore, #tpu.memory_space<semaphore_mem>>
    %dma_wait3A_379 = tpu.memref_squeeze %dma_wait3A_378 : memref<1x!tpu.dma_semaphore, #tpu.memory_space<semaphore_mem>> -> memref<!tpu.dma_semaphore, #tpu.memory_space<semaphore_mem>>
    %dma_wait3A_380 = arith.constant 0 : i32
    %dma_wait3A_381 = arith.constant 0 : i32
    %dma_wait3A_382 = tpu.memref_slice %arg2[%select_n3A, %add3A_372, %dma_wait3A_380, %dma_wait3A_381] : memref<4x256x32x256xf32, #tpu.memory_space<hbm>> -> memref<1x4x32x256xf32, #tpu.memory_space<hbm>>
    %dma_wait3A_383 = tpu.memref_squeeze %dma_wait3A_382 : memref<1x4x32x256xf32, #tpu.memory_space<hbm>> -> memref<4x32x256xf32, #tpu.memory_space<hbm>>
    tpu.wait_dma2 semaphore(%dma_wait3A_379 : memref<!tpu.dma_semaphore, #tpu.memory_space<semaphore_mem>>) src(%dma_wait3A_383 : memref<4x32x256xf32, #tpu.memory_space<hbm>>) dst(%arg8 : memref<4x32x256xf32, #tpu.memory_space<vmem>>)
    %add3A_384 = arith.constant 24 : i32
    %add3A_385 = arith.addi %mul3A_32, %add3A_384 : i32
    %dma_start3A_386 = arith.constant 0 : i32
    %dma_start3A_387 = arith.constant 0 : i32
    %dma_start3A_388 = arith.constant 0 : i32
    %dma_start3A_389 = tpu.memref_slice %arg2[%select_n3A, %add3A_385, %dma_start3A_387, %dma_start3A_388] : memref<4x256x32x256xf32, #tpu.memory_space<hbm>> -> memref<1x4x32x256xf32, #tpu.memory_space<hbm>>
    %dma_start3A_390 = tpu.memref_squeeze %dma_start3A_389 : memref<1x4x32x256xf32, #tpu.memory_space<hbm>> -> memref<4x32x256xf32, #tpu.memory_space<hbm>>
    %dma_start3A_391 = tpu.memref_slice %arg15[%dma_start3A_386] : memref<3x!tpu.dma_semaphore, #tpu.memory_space<semaphore_mem>> -> memref<1x!tpu.dma_semaphore, #tpu.memory_space<semaphore_mem>>
    %dma_start3A_392 = tpu.memref_squeeze %dma_start3A_391 : memref<1x!tpu.dma_semaphore, #tpu.memory_space<semaphore_mem>> -> memref<!tpu.dma_semaphore, #tpu.memory_space<semaphore_mem>>
    %dma_start3A_393 = arith.constant 0 : i32
    %dma_start3A_394 = arith.constant 0 : i32
    %dma_start3A_395 = tpu.memref_slice %arg2[%select_n3A, %add3A_385, %dma_start3A_393, %dma_start3A_394] : memref<4x256x32x256xf32, #tpu.memory_space<hbm>> -> memref<1x4x32x256xf32, #tpu.memory_space<hbm>>
    %dma_start3A_396 = tpu.memref_squeeze %dma_start3A_395 : memref<1x4x32x256xf32, #tpu.memory_space<hbm>> -> memref<4x32x256xf32, #tpu.memory_space<hbm>>
    tpu.enqueue_dma source(%dma_start3A_396 : memref<4x32x256xf32, #tpu.memory_space<hbm>>) target(%arg7 : memref<4x32x256xf32, #tpu.memory_space<vmem>>) target_semaphore(%dma_start3A_392 : memref<!tpu.dma_semaphore, #tpu.memory_space<semaphore_mem>>)
    %parallel_loop3A_397 = arith.constant 0 : i32
    %parallel_loop3A_398 = arith.constant 64 : i32
    %parallel_loop3A_399 = arith.constant 1 : i32
    scf.for %parallel_loop3A_774 = %parallel_loop3A_397 to %parallel_loop3A_398 step %parallel_loop3A_399  : i32 {
      %parallel_loop3A_775 = arith.constant 4 : i32
      %parallel_loop3A_776 = arith.shrsi %parallel_loop3A_774, %parallel_loop3A_775 : i32
      %parallel_loop3A_777 = arith.constant 15 : i32
      %parallel_loop3A_778 = arith.andi %parallel_loop3A_774, %parallel_loop3A_777 : i32
      %parallel_loop3A_779 = arith.constant 16 : i32
      %parallel_loop3A_780 = arith.muli %parallel_loop3A_778, %parallel_loop3A_779 : i32
      %parallel_loop3A_781 = arith.constant 16 : i32
      %parallel_loop3A_782 = arith.addi %parallel_loop3A_781, %parallel_loop3A_776 : i32
      %parallel_loop3A_783 = arith.index_cast %parallel_loop3A_782 : i32 to index
      %parallel_loop3A_784 = arith.index_cast %parallel_loop3A_780 : i32 to index
      %parallel_loop3A_785 = tpu.vector_load %arg10[%parallel_loop3A_783, %parallel_loop3A_784] {strides = array<i32>} : memref<32x256xi32, #tpu.memory_space<vmem>>, vector<16xi32>,
      %parallel_loop3A_786 = arith.constant 1 : i32
      %parallel_loop3A_787 = vector.broadcast %parallel_loop3A_786 : i32 to vector<16xi32>
      %parallel_loop3A_788 = arith.subi %parallel_loop3A_785, %parallel_loop3A_787 : vector<16xi32>
      %parallel_loop3A_789 = arith.constant 0 : i32
      %parallel_loop3A_790 = vector.broadcast %parallel_loop3A_789 : i32 to vector<16xi32>
      %parallel_loop3A_791 = arith.cmpi sge, %parallel_loop3A_788, %parallel_loop3A_790 : vector<16xi32>
      %parallel_loop3A_792 = arith.constant 4 : i32
      %parallel_loop3A_793 = vector.broadcast %parallel_loop3A_792 : i32 to vector<16xi32>
      %parallel_loop3A_794 = arith.muli %parallel_loop3A_788, %parallel_loop3A_793 : vector<16xi32>
      %parallel_loop3A_795 = arith.constant 0 : i32
      %parallel_loop3A_796 = vector.broadcast %parallel_loop3A_795 : i32 to vector<16xi32>
      %parallel_loop3A_797 = arith.maxsi %parallel_loop3A_794, %parallel_loop3A_796 : vector<16xi32>
      %parallel_loop3A_798 = arith.addi %mul3A_227, %parallel_loop3A_797 : vector<16xi32>
      %parallel_loop3A_799 = vector.broadcast %parallel_loop3A_780 : i32 to vector<16xi32>
      %parallel_loop3A_800 = arith.addi %iota3A, %parallel_loop3A_799 : vector<16xi32>
      tpu.vector_store_idx %arg13[%parallel_loop3A_798], %broadcast_in_dim3A_229 masked %parallel_loop3A_791 {add = true} : memref<512xf32, #tpu.memory_space<vmem>>[vector<16xi32>], vector<16xf32>, vector<16xi1>
      %parallel_loop3A_801 = vector.broadcast %parallel_loop3A_776 : i32 to vector<16xi32>
      %parallel_loop3A_802 = arith.addi %broadcast_in_dim3A_231, %parallel_loop3A_801 : vector<16xi32>
      %parallel_loop3A_803 = arith.constant 0 : i32
      %parallel_loop3A_804 = vector.broadcast %parallel_loop3A_803 : i32 to vector<16xi32>
      %parallel_loop3A_805 = arith.addi %parallel_loop3A_797, %parallel_loop3A_804 : vector<16xi32>
      %parallel_loop3A_806 = tpu.vector_load_idx %arg8[%parallel_loop3A_802, %parallel_loop3A_805, %parallel_loop3A_800] : memref<4x32x256xf32, #tpu.memory_space<vmem>>[vector<16xi32>, vector<16xi32>, vector<16xi32>], vector<16xf32>,
      %parallel_loop3A_807 = math.exp %parallel_loop3A_806 : vector<16xf32>
      %parallel_loop3A_808 = arith.constant 0 : i32
      %parallel_loop3A_809 = vector.broadcast %parallel_loop3A_808 : i32 to vector<16xi32>
      %parallel_loop3A_810 = arith.addi %parallel_loop3A_798, %parallel_loop3A_809 : vector<16xi32>
      tpu.vector_store_idx %arg11[%parallel_loop3A_810], %parallel_loop3A_807 masked %parallel_loop3A_791 {add = true} : memref<512xf32, #tpu.memory_space<vmem>>[vector<16xi32>], vector<16xf32>, vector<16xi1>
      %parallel_loop3A_811 = arith.constant 0 : i32
      %parallel_loop3A_812 = vector.broadcast %parallel_loop3A_811 : i32 to vector<16xi32>
      %parallel_loop3A_813 = arith.addi %parallel_loop3A_798, %parallel_loop3A_812 : vector<16xi32>
      %parallel_loop3A_814 = arith.mulf %parallel_loop3A_806, %parallel_loop3A_807 : vector<16xf32>
      tpu.vector_store_idx %arg12[%parallel_loop3A_813], %parallel_loop3A_814 masked %parallel_loop3A_791 {add = true} : memref<512xf32, #tpu.memory_space<vmem>>[vector<16xi32>], vector<16xf32>, vector<16xi1>
      %parallel_loop3A_815 = vector.broadcast %parallel_loop3A_776 : i32 to vector<16xi32>
      %parallel_loop3A_816 = arith.addi %broadcast_in_dim3A_231, %parallel_loop3A_815 : vector<16xi32>
      %parallel_loop3A_817 = arith.constant 1 : i32
      %parallel_loop3A_818 = vector.broadcast %parallel_loop3A_817 : i32 to vector<16xi32>
      %parallel_loop3A_819 = arith.addi %parallel_loop3A_797, %parallel_loop3A_818 : vector<16xi32>
      %parallel_loop3A_820 = tpu.vector_load_idx %arg8[%parallel_loop3A_816, %parallel_loop3A_819, %parallel_loop3A_800] : memref<4x32x256xf32, #tpu.memory_space<vmem>>[vector<16xi32>, vector<16xi32>, vector<16xi32>], vector<16xf32>,
      %parallel_loop3A_821 = math.exp %parallel_loop3A_820 : vector<16xf32>
      %parallel_loop3A_822 = arith.constant 1 : i32
      %parallel_loop3A_823 = vector.broadcast %parallel_loop3A_822 : i32 to vector<16xi32>
      %parallel_loop3A_824 = arith.addi %parallel_loop3A_798, %parallel_loop3A_823 : vector<16xi32>
      tpu.vector_store_idx %arg11[%parallel_loop3A_824], %parallel_loop3A_821 masked %parallel_loop3A_791 {add = true} : memref<512xf32, #tpu.memory_space<vmem>>[vector<16xi32>], vector<16xf32>, vector<16xi1>
      %parallel_loop3A_825 = arith.constant 1 : i32
      %parallel_loop3A_826 = vector.broadcast %parallel_loop3A_825 : i32 to vector<16xi32>
      %parallel_loop3A_827 = arith.addi %parallel_loop3A_798, %parallel_loop3A_826 : vector<16xi32>
      %parallel_loop3A_828 = arith.mulf %parallel_loop3A_820, %parallel_loop3A_821 : vector<16xf32>
      tpu.vector_store_idx %arg12[%parallel_loop3A_827], %parallel_loop3A_828 masked %parallel_loop3A_791 {add = true} : memref<512xf32, #tpu.memory_space<vmem>>[vector<16xi32>], vector<16xf32>, vector<16xi1>
      %parallel_loop3A_829 = vector.broadcast %parallel_loop3A_776 : i32 to vector<16xi32>
      %parallel_loop3A_830 = arith.addi %broadcast_in_dim3A_231, %parallel_loop3A_829 : vector<16xi32>
      %parallel_loop3A_831 = arith.constant 2 : i32
      %parallel_loop3A_832 = vector.broadcast %parallel_loop3A_831 : i32 to vector<16xi32>
      %parallel_loop3A_833 = arith.addi %parallel_loop3A_797, %parallel_loop3A_832 : vector<16xi32>
      %parallel_loop3A_834 = tpu.vector_load_idx %arg8[%parallel_loop3A_830, %parallel_loop3A_833, %parallel_loop3A_800] : memref<4x32x256xf32, #tpu.memory_space<vmem>>[vector<16xi32>, vector<16xi32>, vector<16xi32>], vector<16xf32>,
      %parallel_loop3A_835 = math.exp %parallel_loop3A_834 : vector<16xf32>
      %parallel_loop3A_836 = arith.constant 2 : i32
      %parallel_loop3A_837 = vector.broadcast %parallel_loop3A_836 : i32 to vector<16xi32>
      %parallel_loop3A_838 = arith.addi %parallel_loop3A_798, %parallel_loop3A_837 : vector<16xi32>
      tpu.vector_store_idx %arg11[%parallel_loop3A_838], %parallel_loop3A_835 masked %parallel_loop3A_791 {add = true} : memref<512xf32, #tpu.memory_space<vmem>>[vector<16xi32>], vector<16xf32>, vector<16xi1>
      %parallel_loop3A_839 = arith.constant 2 : i32
      %parallel_loop3A_840 = vector.broadcast %parallel_loop3A_839 : i32 to vector<16xi32>
      %parallel_loop3A_841 = arith.addi %parallel_loop3A_798, %parallel_loop3A_840 : vector<16xi32>
      %parallel_loop3A_842 = arith.mulf %parallel_loop3A_834, %parallel_loop3A_835 : vector<16xf32>
      tpu.vector_store_idx %arg12[%parallel_loop3A_841], %parallel_loop3A_842 masked %parallel_loop3A_791 {add = true} : memref<512xf32, #tpu.memory_space<vmem>>[vector<16xi32>], vector<16xf32>, vector<16xi1>
      %parallel_loop3A_843 = vector.broadcast %parallel_loop3A_776 : i32 to vector<16xi32>
      %parallel_loop3A_844 = arith.addi %broadcast_in_dim3A_231, %parallel_loop3A_843 : vector<16xi32>
      %parallel_loop3A_845 = arith.constant 3 : i32
      %parallel_loop3A_846 = vector.broadcast %parallel_loop3A_845 : i32 to vector<16xi32>
      %parallel_loop3A_847 = arith.addi %parallel_loop3A_797, %parallel_loop3A_846 : vector<16xi32>
      %parallel_loop3A_848 = tpu.vector_load_idx %arg8[%parallel_loop3A_844, %parallel_loop3A_847, %parallel_loop3A_800] : memref<4x32x256xf32, #tpu.memory_space<vmem>>[vector<16xi32>, vector<16xi32>, vector<16xi32>], vector<16xf32>,
      %parallel_loop3A_849 = math.exp %parallel_loop3A_848 : vector<16xf32>
      %parallel_loop3A_850 = arith.constant 3 : i32
      %parallel_loop3A_851 = vector.broadcast %parallel_loop3A_850 : i32 to vector<16xi32>
      %parallel_loop3A_852 = arith.addi %parallel_loop3A_798, %parallel_loop3A_851 : vector<16xi32>
      tpu.vector_store_idx %arg11[%parallel_loop3A_852], %parallel_loop3A_849 masked %parallel_loop3A_791 {add = true} : memref<512xf32, #tpu.memory_space<vmem>>[vector<16xi32>], vector<16xf32>, vector<16xi1>
      %parallel_loop3A_853 = arith.constant 3 : i32
      %parallel_loop3A_854 = vector.broadcast %parallel_loop3A_853 : i32 to vector<16xi32>
      %parallel_loop3A_855 = arith.addi %parallel_loop3A_798, %parallel_loop3A_854 : vector<16xi32>
      %parallel_loop3A_856 = arith.mulf %parallel_loop3A_848, %parallel_loop3A_849 : vector<16xf32>
      tpu.vector_store_idx %arg12[%parallel_loop3A_855], %parallel_loop3A_856 masked %parallel_loop3A_791 {add = true} : memref<512xf32, #tpu.memory_space<vmem>>[vector<16xi32>], vector<16xf32>, vector<16xi1>
    } {sc.loop_unroll_factor = 8 : i64, sc.parallel_access}
    %add3A_400 = arith.constant 20 : i32
    %add3A_401 = arith.addi %mul3A_32, %add3A_400 : i32
    %dma_wait3A_402 = arith.constant 2 : i32
    %dma_wait3A_403 = arith.constant 0 : i32
    %dma_wait3A_404 = arith.constant 0 : i32
    %dma_wait3A_405 = tpu.memref_slice %arg2[%select_n3A, %add3A_401, %dma_wait3A_403, %dma_wait3A_404] : memref<4x256x32x256xf32, #tpu.memory_space<hbm>> -> memref<1x4x32x256xf32, #tpu.memory_space<hbm>>
    %dma_wait3A_406 = tpu.memref_squeeze %dma_wait3A_405 : memref<1x4x32x256xf32, #tpu.memory_space<hbm>> -> memref<4x32x256xf32, #tpu.memory_space<hbm>>
    %dma_wait3A_407 = tpu.memref_slice %arg15[%dma_wait3A_402] : memref<3x!tpu.dma_semaphore, #tpu.memory_space<semaphore_mem>> -> memref<1x!tpu.dma_semaphore, #tpu.memory_space<semaphore_mem>>
    %dma_wait3A_408 = tpu.memref_squeeze %dma_wait3A_407 : memref<1x!tpu.dma_semaphore, #tpu.memory_space<semaphore_mem>> -> memref<!tpu.dma_semaphore, #tpu.memory_space<semaphore_mem>>
    %dma_wait3A_409 = arith.constant 0 : i32
    %dma_wait3A_410 = arith.constant 0 : i32
    %dma_wait3A_411 = tpu.memref_slice %arg2[%select_n3A, %add3A_401, %dma_wait3A_409, %dma_wait3A_410] : memref<4x256x32x256xf32, #tpu.memory_space<hbm>> -> memref<1x4x32x256xf32, #tpu.memory_space<hbm>>
    %dma_wait3A_412 = tpu.memref_squeeze %dma_wait3A_411 : memref<1x4x32x256xf32, #tpu.memory_space<hbm>> -> memref<4x32x256xf32, #tpu.memory_space<hbm>>
    tpu.wait_dma2 semaphore(%dma_wait3A_408 : memref<!tpu.dma_semaphore, #tpu.memory_space<semaphore_mem>>) src(%dma_wait3A_412 : memref<4x32x256xf32, #tpu.memory_space<hbm>>) dst(%arg9 : memref<4x32x256xf32, #tpu.memory_space<vmem>>)
    %add3A_413 = arith.constant 28 : i32
    %add3A_414 = arith.addi %mul3A_32, %add3A_413 : i32
    %dma_start3A_415 = arith.constant 1 : i32
    %dma_start3A_416 = arith.constant 0 : i32
    %dma_start3A_417 = arith.constant 0 : i32
    %dma_start3A_418 = tpu.memref_slice %arg2[%select_n3A, %add3A_414, %dma_start3A_416, %dma_start3A_417] : memref<4x256x32x256xf32, #tpu.memory_space<hbm>> -> memref<1x4x32x256xf32, #tpu.memory_space<hbm>>
    %dma_start3A_419 = tpu.memref_squeeze %dma_start3A_418 : memref<1x4x32x256xf32, #tpu.memory_space<hbm>> -> memref<4x32x256xf32, #tpu.memory_space<hbm>>
    %dma_start3A_420 = tpu.memref_slice %arg15[%dma_start3A_415] : memref<3x!tpu.dma_semaphore, #tpu.memory_space<semaphore_mem>> -> memref<1x!tpu.dma_semaphore, #tpu.memory_space<semaphore_mem>>
    %dma_start3A_421 = tpu.memref_squeeze %dma_start3A_420 : memref<1x!tpu.dma_semaphore, #tpu.memory_space<semaphore_mem>> -> memref<!tpu.dma_semaphore, #tpu.memory_space<semaphore_mem>>
    %dma_start3A_422 = arith.constant 0 : i32
    %dma_start3A_423 = arith.constant 0 : i32
    %dma_start3A_424 = tpu.memref_slice %arg2[%select_n3A, %add3A_414, %dma_start3A_422, %dma_start3A_423] : memref<4x256x32x256xf32, #tpu.memory_space<hbm>> -> memref<1x4x32x256xf32, #tpu.memory_space<hbm>>
    %dma_start3A_425 = tpu.memref_squeeze %dma_start3A_424 : memref<1x4x32x256xf32, #tpu.memory_space<hbm>> -> memref<4x32x256xf32, #tpu.memory_space<hbm>>
    tpu.enqueue_dma source(%dma_start3A_425 : memref<4x32x256xf32, #tpu.memory_space<hbm>>) target(%arg8 : memref<4x32x256xf32, #tpu.memory_space<vmem>>) target_semaphore(%dma_start3A_421 : memref<!tpu.dma_semaphore, #tpu.memory_space<semaphore_mem>>)
    %parallel_loop3A_426 = arith.constant 0 : i32
    %parallel_loop3A_427 = arith.constant 64 : i32
    %parallel_loop3A_428 = arith.constant 1 : i32
    scf.for %parallel_loop3A_774 = %parallel_loop3A_426 to %parallel_loop3A_427 step %parallel_loop3A_428  : i32 {
      %parallel_loop3A_775 = arith.constant 4 : i32
      %parallel_loop3A_776 = arith.shrsi %parallel_loop3A_774, %parallel_loop3A_775 : i32
      %parallel_loop3A_777 = arith.constant 15 : i32
      %parallel_loop3A_778 = arith.andi %parallel_loop3A_774, %parallel_loop3A_777 : i32
      %parallel_loop3A_779 = arith.constant 16 : i32
      %parallel_loop3A_780 = arith.muli %parallel_loop3A_778, %parallel_loop3A_779 : i32
      %parallel_loop3A_781 = arith.constant 20 : i32
      %parallel_loop3A_782 = arith.addi %parallel_loop3A_781, %parallel_loop3A_776 : i32
      %parallel_loop3A_783 = arith.index_cast %parallel_loop3A_782 : i32 to index
      %parallel_loop3A_784 = arith.index_cast %parallel_loop3A_780 : i32 to index
      %parallel_loop3A_785 = tpu.vector_load %arg10[%parallel_loop3A_783, %parallel_loop3A_784] {strides = array<i32>} : memref<32x256xi32, #tpu.memory_space<vmem>>, vector<16xi32>,
      %parallel_loop3A_786 = arith.constant 1 : i32
      %parallel_loop3A_787 = vector.broadcast %parallel_loop3A_786 : i32 to vector<16xi32>
      %parallel_loop3A_788 = arith.subi %parallel_loop3A_785, %parallel_loop3A_787 : vector<16xi32>
      %parallel_loop3A_789 = arith.constant 0 : i32
      %parallel_loop3A_790 = vector.broadcast %parallel_loop3A_789 : i32 to vector<16xi32>
      %parallel_loop3A_791 = arith.cmpi sge, %parallel_loop3A_788, %parallel_loop3A_790 : vector<16xi32>
      %parallel_loop3A_792 = arith.constant 4 : i32
      %parallel_loop3A_793 = vector.broadcast %parallel_loop3A_792 : i32 to vector<16xi32>
      %parallel_loop3A_794 = arith.muli %parallel_loop3A_788, %parallel_loop3A_793 : vector<16xi32>
      %parallel_loop3A_795 = arith.constant 0 : i32
      %parallel_loop3A_796 = vector.broadcast %parallel_loop3A_795 : i32 to vector<16xi32>
      %parallel_loop3A_797 = arith.maxsi %parallel_loop3A_794, %parallel_loop3A_796 : vector<16xi32>
      %parallel_loop3A_798 = arith.addi %mul3A_227, %parallel_loop3A_797 : vector<16xi32>
      %parallel_loop3A_799 = vector.broadcast %parallel_loop3A_780 : i32 to vector<16xi32>
      %parallel_loop3A_800 = arith.addi %iota3A, %parallel_loop3A_799 : vector<16xi32>
      tpu.vector_store_idx %arg13[%parallel_loop3A_798], %broadcast_in_dim3A_229 masked %parallel_loop3A_791 {add = true} : memref<512xf32, #tpu.memory_space<vmem>>[vector<16xi32>], vector<16xf32>, vector<16xi1>
      %parallel_loop3A_801 = vector.broadcast %parallel_loop3A_776 : i32 to vector<16xi32>
      %parallel_loop3A_802 = arith.addi %broadcast_in_dim3A_231, %parallel_loop3A_801 : vector<16xi32>
      %parallel_loop3A_803 = arith.constant 0 : i32
      %parallel_loop3A_804 = vector.broadcast %parallel_loop3A_803 : i32 to vector<16xi32>
      %parallel_loop3A_805 = arith.addi %parallel_loop3A_797, %parallel_loop3A_804 : vector<16xi32>
      %parallel_loop3A_806 = tpu.vector_load_idx %arg9[%parallel_loop3A_802, %parallel_loop3A_805, %parallel_loop3A_800] : memref<4x32x256xf32, #tpu.memory_space<vmem>>[vector<16xi32>, vector<16xi32>, vector<16xi32>], vector<16xf32>,
      %parallel_loop3A_807 = math.exp %parallel_loop3A_806 : vector<16xf32>
      %parallel_loop3A_808 = arith.constant 0 : i32
      %parallel_loop3A_809 = vector.broadcast %parallel_loop3A_808 : i32 to vector<16xi32>
      %parallel_loop3A_810 = arith.addi %parallel_loop3A_798, %parallel_loop3A_809 : vector<16xi32>
      tpu.vector_store_idx %arg11[%parallel_loop3A_810], %parallel_loop3A_807 masked %parallel_loop3A_791 {add = true} : memref<512xf32, #tpu.memory_space<vmem>>[vector<16xi32>], vector<16xf32>, vector<16xi1>
      %parallel_loop3A_811 = arith.constant 0 : i32
      %parallel_loop3A_812 = vector.broadcast %parallel_loop3A_811 : i32 to vector<16xi32>
      %parallel_loop3A_813 = arith.addi %parallel_loop3A_798, %parallel_loop3A_812 : vector<16xi32>
      %parallel_loop3A_814 = arith.mulf %parallel_loop3A_806, %parallel_loop3A_807 : vector<16xf32>
      tpu.vector_store_idx %arg12[%parallel_loop3A_813], %parallel_loop3A_814 masked %parallel_loop3A_791 {add = true} : memref<512xf32, #tpu.memory_space<vmem>>[vector<16xi32>], vector<16xf32>, vector<16xi1>
      %parallel_loop3A_815 = vector.broadcast %parallel_loop3A_776 : i32 to vector<16xi32>
      %parallel_loop3A_816 = arith.addi %broadcast_in_dim3A_231, %parallel_loop3A_815 : vector<16xi32>
      %parallel_loop3A_817 = arith.constant 1 : i32
      %parallel_loop3A_818 = vector.broadcast %parallel_loop3A_817 : i32 to vector<16xi32>
      %parallel_loop3A_819 = arith.addi %parallel_loop3A_797, %parallel_loop3A_818 : vector<16xi32>
      %parallel_loop3A_820 = tpu.vector_load_idx %arg9[%parallel_loop3A_816, %parallel_loop3A_819, %parallel_loop3A_800] : memref<4x32x256xf32, #tpu.memory_space<vmem>>[vector<16xi32>, vector<16xi32>, vector<16xi32>], vector<16xf32>,
      %parallel_loop3A_821 = math.exp %parallel_loop3A_820 : vector<16xf32>
      %parallel_loop3A_822 = arith.constant 1 : i32
      %parallel_loop3A_823 = vector.broadcast %parallel_loop3A_822 : i32 to vector<16xi32>
      %parallel_loop3A_824 = arith.addi %parallel_loop3A_798, %parallel_loop3A_823 : vector<16xi32>
      tpu.vector_store_idx %arg11[%parallel_loop3A_824], %parallel_loop3A_821 masked %parallel_loop3A_791 {add = true} : memref<512xf32, #tpu.memory_space<vmem>>[vector<16xi32>], vector<16xf32>, vector<16xi1>
      %parallel_loop3A_825 = arith.constant 1 : i32
      %parallel_loop3A_826 = vector.broadcast %parallel_loop3A_825 : i32 to vector<16xi32>
      %parallel_loop3A_827 = arith.addi %parallel_loop3A_798, %parallel_loop3A_826 : vector<16xi32>
      %parallel_loop3A_828 = arith.mulf %parallel_loop3A_820, %parallel_loop3A_821 : vector<16xf32>
      tpu.vector_store_idx %arg12[%parallel_loop3A_827], %parallel_loop3A_828 masked %parallel_loop3A_791 {add = true} : memref<512xf32, #tpu.memory_space<vmem>>[vector<16xi32>], vector<16xf32>, vector<16xi1>
      %parallel_loop3A_829 = vector.broadcast %parallel_loop3A_776 : i32 to vector<16xi32>
      %parallel_loop3A_830 = arith.addi %broadcast_in_dim3A_231, %parallel_loop3A_829 : vector<16xi32>
      %parallel_loop3A_831 = arith.constant 2 : i32
      %parallel_loop3A_832 = vector.broadcast %parallel_loop3A_831 : i32 to vector<16xi32>
      %parallel_loop3A_833 = arith.addi %parallel_loop3A_797, %parallel_loop3A_832 : vector<16xi32>
      %parallel_loop3A_834 = tpu.vector_load_idx %arg9[%parallel_loop3A_830, %parallel_loop3A_833, %parallel_loop3A_800] : memref<4x32x256xf32, #tpu.memory_space<vmem>>[vector<16xi32>, vector<16xi32>, vector<16xi32>], vector<16xf32>,
      %parallel_loop3A_835 = math.exp %parallel_loop3A_834 : vector<16xf32>
      %parallel_loop3A_836 = arith.constant 2 : i32
      %parallel_loop3A_837 = vector.broadcast %parallel_loop3A_836 : i32 to vector<16xi32>
      %parallel_loop3A_838 = arith.addi %parallel_loop3A_798, %parallel_loop3A_837 : vector<16xi32>
      tpu.vector_store_idx %arg11[%parallel_loop3A_838], %parallel_loop3A_835 masked %parallel_loop3A_791 {add = true} : memref<512xf32, #tpu.memory_space<vmem>>[vector<16xi32>], vector<16xf32>, vector<16xi1>
      %parallel_loop3A_839 = arith.constant 2 : i32
      %parallel_loop3A_840 = vector.broadcast %parallel_loop3A_839 : i32 to vector<16xi32>
      %parallel_loop3A_841 = arith.addi %parallel_loop3A_798, %parallel_loop3A_840 : vector<16xi32>
      %parallel_loop3A_842 = arith.mulf %parallel_loop3A_834, %parallel_loop3A_835 : vector<16xf32>
      tpu.vector_store_idx %arg12[%parallel_loop3A_841], %parallel_loop3A_842 masked %parallel_loop3A_791 {add = true} : memref<512xf32, #tpu.memory_space<vmem>>[vector<16xi32>], vector<16xf32>, vector<16xi1>
      %parallel_loop3A_843 = vector.broadcast %parallel_loop3A_776 : i32 to vector<16xi32>
      %parallel_loop3A_844 = arith.addi %broadcast_in_dim3A_231, %parallel_loop3A_843 : vector<16xi32>
      %parallel_loop3A_845 = arith.constant 3 : i32
      %parallel_loop3A_846 = vector.broadcast %parallel_loop3A_845 : i32 to vector<16xi32>
      %parallel_loop3A_847 = arith.addi %parallel_loop3A_797, %parallel_loop3A_846 : vector<16xi32>
      %parallel_loop3A_848 = tpu.vector_load_idx %arg9[%parallel_loop3A_844, %parallel_loop3A_847, %parallel_loop3A_800] : memref<4x32x256xf32, #tpu.memory_space<vmem>>[vector<16xi32>, vector<16xi32>, vector<16xi32>], vector<16xf32>,
      %parallel_loop3A_849 = math.exp %parallel_loop3A_848 : vector<16xf32>
      %parallel_loop3A_850 = arith.constant 3 : i32
      %parallel_loop3A_851 = vector.broadcast %parallel_loop3A_850 : i32 to vector<16xi32>
      %parallel_loop3A_852 = arith.addi %parallel_loop3A_798, %parallel_loop3A_851 : vector<16xi32>
      tpu.vector_store_idx %arg11[%parallel_loop3A_852], %parallel_loop3A_849 masked %parallel_loop3A_791 {add = true} : memref<512xf32, #tpu.memory_space<vmem>>[vector<16xi32>], vector<16xf32>, vector<16xi1>
      %parallel_loop3A_853 = arith.constant 3 : i32
      %parallel_loop3A_854 = vector.broadcast %parallel_loop3A_853 : i32 to vector<16xi32>
      %parallel_loop3A_855 = arith.addi %parallel_loop3A_798, %parallel_loop3A_854 : vector<16xi32>
      %parallel_loop3A_856 = arith.mulf %parallel_loop3A_848, %parallel_loop3A_849 : vector<16xf32>
      tpu.vector_store_idx %arg12[%parallel_loop3A_855], %parallel_loop3A_856 masked %parallel_loop3A_791 {add = true} : memref<512xf32, #tpu.memory_space<vmem>>[vector<16xi32>], vector<16xf32>, vector<16xi1>
    } {sc.loop_unroll_factor = 8 : i64, sc.parallel_access}
    %add3A_429 = arith.constant 24 : i32
    %add3A_430 = arith.addi %mul3A_32, %add3A_429 : i32
    %dma_wait3A_431 = arith.constant 0 : i32
    %dma_wait3A_432 = arith.constant 0 : i32
    %dma_wait3A_433 = arith.constant 0 : i32
    %dma_wait3A_434 = tpu.memref_slice %arg2[%select_n3A, %add3A_430, %dma_wait3A_432, %dma_wait3A_433] : memref<4x256x32x256xf32, #tpu.memory_space<hbm>> -> memref<1x4x32x256xf32, #tpu.memory_space<hbm>>
    %dma_wait3A_435 = tpu.memref_squeeze %dma_wait3A_434 : memref<1x4x32x256xf32, #tpu.memory_space<hbm>> -> memref<4x32x256xf32, #tpu.memory_space<hbm>>
    %dma_wait3A_436 = tpu.memref_slice %arg15[%dma_wait3A_431] : memref<3x!tpu.dma_semaphore, #tpu.memory_space<semaphore_mem>> -> memref<1x!tpu.dma_semaphore, #tpu.memory_space<semaphore_mem>>
    %dma_wait3A_437 = tpu.memref_squeeze %dma_wait3A_436 : memref<1x!tpu.dma_semaphore, #tpu.memory_space<semaphore_mem>> -> memref<!tpu.dma_semaphore, #tpu.memory_space<semaphore_mem>>
    %dma_wait3A_438 = arith.constant 0 : i32
    %dma_wait3A_439 = arith.constant 0 : i32
    %dma_wait3A_440 = tpu.memref_slice %arg2[%select_n3A, %add3A_430, %dma_wait3A_438, %dma_wait3A_439] : memref<4x256x32x256xf32, #tpu.memory_space<hbm>> -> memref<1x4x32x256xf32, #tpu.memory_space<hbm>>
    %dma_wait3A_441 = tpu.memref_squeeze %dma_wait3A_440 : memref<1x4x32x256xf32, #tpu.memory_space<hbm>> -> memref<4x32x256xf32, #tpu.memory_space<hbm>>
    tpu.wait_dma2 semaphore(%dma_wait3A_437 : memref<!tpu.dma_semaphore, #tpu.memory_space<semaphore_mem>>) src(%dma_wait3A_441 : memref<4x32x256xf32, #tpu.memory_space<hbm>>) dst(%arg7 : memref<4x32x256xf32, #tpu.memory_space<vmem>>)
    %parallel_loop3A_442 = arith.constant 0 : i32
    %parallel_loop3A_443 = arith.constant 64 : i32
    %parallel_loop3A_444 = arith.constant 1 : i32
    scf.for %parallel_loop3A_774 = %parallel_loop3A_442 to %parallel_loop3A_443 step %parallel_loop3A_444  : i32 {
      %parallel_loop3A_775 = arith.constant 4 : i32
      %parallel_loop3A_776 = arith.shrsi %parallel_loop3A_774, %parallel_loop3A_775 : i32
      %parallel_loop3A_777 = arith.constant 15 : i32
      %parallel_loop3A_778 = arith.andi %parallel_loop3A_774, %parallel_loop3A_777 : i32
      %parallel_loop3A_779 = arith.constant 16 : i32
      %parallel_loop3A_780 = arith.muli %parallel_loop3A_778, %parallel_loop3A_779 : i32
      %parallel_loop3A_781 = arith.constant 24 : i32
      %parallel_loop3A_782 = arith.addi %parallel_loop3A_781, %parallel_loop3A_776 : i32
      %parallel_loop3A_783 = arith.index_cast %parallel_loop3A_782 : i32 to index
      %parallel_loop3A_784 = arith.index_cast %parallel_loop3A_780 : i32 to index
      %parallel_loop3A_785 = tpu.vector_load %arg10[%parallel_loop3A_783, %parallel_loop3A_784] {strides = array<i32>} : memref<32x256xi32, #tpu.memory_space<vmem>>, vector<16xi32>,
      %parallel_loop3A_786 = arith.constant 1 : i32
      %parallel_loop3A_787 = vector.broadcast %parallel_loop3A_786 : i32 to vector<16xi32>
      %parallel_loop3A_788 = arith.subi %parallel_loop3A_785, %parallel_loop3A_787 : vector<16xi32>
      %parallel_loop3A_789 = arith.constant 0 : i32
      %parallel_loop3A_790 = vector.broadcast %parallel_loop3A_789 : i32 to vector<16xi32>
      %parallel_loop3A_791 = arith.cmpi sge, %parallel_loop3A_788, %parallel_loop3A_790 : vector<16xi32>
      %parallel_loop3A_792 = arith.constant 4 : i32
      %parallel_loop3A_793 = vector.broadcast %parallel_loop3A_792 : i32 to vector<16xi32>
      %parallel_loop3A_794 = arith.muli %parallel_loop3A_788, %parallel_loop3A_793 : vector<16xi32>
      %parallel_loop3A_795 = arith.constant 0 : i32
      %parallel_loop3A_796 = vector.broadcast %parallel_loop3A_795 : i32 to vector<16xi32>
      %parallel_loop3A_797 = arith.maxsi %parallel_loop3A_794, %parallel_loop3A_796 : vector<16xi32>
      %parallel_loop3A_798 = arith.addi %mul3A_227, %parallel_loop3A_797 : vector<16xi32>
      %parallel_loop3A_799 = vector.broadcast %parallel_loop3A_780 : i32 to vector<16xi32>
      %parallel_loop3A_800 = arith.addi %iota3A, %parallel_loop3A_799 : vector<16xi32>
      tpu.vector_store_idx %arg13[%parallel_loop3A_798], %broadcast_in_dim3A_229 masked %parallel_loop3A_791 {add = true} : memref<512xf32, #tpu.memory_space<vmem>>[vector<16xi32>], vector<16xf32>, vector<16xi1>
      %parallel_loop3A_801 = vector.broadcast %parallel_loop3A_776 : i32 to vector<16xi32>
      %parallel_loop3A_802 = arith.addi %broadcast_in_dim3A_231, %parallel_loop3A_801 : vector<16xi32>
      %parallel_loop3A_803 = arith.constant 0 : i32
      %parallel_loop3A_804 = vector.broadcast %parallel_loop3A_803 : i32 to vector<16xi32>
      %parallel_loop3A_805 = arith.addi %parallel_loop3A_797, %parallel_loop3A_804 : vector<16xi32>
      %parallel_loop3A_806 = tpu.vector_load_idx %arg7[%parallel_loop3A_802, %parallel_loop3A_805, %parallel_loop3A_800] : memref<4x32x256xf32, #tpu.memory_space<vmem>>[vector<16xi32>, vector<16xi32>, vector<16xi32>], vector<16xf32>,
      %parallel_loop3A_807 = math.exp %parallel_loop3A_806 : vector<16xf32>
      %parallel_loop3A_808 = arith.constant 0 : i32
      %parallel_loop3A_809 = vector.broadcast %parallel_loop3A_808 : i32 to vector<16xi32>
      %parallel_loop3A_810 = arith.addi %parallel_loop3A_798, %parallel_loop3A_809 : vector<16xi32>
      tpu.vector_store_idx %arg11[%parallel_loop3A_810], %parallel_loop3A_807 masked %parallel_loop3A_791 {add = true} : memref<512xf32, #tpu.memory_space<vmem>>[vector<16xi32>], vector<16xf32>, vector<16xi1>
      %parallel_loop3A_811 = arith.constant 0 : i32
      %parallel_loop3A_812 = vector.broadcast %parallel_loop3A_811 : i32 to vector<16xi32>
      %parallel_loop3A_813 = arith.addi %parallel_loop3A_798, %parallel_loop3A_812 : vector<16xi32>
      %parallel_loop3A_814 = arith.mulf %parallel_loop3A_806, %parallel_loop3A_807 : vector<16xf32>
      tpu.vector_store_idx %arg12[%parallel_loop3A_813], %parallel_loop3A_814 masked %parallel_loop3A_791 {add = true} : memref<512xf32, #tpu.memory_space<vmem>>[vector<16xi32>], vector<16xf32>, vector<16xi1>
      %parallel_loop3A_815 = vector.broadcast %parallel_loop3A_776 : i32 to vector<16xi32>
      %parallel_loop3A_816 = arith.addi %broadcast_in_dim3A_231, %parallel_loop3A_815 : vector<16xi32>
      %parallel_loop3A_817 = arith.constant 1 : i32
      %parallel_loop3A_818 = vector.broadcast %parallel_loop3A_817 : i32 to vector<16xi32>
      %parallel_loop3A_819 = arith.addi %parallel_loop3A_797, %parallel_loop3A_818 : vector<16xi32>
      %parallel_loop3A_820 = tpu.vector_load_idx %arg7[%parallel_loop3A_816, %parallel_loop3A_819, %parallel_loop3A_800] : memref<4x32x256xf32, #tpu.memory_space<vmem>>[vector<16xi32>, vector<16xi32>, vector<16xi32>], vector<16xf32>,
      %parallel_loop3A_821 = math.exp %parallel_loop3A_820 : vector<16xf32>
      %parallel_loop3A_822 = arith.constant 1 : i32
      %parallel_loop3A_823 = vector.broadcast %parallel_loop3A_822 : i32 to vector<16xi32>
      %parallel_loop3A_824 = arith.addi %parallel_loop3A_798, %parallel_loop3A_823 : vector<16xi32>
      tpu.vector_store_idx %arg11[%parallel_loop3A_824], %parallel_loop3A_821 masked %parallel_loop3A_791 {add = true} : memref<512xf32, #tpu.memory_space<vmem>>[vector<16xi32>], vector<16xf32>, vector<16xi1>
      %parallel_loop3A_825 = arith.constant 1 : i32
      %parallel_loop3A_826 = vector.broadcast %parallel_loop3A_825 : i32 to vector<16xi32>
      %parallel_loop3A_827 = arith.addi %parallel_loop3A_798, %parallel_loop3A_826 : vector<16xi32>
      %parallel_loop3A_828 = arith.mulf %parallel_loop3A_820, %parallel_loop3A_821 : vector<16xf32>
      tpu.vector_store_idx %arg12[%parallel_loop3A_827], %parallel_loop3A_828 masked %parallel_loop3A_791 {add = true} : memref<512xf32, #tpu.memory_space<vmem>>[vector<16xi32>], vector<16xf32>, vector<16xi1>
      %parallel_loop3A_829 = vector.broadcast %parallel_loop3A_776 : i32 to vector<16xi32>
      %parallel_loop3A_830 = arith.addi %broadcast_in_dim3A_231, %parallel_loop3A_829 : vector<16xi32>
      %parallel_loop3A_831 = arith.constant 2 : i32
      %parallel_loop3A_832 = vector.broadcast %parallel_loop3A_831 : i32 to vector<16xi32>
      %parallel_loop3A_833 = arith.addi %parallel_loop3A_797, %parallel_loop3A_832 : vector<16xi32>
      %parallel_loop3A_834 = tpu.vector_load_idx %arg7[%parallel_loop3A_830, %parallel_loop3A_833, %parallel_loop3A_800] : memref<4x32x256xf32, #tpu.memory_space<vmem>>[vector<16xi32>, vector<16xi32>, vector<16xi32>], vector<16xf32>,
      %parallel_loop3A_835 = math.exp %parallel_loop3A_834 : vector<16xf32>
      %parallel_loop3A_836 = arith.constant 2 : i32
      %parallel_loop3A_837 = vector.broadcast %parallel_loop3A_836 : i32 to vector<16xi32>
      %parallel_loop3A_838 = arith.addi %parallel_loop3A_798, %parallel_loop3A_837 : vector<16xi32>
      tpu.vector_store_idx %arg11[%parallel_loop3A_838], %parallel_loop3A_835 masked %parallel_loop3A_791 {add = true} : memref<512xf32, #tpu.memory_space<vmem>>[vector<16xi32>], vector<16xf32>, vector<16xi1>
      %parallel_loop3A_839 = arith.constant 2 : i32
      %parallel_loop3A_840 = vector.broadcast %parallel_loop3A_839 : i32 to vector<16xi32>
      %parallel_loop3A_841 = arith.addi %parallel_loop3A_798, %parallel_loop3A_840 : vector<16xi32>
      %parallel_loop3A_842 = arith.mulf %parallel_loop3A_834, %parallel_loop3A_835 : vector<16xf32>
      tpu.vector_store_idx %arg12[%parallel_loop3A_841], %parallel_loop3A_842 masked %parallel_loop3A_791 {add = true} : memref<512xf32, #tpu.memory_space<vmem>>[vector<16xi32>], vector<16xf32>, vector<16xi1>
      %parallel_loop3A_843 = vector.broadcast %parallel_loop3A_776 : i32 to vector<16xi32>
      %parallel_loop3A_844 = arith.addi %broadcast_in_dim3A_231, %parallel_loop3A_843 : vector<16xi32>
      %parallel_loop3A_845 = arith.constant 3 : i32
      %parallel_loop3A_846 = vector.broadcast %parallel_loop3A_845 : i32 to vector<16xi32>
      %parallel_loop3A_847 = arith.addi %parallel_loop3A_797, %parallel_loop3A_846 : vector<16xi32>
      %parallel_loop3A_848 = tpu.vector_load_idx %arg7[%parallel_loop3A_844, %parallel_loop3A_847, %parallel_loop3A_800] : memref<4x32x256xf32, #tpu.memory_space<vmem>>[vector<16xi32>, vector<16xi32>, vector<16xi32>], vector<16xf32>,
      %parallel_loop3A_849 = math.exp %parallel_loop3A_848 : vector<16xf32>
      %parallel_loop3A_850 = arith.constant 3 : i32
      %parallel_loop3A_851 = vector.broadcast %parallel_loop3A_850 : i32 to vector<16xi32>
      %parallel_loop3A_852 = arith.addi %parallel_loop3A_798, %parallel_loop3A_851 : vector<16xi32>
      tpu.vector_store_idx %arg11[%parallel_loop3A_852], %parallel_loop3A_849 masked %parallel_loop3A_791 {add = true} : memref<512xf32, #tpu.memory_space<vmem>>[vector<16xi32>], vector<16xf32>, vector<16xi1>
      %parallel_loop3A_853 = arith.constant 3 : i32
      %parallel_loop3A_854 = vector.broadcast %parallel_loop3A_853 : i32 to vector<16xi32>
      %parallel_loop3A_855 = arith.addi %parallel_loop3A_798, %parallel_loop3A_854 : vector<16xi32>
      %parallel_loop3A_856 = arith.mulf %parallel_loop3A_848, %parallel_loop3A_849 : vector<16xf32>
      tpu.vector_store_idx %arg12[%parallel_loop3A_855], %parallel_loop3A_856 masked %parallel_loop3A_791 {add = true} : memref<512xf32, #tpu.memory_space<vmem>>[vector<16xi32>], vector<16xf32>, vector<16xi1>
    } {sc.loop_unroll_factor = 8 : i64, sc.parallel_access}
    %add3A_445 = arith.constant 28 : i32
    %add3A_446 = arith.addi %mul3A_32, %add3A_445 : i32
    %dma_wait3A_447 = arith.constant 1 : i32
    %dma_wait3A_448 = arith.constant 0 : i32
    %dma_wait3A_449 = arith.constant 0 : i32
    %dma_wait3A_450 = tpu.memref_slice %arg2[%select_n3A, %add3A_446, %dma_wait3A_448, %dma_wait3A_449] : memref<4x256x32x256xf32, #tpu.memory_space<hbm>> -> memref<1x4x32x256xf32, #tpu.memory_space<hbm>>
    %dma_wait3A_451 = tpu.memref_squeeze %dma_wait3A_450 : memref<1x4x32x256xf32, #tpu.memory_space<hbm>> -> memref<4x32x256xf32, #tpu.memory_space<hbm>>
    %dma_wait3A_452 = tpu.memref_slice %arg15[%dma_wait3A_447] : memref<3x!tpu.dma_semaphore, #tpu.memory_space<semaphore_mem>> -> memref<1x!tpu.dma_semaphore, #tpu.memory_space<semaphore_mem>>
    %dma_wait3A_453 = tpu.memref_squeeze %dma_wait3A_452 : memref<1x!tpu.dma_semaphore, #tpu.memory_space<semaphore_mem>> -> memref<!tpu.dma_semaphore, #tpu.memory_space<semaphore_mem>>
    %dma_wait3A_454 = arith.constant 0 : i32
    %dma_wait3A_455 = arith.constant 0 : i32
    %dma_wait3A_456 = tpu.memref_slice %arg2[%select_n3A, %add3A_446, %dma_wait3A_454, %dma_wait3A_455] : memref<4x256x32x256xf32, #tpu.memory_space<hbm>> -> memref<1x4x32x256xf32, #tpu.memory_space<hbm>>
    %dma_wait3A_457 = tpu.memref_squeeze %dma_wait3A_456 : memref<1x4x32x256xf32, #tpu.memory_space<hbm>> -> memref<4x32x256xf32, #tpu.memory_space<hbm>>
    tpu.wait_dma2 semaphore(%dma_wait3A_453 : memref<!tpu.dma_semaphore, #tpu.memory_space<semaphore_mem>>) src(%dma_wait3A_457 : memref<4x32x256xf32, #tpu.memory_space<hbm>>) dst(%arg8 : memref<4x32x256xf32, #tpu.memory_space<vmem>>)
    %parallel_loop3A_458 = arith.constant 0 : i32
    %parallel_loop3A_459 = arith.constant 64 : i32
    %parallel_loop3A_460 = arith.constant 1 : i32
    scf.for %parallel_loop3A_774 = %parallel_loop3A_458 to %parallel_loop3A_459 step %parallel_loop3A_460  : i32 {
      %parallel_loop3A_775 = arith.constant 4 : i32
      %parallel_loop3A_776 = arith.shrsi %parallel_loop3A_774, %parallel_loop3A_775 : i32
      %parallel_loop3A_777 = arith.constant 15 : i32
      %parallel_loop3A_778 = arith.andi %parallel_loop3A_774, %parallel_loop3A_777 : i32
      %parallel_loop3A_779 = arith.constant 16 : i32
      %parallel_loop3A_780 = arith.muli %parallel_loop3A_778, %parallel_loop3A_779 : i32
      %parallel_loop3A_781 = arith.constant 28 : i32
      %parallel_loop3A_782 = arith.addi %parallel_loop3A_781, %parallel_loop3A_776 : i32
      %parallel_loop3A_783 = arith.index_cast %parallel_loop3A_782 : i32 to index
      %parallel_loop3A_784 = arith.index_cast %parallel_loop3A_780 : i32 to index
      %parallel_loop3A_785 = tpu.vector_load %arg10[%parallel_loop3A_783, %parallel_loop3A_784] {strides = array<i32>} : memref<32x256xi32, #tpu.memory_space<vmem>>, vector<16xi32>,
      %parallel_loop3A_786 = arith.constant 1 : i32
      %parallel_loop3A_787 = vector.broadcast %parallel_loop3A_786 : i32 to vector<16xi32>
      %parallel_loop3A_788 = arith.subi %parallel_loop3A_785, %parallel_loop3A_787 : vector<16xi32>
      %parallel_loop3A_789 = arith.constant 0 : i32
      %parallel_loop3A_790 = vector.broadcast %parallel_loop3A_789 : i32 to vector<16xi32>
      %parallel_loop3A_791 = arith.cmpi sge, %parallel_loop3A_788, %parallel_loop3A_790 : vector<16xi32>
      %parallel_loop3A_792 = arith.constant 4 : i32
      %parallel_loop3A_793 = vector.broadcast %parallel_loop3A_792 : i32 to vector<16xi32>
      %parallel_loop3A_794 = arith.muli %parallel_loop3A_788, %parallel_loop3A_793 : vector<16xi32>
      %parallel_loop3A_795 = arith.constant 0 : i32
      %parallel_loop3A_796 = vector.broadcast %parallel_loop3A_795 : i32 to vector<16xi32>
      %parallel_loop3A_797 = arith.maxsi %parallel_loop3A_794, %parallel_loop3A_796 : vector<16xi32>
      %parallel_loop3A_798 = arith.addi %mul3A_227, %parallel_loop3A_797 : vector<16xi32>
      %parallel_loop3A_799 = vector.broadcast %parallel_loop3A_780 : i32 to vector<16xi32>
      %parallel_loop3A_800 = arith.addi %iota3A, %parallel_loop3A_799 : vector<16xi32>
      tpu.vector_store_idx %arg13[%parallel_loop3A_798], %broadcast_in_dim3A_229 masked %parallel_loop3A_791 {add = true} : memref<512xf32, #tpu.memory_space<vmem>>[vector<16xi32>], vector<16xf32>, vector<16xi1>
      %parallel_loop3A_801 = vector.broadcast %parallel_loop3A_776 : i32 to vector<16xi32>
      %parallel_loop3A_802 = arith.addi %broadcast_in_dim3A_231, %parallel_loop3A_801 : vector<16xi32>
      %parallel_loop3A_803 = arith.constant 0 : i32
      %parallel_loop3A_804 = vector.broadcast %parallel_loop3A_803 : i32 to vector<16xi32>
      %parallel_loop3A_805 = arith.addi %parallel_loop3A_797, %parallel_loop3A_804 : vector<16xi32>
      %parallel_loop3A_806 = tpu.vector_load_idx %arg8[%parallel_loop3A_802, %parallel_loop3A_805, %parallel_loop3A_800] : memref<4x32x256xf32, #tpu.memory_space<vmem>>[vector<16xi32>, vector<16xi32>, vector<16xi32>], vector<16xf32>,
      %parallel_loop3A_807 = math.exp %parallel_loop3A_806 : vector<16xf32>
      %parallel_loop3A_808 = arith.constant 0 : i32
      %parallel_loop3A_809 = vector.broadcast %parallel_loop3A_808 : i32 to vector<16xi32>
      %parallel_loop3A_810 = arith.addi %parallel_loop3A_798, %parallel_loop3A_809 : vector<16xi32>
      tpu.vector_store_idx %arg11[%parallel_loop3A_810], %parallel_loop3A_807 masked %parallel_loop3A_791 {add = true} : memref<512xf32, #tpu.memory_space<vmem>>[vector<16xi32>], vector<16xf32>, vector<16xi1>
      %parallel_loop3A_811 = arith.constant 0 : i32
      %parallel_loop3A_812 = vector.broadcast %parallel_loop3A_811 : i32 to vector<16xi32>
      %parallel_loop3A_813 = arith.addi %parallel_loop3A_798, %parallel_loop3A_812 : vector<16xi32>
      %parallel_loop3A_814 = arith.mulf %parallel_loop3A_806, %parallel_loop3A_807 : vector<16xf32>
      tpu.vector_store_idx %arg12[%parallel_loop3A_813], %parallel_loop3A_814 masked %parallel_loop3A_791 {add = true} : memref<512xf32, #tpu.memory_space<vmem>>[vector<16xi32>], vector<16xf32>, vector<16xi1>
      %parallel_loop3A_815 = vector.broadcast %parallel_loop3A_776 : i32 to vector<16xi32>
      %parallel_loop3A_816 = arith.addi %broadcast_in_dim3A_231, %parallel_loop3A_815 : vector<16xi32>
      %parallel_loop3A_817 = arith.constant 1 : i32
      %parallel_loop3A_818 = vector.broadcast %parallel_loop3A_817 : i32 to vector<16xi32>
      %parallel_loop3A_819 = arith.addi %parallel_loop3A_797, %parallel_loop3A_818 : vector<16xi32>
      %parallel_loop3A_820 = tpu.vector_load_idx %arg8[%parallel_loop3A_816, %parallel_loop3A_819, %parallel_loop3A_800] : memref<4x32x256xf32, #tpu.memory_space<vmem>>[vector<16xi32>, vector<16xi32>, vector<16xi32>], vector<16xf32>,
      %parallel_loop3A_821 = math.exp %parallel_loop3A_820 : vector<16xf32>
      %parallel_loop3A_822 = arith.constant 1 : i32
      %parallel_loop3A_823 = vector.broadcast %parallel_loop3A_822 : i32 to vector<16xi32>
      %parallel_loop3A_824 = arith.addi %parallel_loop3A_798, %parallel_loop3A_823 : vector<16xi32>
      tpu.vector_store_idx %arg11[%parallel_loop3A_824], %parallel_loop3A_821 masked %parallel_loop3A_791 {add = true} : memref<512xf32, #tpu.memory_space<vmem>>[vector<16xi32>], vector<16xf32>, vector<16xi1>
      %parallel_loop3A_825 = arith.constant 1 : i32
      %parallel_loop3A_826 = vector.broadcast %parallel_loop3A_825 : i32 to vector<16xi32>
      %parallel_loop3A_827 = arith.addi %parallel_loop3A_798, %parallel_loop3A_826 : vector<16xi32>
      %parallel_loop3A_828 = arith.mulf %parallel_loop3A_820, %parallel_loop3A_821 : vector<16xf32>
      tpu.vector_store_idx %arg12[%parallel_loop3A_827], %parallel_loop3A_828 masked %parallel_loop3A_791 {add = true} : memref<512xf32, #tpu.memory_space<vmem>>[vector<16xi32>], vector<16xf32>, vector<16xi1>
      %parallel_loop3A_829 = vector.broadcast %parallel_loop3A_776 : i32 to vector<16xi32>
      %parallel_loop3A_830 = arith.addi %broadcast_in_dim3A_231, %parallel_loop3A_829 : vector<16xi32>
      %parallel_loop3A_831 = arith.constant 2 : i32
      %parallel_loop3A_832 = vector.broadcast %parallel_loop3A_831 : i32 to vector<16xi32>
      %parallel_loop3A_833 = arith.addi %parallel_loop3A_797, %parallel_loop3A_832 : vector<16xi32>
      %parallel_loop3A_834 = tpu.vector_load_idx %arg8[%parallel_loop3A_830, %parallel_loop3A_833, %parallel_loop3A_800] : memref<4x32x256xf32, #tpu.memory_space<vmem>>[vector<16xi32>, vector<16xi32>, vector<16xi32>], vector<16xf32>,
      %parallel_loop3A_835 = math.exp %parallel_loop3A_834 : vector<16xf32>
      %parallel_loop3A_836 = arith.constant 2 : i32
      %parallel_loop3A_837 = vector.broadcast %parallel_loop3A_836 : i32 to vector<16xi32>
      %parallel_loop3A_838 = arith.addi %parallel_loop3A_798, %parallel_loop3A_837 : vector<16xi32>
      tpu.vector_store_idx %arg11[%parallel_loop3A_838], %parallel_loop3A_835 masked %parallel_loop3A_791 {add = true} : memref<512xf32, #tpu.memory_space<vmem>>[vector<16xi32>], vector<16xf32>, vector<16xi1>
      %parallel_loop3A_839 = arith.constant 2 : i32
      %parallel_loop3A_840 = vector.broadcast %parallel_loop3A_839 : i32 to vector<16xi32>
      %parallel_loop3A_841 = arith.addi %parallel_loop3A_798, %parallel_loop3A_840 : vector<16xi32>
      %parallel_loop3A_842 = arith.mulf %parallel_loop3A_834, %parallel_loop3A_835 : vector<16xf32>
      tpu.vector_store_idx %arg12[%parallel_loop3A_841], %parallel_loop3A_842 masked %parallel_loop3A_791 {add = true} : memref<512xf32, #tpu.memory_space<vmem>>[vector<16xi32>], vector<16xf32>, vector<16xi1>
      %parallel_loop3A_843 = vector.broadcast %parallel_loop3A_776 : i32 to vector<16xi32>
      %parallel_loop3A_844 = arith.addi %broadcast_in_dim3A_231, %parallel_loop3A_843 : vector<16xi32>
      %parallel_loop3A_845 = arith.constant 3 : i32
      %parallel_loop3A_846 = vector.broadcast %parallel_loop3A_845 : i32 to vector<16xi32>
      %parallel_loop3A_847 = arith.addi %parallel_loop3A_797, %parallel_loop3A_846 : vector<16xi32>
      %parallel_loop3A_848 = tpu.vector_load_idx %arg8[%parallel_loop3A_844, %parallel_loop3A_847, %parallel_loop3A_800] : memref<4x32x256xf32, #tpu.memory_space<vmem>>[vector<16xi32>, vector<16xi32>, vector<16xi32>], vector<16xf32>,
      %parallel_loop3A_849 = math.exp %parallel_loop3A_848 : vector<16xf32>
      %parallel_loop3A_850 = arith.constant 3 : i32
      %parallel_loop3A_851 = vector.broadcast %parallel_loop3A_850 : i32 to vector<16xi32>
      %parallel_loop3A_852 = arith.addi %parallel_loop3A_798, %parallel_loop3A_851 : vector<16xi32>
      tpu.vector_store_idx %arg11[%parallel_loop3A_852], %parallel_loop3A_849 masked %parallel_loop3A_791 {add = true} : memref<512xf32, #tpu.memory_space<vmem>>[vector<16xi32>], vector<16xf32>, vector<16xi1>
      %parallel_loop3A_853 = arith.constant 3 : i32
      %parallel_loop3A_854 = vector.broadcast %parallel_loop3A_853 : i32 to vector<16xi32>
      %parallel_loop3A_855 = arith.addi %parallel_loop3A_798, %parallel_loop3A_854 : vector<16xi32>
      %parallel_loop3A_856 = arith.mulf %parallel_loop3A_848, %parallel_loop3A_849 : vector<16xf32>
      tpu.vector_store_idx %arg12[%parallel_loop3A_855], %parallel_loop3A_856 masked %parallel_loop3A_791 {add = true} : memref<512xf32, #tpu.memory_space<vmem>>[vector<16xi32>], vector<16xf32>, vector<16xi1>
    } {sc.loop_unroll_factor = 8 : i64, sc.parallel_access}
    %get3A = arith.constant 0 : index
    %get3A_461 = tpu.vector_load %arg11[%get3A] {strides = array<i32>} : memref<512xf32, #tpu.memory_space<vmem>>, vector<16xf32>,
    %add3A_462 = arith.addf %broadcast_in_dim3A_33, %get3A_461 : vector<16xf32>
    %get3A_463 = arith.constant 0 : index
    %get3A_464 = tpu.vector_load %arg12[%get3A_463] {strides = array<i32>} : memref<512xf32, #tpu.memory_space<vmem>>, vector<16xf32>,
    %add3A_465 = arith.addf %broadcast_in_dim3A_33, %get3A_464 : vector<16xf32>
    %get3A_466 = arith.constant 0 : index
    %get3A_467 = tpu.vector_load %arg13[%get3A_466] {strides = array<i32>} : memref<512xf32, #tpu.memory_space<vmem>>, vector<16xf32>,
    %add3A_468 = arith.addf %broadcast_in_dim3A_33, %get3A_467 : vector<16xf32>
    %get3A_469 = arith.constant 32 : index
    %get3A_470 = tpu.vector_load %arg11[%get3A_469] {strides = array<i32>} : memref<512xf32, #tpu.memory_space<vmem>>, vector<16xf32>,
    %add3A_471 = arith.addf %add3A_462, %get3A_470 : vector<16xf32>
    %get3A_472 = arith.constant 32 : index
    %get3A_473 = tpu.vector_load %arg12[%get3A_472] {strides = array<i32>} : memref<512xf32, #tpu.memory_space<vmem>>, vector<16xf32>,
    %add3A_474 = arith.addf %add3A_465, %get3A_473 : vector<16xf32>
    %get3A_475 = arith.constant 32 : index
    %get3A_476 = tpu.vector_load %arg13[%get3A_475] {strides = array<i32>} : memref<512xf32, #tpu.memory_space<vmem>>, vector<16xf32>,
    %add3A_477 = arith.addf %add3A_468, %get3A_476 : vector<16xf32>
    %get3A_478 = arith.constant 64 : index
    %get3A_479 = tpu.vector_load %arg11[%get3A_478] {strides = array<i32>} : memref<512xf32, #tpu.memory_space<vmem>>, vector<16xf32>,
    %add3A_480 = arith.addf %add3A_471, %get3A_479 : vector<16xf32>
    %get3A_481 = arith.constant 64 : index
    %get3A_482 = tpu.vector_load %arg12[%get3A_481] {strides = array<i32>} : memref<512xf32, #tpu.memory_space<vmem>>, vector<16xf32>,
    %add3A_483 = arith.addf %add3A_474, %get3A_482 : vector<16xf32>
    %get3A_484 = arith.constant 64 : index
    %get3A_485 = tpu.vector_load %arg13[%get3A_484] {strides = array<i32>} : memref<512xf32, #tpu.memory_space<vmem>>, vector<16xf32>,
    %add3A_486 = arith.addf %add3A_477, %get3A_485 : vector<16xf32>
    %get3A_487 = arith.constant 96 : index
    %get3A_488 = tpu.vector_load %arg11[%get3A_487] {strides = array<i32>} : memref<512xf32, #tpu.memory_space<vmem>>, vector<16xf32>,
    %add3A_489 = arith.addf %add3A_480, %get3A_488 : vector<16xf32>
    %get3A_490 = arith.constant 96 : index
    %get3A_491 = tpu.vector_load %arg12[%get3A_490] {strides = array<i32>} : memref<512xf32, #tpu.memory_space<vmem>>, vector<16xf32>,
    %add3A_492 = arith.addf %add3A_483, %get3A_491 : vector<16xf32>
    %get3A_493 = arith.constant 96 : index
    %get3A_494 = tpu.vector_load %arg13[%get3A_493] {strides = array<i32>} : memref<512xf32, #tpu.memory_space<vmem>>, vector<16xf32>,
    %add3A_495 = arith.addf %add3A_486, %get3A_494 : vector<16xf32>
    %get3A_496 = arith.constant 128 : index
    %get3A_497 = tpu.vector_load %arg11[%get3A_496] {strides = array<i32>} : memref<512xf32, #tpu.memory_space<vmem>>, vector<16xf32>,
    %add3A_498 = arith.addf %add3A_489, %get3A_497 : vector<16xf32>
    %get3A_499 = arith.constant 128 : index
    %get3A_500 = tpu.vector_load %arg12[%get3A_499] {strides = array<i32>} : memref<512xf32, #tpu.memory_space<vmem>>, vector<16xf32>,
    %add3A_501 = arith.addf %add3A_492, %get3A_500 : vector<16xf32>
    %get3A_502 = arith.constant 128 : index
    %get3A_503 = tpu.vector_load %arg13[%get3A_502] {strides = array<i32>} : memref<512xf32, #tpu.memory_space<vmem>>, vector<16xf32>,
    %add3A_504 = arith.addf %add3A_495, %get3A_503 : vector<16xf32>
    %get3A_505 = arith.constant 160 : index
    %get3A_506 = tpu.vector_load %arg11[%get3A_505] {strides = array<i32>} : memref<512xf32, #tpu.memory_space<vmem>>, vector<16xf32>,
    %add3A_507 = arith.addf %add3A_498, %get3A_506 : vector<16xf32>
    %get3A_508 = arith.constant 160 : index
    %get3A_509 = tpu.vector_load %arg12[%get3A_508] {strides = array<i32>} : memref<512xf32, #tpu.memory_space<vmem>>, vector<16xf32>,
    %add3A_510 = arith.addf %add3A_501, %get3A_509 : vector<16xf32>
    %get3A_511 = arith.constant 160 : index
    %get3A_512 = tpu.vector_load %arg13[%get3A_511] {strides = array<i32>} : memref<512xf32, #tpu.memory_space<vmem>>, vector<16xf32>,
    %add3A_513 = arith.addf %add3A_504, %get3A_512 : vector<16xf32>
    %get3A_514 = arith.constant 192 : index
    %get3A_515 = tpu.vector_load %arg11[%get3A_514] {strides = array<i32>} : memref<512xf32, #tpu.memory_space<vmem>>, vector<16xf32>,
    %add3A_516 = arith.addf %add3A_507, %get3A_515 : vector<16xf32>
    %get3A_517 = arith.constant 192 : index
    %get3A_518 = tpu.vector_load %arg12[%get3A_517] {strides = array<i32>} : memref<512xf32, #tpu.memory_space<vmem>>, vector<16xf32>,
    %add3A_519 = arith.addf %add3A_510, %get3A_518 : vector<16xf32>
    %get3A_520 = arith.constant 192 : index
    %get3A_521 = tpu.vector_load %arg13[%get3A_520] {strides = array<i32>} : memref<512xf32, #tpu.memory_space<vmem>>, vector<16xf32>,
    %add3A_522 = arith.addf %add3A_513, %get3A_521 : vector<16xf32>
    %get3A_523 = arith.constant 224 : index
    %get3A_524 = tpu.vector_load %arg11[%get3A_523] {strides = array<i32>} : memref<512xf32, #tpu.memory_space<vmem>>, vector<16xf32>,
    %add3A_525 = arith.addf %add3A_516, %get3A_524 : vector<16xf32>
    %get3A_526 = arith.constant 224 : index
    %get3A_527 = tpu.vector_load %arg12[%get3A_526] {strides = array<i32>} : memref<512xf32, #tpu.memory_space<vmem>>, vector<16xf32>,
    %add3A_528 = arith.addf %add3A_519, %get3A_527 : vector<16xf32>
    %get3A_529 = arith.constant 224 : index
    %get3A_530 = tpu.vector_load %arg13[%get3A_529] {strides = array<i32>} : memref<512xf32, #tpu.memory_space<vmem>>, vector<16xf32>,
    %add3A_531 = arith.addf %add3A_522, %get3A_530 : vector<16xf32>
    %get3A_532 = arith.constant 256 : index
    %get3A_533 = tpu.vector_load %arg11[%get3A_532] {strides = array<i32>} : memref<512xf32, #tpu.memory_space<vmem>>, vector<16xf32>,
    %add3A_534 = arith.addf %add3A_525, %get3A_533 : vector<16xf32>
    %get3A_535 = arith.constant 256 : index
    %get3A_536 = tpu.vector_load %arg12[%get3A_535] {strides = array<i32>} : memref<512xf32, #tpu.memory_space<vmem>>, vector<16xf32>,
    %add3A_537 = arith.addf %add3A_528, %get3A_536 : vector<16xf32>
    %get3A_538 = arith.constant 256 : index
    %get3A_539 = tpu.vector_load %arg13[%get3A_538] {strides = array<i32>} : memref<512xf32, #tpu.memory_space<vmem>>, vector<16xf32>,
    %add3A_540 = arith.addf %add3A_531, %get3A_539 : vector<16xf32>
    %get3A_541 = arith.constant 288 : index
    %get3A_542 = tpu.vector_load %arg11[%get3A_541] {strides = array<i32>} : memref<512xf32, #tpu.memory_space<vmem>>, vector<16xf32>,
    %add3A_543 = arith.addf %add3A_534, %get3A_542 : vector<16xf32>
    %get3A_544 = arith.constant 288 : index
    %get3A_545 = tpu.vector_load %arg12[%get3A_544] {strides = array<i32>} : memref<512xf32, #tpu.memory_space<vmem>>, vector<16xf32>,
    %add3A_546 = arith.addf %add3A_537, %get3A_545 : vector<16xf32>
    %get3A_547 = arith.constant 288 : index
    %get3A_548 = tpu.vector_load %arg13[%get3A_547] {strides = array<i32>} : memref<512xf32, #tpu.memory_space<vmem>>, vector<16xf32>,
    %add3A_549 = arith.addf %add3A_540, %get3A_548 : vector<16xf32>
    %get3A_550 = arith.constant 320 : index
    %get3A_551 = tpu.vector_load %arg11[%get3A_550] {strides = array<i32>} : memref<512xf32, #tpu.memory_space<vmem>>, vector<16xf32>,
    %add3A_552 = arith.addf %add3A_543, %get3A_551 : vector<16xf32>
    %get3A_553 = arith.constant 320 : index
    %get3A_554 = tpu.vector_load %arg12[%get3A_553] {strides = array<i32>} : memref<512xf32, #tpu.memory_space<vmem>>, vector<16xf32>,
    %add3A_555 = arith.addf %add3A_546, %get3A_554 : vector<16xf32>
    %get3A_556 = arith.constant 320 : index
    %get3A_557 = tpu.vector_load %arg13[%get3A_556] {strides = array<i32>} : memref<512xf32, #tpu.memory_space<vmem>>, vector<16xf32>,
    %add3A_558 = arith.addf %add3A_549, %get3A_557 : vector<16xf32>
    %get3A_559 = arith.constant 352 : index
    %get3A_560 = tpu.vector_load %arg11[%get3A_559] {strides = array<i32>} : memref<512xf32, #tpu.memory_space<vmem>>, vector<16xf32>,
    %add3A_561 = arith.addf %add3A_552, %get3A_560 : vector<16xf32>
    %get3A_562 = arith.constant 352 : index
    %get3A_563 = tpu.vector_load %arg12[%get3A_562] {strides = array<i32>} : memref<512xf32, #tpu.memory_space<vmem>>, vector<16xf32>,
    %add3A_564 = arith.addf %add3A_555, %get3A_563 : vector<16xf32>
    %get3A_565 = arith.constant 352 : index
    %get3A_566 = tpu.vector_load %arg13[%get3A_565] {strides = array<i32>} : memref<512xf32, #tpu.memory_space<vmem>>, vector<16xf32>,
    %add3A_567 = arith.addf %add3A_558, %get3A_566 : vector<16xf32>
    %get3A_568 = arith.constant 384 : index
    %get3A_569 = tpu.vector_load %arg11[%get3A_568] {strides = array<i32>} : memref<512xf32, #tpu.memory_space<vmem>>, vector<16xf32>,
    %add3A_570 = arith.addf %add3A_561, %get3A_569 : vector<16xf32>
    %get3A_571 = arith.constant 384 : index
    %get3A_572 = tpu.vector_load %arg12[%get3A_571] {strides = array<i32>} : memref<512xf32, #tpu.memory_space<vmem>>, vector<16xf32>,
    %add3A_573 = arith.addf %add3A_564, %get3A_572 : vector<16xf32>
    %get3A_574 = arith.constant 384 : index
    %get3A_575 = tpu.vector_load %arg13[%get3A_574] {strides = array<i32>} : memref<512xf32, #tpu.memory_space<vmem>>, vector<16xf32>,
    %add3A_576 = arith.addf %add3A_567, %get3A_575 : vector<16xf32>
    %get3A_577 = arith.constant 416 : index
    %get3A_578 = tpu.vector_load %arg11[%get3A_577] {strides = array<i32>} : memref<512xf32, #tpu.memory_space<vmem>>, vector<16xf32>,
    %add3A_579 = arith.addf %add3A_570, %get3A_578 : vector<16xf32>
    %get3A_580 = arith.constant 416 : index
    %get3A_581 = tpu.vector_load %arg12[%get3A_580] {strides = array<i32>} : memref<512xf32, #tpu.memory_space<vmem>>, vector<16xf32>,
    %add3A_582 = arith.addf %add3A_573, %get3A_581 : vector<16xf32>
    %get3A_583 = arith.constant 416 : index
    %get3A_584 = tpu.vector_load %arg13[%get3A_583] {strides = array<i32>} : memref<512xf32, #tpu.memory_space<vmem>>, vector<16xf32>,
    %add3A_585 = arith.addf %add3A_576, %get3A_584 : vector<16xf32>
    %get3A_586 = arith.constant 448 : index
    %get3A_587 = tpu.vector_load %arg11[%get3A_586] {strides = array<i32>} : memref<512xf32, #tpu.memory_space<vmem>>, vector<16xf32>,
    %add3A_588 = arith.addf %add3A_579, %get3A_587 : vector<16xf32>
    %get3A_589 = arith.constant 448 : index
    %get3A_590 = tpu.vector_load %arg12[%get3A_589] {strides = array<i32>} : memref<512xf32, #tpu.memory_space<vmem>>, vector<16xf32>,
    %add3A_591 = arith.addf %add3A_582, %get3A_590 : vector<16xf32>
    %get3A_592 = arith.constant 448 : index
    %get3A_593 = tpu.vector_load %arg13[%get3A_592] {strides = array<i32>} : memref<512xf32, #tpu.memory_space<vmem>>, vector<16xf32>,
    %add3A_594 = arith.addf %add3A_585, %get3A_593 : vector<16xf32>
    %get3A_595 = arith.constant 480 : index
    %get3A_596 = tpu.vector_load %arg11[%get3A_595] {strides = array<i32>} : memref<512xf32, #tpu.memory_space<vmem>>, vector<16xf32>,
    %add3A_597 = arith.addf %add3A_588, %get3A_596 : vector<16xf32>
    %get3A_598 = arith.constant 480 : index
    %get3A_599 = tpu.vector_load %arg12[%get3A_598] {strides = array<i32>} : memref<512xf32, #tpu.memory_space<vmem>>, vector<16xf32>,
    %add3A_600 = arith.addf %add3A_591, %get3A_599 : vector<16xf32>
    %get3A_601 = arith.constant 480 : index
    %get3A_602 = tpu.vector_load %arg13[%get3A_601] {strides = array<i32>} : memref<512xf32, #tpu.memory_space<vmem>>, vector<16xf32>,
    %add3A_603 = arith.addf %add3A_594, %get3A_602 : vector<16xf32>
    %swap3A_604 = arith.constant 0 : i32
    %swap3A_605 = arith.index_cast %swap3A_604 : i32 to index
    %swap3A_606 = arith.constant 0 : index
    %swap3A_607 = tpu.vector_load %arg14[%swap3A_605, %swap3A_606] {strides = array<i32>} : memref<3x32xf32, #tpu.memory_space<vmem>>, vector<16xf32>,
    tpu.vector_store %arg14[%swap3A_605, %swap3A_606], %add3A_597 {strides = array<i32>} : memref<3x32xf32, #tpu.memory_space<vmem>>, vector<16xf32>,
    %swap3A_608 = arith.constant 1 : i32
    %swap3A_609 = arith.index_cast %swap3A_608 : i32 to index
    %swap3A_610 = arith.constant 0 : index
    %swap3A_611 = tpu.vector_load %arg14[%swap3A_609, %swap3A_610] {strides = array<i32>} : memref<3x32xf32, #tpu.memory_space<vmem>>, vector<16xf32>,
    tpu.vector_store %arg14[%swap3A_609, %swap3A_610], %add3A_600 {strides = array<i32>} : memref<3x32xf32, #tpu.memory_space<vmem>>, vector<16xf32>,
    %swap3A_612 = arith.constant 2 : i32
    %swap3A_613 = arith.index_cast %swap3A_612 : i32 to index
    %swap3A_614 = arith.constant 0 : index
    %swap3A_615 = tpu.vector_load %arg14[%swap3A_613, %swap3A_614] {strides = array<i32>} : memref<3x32xf32, #tpu.memory_space<vmem>>, vector<16xf32>,
    tpu.vector_store %arg14[%swap3A_613, %swap3A_614], %add3A_603 {strides = array<i32>} : memref<3x32xf32, #tpu.memory_space<vmem>>, vector<16xf32>,
    %get3A_616 = arith.constant 16 : index
    %get3A_617 = tpu.vector_load %arg11[%get3A_616] {strides = array<i32>} : memref<512xf32, #tpu.memory_space<vmem>>, vector<16xf32>,
    %add3A_618 = arith.addf %broadcast_in_dim3A_33, %get3A_617 : vector<16xf32>
    %get3A_619 = arith.constant 16 : index
    %get3A_620 = tpu.vector_load %arg12[%get3A_619] {strides = array<i32>} : memref<512xf32, #tpu.memory_space<vmem>>, vector<16xf32>,
    %add3A_621 = arith.addf %broadcast_in_dim3A_33, %get3A_620 : vector<16xf32>
    %get3A_622 = arith.constant 16 : index
    %get3A_623 = tpu.vector_load %arg13[%get3A_622] {strides = array<i32>} : memref<512xf32, #tpu.memory_space<vmem>>, vector<16xf32>,
    %add3A_624 = arith.addf %broadcast_in_dim3A_33, %get3A_623 : vector<16xf32>
    %get3A_625 = arith.constant 48 : index
    %get3A_626 = tpu.vector_load %arg11[%get3A_625] {strides = array<i32>} : memref<512xf32, #tpu.memory_space<vmem>>, vector<16xf32>,
    %add3A_627 = arith.addf %add3A_618, %get3A_626 : vector<16xf32>
    %get3A_628 = arith.constant 48 : index
    %get3A_629 = tpu.vector_load %arg12[%get3A_628] {strides = array<i32>} : memref<512xf32, #tpu.memory_space<vmem>>, vector<16xf32>,
    %add3A_630 = arith.addf %add3A_621, %get3A_629 : vector<16xf32>
    %get3A_631 = arith.constant 48 : index
    %get3A_632 = tpu.vector_load %arg13[%get3A_631] {strides = array<i32>} : memref<512xf32, #tpu.memory_space<vmem>>, vector<16xf32>,
    %add3A_633 = arith.addf %add3A_624, %get3A_632 : vector<16xf32>
    %get3A_634 = arith.constant 80 : index
    %get3A_635 = tpu.vector_load %arg11[%get3A_634] {strides = array<i32>} : memref<512xf32, #tpu.memory_space<vmem>>, vector<16xf32>,
    %add3A_636 = arith.addf %add3A_627, %get3A_635 : vector<16xf32>
    %get3A_637 = arith.constant 80 : index
    %get3A_638 = tpu.vector_load %arg12[%get3A_637] {strides = array<i32>} : memref<512xf32, #tpu.memory_space<vmem>>, vector<16xf32>,
    %add3A_639 = arith.addf %add3A_630, %get3A_638 : vector<16xf32>
    %get3A_640 = arith.constant 80 : index
    %get3A_641 = tpu.vector_load %arg13[%get3A_640] {strides = array<i32>} : memref<512xf32, #tpu.memory_space<vmem>>, vector<16xf32>,
    %add3A_642 = arith.addf %add3A_633, %get3A_641 : vector<16xf32>
    %get3A_643 = arith.constant 112 : index
    %get3A_644 = tpu.vector_load %arg11[%get3A_643] {strides = array<i32>} : memref<512xf32, #tpu.memory_space<vmem>>, vector<16xf32>,
    %add3A_645 = arith.addf %add3A_636, %get3A_644 : vector<16xf32>
    %get3A_646 = arith.constant 112 : index
    %get3A_647 = tpu.vector_load %arg12[%get3A_646] {strides = array<i32>} : memref<512xf32, #tpu.memory_space<vmem>>, vector<16xf32>,
    %add3A_648 = arith.addf %add3A_639, %get3A_647 : vector<16xf32>
    %get3A_649 = arith.constant 112 : index
    %get3A_650 = tpu.vector_load %arg13[%get3A_649] {strides = array<i32>} : memref<512xf32, #tpu.memory_space<vmem>>, vector<16xf32>,
    %add3A_651 = arith.addf %add3A_642, %get3A_650 : vector<16xf32>
    %get3A_652 = arith.constant 144 : index
    %get3A_653 = tpu.vector_load %arg11[%get3A_652] {strides = array<i32>} : memref<512xf32, #tpu.memory_space<vmem>>, vector<16xf32>,
    %add3A_654 = arith.addf %add3A_645, %get3A_653 : vector<16xf32>
    %get3A_655 = arith.constant 144 : index
    %get3A_656 = tpu.vector_load %arg12[%get3A_655] {strides = array<i32>} : memref<512xf32, #tpu.memory_space<vmem>>, vector<16xf32>,
    %add3A_657 = arith.addf %add3A_648, %get3A_656 : vector<16xf32>
    %get3A_658 = arith.constant 144 : index
    %get3A_659 = tpu.vector_load %arg13[%get3A_658] {strides = array<i32>} : memref<512xf32, #tpu.memory_space<vmem>>, vector<16xf32>,
    %add3A_660 = arith.addf %add3A_651, %get3A_659 : vector<16xf32>
    %get3A_661 = arith.constant 176 : index
    %get3A_662 = tpu.vector_load %arg11[%get3A_661] {strides = array<i32>} : memref<512xf32, #tpu.memory_space<vmem>>, vector<16xf32>,
    %add3A_663 = arith.addf %add3A_654, %get3A_662 : vector<16xf32>
    %get3A_664 = arith.constant 176 : index
    %get3A_665 = tpu.vector_load %arg12[%get3A_664] {strides = array<i32>} : memref<512xf32, #tpu.memory_space<vmem>>, vector<16xf32>,
    %add3A_666 = arith.addf %add3A_657, %get3A_665 : vector<16xf32>
    %get3A_667 = arith.constant 176 : index
    %get3A_668 = tpu.vector_load %arg13[%get3A_667] {strides = array<i32>} : memref<512xf32, #tpu.memory_space<vmem>>, vector<16xf32>,
    %add3A_669 = arith.addf %add3A_660, %get3A_668 : vector<16xf32>
    %get3A_670 = arith.constant 208 : index
    %get3A_671 = tpu.vector_load %arg11[%get3A_670] {strides = array<i32>} : memref<512xf32, #tpu.memory_space<vmem>>, vector<16xf32>,
    %add3A_672 = arith.addf %add3A_663, %get3A_671 : vector<16xf32>
    %get3A_673 = arith.constant 208 : index
    %get3A_674 = tpu.vector_load %arg12[%get3A_673] {strides = array<i32>} : memref<512xf32, #tpu.memory_space<vmem>>, vector<16xf32>,
    %add3A_675 = arith.addf %add3A_666, %get3A_674 : vector<16xf32>
    %get3A_676 = arith.constant 208 : index
    %get3A_677 = tpu.vector_load %arg13[%get3A_676] {strides = array<i32>} : memref<512xf32, #tpu.memory_space<vmem>>, vector<16xf32>,
    %add3A_678 = arith.addf %add3A_669, %get3A_677 : vector<16xf32>
    %get3A_679 = arith.constant 240 : index
    %get3A_680 = tpu.vector_load %arg11[%get3A_679] {strides = array<i32>} : memref<512xf32, #tpu.memory_space<vmem>>, vector<16xf32>,
    %add3A_681 = arith.addf %add3A_672, %get3A_680 : vector<16xf32>
    %get3A_682 = arith.constant 240 : index
    %get3A_683 = tpu.vector_load %arg12[%get3A_682] {strides = array<i32>} : memref<512xf32, #tpu.memory_space<vmem>>, vector<16xf32>,
    %add3A_684 = arith.addf %add3A_675, %get3A_683 : vector<16xf32>
    %get3A_685 = arith.constant 240 : index
    %get3A_686 = tpu.vector_load %arg13[%get3A_685] {strides = array<i32>} : memref<512xf32, #tpu.memory_space<vmem>>, vector<16xf32>,
    %add3A_687 = arith.addf %add3A_678, %get3A_686 : vector<16xf32>
    %get3A_688 = arith.constant 272 : index
    %get3A_689 = tpu.vector_load %arg11[%get3A_688] {strides = array<i32>} : memref<512xf32, #tpu.memory_space<vmem>>, vector<16xf32>,
    %add3A_690 = arith.addf %add3A_681, %get3A_689 : vector<16xf32>
    %get3A_691 = arith.constant 272 : index
    %get3A_692 = tpu.vector_load %arg12[%get3A_691] {strides = array<i32>} : memref<512xf32, #tpu.memory_space<vmem>>, vector<16xf32>,
    %add3A_693 = arith.addf %add3A_684, %get3A_692 : vector<16xf32>
    %get3A_694 = arith.constant 272 : index
    %get3A_695 = tpu.vector_load %arg13[%get3A_694] {strides = array<i32>} : memref<512xf32, #tpu.memory_space<vmem>>, vector<16xf32>,
    %add3A_696 = arith.addf %add3A_687, %get3A_695 : vector<16xf32>
    %get3A_697 = arith.constant 304 : index
    %get3A_698 = tpu.vector_load %arg11[%get3A_697] {strides = array<i32>} : memref<512xf32, #tpu.memory_space<vmem>>, vector<16xf32>,
    %add3A_699 = arith.addf %add3A_690, %get3A_698 : vector<16xf32>
    %get3A_700 = arith.constant 304 : index
    %get3A_701 = tpu.vector_load %arg12[%get3A_700] {strides = array<i32>} : memref<512xf32, #tpu.memory_space<vmem>>, vector<16xf32>,
    %add3A_702 = arith.addf %add3A_693, %get3A_701 : vector<16xf32>
    %get3A_703 = arith.constant 304 : index
    %get3A_704 = tpu.vector_load %arg13[%get3A_703] {strides = array<i32>} : memref<512xf32, #tpu.memory_space<vmem>>, vector<16xf32>,
    %add3A_705 = arith.addf %add3A_696, %get3A_704 : vector<16xf32>
    %get3A_706 = arith.constant 336 : index
    %get3A_707 = tpu.vector_load %arg11[%get3A_706] {strides = array<i32>} : memref<512xf32, #tpu.memory_space<vmem>>, vector<16xf32>,
    %add3A_708 = arith.addf %add3A_699, %get3A_707 : vector<16xf32>
    %get3A_709 = arith.constant 336 : index
    %get3A_710 = tpu.vector_load %arg12[%get3A_709] {strides = array<i32>} : memref<512xf32, #tpu.memory_space<vmem>>, vector<16xf32>,
    %add3A_711 = arith.addf %add3A_702, %get3A_710 : vector<16xf32>
    %get3A_712 = arith.constant 336 : index
    %get3A_713 = tpu.vector_load %arg13[%get3A_712] {strides = array<i32>} : memref<512xf32, #tpu.memory_space<vmem>>, vector<16xf32>,
    %add3A_714 = arith.addf %add3A_705, %get3A_713 : vector<16xf32>
    %get3A_715 = arith.constant 368 : index
    %get3A_716 = tpu.vector_load %arg11[%get3A_715] {strides = array<i32>} : memref<512xf32, #tpu.memory_space<vmem>>, vector<16xf32>,
    %add3A_717 = arith.addf %add3A_708, %get3A_716 : vector<16xf32>
    %get3A_718 = arith.constant 368 : index
    %get3A_719 = tpu.vector_load %arg12[%get3A_718] {strides = array<i32>} : memref<512xf32, #tpu.memory_space<vmem>>, vector<16xf32>,
    %add3A_720 = arith.addf %add3A_711, %get3A_719 : vector<16xf32>
    %get3A_721 = arith.constant 368 : index
    %get3A_722 = tpu.vector_load %arg13[%get3A_721] {strides = array<i32>} : memref<512xf32, #tpu.memory_space<vmem>>, vector<16xf32>,
    %add3A_723 = arith.addf %add3A_714, %get3A_722 : vector<16xf32>
    %get3A_724 = arith.constant 400 : index
    %get3A_725 = tpu.vector_load %arg11[%get3A_724] {strides = array<i32>} : memref<512xf32, #tpu.memory_space<vmem>>, vector<16xf32>,
    %add3A_726 = arith.addf %add3A_717, %get3A_725 : vector<16xf32>
    %get3A_727 = arith.constant 400 : index
    %get3A_728 = tpu.vector_load %arg12[%get3A_727] {strides = array<i32>} : memref<512xf32, #tpu.memory_space<vmem>>, vector<16xf32>,
    %add3A_729 = arith.addf %add3A_720, %get3A_728 : vector<16xf32>
    %get3A_730 = arith.constant 400 : index
    %get3A_731 = tpu.vector_load %arg13[%get3A_730] {strides = array<i32>} : memref<512xf32, #tpu.memory_space<vmem>>, vector<16xf32>,
    %add3A_732 = arith.addf %add3A_723, %get3A_731 : vector<16xf32>
    %get3A_733 = arith.constant 432 : index
    %get3A_734 = tpu.vector_load %arg11[%get3A_733] {strides = array<i32>} : memref<512xf32, #tpu.memory_space<vmem>>, vector<16xf32>,
    %add3A_735 = arith.addf %add3A_726, %get3A_734 : vector<16xf32>
    %get3A_736 = arith.constant 432 : index
    %get3A_737 = tpu.vector_load %arg12[%get3A_736] {strides = array<i32>} : memref<512xf32, #tpu.memory_space<vmem>>, vector<16xf32>,
    %add3A_738 = arith.addf %add3A_729, %get3A_737 : vector<16xf32>
    %get3A_739 = arith.constant 432 : index
    %get3A_740 = tpu.vector_load %arg13[%get3A_739] {strides = array<i32>} : memref<512xf32, #tpu.memory_space<vmem>>, vector<16xf32>,
    %add3A_741 = arith.addf %add3A_732, %get3A_740 : vector<16xf32>
    %get3A_742 = arith.constant 464 : index
    %get3A_743 = tpu.vector_load %arg11[%get3A_742] {strides = array<i32>} : memref<512xf32, #tpu.memory_space<vmem>>, vector<16xf32>,
    %add3A_744 = arith.addf %add3A_735, %get3A_743 : vector<16xf32>
    %get3A_745 = arith.constant 464 : index
    %get3A_746 = tpu.vector_load %arg12[%get3A_745] {strides = array<i32>} : memref<512xf32, #tpu.memory_space<vmem>>, vector<16xf32>,
    %add3A_747 = arith.addf %add3A_738, %get3A_746 : vector<16xf32>
    %get3A_748 = arith.constant 464 : index
    %get3A_749 = tpu.vector_load %arg13[%get3A_748] {strides = array<i32>} : memref<512xf32, #tpu.memory_space<vmem>>, vector<16xf32>,
    %add3A_750 = arith.addf %add3A_741, %get3A_749 : vector<16xf32>
    %get3A_751 = arith.constant 496 : index
    %get3A_752 = tpu.vector_load %arg11[%get3A_751] {strides = array<i32>} : memref<512xf32, #tpu.memory_space<vmem>>, vector<16xf32>,
    %add3A_753 = arith.addf %add3A_744, %get3A_752 : vector<16xf32>
    %get3A_754 = arith.constant 496 : index
    %get3A_755 = tpu.vector_load %arg12[%get3A_754] {strides = array<i32>} : memref<512xf32, #tpu.memory_space<vmem>>, vector<16xf32>,
    %add3A_756 = arith.addf %add3A_747, %get3A_755 : vector<16xf32>
    %get3A_757 = arith.constant 496 : index
    %get3A_758 = tpu.vector_load %arg13[%get3A_757] {strides = array<i32>} : memref<512xf32, #tpu.memory_space<vmem>>, vector<16xf32>,
    %add3A_759 = arith.addf %add3A_750, %get3A_758 : vector<16xf32>
    %swap3A_760 = arith.constant 0 : i32
    %swap3A_761 = arith.index_cast %swap3A_760 : i32 to index
    %swap3A_762 = arith.constant 16 : index
    %swap3A_763 = tpu.vector_load %arg14[%swap3A_761, %swap3A_762] {strides = array<i32>} : memref<3x32xf32, #tpu.memory_space<vmem>>, vector<16xf32>,
    tpu.vector_store %arg14[%swap3A_761, %swap3A_762], %add3A_753 {strides = array<i32>} : memref<3x32xf32, #tpu.memory_space<vmem>>, vector<16xf32>,
    %swap3A_764 = arith.constant 1 : i32
    %swap3A_765 = arith.index_cast %swap3A_764 : i32 to index
    %swap3A_766 = arith.constant 16 : index
    %swap3A_767 = tpu.vector_load %arg14[%swap3A_765, %swap3A_766] {strides = array<i32>} : memref<3x32xf32, #tpu.memory_space<vmem>>, vector<16xf32>,
    tpu.vector_store %arg14[%swap3A_765, %swap3A_766], %add3A_756 {strides = array<i32>} : memref<3x32xf32, #tpu.memory_space<vmem>>, vector<16xf32>,
    %swap3A_768 = arith.constant 2 : i32
    %swap3A_769 = arith.index_cast %swap3A_768 : i32 to index
    %swap3A_770 = arith.constant 16 : index
    %swap3A_771 = tpu.vector_load %arg14[%swap3A_769, %swap3A_770] {strides = array<i32>} : memref<3x32xf32, #tpu.memory_space<vmem>>, vector<16xf32>,
    tpu.vector_store %arg14[%swap3A_769, %swap3A_770], %add3A_759 {strides = array<i32>} : memref<3x32xf32, #tpu.memory_space<vmem>>, vector<16xf32>,
    %run_scoped3A = arith.constant 0 : i32
    "tpu.region"() ({
      %run_scoped3A_774 = tpu.sem_alloc : memref<!tpu.dma_semaphore, #tpu.memory_space<semaphore_mem>>
      %dma_start3A_775 = arith.constant 0 : i32
      %dma_start3A_776 = tpu.memref_slice %arg14[%run_scoped3A, %dma_start3A_775] : memref<3x32xf32, #tpu.memory_space<vmem>> -> memref<1x32xf32, #tpu.memory_space<vmem>>
      %dma_start3A_777 = tpu.memref_squeeze %dma_start3A_776 : memref<1x32xf32, #tpu.memory_space<vmem>> -> memref<32xf32, #tpu.memory_space<vmem>>
      %dma_start3A_778 = arith.constant 0 : i32
      %dma_start3A_779 = tpu.memref_slice %arg4[%add3A, %dma_start3A_778] : memref<32x32xf32, #tpu.memory_space<hbm>> -> memref<1x32xf32, #tpu.memory_space<hbm>>
      %dma_start3A_780 = tpu.memref_squeeze %dma_start3A_779 : memref<1x32xf32, #tpu.memory_space<hbm>> -> memref<32xf32, #tpu.memory_space<hbm>>
      %dma_start3A_781 = arith.constant 0 : i32
      %dma_start3A_782 = tpu.memref_slice %arg4[%add3A, %dma_start3A_781] : memref<32x32xf32, #tpu.memory_space<hbm>> -> memref<1x32xf32, #tpu.memory_space<hbm>>
      %dma_start3A_783 = tpu.memref_squeeze %dma_start3A_782 : memref<1x32xf32, #tpu.memory_space<hbm>> -> memref<32xf32, #tpu.memory_space<hbm>>
      %dma_start3A_784 = arith.constant 0 : i32
      %dma_start3A_785 = tpu.memref_slice %arg14[%run_scoped3A, %dma_start3A_784] : memref<3x32xf32, #tpu.memory_space<vmem>> -> memref<1x32xf32, #tpu.memory_space<vmem>>
      %dma_start3A_786 = tpu.memref_squeeze %dma_start3A_785 : memref<1x32xf32, #tpu.memory_space<vmem>> -> memref<32xf32, #tpu.memory_space<vmem>>
      tpu.enqueue_dma source(%dma_start3A_786 : memref<32xf32, #tpu.memory_space<vmem>>) target(%dma_start3A_783 : memref<32xf32, #tpu.memory_space<hbm>>) target_semaphore(%run_scoped3A_774 : memref<!tpu.dma_semaphore, #tpu.memory_space<semaphore_mem>>)
      %dma_wait3A_787 = arith.constant 0 : i32
      %dma_wait3A_788 = tpu.memref_slice %arg14[%run_scoped3A, %dma_wait3A_787] : memref<3x32xf32, #tpu.memory_space<vmem>> -> memref<1x32xf32, #tpu.memory_space<vmem>>
      %dma_wait3A_789 = tpu.memref_squeeze %dma_wait3A_788 : memref<1x32xf32, #tpu.memory_space<vmem>> -> memref<32xf32, #tpu.memory_space<vmem>>
      %dma_wait3A_790 = arith.constant 0 : i32
      %dma_wait3A_791 = tpu.memref_slice %arg4[%add3A, %dma_wait3A_790] : memref<32x32xf32, #tpu.memory_space<hbm>> -> memref<1x32xf32, #tpu.memory_space<hbm>>
      %dma_wait3A_792 = tpu.memref_squeeze %dma_wait3A_791 : memref<1x32xf32, #tpu.memory_space<hbm>> -> memref<32xf32, #tpu.memory_space<hbm>>
      %dma_wait3A_793 = arith.constant 0 : i32
      %dma_wait3A_794 = tpu.memref_slice %arg4[%add3A, %dma_wait3A_793] : memref<32x32xf32, #tpu.memory_space<hbm>> -> memref<1x32xf32, #tpu.memory_space<hbm>>
      %dma_wait3A_795 = tpu.memref_squeeze %dma_wait3A_794 : memref<1x32xf32, #tpu.memory_space<hbm>> -> memref<32xf32, #tpu.memory_space<hbm>>
      %dma_wait3A_796 = arith.constant 0 : i32
      %dma_wait3A_797 = tpu.memref_slice %arg14[%run_scoped3A, %dma_wait3A_796] : memref<3x32xf32, #tpu.memory_space<vmem>> -> memref<1x32xf32, #tpu.memory_space<vmem>>
      %dma_wait3A_798 = tpu.memref_squeeze %dma_wait3A_797 : memref<1x32xf32, #tpu.memory_space<vmem>> -> memref<32xf32, #tpu.memory_space<vmem>>
      tpu.wait_dma2 semaphore(%run_scoped3A_774 : memref<!tpu.dma_semaphore, #tpu.memory_space<semaphore_mem>>) src(%dma_wait3A_798 : memref<32xf32, #tpu.memory_space<vmem>>) dst(%dma_wait3A_795 : memref<32xf32, #tpu.memory_space<hbm>>)
      tpu.yield
    }) : () -> ()
    %run_scoped3A_772 = arith.constant 1 : i32
    "tpu.region"() ({
      %run_scoped3A_774 = tpu.sem_alloc : memref<!tpu.dma_semaphore, #tpu.memory_space<semaphore_mem>>
      %dma_start3A_775 = arith.constant 0 : i32
      %dma_start3A_776 = tpu.memref_slice %arg14[%run_scoped3A_772, %dma_start3A_775] : memref<3x32xf32, #tpu.memory_space<vmem>> -> memref<1x32xf32, #tpu.memory_space<vmem>>
      %dma_start3A_777 = tpu.memref_squeeze %dma_start3A_776 : memref<1x32xf32, #tpu.memory_space<vmem>> -> memref<32xf32, #tpu.memory_space<vmem>>
      %dma_start3A_778 = arith.constant 0 : i32
      %dma_start3A_779 = tpu.memref_slice %arg5[%add3A, %dma_start3A_778] : memref<32x32xf32, #tpu.memory_space<hbm>> -> memref<1x32xf32, #tpu.memory_space<hbm>>
      %dma_start3A_780 = tpu.memref_squeeze %dma_start3A_779 : memref<1x32xf32, #tpu.memory_space<hbm>> -> memref<32xf32, #tpu.memory_space<hbm>>
      %dma_start3A_781 = arith.constant 0 : i32
      %dma_start3A_782 = tpu.memref_slice %arg5[%add3A, %dma_start3A_781] : memref<32x32xf32, #tpu.memory_space<hbm>> -> memref<1x32xf32, #tpu.memory_space<hbm>>
      %dma_start3A_783 = tpu.memref_squeeze %dma_start3A_782 : memref<1x32xf32, #tpu.memory_space<hbm>> -> memref<32xf32, #tpu.memory_space<hbm>>
      %dma_start3A_784 = arith.constant 0 : i32
      %dma_start3A_785 = tpu.memref_slice %arg14[%run_scoped3A_772, %dma_start3A_784] : memref<3x32xf32, #tpu.memory_space<vmem>> -> memref<1x32xf32, #tpu.memory_space<vmem>>
      %dma_start3A_786 = tpu.memref_squeeze %dma_start3A_785 : memref<1x32xf32, #tpu.memory_space<vmem>> -> memref<32xf32, #tpu.memory_space<vmem>>
      tpu.enqueue_dma source(%dma_start3A_786 : memref<32xf32, #tpu.memory_space<vmem>>) target(%dma_start3A_783 : memref<32xf32, #tpu.memory_space<hbm>>) target_semaphore(%run_scoped3A_774 : memref<!tpu.dma_semaphore, #tpu.memory_space<semaphore_mem>>)
      %dma_wait3A_787 = arith.constant 0 : i32
      %dma_wait3A_788 = tpu.memref_slice %arg14[%run_scoped3A_772, %dma_wait3A_787] : memref<3x32xf32, #tpu.memory_space<vmem>> -> memref<1x32xf32, #tpu.memory_space<vmem>>
      %dma_wait3A_789 = tpu.memref_squeeze %dma_wait3A_788 : memref<1x32xf32, #tpu.memory_space<vmem>> -> memref<32xf32, #tpu.memory_space<vmem>>
      %dma_wait3A_790 = arith.constant 0 : i32
      %dma_wait3A_791 = tpu.memref_slice %arg5[%add3A, %dma_wait3A_790] : memref<32x32xf32, #tpu.memory_space<hbm>> -> memref<1x32xf32, #tpu.memory_space<hbm>>
      %dma_wait3A_792 = tpu.memref_squeeze %dma_wait3A_791 : memref<1x32xf32, #tpu.memory_space<hbm>> -> memref<32xf32, #tpu.memory_space<hbm>>
      %dma_wait3A_793 = arith.constant 0 : i32
      %dma_wait3A_794 = tpu.memref_slice %arg5[%add3A, %dma_wait3A_793] : memref<32x32xf32, #tpu.memory_space<hbm>> -> memref<1x32xf32, #tpu.memory_space<hbm>>
      %dma_wait3A_795 = tpu.memref_squeeze %dma_wait3A_794 : memref<1x32xf32, #tpu.memory_space<hbm>> -> memref<32xf32, #tpu.memory_space<hbm>>
      %dma_wait3A_796 = arith.constant 0 : i32
      %dma_wait3A_797 = tpu.memref_slice %arg14[%run_scoped3A_772, %dma_wait3A_796] : memref<3x32xf32, #tpu.memory_space<vmem>> -> memref<1x32xf32, #tpu.memory_space<vmem>>
      %dma_wait3A_798 = tpu.memref_squeeze %dma_wait3A_797 : memref<1x32xf32, #tpu.memory_space<vmem>> -> memref<32xf32, #tpu.memory_space<vmem>>
      tpu.wait_dma2 semaphore(%run_scoped3A_774 : memref<!tpu.dma_semaphore, #tpu.memory_space<semaphore_mem>>) src(%dma_wait3A_798 : memref<32xf32, #tpu.memory_space<vmem>>) dst(%dma_wait3A_795 : memref<32xf32, #tpu.memory_space<hbm>>)
      tpu.yield
    }) : () -> ()
    %run_scoped3A_773 = arith.constant 2 : i32
    "tpu.region"() ({
      %run_scoped3A_774 = tpu.sem_alloc : memref<!tpu.dma_semaphore, #tpu.memory_space<semaphore_mem>>
      %dma_start3A_775 = arith.constant 0 : i32
      %dma_start3A_776 = tpu.memref_slice %arg14[%run_scoped3A_773, %dma_start3A_775] : memref<3x32xf32, #tpu.memory_space<vmem>> -> memref<1x32xf32, #tpu.memory_space<vmem>>
      %dma_start3A_777 = tpu.memref_squeeze %dma_start3A_776 : memref<1x32xf32, #tpu.memory_space<vmem>> -> memref<32xf32, #tpu.memory_space<vmem>>
      %dma_start3A_778 = arith.constant 0 : i32
      %dma_start3A_779 = tpu.memref_slice %arg6[%add3A, %dma_start3A_778] : memref<32x32xf32, #tpu.memory_space<hbm>> -> memref<1x32xf32, #tpu.memory_space<hbm>>
      %dma_start3A_780 = tpu.memref_squeeze %dma_start3A_779 : memref<1x32xf32, #tpu.memory_space<hbm>> -> memref<32xf32, #tpu.memory_space<hbm>>
      %dma_start3A_781 = arith.constant 0 : i32
      %dma_start3A_782 = tpu.memref_slice %arg6[%add3A, %dma_start3A_781] : memref<32x32xf32, #tpu.memory_space<hbm>> -> memref<1x32xf32, #tpu.memory_space<hbm>>
      %dma_start3A_783 = tpu.memref_squeeze %dma_start3A_782 : memref<1x32xf32, #tpu.memory_space<hbm>> -> memref<32xf32, #tpu.memory_space<hbm>>
      %dma_start3A_784 = arith.constant 0 : i32
      %dma_start3A_785 = tpu.memref_slice %arg14[%run_scoped3A_773, %dma_start3A_784] : memref<3x32xf32, #tpu.memory_space<vmem>> -> memref<1x32xf32, #tpu.memory_space<vmem>>
      %dma_start3A_786 = tpu.memref_squeeze %dma_start3A_785 : memref<1x32xf32, #tpu.memory_space<vmem>> -> memref<32xf32, #tpu.memory_space<vmem>>
      tpu.enqueue_dma source(%dma_start3A_786 : memref<32xf32, #tpu.memory_space<vmem>>) target(%dma_start3A_783 : memref<32xf32, #tpu.memory_space<hbm>>) target_semaphore(%run_scoped3A_774 : memref<!tpu.dma_semaphore, #tpu.memory_space<semaphore_mem>>)
      %dma_wait3A_787 = arith.constant 0 : i32
      %dma_wait3A_788 = tpu.memref_slice %arg14[%run_scoped3A_773, %dma_wait3A_787] : memref<3x32xf32, #tpu.memory_space<vmem>> -> memref<1x32xf32, #tpu.memory_space<vmem>>
      %dma_wait3A_789 = tpu.memref_squeeze %dma_wait3A_788 : memref<1x32xf32, #tpu.memory_space<vmem>> -> memref<32xf32, #tpu.memory_space<vmem>>
      %dma_wait3A_790 = arith.constant 0 : i32
      %dma_wait3A_791 = tpu.memref_slice %arg6[%add3A, %dma_wait3A_790] : memref<32x32xf32, #tpu.memory_space<hbm>> -> memref<1x32xf32, #tpu.memory_space<hbm>>
      %dma_wait3A_792 = tpu.memref_squeeze %dma_wait3A_791 : memref<1x32xf32, #tpu.memory_space<hbm>> -> memref<32xf32, #tpu.memory_space<hbm>>
      %dma_wait3A_793 = arith.constant 0 : i32
      %dma_wait3A_794 = tpu.memref_slice %arg6[%add3A, %dma_wait3A_793] : memref<32x32xf32, #tpu.memory_space<hbm>> -> memref<1x32xf32, #tpu.memory_space<hbm>>
      %dma_wait3A_795 = tpu.memref_squeeze %dma_wait3A_794 : memref<1x32xf32, #tpu.memory_space<hbm>> -> memref<32xf32, #tpu.memory_space<hbm>>
      %dma_wait3A_796 = arith.constant 0 : i32
      %dma_wait3A_797 = tpu.memref_slice %arg14[%run_scoped3A_773, %dma_wait3A_796] : memref<3x32xf32, #tpu.memory_space<vmem>> -> memref<1x32xf32, #tpu.memory_space<vmem>>
      %dma_wait3A_798 = tpu.memref_squeeze %dma_wait3A_797 : memref<1x32xf32, #tpu.memory_space<vmem>> -> memref<32xf32, #tpu.memory_space<vmem>>
      tpu.wait_dma2 semaphore(%run_scoped3A_774 : memref<!tpu.dma_semaphore, #tpu.memory_space<semaphore_mem>>) src(%dma_wait3A_798 : memref<32xf32, #tpu.memory_space<vmem>>) dst(%dma_wait3A_795 : memref<32xf32, #tpu.memory_space<hbm>>)
      tpu.yield
    }) : () -> ()
    return
  }
}

module attributes {stable_mosaic.version = 14 : i64} {
  func.func @_tc_finish(%arg0: memref<32x32xf32, #tpu.memory_space<vmem>>, %arg1: memref<32x32xf32, #tpu.memory_space<vmem>>, %arg2: memref<32x32xf32, #tpu.memory_space<vmem>>, %arg3: memref<1x32xf32, #tpu.memory_space<vmem>>, %arg4: memref<1x1xf32, #tpu.memory_space<vmem>>) attributes {dimension_semantics = [], scalar_prefetch = 0 : i64, scratch_operands = 0 : i64, tpu.core_type = #tpu.core_type<tc>} {
    %get3A = arith.constant 0 : index
    %get3A_0 = arith.constant 0 : index
    %get3A_1 = vector.load %arg0[%get3A, %get3A_0] : memref<32x32xf32, #tpu.memory_space<vmem>>, vector<32x32xf32>
    %reshape3A = vector.shape_cast %get3A_1 : vector<32x32xf32> to vector<4x8x32xf32>
    %reduce_sum3A = arith.constant dense<0.000000e+00> : vector<4x32xf32>
    %reduce_sum3A_2 = vector.multi_reduction <add>, %reshape3A, %reduce_sum3A [1] : vector<4x8x32xf32> to vector<4x32xf32>
    %get3A_3 = arith.constant 0 : index
    %get3A_4 = arith.constant 0 : index
    %get3A_5 = vector.load %arg1[%get3A_3, %get3A_4] : memref<32x32xf32, #tpu.memory_space<vmem>>, vector<32x32xf32>
    %reshape3A_6 = vector.shape_cast %get3A_5 : vector<32x32xf32> to vector<4x8x32xf32>
    %reduce_sum3A_7 = arith.constant dense<0.000000e+00> : vector<4x32xf32>
    %reduce_sum3A_8 = vector.multi_reduction <add>, %reshape3A_6, %reduce_sum3A_7 [1] : vector<4x8x32xf32> to vector<4x32xf32>
    %get3A_9 = arith.constant 0 : index
    %get3A_10 = arith.constant 0 : index
    %get3A_11 = vector.load %arg2[%get3A_9, %get3A_10] : memref<32x32xf32, #tpu.memory_space<vmem>>, vector<32x32xf32>
    %reshape3A_12 = vector.shape_cast %get3A_11 : vector<32x32xf32> to vector<4x8x32xf32>
    %reduce_sum3A_13 = arith.constant dense<0.000000e+00> : vector<4x32xf32>
    %reduce_sum3A_14 = vector.multi_reduction <add>, %reshape3A_12, %reduce_sum3A_13 [1] : vector<4x8x32xf32> to vector<4x32xf32>
    %log3A = math.log %reduce_sum3A_2 : vector<4x32xf32>
    %div3A = arith.divf %reduce_sum3A_8, %reduce_sum3A_2 : vector<4x32xf32>
    %sub3A = arith.subf %log3A, %div3A : vector<4x32xf32>
    %max3A = arith.constant 2.000000e+00 : f32
    %max3A_15 = vector.broadcast %max3A : f32 to vector<4x32xf32>
    %max3A_16 = arith.maximumf %reduce_sum3A_14, %max3A_15 : vector<4x32xf32>
    %log3A_17 = math.log %max3A_16 : vector<4x32xf32>
    %div3A_18 = arith.divf %sub3A, %log3A_17 : vector<4x32xf32>
    %ge3A = arith.constant 2.000000e+00 : f32
    %ge3A_19 = vector.broadcast %ge3A : f32 to vector<4x32xf32>
    %ge3A_20 = arith.cmpf oge, %reduce_sum3A_14, %ge3A_19 : vector<4x32xf32>
    %get3A_21 = arith.constant 0 : index
    %get3A_22 = arith.constant 0 : index
    %get3A_23 = vector.load %arg3[%get3A_21, %get3A_22] : memref<1x32xf32, #tpu.memory_space<vmem>>, vector<1x32xf32>
    %gt3A = arith.constant 0.000000e+00 : f32
    %gt3A_24 = vector.broadcast %gt3A : f32 to vector<1x32xf32>
    %gt3A_25 = arith.cmpf ogt, %get3A_23, %gt3A_24 : vector<1x32xf32>
    %and3A = vector.broadcast %gt3A_25 : vector<1x32xi1> to vector<4x32xi1>
    %and3A_26 = arith.andi %ge3A_20, %and3A : vector<4x32xi1>
    %jit3A = arith.constant 0.000000e+00 : f32
    %broadcast_in_dim3A = vector.broadcast %jit3A : f32 to vector<4x32xf32>
    %select_n3A = arith.select %and3A_26, %div3A_18, %broadcast_in_dim3A : vector<4x32xi1>, vector<4x32xf32>
    %reduce_sum3A_27 = vector.shape_cast %select_n3A : vector<4x32xf32> to vector<1x4x32xf32>
    %reduce_sum3A_28 = arith.constant dense<0.000000e+00> : vector<1xf32>
    %reduce_sum3A_29 = vector.multi_reduction <add>, %reduce_sum3A_27, %reduce_sum3A_28 [1, 2] : vector<1x4x32xf32> to vector<1xf32>
    %reduce_sum3A_30 = vector.shape_cast %reduce_sum3A_29 : vector<1xf32> to vector<1x1x1xf32>
    %reduce_sum3A_31 = vector.extract %reduce_sum3A_30[0, 0, 0] : f32 from vector<1x1x1xf32>
    %mul3A = arith.constant 2.500000e-01 : f32
    %mul3A_32 = arith.mulf %reduce_sum3A_31, %mul3A : f32
    %jit3A_33 = arith.constant 2.500000e-01 : f32
    %jit3A_34 = arith.constant 0.000000e+00 : f32
    %broadcast_in_dim3A_35 = vector.broadcast %jit3A_33 : f32 to vector<4x32xf32>
    %broadcast_in_dim3A_36 = vector.broadcast %jit3A_34 : f32 to vector<4x32xf32>
    %select_n3A_37 = arith.select %and3A_26, %broadcast_in_dim3A_35, %broadcast_in_dim3A_36 : vector<4x32xi1>, vector<4x32xf32>
    %reduce_sum3A_38 = vector.shape_cast %select_n3A_37 : vector<4x32xf32> to vector<1x4x32xf32>
    %reduce_sum3A_39 = arith.constant dense<0.000000e+00> : vector<1xf32>
    %reduce_sum3A_40 = vector.multi_reduction <add>, %reduce_sum3A_38, %reduce_sum3A_39 [1, 2] : vector<1x4x32xf32> to vector<1xf32>
    %reduce_sum3A_41 = vector.shape_cast %reduce_sum3A_40 : vector<1xf32> to vector<1x1x1xf32>
    %reduce_sum3A_42 = vector.extract %reduce_sum3A_41[0, 0, 0] : f32 from vector<1x1x1xf32>
    %gt3A_43 = arith.constant 0.000000e+00 : f32
    %gt3A_44 = arith.cmpf ogt, %reduce_sum3A_42, %gt3A_43 : f32
    %div3A_45 = arith.divf %mul3A_32, %reduce_sum3A_42 : f32
    %jit3A_46 = arith.constant 0.000000e+00 : f32
    %select_n3A_47 = arith.select %gt3A_44, %div3A_45, %jit3A_46 : f32
    %broadcast_in_dim3A_48 = vector.broadcast %select_n3A_47 : f32 to vector<1x1xf32>
    %swap3A = arith.constant 0 : index
    %swap3A_49 = arith.constant 0 : index
    %swap3A_50 = vector.load %arg4[%swap3A, %swap3A_49] : memref<1x1xf32, #tpu.memory_space<vmem>>, vector<1x1xf32>
    tpu.vector_store %arg4[%swap3A, %swap3A_49], %broadcast_in_dim3A_48 {strides = array<i32>} : memref<1x1xf32, #tpu.memory_space<vmem>>, vector<1x1xf32>,
    return
  }
}

</mosaic_0001>

<sc_bundles>
// kernel: _run.4.cloned.1.call-start
scs
__scs_entry_jumppad:
0x0: {  	(pc) =	sbr.rel $0x88, $3  }
0x1: {  	(tag) =	ssettag $0x0;
	lr =	simm.s32 $0x1  }
0x2: {  	[smem:$0x3F9E] =	sst lr;
	_ =	strace $0xD0000000  }
0x3: {  	_ = 	snop  }
0x4: {  	_ = 	snop  }
0x5: {  	_ = 	snop  }
0x6: {  	_ = 	snop  }
0x7: {  	_ = 	snop  }
__scs_overlays_trampoline_lowered:
0x8: {  	[smem:$0x3FAD] =	sst s0  }
0x9: {  	[smem:$0x3FAE] =	sst s1  }
0xa: {  	[smem:$0x3FAF] =	sst s2  }
0xb: {  	[smem:$0x3FB0] =	sst s3  }
0xc: {  	[smem:$0x3FB1] =	sst s4  }
0xd: {  	[smem:$0x3FB2] =	sst s5  }
0xe: {  	[smem:$0x3FB3] =	sst s6  }
0xf: {  	[smem:$0x3FB4] =	sst s7  }
0x10: {  	[smem:$0x3FB5] =	sst s8  }
0x11: {  	[smem:$0x3FB6] =	sst s9;
	s0 =	simm.s32 @!p0 $0x0  }
0x12: {  	s1 =	sld [smem:$0x3F9C];
	s0 =	simm.s32 @p0 $0x1  }
0x13: {  	[smem:$0x3FB7] =	sst s0;
	s0 =	simm.s32 @!p1 $0x0  }
0x14: {  	s2 =	sld [smem:$0x3F9B];
	s0 =	simm.s32 @p1 $0x1  }
0x15: {  	[smem:$0x3FB8] =	sst s0;
	s0 =	simm.s32 @!p2 $0x0  }
0x16: {  	s3 =	sld [smem:$0x3FDB];
	s0 =	simm.s32 @p2 $0x1  }
0x17: {  	s4 =	simm.s32 $0x1BF5;
	[smem:$0x3FBA] =	sst s0  }
0x18: {  	s0 =	sld [smem:$0x3F9D];
	_ =	swait.ge [sflag:s4], $0x0  }
0x19: {  	s7 =	sld [smem:$0x3F9E]  }
0x1a: {  	s8 =	sadd.s32 $0xFFFFE003, lr  }
0x1b: {  	s9 =	sadd.s32 $0xFFFFFEF7, lr;
	s5 =	simm.s32 $0xFFFFFFFF;
	p2 =	slt.u32 s8, $0xFFFFF086  }
0x1c: {  	p1 =	slt.u32 s9, $0xF7A;
	s5 =	simm.s32 @!p2 $0x0  }
0x1d: {  	s5 =	simm.s32 @p1 $0x1;
	p0 =	seq.s32 s7, s2  }
0x1e: {  	s7 =	smul.u32 @!p0 $0xF7A, s2;
	p2 =	seq.s32 @!p0 s5, $0x0  }
0x1f: {  	s9 =	smul.u32 $0xF7A, s1;
	s8 =	simm.s32 @!p0 $0x1BF5;
	p2 =	por !p2, p0  }
0x20: {  	[sflag:s8] =	ssyncset.s32 @!p0 $0xFFFFF086;
	s6 =	sadd.s32 @!p0 s3, s7;
	s7 =	simm.s32 @!p0 $0x108  }
0x21: {  	s3 =	sadd.s32 s3, s9;
	s6 =	sadd.s32 @!p0 $0x88, s6;
	s7 =	simm.s32 @p2 $0x1082  }
0x22: {  	[simem:s7], [sflag:s8] =	dma.local @!p0 [hbm:s6], $0xF7A  }
0x23: {  	s9 =	sor.u32 $0xD0000000, s2;
	s6 =	simm.s32 $0x108;
	_ =	swait.ge @!p0 [sflag:s8], $0x0  }
0x24: {  	s3 =	sadd.s32 $0x88, s3;
	s6 =	simm.s32 @!p1 $0x1082;
	[sflag:s4] =	ssyncset.s32 $0xFFFFF086  }
0x25: {  	[simem:s6], [sflag:s4] =	dma.local [hbm:s3], $0xF7A  }
0x26: {  	[smem:$0x3F9E] =	sst s1;
	(tag) =	ssettag s2;
	_ =	strace s9  }
0x27: {  	s1 =	sld [smem:$0x3FAE]  }
0x28: {  	s2 =	sld [smem:$0x3FAF]  }
0x29: {  	s4 =	sld [smem:$0x3FB1]  }
0x2a: {  	p0 =	seq.s32 s5, $0x0;
	s5 =	sld [smem:$0x3FB2]  }
0x2b: {  	s6 =	sld [smem:$0x3FB3]  }
0x2c: {  	s7 =	sld [smem:$0x3FB4]  }
0x2d: {  	s3 =	simm.s32 $0x108;
	s8 =	sld [smem:$0x3FB5]  }
0x2e: {  	s3 =	simm.s32 @!p0 $0x1082;
	s9 =	sld [smem:$0x3FB6]  }
0x2f: {  	lr =	sadd.s32 s0, s3;
	s0 =	sld [smem:$0x3FAD]  }
0x30: {  	s3 =	sld [smem:$0x3FB0]  }
0x31: {  	[smem:$0x3FB9] =	sst s10  }
0x32: {  	s10 =	sld [smem:$0x3FB7];
	_ =	sdelay $0x3  }
0x33: {  	p0 =	seq.s32 s10, $0x1;
	s10 =	sld [smem:$0x3FB9];
	_ =	sdelay $0x3  }
0x34: {  	[smem:$0x3FB9] =	sst s10  }
0x35: {  	s10 =	sld [smem:$0x3FB8];
	_ =	sdelay $0x3  }
0x36: {  	p1 =	seq.s32 s10, $0x1;
	s10 =	sld [smem:$0x3FB9];
	_ =	sdelay $0x3  }
0x37: {  	[smem:$0x3FB9] =	sst s10  }
0x38: {  	s10 =	sld [smem:$0x3FBA]  }
0x39: {  	_ = 	snop;
	(pc) =	sbr.ind lr, $3  }
0x3a: {  	_ = 	snop  }
0x3b: {  	_ = 	snop  }
0x3c: {  	p2 =	seq.s32 s10, $0x1;
	s10 =	sld [smem:$0x3FB9]  }
0x3d: {  	_ =	shalt  }
0x3e: {  	_ =	shalt  }
0x3f: {  	_ =	shalt  }
0x40: {  	_ =	shalt  }
0x41: {  	_ =	shalt  }
0x42: {  	_ =	shalt  }
0x43: {  	_ =	shalt  }
0x44: {  	_ =	shalt  }
0x45: {  	_ =	shalt  }
0x46: {  	_ =	shalt  }
0x47: {  	_ =	shalt  }
0x48: {  	_ =	shalt  }
0x49: {  	_ =	shalt  }
0x4a: {  	_ =	shalt  }
0x4b: {  	_ =	shalt  }
0x4c: {  	_ =	shalt  }
0x4d: {  	_ =	shalt  }
0x4e: {  	_ =	shalt  }
0x4f: {  	_ =	shalt  }
0x50: {  	_ =	shalt  }
0x51: {  	_ =	shalt  }
0x52: {  	_ =	shalt  }
0x53: {  	_ =	shalt  }
0x54: {  	_ =	shalt  }
0x55: {  	_ =	shalt  }
0x56: {  	_ =	shalt  }
0x57: {  	_ =	shalt  }
0x58: {  	_ =	shalt  }
0x59: {  	_ =	shalt  }
0x5a: {  	_ =	shalt  }
0x5b: {  	_ =	shalt  }
0x5c: {  	_ =	shalt  }
0x5d: {  	_ =	shalt  }
0x5e: {  	_ =	shalt  }
0x5f: {  	_ =	shalt  }
0x60: {  	_ =	shalt  }
0x61: {  	_ =	shalt  }
0x62: {  	_ =	shalt  }
0x63: {  	_ =	shalt  }
0x64: {  	_ =	shalt  }
0x65: {  	_ =	shalt  }
0x66: {  	_ =	shalt  }
0x67: {  	_ =	shalt  }
0x68: {  	_ =	shalt  }
0x69: {  	_ =	shalt  }
0x6a: {  	_ =	shalt  }
0x6b: {  	_ =	shalt  }
0x6c: {  	_ =	shalt  }
0x6d: {  	_ =	shalt  }
0x6e: {  	_ =	shalt  }
0x6f: {  	_ =	shalt  }
0x70: {  	_ =	shalt  }
0x71: {  	_ =	shalt  }
0x72: {  	_ =	shalt  }
0x73: {  	_ =	shalt  }
0x74: {  	_ =	shalt  }
0x75: {  	_ =	shalt  }
0x76: {  	_ =	shalt  }
0x77: {  	_ =	shalt  }
0x78: {  	_ =	shalt  }
0x79: {  	_ =	shalt  }
0x7a: {  	_ =	shalt  }
0x7b: {  	_ =	shalt  }
0x7c: {  	_ =	shalt  }
0x7d: {  	_ =	shalt  }
0x7e: {  	_ =	shalt  }
0x7f: {  	_ =	shalt  }
0x80: {  	_ =	shalt  }
0x81: {  	_ =	shalt  }
0x82: {  	_ =	shalt  }
0x83: {  	_ =	shalt  }
0x84: {  	_ =	shalt  }
0x85: {  	_ =	shalt  }
0x86: {  	_ =	shalt  }
0x87: {  	_ =	shalt  }
.Lfunc_end0:
.L_simem_size_0:
called_computation_lowered:
.L_overlay_start_0:
0x88: {  	s2 =	sld [smem:$0x3FD9]  }
0x89: {  	s3 =	sld [smem:$0x3FFE];
	_ =	sdelay $0x1  }
0x8a: {  	s1 =	srdreg.scid  }
0x8b: {  	s0 =	sand.u32 $0x1, s1  }
0x8c: {  	s17 =	sshll.u32 s0, $0xA;
	s2 =	sadd.s32 s3, s2  }
0x8d: {  	s2 =	sadd.s32 s2, s17  }
0x8e: {  	[smem:$0x3FC5] =	sst s2  }
0x8f: {  	_ = 	snop  }
0x90: {  	s2 =	sld [smem:$0x3FC9]  }
0x91: {  	s18 =	sld [smem:$0x3FC8];
	(tm) =	ssettm $0x1  }
0x92: {  	s4 =	sld [smem:$0x3FFB];
	_ =	sdelay $0x3  }
0x93: {  	_ =	strace s4  }
0x94: {  	s4 =	sld [smem:$0x3FFC];
	_ =	sdelay $0x3  }
0x95: {  	_ =	strace s4  }
0x96: {  	s4 =	sld [smem:$0x3FFD];
	_ =	sdelay $0x3  }
0x97: {  	_ =	strace s4  }
0x98: {  	_ =	strace $0x8FFFFFFF  }
0x99: {  	s19 =	sld [smem:$0x3FDB];
	_ =	sdelay $0x1  }
0x9a: {  	s5 =	simm.s32 $_scs_section_size  }
0x9b: {  	s6 =	simm.s32 $_size__tile_overlayer_lowered;
	s7 =	simm.s32 $_tile_overlayer_lowered  }
0x9c: {  	s22 =	simm.s32 $0x1BFF;
	s21 =	sshll.u32 s7, $0x1;
	s4 =	sadd.s32 s5, s19  }
0x9d: {  	s8 =	simm.s32 $0x0;
	s20 =	sshll.u32 s6, $0x1;
	s6 =	sadd.s32 s21, s4  }
0x9e: {  	[timem:s8], [sflag:s22] =	dma.local [hbm:s6], s20  }
0x9f: {  	_ =	swait.ge [sflag:s22], s20  }
0xa0: {  	s5 =	ssub.s32 $0x0, s20;
	[sflag:s22] =	ssyncset.done $0x0  }
0xa1: {  	[sflag:s22] =	ssyncadd.s32 s5;
	_ =	sdelay $0x1  }
0xa2: {  	s23 =	simm.s32 $0x1B8B  }
0xa3: {  	_ =	swait.ge [sflag:s23], $0x1  }
0xa4: {  	[sflag:s23] =	ssyncset.done $0x0  }
0xa5: {  	s25 =	simm.s32 $0x1B8E;
	s24 =	sld [smem:$0x3FFE];
	[sflag:s23] =	ssyncadd.s32 $0xFFFFFFFF  }
0xa6: {  	s26 =	simm.s32 $execute0_lowered;
	[smem:$0x3FD2] =	sst s25  }
0xa7: {  	s6 =	sshll.u32 s26, $0x1;
	_ =	strace $0x80000046;
	[dreg:$0x1] =	wrdreg $0xFFFFFFFF  }
0xa8: {  	s28 =	simm.s32 $_size_execute0_lowered;
	s4 =	sadd.s32 s4, s6;
	[dreg:$0x0] =	wrdreg $0x0  }
0xa9: {  	s6 =	sshll.u32 s28, $0x1;
	[dreg:$0x2] =	wrdreg s4  }
0xaa: {  	[dreg:$0x3] =	wrdreg s6  }
0xab: {  	[dreg:$0x4] =	wrdreg $0xC0  }
0xac: {  	_ =	task [dreg:s8], $0x5FFFF  }
0xad: {  	[dreg:$0x1] =	wrdreg $0xFFFFFFFF  }
0xae: {  	[dreg:$0x0] =	wrdreg $0x60  }
0xaf: {  	[dreg:$0x2] =	wrdreg s2  }
0xb0: {  	[dreg:$0x3] =	wrdreg s18  }
0xb1: {  	[dreg:$0x4] =	wrdreg s24  }
0xb2: {  	[dreg:$0x5] =	wrdreg $0x9  }
0xb3: {  	_ =	task.clear_ibuf [dreg:s8], $0x6FFFF;
	_ =	strace $0x90000046  }
0xb4: {  	s29 =	simm.s32 $0x9;
	_ =	strace $0x80000048  }
0xb5: {  	_ =	swait.ge [sflag:s29], $0x1  }
0xb6: {  	[sflag:s29] =	ssyncadd.s32 $0xFFFFFFFF  }
0xb7: {  	_ =	strace $0x90000048  }
0xb8: {  	_ =	sfence  }
0xb9: {  	s30 =	sld [smem:$0x0];
	_ =	sdelay $0x2  }
0xba: {  	s31 =	sshll.u32 s1, $0xD;
	s1 =	sshrl.u32 s1, $0x2  }
0xbb: {  	s3 =	sand.u32 $0x4000, s31;
	s1 =	sadd.s32 s1, s30  }
0xbc: {  	s0 =	sor.u32 s3, s0;
	s1 =	sshll.u32 s1, $0x11  }
0xbd: {  	s0 =	sor.u32 s1, s0  }
0xbe: {  	s0 =	sadd.s32 $0x8F2B, s0  }
0xbf: {  	[sflag:s0] =	ssyncadd.remote.s32 $0x1  }
0xc0: {  	_ =	sfence.sel $0xFFFF  }
0xc1: {  	[dreg:$0x0] =	wrdreg $0xFFFFFFFF;
	(pc) =	sbr.abs _section_cstart, $3  }
0xc2: {  	[dreg:$0x1] =	wrdreg $0xFFFFFFFF  }
0xc3: {  	_ =	task.clear_ibuf [dreg:s8], $0x2FFFF;
	_ =	strace $0x9FFFFFFF  }
0xc4: {  	(tm) =	ssettm $0x7FFFFFFF  }
0xc5: {  	_ =	shalt  }
tec
execute0_lowered:
.L_overlay_start_1:
0x0: {  	(tag) =	ssettag $0x1  }
0x1: {  	s0 =	rddreg [dreg:$0x0]  }
0x2: {  	s1 =	rddreg [dreg:$0x1];
	s2 =	simm.s32 $0x0;
	v13 =	vlaneseq.u32  }
0x3: {  	[smem:$0x7FF] =	sst s2;
	v0 =	vor.u32 $0x80, v13  }
0x4: {  	s3 =	rddreg [dreg:$0x2];
	v15 =	vor.u32 $0x180, v13;
	_ =	strace $0x80000047;
	[tilespmem:$0x1FE10] =	vst v0  }
0x5: {  	v18 =	vor.u32 $0x20, v13;
	[tilespmem:$0x1FFD0] =	vst v15  }
0x6: {  	v25 =	vor.u32 $0x40, v13;
	[tilespmem:$0x1FFE0] =	vst v18  }
0x7: {  	v0 =	vor.u32 $0x100, v13;
	[tilespmem:$0x1FFF0] =	vst v25  }
0x8: {  	[tilespmem:$0x1FE20] =	vst v0;
	v0 =	vor.u32 $0x10, v13  }
0x9: {  	[tilespmem:$0x1FE30] =	vst v0;
	v0 =	vor.u32 $0x90, v13  }
0xa: {  	[tilespmem:$0x1FE40] =	vst v0;
	v0 =	vor.u32 $0x110, v13  }
0xb: {  	[tilespmem:$0x1FE50] =	vst v0;
	v0 =	vor.u32 $0x190, v13  }
0xc: {  	[tilespmem:$0x1FE60] =	vst v0;
	v0 =	vor.u32 $0xA0, v13  }
0xd: {  	[tilespmem:$0x1FE70] =	vst v0;
	v0 =	vor.u32 $0x120, v13  }
0xe: {  	[tilespmem:$0x1FE80] =	vst v0;
	v0 =	vor.u32 $0x1A0, v13  }
0xf: {  	[tilespmem:$0x1FE90] =	vst v0;
	v0 =	vor.u32 $0x30, v13  }
0x10: {  	[tilespmem:$0x1FEA0] =	vst v0;
	v0 =	vor.u32 $0xB0, v13  }
0x11: {  	[tilespmem:$0x1FEB0] =	vst v0;
	v0 =	vor.u32 $0x130, v13  }
0x12: {  	[tilespmem:$0x1FEC0] =	vst v0;
	v0 =	vor.u32 $0x1B0, v13  }
0x13: {  	[tilespmem:$0x1FED0] =	vst v0;
	v0 =	vor.u32 $0xC0, v13  }
0x14: {  	[tilespmem:$0x1FEE0] =	vst v0;
	v0 =	vor.u32 $0x140, v13  }
0x15: {  	s4 =	srdreg.scid;
	s7 =	stileid.u32;
	s16 =	simm.s32 $0x8000;
	[tilespmem:$0x1FEF0] =	vst v0;
	v0 =	vor.u32 $0x1C0, v13  }
0x16: {  	s18 =	simm.s32 $0x4;
	s19 =	simm.s32 $0x1;
	s20 =	simm.s32 $0x10000;
	[tilespmem:$0x1FF00] =	vst v0;
	v0 =	vor.u32 $0x50, v13  }
0x17: {  	s21 =	simm.s32 $0x1A400;
	s22 =	simm.s32 $0x1A000;
	s23 =	simm.s32 $0x1A200;
	[tilespmem:$0x1FF10] =	vst v0;
	v0 =	vor.u32 $0xD0, v13  }
0x18: {  	s24 =	simm.s32 $0x2;
	s29 =	simm.s32 $0x1A700;
	s30 =	simm.s32 $0x0;
	[tilespmem:$0x1FF20] =	vst v0;
	v0 =	vor.u32 $0x150, v13  }
0x19: {  	s4 =	sand.u32 $0x1, s4;
	s5 =	sshll.u32 s7, $0x1;
	s25 =	sshrl.u32 s7, $0x2;
	[tilespmem:$0x1FF30] =	vst v0;
	v0 =	vor.u32 $0x1D0, v13  }
0x1a: {  	s5 =	sor.u32 s4, s5;
	s4 =	ssub.s32 $0x2, s4;
	s7 =	sshll.u32 s25, $0x12;
	[tilespmem:$0x1FF40] =	vst v0;
	v0 =	vor.u32 $0x60, v13  }
0x1b: {  	s28 =	sshll.u32 s25, $0xD;
	s25 =	simm.s32 $0x3;
	s6 =	sshll.u32 s5, $0x4;
	[tilespmem:$0x1FF50] =	vst v0;
	v0 =	vor.u32 $0xE0, v13  }
0x1c: {  	s5 =	sand.u32 $0x7, s5;
	s8 =	sshrl.u32 s4, $0x1;
	s1 =	sadd.s32 s1, s28;
	[tilespmem:$0x1FF60] =	vst v0;
	v0 =	vor.u32 $0x160, v13  }
0x1d: {  	s14 =	sadd.s32 s6, s3;
	s26 =	sshll.u32 s5, $0xF;
	s31 =	sshll.u32 s5, $0xA;
	[tilespmem:$0x1FF70] =	vst v0;
	v0 =	vor.u32 $0x1E0, v13  }
0x1e: {  	s15 =	ssub.s32 s4, s8;
	s6 =	sor.u32 s7, s26;
	s5 =	sadd.s32 s31, s1;
	[tilespmem:$0x1FF80] =	vst v0;
	v0 =	vor.u32 $0x70, v13  }
0x1f: {  	s12 =	sadd.s32 $0xC00, s14;
	s13 =	sadd.s32 $0xE00, s14;
	s3 =	sadd.s32 s0, s6;
	[tilespmem:$0x1FF90] =	vst v0;
	v0 =	vor.u32 $0xF0, v13  }
0x20: {  	v1 =	vmul.u32 $0x20, v13;
	s14 =	sadd.s32 $0x1000, s14;
	s15 =	smax.u32 s15, $0x1;
	s4 =	sadd.s32 $0x1000, s3;
	[tilespmem:$0x1FFA0] =	vst v0;
	v0 =	vor.u32 $0x170, v13  }
0x21: {  	v3 =	vimm.f32 $1.000000000e+00;
	s6 =	sadd.s32 $0x2000, s3;
	s7 =	sadd.s32 $0x3000, s3;
	s8 =	sadd.s32 $0x4000, s3;
	[tilespmem:$0x1FFB0] =	vst v0;
	v0 =	vor.u32 $0x1F0, v13  }
0x22: {  	v5 =	vor.u32 $0x1, v1;
	v7 =	vor.u32 $0x2, v1;
	v9 =	vor.u32 $0x3, v1;
	s9 =	sadd.s32 $0x5000, s3;
	s10 =	sadd.s32 $0x6000, s3;
	s11 =	sadd.s32 $0x7000, s3;
	[tilespmem:$0x1FFC0] =	vst v0  }
.LBB2_1:
0x23: {  	v0 =	vimm.f32 $0.0e+00  }
0x24: {  	[tilespmem:$0x1A000] =	vst v0  }
0x25: {  	[tilespmem:$0x1A200] =	vst v0  }
0x26: {  	[tilespmem:$0x1A400] =	vst v0  }
0x27: {  	[tilespmem:$0x1A010] =	vst v0  }
0x28: {  	[tilespmem:$0x1A210] =	vst v0  }
0x29: {  	[tilespmem:$0x1A410] =	vst v0  }
0x2a: {  	[tilespmem:$0x1A020] =	vst v0  }
0x2b: {  	[tilespmem:$0x1A220] =	vst v0  }
0x2c: {  	[tilespmem:$0x1A420] =	vst v0  }
0x2d: {  	[tilespmem:$0x1A030] =	vst v0  }
0x2e: {  	[tilespmem:$0x1A230] =	vst v0  }
0x2f: {  	[tilespmem:$0x1A430] =	vst v0  }
0x30: {  	[tilespmem:$0x1A040] =	vst v0  }
0x31: {  	[tilespmem:$0x1A240] =	vst v0  }
0x32: {  	[tilespmem:$0x1A440] =	vst v0  }
0x33: {  	[tilespmem:$0x1A050] =	vst v0  }
0x34: {  	[tilespmem:$0x1A250] =	vst v0  }
0x35: {  	[tilespmem:$0x1A450] =	vst v0  }
0x36: {  	[tilespmem:$0x1A060] =	vst v0  }
0x37: {  	[tilespmem:$0x1A260] =	vst v0  }
0x38: {  	[tilespmem:$0x1A460] =	vst v0  }
0x39: {  	[tilespmem:$0x1A070] =	vst v0  }
0x3a: {  	[tilespmem:$0x1A270] =	vst v0  }
0x3b: {  	[tilespmem:$0x1A470] =	vst v0  }
0x3c: {  	[tilespmem:$0x1A080] =	vst v0  }
0x3d: {  	[tilespmem:$0x1A280] =	vst v0  }
0x3e: {  	[tilespmem:$0x1A480] =	vst v0  }
0x3f: {  	[tilespmem:$0x1A090] =	vst v0  }
0x40: {  	[tilespmem:$0x1A290] =	vst v0  }
0x41: {  	[tilespmem:$0x1A490] =	vst v0  }
0x42: {  	[tilespmem:$0x1A0A0] =	vst v0  }
0x43: {  	[tilespmem:$0x1A2A0] =	vst v0  }
0x44: {  	[tilespmem:$0x1A4A0] =	vst v0  }
0x45: {  	[tilespmem:$0x1A0B0] =	vst v0  }
0x46: {  	[tilespmem:$0x1A2B0] =	vst v0  }
0x47: {  	[tilespmem:$0x1A4B0] =	vst v0  }
0x48: {  	[tilespmem:$0x1A0C0] =	vst v0  }
0x49: {  	[tilespmem:$0x1A2C0] =	vst v0  }
0x4a: {  	[tilespmem:$0x1A4C0] =	vst v0  }
0x4b: {  	[tilespmem:$0x1A0D0] =	vst v0  }
0x4c: {  	[tilespmem:$0x1A2D0] =	vst v0  }
0x4d: {  	[tilespmem:$0x1A4D0] =	vst v0  }
0x4e: {  	[tilespmem:$0x1A0E0] =	vst v0  }
0x4f: {  	[tilespmem:$0x1A2E0] =	vst v0  }
0x50: {  	[tilespmem:$0x1A4E0] =	vst v0  }
0x51: {  	[tilespmem:$0x1A0F0] =	vst v0  }
0x52: {  	[tilespmem:$0x1A2F0] =	vst v0  }
0x53: {  	[tilespmem:$0x1A4F0] =	vst v0  }
0x54: {  	[tilespmem:$0x1A100] =	vst v0  }
0x55: {  	[tilespmem:$0x1A300] =	vst v0  }
0x56: {  	[tilespmem:$0x1A500] =	vst v0  }
0x57: {  	[tilespmem:$0x1A110] =	vst v0  }
0x58: {  	[tilespmem:$0x1A310] =	vst v0  }
0x59: {  	[tilespmem:$0x1A510] =	vst v0  }
0x5a: {  	[tilespmem:$0x1A120] =	vst v0  }
0x5b: {  	[tilespmem:$0x1A320] =	vst v0  }
0x5c: {  	[tilespmem:$0x1A520] =	vst v0  }
0x5d: {  	[tilespmem:$0x1A130] =	vst v0  }
0x5e: {  	[tilespmem:$0x1A330] =	vst v0  }
0x5f: {  	[tilespmem:$0x1A530] =	vst v0  }
0x60: {  	[tilespmem:$0x1A140] =	vst v0  }
0x61: {  	[tilespmem:$0x1A340] =	vst v0  }
0x62: {  	[tilespmem:$0x1A540] =	vst v0  }
0x63: {  	[tilespmem:$0x1A150] =	vst v0  }
0x64: {  	[tilespmem:$0x1A350] =	vst v0  }
0x65: {  	[tilespmem:$0x1A550] =	vst v0  }
0x66: {  	[tilespmem:$0x1A160] =	vst v0  }
0x67: {  	[tilespmem:$0x1A360] =	vst v0  }
0x68: {  	[tilespmem:$0x1A560] =	vst v0  }
0x69: {  	[tilespmem:$0x1A170] =	vst v0  }
0x6a: {  	[tilespmem:$0x1A370] =	vst v0  }
0x6b: {  	[tilespmem:$0x1A570] =	vst v0  }
0x6c: {  	[tilespmem:$0x1A180] =	vst v0  }
0x6d: {  	[tilespmem:$0x1A380] =	vst v0  }
0x6e: {  	[tilespmem:$0x1A580] =	vst v0  }
0x6f: {  	[tilespmem:$0x1A190] =	vst v0  }
0x70: {  	[tilespmem:$0x1A390] =	vst v0  }
0x71: {  	[tilespmem:$0x1A590] =	vst v0  }
0x72: {  	[tilespmem:$0x1A1A0] =	vst v0  }
0x73: {  	[tilespmem:$0x1A3A0] =	vst v0  }
0x74: {  	[tilespmem:$0x1A5A0] =	vst v0  }
0x75: {  	[tilespmem:$0x1A1B0] =	vst v0  }
0x76: {  	[tilespmem:$0x1A3B0] =	vst v0  }
0x77: {  	[tilespmem:$0x1A5B0] =	vst v0  }
0x78: {  	[tilespmem:$0x1A1C0] =	vst v0  }
0x79: {  	[tilespmem:$0x1A3C0] =	vst v0  }
0x7a: {  	[tilespmem:$0x1A5C0] =	vst v0  }
0x7b: {  	[tilespmem:$0x1A1D0] =	vst v0  }
0x7c: {  	[tilespmem:$0x1A3D0] =	vst v0  }
0x7d: {  	[tilespmem:$0x1A5D0] =	vst v0  }
0x7e: {  	[tilespmem:$0x1A1E0] =	vst v0  }
0x7f: {  	[tilespmem:$0x1A3E0] =	vst v0  }
0x80: {  	[tilespmem:$0x1A5E0] =	vst v0  }
0x81: {  	[tilespmem:$0x1A1F0] =	vst v0  }
0x82: {  	[tilespmem:$0x1A3F0] =	vst v0  }
0x83: {  	[tilespmem:$0x1A5F0] =	vst v0  }
0x84: {  	[tilespmem:s2], [sflag:$0x1] =	stream.linear.gather [hbm4b:s3+s2], $0x8000, $0x38;
	[tilespmem:$0x1A800] =	vst v63  }
0x85: {  	_ = 	snop  }
0x86: {  	[tilespmem:s16], [sflag:$0x2] =	stream.linear.gather [hbm4b:s4+s2], $0x8000, $0x38;
	[tilespmem:$0x1A800] =	vst v63  }
0x87: {  	s0 =	simm.s32 $0x18000  }
0x88: {  	[tilespmem:s0], [sflag:$0x4] =	stream.linear.gather [hbm4b:s5+s2], $0x2000, $0x38;
	[tilespmem:$0x1A800] =	vst v63  }
0x89: {  	_ =	swait.ge [sflag:s18], $0x2000  }
0x8a: {  	[sflag:s18] =	ssyncset.done $0x0  }
0x8b: {  	s26 =	sand.u32 $0x80, s2;
	s1 =	simm.s32 $0x0;
	[sflag:s18] =	ssyncadd.s32 $0xFFFFE000  }
0x8c: {  	s17 =	sshll.u32 s26, $0x3;
	s1 =	sand.u32 $0x3FFFFF80, s1;
	_ =	swait.ge [sflag:s19], $0x8000  }
0x8d: {  	s1 =	sadd.s32 s1, s17;
	[sflag:s19] =	ssyncset.done $0x0  }
0x8e: {  	s17 =	sadd.s32 $0x18000, s1;
	[sflag:s19] =	ssyncadd.s32 $0xFFFF8000  }
0x8f: {  	[tilespmem:s20], [sflag:$0x3] =	stream.linear.gather [hbm4b:s6+s2], $0x8000, $0x38;
	[tilespmem:$0x1A800] =	vst v63  }
0x90: {  	v40 =	vld [tilespmem:s17+$0x40];
	_ =	sdelay $0x1  }
0x91: {  	v38 =	vld [tilespmem:s1+$0x18000]  }
0x92: {  	v42 =	vld [tilespmem:s17+$0x20]  }
0x93: {  	v41 =	vmov s26;
	v43 =	vld [tilespmem:s17+$0x30]  }
0x94: {  	v41 =	vshrl.u32 v41, $0x7;
	v47 =	vld [tilespmem:s17+$0x50];
	v60 =	vadd.s32 $0xFFFFFFFF, v40  }
0x95: {  	v41 =	vshll.u32 v41, $0xA;
	v40 =	vshll.u32 v60, $0x2  }
0x96: {  	v53 =	vbroadcast v41, $0x0;
	vm8 =	vgt.s32 v40, $0x0  }
0x97: {  	v44 =	vadd.s32 $0xFFFFFFFF, v38;
	v42 =	vadd.s32 $0xFFFFFFFF, v42;
	v10 =	vnsel vm8, $0x0, v40  }
0x98: {  	s28 =	simm.s32 $0x0;
	v48 =	vadd.s32 $0xFFFFFFFF, v43;
	v62 =	vshll.u32 v10, $0x8;
	v46 =	vshll.u32 v10, $0x7  }
0x99: {  	s0 =	sand.u32 $0xFFFFE000, s28;
	v55 =	vadd.s32 $0xFFFFFFFF, v47;
	v43 =	vand.u32 $0xFFFFF800, v62;
	v46 =	vand.u32 $0x200, v46  }
0x9a: {  	vm1 =	vgt.s32 v60, $0xFFFFFFFF;
	v43 =	vadd.s32 s0, v43;
	v46 =	vor.u32 v53, v46  }
0x9b: {  	v45 =	vshll.u32 v42, $0x2;
	v54 =	vadd.s32 v1, v10;
	v21 =	vor.u32 v43, v46  }
0x9c: {  	v39 =	vld [tilespmem:s17+$0x10];
	v38 =	vshll.u32 v44, $0x2;
	vm9 =	vgt.s32 v45, $0x0;
	v32 =	vor.u32 v25, v21  }
0x9d: {  	v51 =	vld [tilespmem:s17+$0x60];
	vm10 =	vgt.s32 v42, $0xFFFFFFFF;
	vm12 =	vgt.s32 v44, $0xFFFFFFFF;
	v8 =	vnsel vm9, $0x0, v45  }
0x9e: {  	v52 =	vld [tilespmem:s17+$0x70];
	vm0 =	vgt.s32 v38, $0x0;
	v33 =	vshll.u32 v8, $0x8;
	v34 =	vshll.u32 v8, $0x7  }
0x9f: {  	v6 =	vnsel vm0, $0x0, v38;
	v41 =	vand.u32 $0xFFFFF800, v33;
	v47 =	vand.u32 $0x200, v34  }
0xa0: {  	v56 =	vadd.s32 v1, v8;
	v41 =	vadd.s32 s0, v41;
	v47 =	vor.u32 v53, v47;
	[tilespmem:v54+s21+$0x0] =	vst.idx.add.f32.msk vm1, v3  }
0xa1: {  	v50 =	vadd.s32 $0xFFFFFFFF, v39;
	v62 =	vadd.s32 v1, v6;
	v22 =	vor.u32 v41, v47;
	v57 =	vld.idx.msk [tilespmem:v32+s2+$0x0], $0xffff  }
0xa2: {  	v51 =	vadd.s32 $0xFFFFFFFF, v51;
	v63 =	vshll.u32 v48, $0x2;
	v58 =	vor.u32 v18, v22  }
0xa3: {  	v52 =	vadd.s32 $0xFFFFFFFF, v52;
	v61 =	vshll.u32 v50, $0x2;
	vm11 =	vgt.s32 v63, $0x0  }
0xa4: {  	v36 =	vshll.u32 v55, $0x2;
	vm4 =	vgt.s32 v48, $0xFFFFFFFF;
	v11 =	vnsel vm11, $0x0, v63  }
0xa5: {  	vm13 =	vgt.s32 v52, $0xFFFFFFFF;
	vm2 =	vgt.s32 v61, $0x0;
	v35 =	vshll.u32 v11, $0x8;
	[tilespmem:v56+s21+$0x0] =	vst.idx.add.f32.msk vm10, v3  }
0xa6: {  	v49 =	vshll.u32 v6, $0x7;
	v59 =	vand.u32 $0xFFFFF800, v35;
	[tilespmem:v62+s21+$0x0] =	vst.idx.add.f32.msk vm12, v3;
	v60 =	vmul.f32 $1.442695020e+00, v57  }
0xa7: {  	v37 =	vshll.u32 v6, $0x8;
	v38 =	vadd.s32 s0, v59;
	v59 =	vadd.s32 v1, v11;
	v58 =	vld.idx.msk [tilespmem:v58+s2+$0x0], $0xffff  }
0xa8: {  	v49 =	vand.u32 $0x200, v49;
	v44 =	vand.u32 $0xFFFFF800, v37;
	v25 =	vld [tilespmem:$0x1FEA0];
	(erf) = vpow2.f32 v60  }
0xa9: {  	v39 =	vshll.u32 v11, $0x7;
	v49 =	vor.u32 v53, v49;
	v44 =	vadd.s32 s0, v44  }
0xaa: {  	v12 =	vnsel vm2, $0x0, v61;
	v61 =	vand.u32 $0x200, v39;
	v48 =	vor.u32 v44, v49  }
0xab: {  	vm5 =	vgt.s32 v51, $0xFFFFFFFF;
	v40 =	vor.u32 v53, v61;
	v41 =	vor.u32 v13, v48  }
0xac: {  	v51 =	vshll.u32 v51, $0x2;
	v49 =	vor.u32 v38, v40;
	[tilespmem:v59+s21+$0x0] =	vst.idx.add.f32.msk vm4, v3;
	v63 =	vmul.f32 $1.442695020e+00, v58  }
0xad: {  	vm15 =	vgt.s32 v50, $0xFFFFFFFF;
	vm14 =	vgt.s32 v51, $0x0;
	v16 =	vld [tilespmem:$0x1FE30];
	v35 =	vor.u32 v25, v49  }
0xae: {  	v33 =	vshll.u32 v12, $0x7;
	v34 =	vshll.u32 v12, $0x8;
	(erf) = vpow2.f32 v63  }
0xaf: {  	v45 =	vand.u32 $0xFFFFF800, v34;
	v32 =	vshll.u32 v52, $0x2;
	v52 =	vand.u32 $0x200, v33  }
0xb0: {  	v45 =	vadd.s32 s0, v45;
	vm6 =	vgt.s32 v32, $0x0;
	v52 =	vor.u32 v53, v52;
	v60 =	vld.idx.msk [tilespmem:v41+s2+$0x0], $0xffff  }
0xb1: {  	v26 =	vld [tilespmem:$0x1FEE0];
	v46 =	vnsel vm6, $0x0, v32;
	v52 =	vor.u32 v45, v52;
	v45 =	vadd.s32 v1, v12;
	v2 =	vpop (erf)  }
0xb2: {  	v39 =	vor.u32 v16, v52;
	v63 =	vnsel vm14, $0x0, v51;
	v43 =	vld.idx.msk [tilespmem:v35+s2+$0x0], $0xffff;
	v57 =	vmul.f32 v2, v57  }
0xb3: {  	v41 =	vshll.u32 v63, $0x8;
	v51 =	vshll.u32 v63, $0x7;
	[tilespmem:v54+s22+$0x0] =	vst.idx.add.f32.msk vm1, v2;
	v2 =	vshll.u32 v46, $0x8  }
0xb4: {  	v50 =	vand.u32 $0xFFFFF800, v41;
	v51 =	vand.u32 $0x200, v51;
	v2 =	vand.u32 $0xFFFFF800, v2;
	[tilespmem:v54+s23+$0x0] =	vst.idx.add.f32.msk vm1, v57  }
0xb5: {  	v51 =	vor.u32 v53, v51;
	v50 =	vadd.s32 s0, v50;
	v42 =	vmul.f32 $1.442695020e+00, v60;
	v32 =	vld [tilespmem:$0x1FF50]  }
0xb6: {  	vm3 =	vgt.s32 v36, $0x0;
	v50 =	vor.u32 v50, v51;
	v51 =	vadd.s32 v1, v46;
	[tilespmem:v45+s21+$0x0] =	vst.idx.add.f32.msk vm15, v3  }
0xb7: {  	(erf) = vpow2.f32 v42;
	v54 =	vadd.s32 v1, v63;
	v33 =	vadd.s32 s0, v2;
	v42 =	vld.idx.msk [tilespmem:v39+s2+$0x0], $0xffff;
	v2 =	vpop (erf)  }
0xb8: {  	v47 =	vnsel vm3, $0x0, v36;
	[tilespmem:v56+s22+$0x0] =	vst.idx.add.f32.msk vm10, v2  }
0xb9: {  	vm7 =	vgt.s32 v55, $0xFFFFFFFF;
	v40 =	vshll.u32 v47, $0x7;
	v19 =	vld [tilespmem:$0x1FE70]  }
0xba: {  	v61 =	vshll.u32 v47, $0x8;
	v40 =	vand.u32 $0x200, v40;
	v44 =	vshll.u32 v46, $0x7;
	v36 =	vld [tilespmem:$0x1FF90]  }
0xbb: {  	v34 =	vand.u32 $0xFFFFF800, v61;
	v40 =	vor.u32 v53, v40;
	v35 =	vand.u32 $0x200, v44;
	[tilespmem:v51+s21+$0x0] =	vst.idx.add.f32.msk vm13, v3  }
0xbc: {  	v41 =	vor.u32 v26, v21;
	v39 =	vadd.s32 s0, v34;
	v2 =	vmul.f32 v2, v58;
	[tilespmem:v54+s21+$0x0] =	vst.idx.add.f32.msk vm5, v3  }
0xbd: {  	v38 =	vor.u32 v53, v35;
	v53 =	vor.u32 v39, v40;
	v39 =	vadd.s32 v1, v47;
	v29 =	vld [tilespmem:$0x1FF10]  }
0xbe: {  	v57 =	vor.u32 v32, v50;
	[tilespmem:v56+s23+$0x0] =	vst.idx.add.f32.msk vm10, v2  }
0xbf: {  	v44 =	vor.u32 v33, v38;
	v33 =	vmul.f32 $1.442695020e+00, v43;
	v14 =	vld [tilespmem:$0x1FE10];
	v35 =	vor.u32 v19, v22  }
0xc0: {  	v38 =	vor.u32 v36, v44  }
0xc1: {  	v41 =	vld.idx.msk [tilespmem:v41+s2+$0x0], $0xffff;
	(erf) = vpow2.f32 v33  }
0xc2: {  	[tilespmem:v39+s21+$0x0] =	vst.idx.add.f32.msk vm7, v3;
	v40 =	vor.u32 v29, v53  }
0xc3: {  	v55 =	vld.idx.msk [tilespmem:v57+s2+$0x0], $0xffff  }
0xc4: {  	v2 =	vmul.f32 $1.442695020e+00, v42;
	v34 =	vor.u32 v14, v48;
	v56 =	vld.idx.msk [tilespmem:v35+s2+$0x0], $0xffff  }
0xc5: {  	v35 =	vpop (erf);
	v38 =	vld.idx.msk [tilespmem:v38+s2+$0x0], $0xffff  }
0xc6: {  	(erf) = vpow2.f32 v2;
	[tilespmem:v62+s22+$0x0] =	vst.idx.add.f32.msk vm12, v35;
	v2 =	vmul.f32 v35, v60  }
0xc7: {  	v40 =	vld.idx.msk [tilespmem:v40+s2+$0x0], $0xffff  }
0xc8: {  	v37 =	vmul.f32 $1.442695020e+00, v41;
	[tilespmem:v62+s23+$0x0] =	vst.idx.add.f32.msk vm12, v2  }
0xc9: {  	v33 =	vmul.f32 $1.442695020e+00, v55;
	v2 =	vld.idx.msk [tilespmem:v34+s2+$0x0], $0xffff  }
0xca: {  	(erf) = vpow2.f32 v37;
	v35 =	vpop (erf);
	v23 =	vld [tilespmem:$0x1FEB0]  }
0xcb: {  	(erf) = vpow2.f32 v33;
	[tilespmem:v59+s22+$0x0] =	vst.idx.add.f32.msk vm4, v35;
	v34 =	vmul.f32 $1.442695020e+00, v56  }
0xcc: {  	v17 =	vld [tilespmem:$0x1FE40];
	_ =	sdelay $0x1  }
0xcd: {  	v43 =	vmul.f32 v35, v43;
	(erf) = vpow2.f32 v34  }
0xce: {  	v37 =	vmul.f32 $1.442695020e+00, v38;
	v57 =	vor.u32 v23, v49;
	v34 =	vpop (erf)  }
0xcf: {  	[tilespmem:v59+s23+$0x0] =	vst.idx.add.f32.msk vm4, v43;
	v42 =	vmul.f32 v34, v42  }
0xd0: {  	v33 =	vmul.f32 $1.442695020e+00, v40;
	(erf) = vpow2.f32 v37;
	v37 =	vor.u32 v17, v52;
	[tilespmem:v45+s22+$0x0] =	vst.idx.add.f32.msk vm15, v34  }
0xd1: {  	v35 =	vmul.f32 $1.442695020e+00, v2;
	[tilespmem:v45+s23+$0x0] =	vst.idx.add.f32.msk vm15, v42  }
0xd2: {  	(erf) = vpow2.f32 v33;
	v43 =	vpop (erf);
	v33 =	vld [tilespmem:$0x1FF60]  }
0xd3: {  	v60 =	vadd.s32 v5, v8;
	(erf) = vpow2.f32 v35;
	v34 =	vpop (erf);
	v42 =	vld.idx.msk [tilespmem:v57+s2+$0x0], $0xffff  }
0xd4: {  	[tilespmem:v54+s22+$0x0] =	vst.idx.add.f32.msk vm5, v34;
	v55 =	vmul.f32 v34, v55  }
0xd5: {  	v57 =	vld.idx.msk [tilespmem:v37+s2+$0x0], $0xffff  }
0xd6: {  	[tilespmem:v54+s23+$0x0] =	vst.idx.add.f32.msk vm5, v55;
	v35 =	vpop (erf)  }
0xd7: {  	v20 =	vld [tilespmem:$0x1FE80];
	v54 =	vmul.f32 v35, v56  }
0xd8: {  	v55 =	vadd.s32 v5, v6;
	[tilespmem:v60+s22+$0x0] =	vst.idx.add.f32.msk vm10, v35  }
0xd9: {  	v61 =	vor.u32 v33, v50;
	[tilespmem:v60+s23+$0x0] =	vst.idx.add.f32.msk vm10, v54  }
0xda: {  	v4 =	vmov v15;
	v37 =	vpop (erf);
	v15 =	vld [tilespmem:$0x1FE20]  }
0xdb: {  	v58 =	vpop (erf);
	[tilespmem:v51+s22+$0x0] =	vst.idx.add.f32.msk vm13, v37  }
0xdc: {  	v38 =	vmul.f32 v37, v38;
	v34 =	vpop (erf);
	v37 =	vld [tilespmem:$0x1FFA0]  }
0xdd: {  	v35 =	vmul.f32 $1.442695020e+00, v42;
	[tilespmem:v55+s22+$0x0] =	vst.idx.add.f32.msk vm12, v34  }
0xde: {  	v45 =	vld.idx.msk [tilespmem:v61+s2+$0x0], $0xffff;
	v61 =	vmul.f32 $1.442695020e+00, v57  }
0xdf: {  	(erf) = vpow2.f32 v35;
	[tilespmem:v51+s23+$0x0] =	vst.idx.add.f32.msk vm13, v38;
	v59 =	vor.u32 v20, v22  }
0xe0: {  	v2 =	vmul.f32 v34, v2;
	v30 =	vld [tilespmem:$0x1FF20];
	(erf) = vpow2.f32 v61  }
0xe1: {  	v40 =	vmul.f32 v58, v40;
	v51 =	vadd.s32 v5, v10;
	[tilespmem:v39+s22+$0x0] =	vst.idx.add.f32.msk vm7, v58  }
0xe2: {  	[tilespmem:v55+s23+$0x0] =	vst.idx.add.f32.msk vm12, v2;
	v60 =	vor.u32 v15, v48  }
0xe3: {  	[tilespmem:v39+s23+$0x0] =	vst.idx.add.f32.msk vm7, v40;
	v35 =	vor.u32 v37, v44  }
0xe4: {  	v56 =	vld.idx.msk [tilespmem:v59+s2+$0x0], $0xffff  }
0xe5: {  	v55 =	vadd.s32 v5, v12;
	v27 =	vld [tilespmem:$0x1FEF0]  }
0xe6: {  	[tilespmem:v51+s22+$0x0] =	vst.idx.add.f32.msk vm1, v43  }
0xe7: {  	v39 =	vmul.f32 v43, v41;
	v2 =	vld.idx.msk [tilespmem:v60+s2+$0x0], $0xffff  }
0xe8: {  	v61 =	vor.u32 v30, v53;
	v62 =	vmul.f32 $1.442695020e+00, v45;
	v41 =	vpop (erf);
	v54 =	vld.idx.msk [tilespmem:v35+s2+$0x0], $0xffff  }
0xe9: {  	[tilespmem:v51+s23+$0x0] =	vst.idx.add.f32.msk vm1, v39;
	v34 =	vmul.f32 $1.442695020e+00, v56;
	v59 =	vpop (erf)  }
0xea: {  	v40 =	vor.u32 v27, v21;
	(erf) = vpow2.f32 v62;
	[tilespmem:v55+s22+$0x0] =	vst.idx.add.f32.msk vm15, v59  }
0xeb: {  	v43 =	vadd.s32 v5, v11;
	(erf) = vpow2.f32 v34;
	v0 =	vld [tilespmem:$0x1FE50]  }
0xec: {  	v35 =	vmul.f32 $1.442695020e+00, v2  }
0xed: {  	v38 =	vld.idx.msk [tilespmem:v61+s2+$0x0], $0xffff;
	v34 =	vmul.f32 $1.442695020e+00, v54  }
0xee: {  	(erf) = vpow2.f32 v35  }
0xef: {  	v40 =	vld.idx.msk [tilespmem:v40+s2+$0x0], $0xffff;
	v35 =	vmul.f32 v59, v57;
	v57 =	vadd.s32 v5, v63;
	(erf) = vpow2.f32 v34  }
0xf0: {  	v42 =	vmul.f32 v41, v42;
	[tilespmem:v43+s22+$0x0] =	vst.idx.add.f32.msk vm4, v41;
	v61 =	vor.u32 v0, v52  }
0xf1: {  	[tilespmem:v55+s23+$0x0] =	vst.idx.add.f32.msk vm15, v35;
	v55 =	vadd.s32 v7, v8  }
0xf2: {  	v62 =	vmul.f32 $1.442695020e+00, v38;
	[tilespmem:v43+s23+$0x0] =	vst.idx.add.f32.msk vm4, v42  }
0xf3: {  	v34 =	vpop (erf);
	v24 =	vld [tilespmem:$0x1FEC0]  }
0xf4: {  	(erf) = vpow2.f32 v62;
	[tilespmem:v57+s22+$0x0] =	vst.idx.add.f32.msk vm5, v34;
	v35 =	vpop (erf)  }
0xf5: {  	v60 =	vmul.f32 v35, v56;
	v43 =	vld.idx.msk [tilespmem:v61+s2+$0x0], $0xffff;
	v61 =	vadd.s32 v5, v46  }
0xf6: {  	[tilespmem:v55+s22+$0x0] =	vst.idx.add.f32.msk vm10, v35  }
0xf7: {  	v39 =	vmul.f32 v34, v45;
	[tilespmem:v55+s23+$0x0] =	vst.idx.add.f32.msk vm10, v60;
	v51 =	vpop (erf)  }
0xf8: {  	v34 =	vld [tilespmem:$0x1FF70];
	v59 =	vpop (erf)  }
0xf9: {  	v62 =	vmul.f32 $1.442695020e+00, v40;
	[tilespmem:v57+s23+$0x0] =	vst.idx.add.f32.msk vm5, v39;
	v54 =	vmul.f32 v59, v54  }
0xfa: {  	v58 =	vadd.s32 v5, v47;
	[tilespmem:v61+s22+$0x0] =	vst.idx.add.f32.msk vm13, v59  }
0xfb: {  	[tilespmem:v61+s23+$0x0] =	vst.idx.add.f32.msk vm13, v54  }
0xfc: {  	v0 =	vld [tilespmem:$0x1FFB0]  }
0xfd: {  	(erf) = vpow2.f32 v62;
	v62 =	vpop (erf)  }
0xfe: {  	v38 =	vmul.f32 v62, v38;
	v35 =	vor.u32 v34, v50  }
0xff: {  	v42 =	vadd.s32 v7, v6;
	[tilespmem:v58+s22+$0x0] =	vst.idx.add.f32.msk vm7, v62  }
0x100: {  	[tilespmem:v58+s23+$0x0] =	vst.idx.add.f32.msk vm7, v38  }
0x101: {  	v61 =	vor.u32 v0, v44;
	v0 =	vld [tilespmem:$0x1FF30];
	_ =	sdelay $0x1  }
0x102: {  	v41 =	vor.u32 v24, v49;
	v2 =	vmul.f32 v51, v2;
	v45 =	vld.idx.msk [tilespmem:v35+s2+$0x0], $0xffff  }
0x103: {  	[tilespmem:v42+s22+$0x0] =	vst.idx.add.f32.msk vm12, v51  }
0x104: {  	v35 =	vadd.s32 v7, v10;
	[tilespmem:v42+s23+$0x0] =	vst.idx.add.f32.msk vm12, v2  }
0x105: {  	v60 =	vmul.f32 $1.442695020e+00, v43;
	v59 =	vor.u32 v0, v53;
	v0 =	vld [tilespmem:$0x1FE90];
	_ =	sdelay $0x1  }
0x106: {  	v41 =	vld.idx.msk [tilespmem:v41+s2+$0x0], $0xffff;
	(erf) = vpow2.f32 v60  }
0x107: {  	v2 =	vpop (erf);
	v51 =	vld.idx.msk [tilespmem:v61+s2+$0x0], $0xffff  }
0x108: {  	[tilespmem:v35+s22+$0x0] =	vst.idx.add.f32.msk vm1, v2  }
0x109: {  	v61 =	vor.u32 v0, v22;
	v0 =	vld [tilespmem:$0x1FF00];
	_ =	sdelay $0x2  }
0x10a: {  	v60 =	vadd.s32 v7, v12  }
0x10b: {  	v58 =	vmul.f32 $1.442695020e+00, v41;
	v40 =	vmul.f32 v2, v40  }
0x10c: {  	v2 =	vor.u32 v0, v21;
	v0 =	vld [tilespmem:$0x1FE60]  }
0x10d: {  	(erf) = vpow2.f32 v58;
	[tilespmem:v35+s23+$0x0] =	vst.idx.add.f32.msk vm1, v40;
	v35 =	vpop (erf)  }
0x10e: {  	v39 =	vld.idx.msk [tilespmem:v59+s2+$0x0], $0xffff;
	v40 =	vmul.f32 v35, v43  }
0x10f: {  	[tilespmem:v60+s22+$0x0] =	vst.idx.add.f32.msk vm15, v35  }
0x110: {  	v62 =	vmul.f32 $1.442695020e+00, v45;
	v59 =	vor.u32 v4, v48;
	[tilespmem:v60+s23+$0x0] =	vst.idx.add.f32.msk vm15, v40  }
0x111: {  	v52 =	vor.u32 v0, v52;
	v0 =	vld [tilespmem:$0x1FED0]  }
0x112: {  	(erf) = vpow2.f32 v62  }
0x113: {  	v54 =	vadd.s32 v7, v11;
	v58 =	vmul.f32 $1.442695020e+00, v51  }
0x114: {  	v42 =	vld.idx.msk [tilespmem:v61+s2+$0x0], $0xffff  }
0x115: {  	(erf) = vpow2.f32 v58;
	v40 =	vld.idx.msk [tilespmem:v59+s2+$0x0], $0xffff  }
0x116: {  	v62 =	vpop (erf);
	v2 =	vld.idx.msk [tilespmem:v2+s2+$0x0], $0xffff;
	v60 =	vor.u32 v0, v49  }
0x117: {  	v41 =	vmul.f32 v62, v41;
	v48 =	vld.idx.msk [tilespmem:v52+s2+$0x0], $0xffff;
	v52 =	vadd.s32 v7, v63  }
0x118: {  	v61 =	vmul.f32 $1.442695020e+00, v39;
	[tilespmem:v54+s22+$0x0] =	vst.idx.add.f32.msk vm4, v62  }
0x119: {  	[tilespmem:v54+s23+$0x0] =	vst.idx.add.f32.msk vm4, v41  }
0x11a: {  	(erf) = vpow2.f32 v61;
	v61 =	vadd.s32 v7, v46;
	v0 =	vld [tilespmem:$0x1FF80]  }
0x11b: {  	v58 =	vpop (erf);
	v38 =	vld.idx.msk [tilespmem:v60+s2+$0x0], $0xffff  }
0x11c: {  	v45 =	vmul.f32 v58, v45;
	[tilespmem:v52+s22+$0x0] =	vst.idx.add.f32.msk vm5, v58  }
0x11d: {  	v18 =	vld [tilespmem:$0x1FFC0]  }
0x11e: {  	[tilespmem:v52+s23+$0x0] =	vst.idx.add.f32.msk vm5, v45;
	v52 =	vpop (erf)  }
0x11f: {  	v35 =	vmul.f32 $1.442695020e+00, v42;
	[tilespmem:v61+s22+$0x0] =	vst.idx.add.f32.msk vm13, v52  }
0x120: {  	v59 =	vor.u32 v0, v50;
	v60 =	vmul.f32 $1.442695020e+00, v2;
	v0 =	vld [tilespmem:$0x1FF40]  }
0x121: {  	(erf) = vpow2.f32 v35;
	v62 =	vmul.f32 $1.442695020e+00, v48  }
0x122: {  	v55 =	vadd.s32 v7, v47;
	(erf) = vpow2.f32 v60;
	v58 =	vmul.f32 v52, v51  }
0x123: {  	v56 =	vmul.f32 $1.442695020e+00, v40;
	(erf) = vpow2.f32 v62;
	v35 =	vor.u32 v18, v44  }
0x124: {  	[tilespmem:v61+s23+$0x0] =	vst.idx.add.f32.msk vm13, v58  }
0x125: {  	(erf) = vpow2.f32 v56;
	v61 =	vpop (erf);
	v49 =	vld.idx.msk [tilespmem:v59+s2+$0x0], $0xffff;
	v60 =	vor.u32 v0, v53  }
0x126: {  	v59 =	vmul.f32 $1.442695020e+00, v38;
	v39 =	vmul.f32 v61, v39  }
0x127: {  	[tilespmem:v55+s22+$0x0] =	vst.idx.add.f32.msk vm7, v61  }
0x128: {  	(erf) = vpow2.f32 v59;
	v41 =	vld.idx.msk [tilespmem:v35+s2+$0x0], $0xffff  }
0x129: {  	v62 =	vadd.s32 v9, v12;
	[tilespmem:v55+s23+$0x0] =	vst.idx.add.f32.msk vm7, v39  }
0x12a: {  	v39 =	vpop (erf);
	v35 =	vmul.f32 $1.442695020e+00, v49;
	v45 =	vld.idx.msk [tilespmem:v60+s2+$0x0], $0xffff  }
0x12b: {  	v50 =	vadd.s32 v9, v10;
	v56 =	vpop (erf)  }
0x12c: {  	v58 =	vpop (erf);
	(erf) = vpow2.f32 v35  }
0x12d: {  	v61 =	vadd.s32 v9, v6;
	v48 =	vmul.f32 v58, v48;
	v60 =	vmul.f32 $1.442695020e+00, v41  }
0x12e: {  	v59 =	vadd.s32 v9, v11;
	v2 =	vmul.f32 v56, v2;
	[tilespmem:v62+s22+$0x0] =	vst.idx.add.f32.msk vm15, v58  }
0x12f: {  	[tilespmem:v62+s23+$0x0] =	vst.idx.add.f32.msk vm15, v48;
	v62 =	vpop (erf);
	(erf) = vpow2.f32 v60;
	v35 =	vmul.f32 $1.442695020e+00, v45  }
0x130: {  	[tilespmem:v50+s22+$0x0] =	vst.idx.add.f32.msk vm1, v56  }
0x131: {  	[tilespmem:v50+s23+$0x0] =	vst.idx.add.f32.msk vm1, v2;
	v2 =	vadd.s32 v9, v8;
	v54 =	vpop (erf);
	(erf) = vpow2.f32 v35  }
0x132: {  	v55 =	vmul.f32 v62, v40;
	[tilespmem:v61+s22+$0x0] =	vst.idx.add.f32.msk vm12, v62  }
0x133: {  	v56 =	vadd.s32 v9, v63;
	v38 =	vmul.f32 v54, v38;
	[tilespmem:v59+s22+$0x0] =	vst.idx.add.f32.msk vm4, v54  }
0x134: {  	[tilespmem:v61+s23+$0x0] =	vst.idx.add.f32.msk vm12, v55  }
0x135: {  	v58 =	vmul.f32 v39, v42;
	[tilespmem:v59+s23+$0x0] =	vst.idx.add.f32.msk vm4, v38;
	v59 =	vadd.s32 v9, v46  }
0x136: {  	[tilespmem:v2+s22+$0x0] =	vst.idx.add.f32.msk vm10, v39;
	v60 =	vpop (erf)  }
0x137: {  	v61 =	vadd.s32 v9, v47;
	[tilespmem:v2+s23+$0x0] =	vst.idx.add.f32.msk vm10, v58;
	v2 =	vmul.f32 v60, v49  }
0x138: {  	[tilespmem:v56+s22+$0x0] =	vst.idx.add.f32.msk vm5, v60;
	v62 =	vpop (erf)  }
0x139: {  	[tilespmem:v56+s23+$0x0] =	vst.idx.add.f32.msk vm5, v2;
	v2 =	vmul.f32 v62, v41  }
0x13a: {  	[tilespmem:v59+s22+$0x0] =	vst.idx.add.f32.msk vm13, v62;
	v63 =	vpop (erf)  }
0x13b: {  	[tilespmem:v59+s23+$0x0] =	vst.idx.add.f32.msk vm13, v2;
	v2 =	vmul.f32 v63, v45  }
0x13c: {  	[tilespmem:v61+s22+$0x0] =	vst.idx.add.f32.msk vm7, v63  }
0x13d: {  	s31 =	simm.s32 $0x0;
	s0 =	simm.s32 $0x0;
	v57 =	vmov v4;
	[tilespmem:v61+s23+$0x0] =	vst.idx.add.f32.msk vm7, v2  }
.LBB2_2:
0x13e: {  	s0 =	sadd.s32 $0x8, s0;
	s31 =	sadd.s32 $0x80, s31  }
0x13f: {  	s1 =	sand.u32 $0x80, s31;
	s17 =	sshll.u32 s0, $0x3  }
0x140: {  	s28 =	sshll.u32 s1, $0x3;
	s17 =	sand.u32 $0x3FFFFF80, s17  }
0x141: {  	s28 =	sadd.s32 s17, s28  }
0x142: {  	s17 =	sadd.s32 $0x18000, s28;
	v38 =	vld [tilespmem:s28+$0x18000]  }
0x143: {  	v39 =	vld [tilespmem:s17+$0x10]  }
0x144: {  	v40 =	vld [tilespmem:s17+$0x20]  }
0x145: {  	v2 =	vmov s1;
	v41 =	vld [tilespmem:s17+$0x30]  }
0x146: {  	v2 =	vshrl.u32 v2, $0x7;
	v42 =	vld [tilespmem:s17+$0x40]  }
0x147: {  	v2 =	vshll.u32 v2, $0xA;
	v45 =	vld [tilespmem:s17+$0x50]  }
0x148: {  	v50 =	vbroadcast v2, $0x0;
	v2 =	vld [tilespmem:s17+$0x60];
	_ =	sdelay $0x1  }
0x149: {  	v44 =	vadd.s32 $0xFFFFFFFF, v38  }
0x14a: {  	v38 =	vshll.u32 v44, $0x2;
	v51 =	vadd.s32 $0xFFFFFFFF, v39  }
0x14b: {  	v40 =	vadd.s32 $0xFFFFFFFF, v40;
	v47 =	vadd.s32 $0xFFFFFFFF, v41;
	v58 =	vadd.s32 $0xFFFFFFFF, v42  }
0x14c: {  	v2 =	vadd.s32 $0xFFFFFFFF, v2;
	v55 =	vadd.s32 $0xFFFFFFFF, v45;
	vm12 =	vgt.s32 v44, $0xFFFFFFFF  }
0x14d: {  	vm0 =	vgt.s32 v38, $0x0;
	v39 =	vshll.u32 v51, $0x2;
	v43 =	vshll.u32 v40, $0x2  }
0x14e: {  	v42 =	vshll.u32 v58, $0x2;
	vm9 =	vgt.s32 v40, $0xFFFFFFFF;
	v49 =	vshll.u32 v47, $0x2  }
0x14f: {  	vm10 =	vgt.s32 v58, $0xFFFFFFFF;
	v53 =	vshll.u32 v55, $0x2;
	vm4 =	vgt.s32 v47, $0xFFFFFFFF  }
0x150: {  	vm5 =	vgt.s32 v2, $0xFFFFFFFF;
	v2 =	vshll.u32 v2, $0x2;
	vm2 =	vgt.s32 v42, $0x0  }
0x151: {  	v0 =	vld [tilespmem:$0x1FFF0];
	vm15 =	vgt.s32 v51, $0xFFFFFFFF;
	vm7 =	vgt.s32 v55, $0xFFFFFFFF;
	v42 =	vnsel vm2, $0x0, v42  }
0x152: {  	s26 =	sshll.u32 s0, $0x9;
	vm1 =	vgt.s32 v39, $0x0;
	v59 =	vshll.u32 v42, $0x8;
	v60 =	vshll.u32 v42, $0x7  }
0x153: {  	s28 =	sand.u32 $0xFFFFE000, s26;
	v40 =	vnsel vm1, $0x0, v39;
	v39 =	vand.u32 $0xFFFFF800, v59;
	v41 =	vand.u32 $0x200, v60  }
0x154: {  	v38 =	vnsel vm0, $0x0, v38;
	v39 =	vadd.s32 s28, v39;
	v41 =	vor.u32 v50, v41  }
0x155: {  	v22 =	vmovc v57;
	vm8 =	vgt.s32 v43, $0x0;
	v57 =	vadd.s32 v1, v42;
	v46 =	vor.u32 v39, v41  }
0x156: {  	v58 =	vld [tilespmem:s17+$0x70];
	vm11 =	vgt.s32 v49, $0x0;
	vm3 =	vgt.s32 v53, $0x0;
	v63 =	vor.u32 v0, v46  }
0x157: {  	vm14 =	vgt.s32 v2, $0x0;
	v48 =	vshll.u32 v38, $0x7;
	v43 =	vnsel vm8, $0x0, v43;
	v0 =	vld [tilespmem:$0x1FFE0]  }
0x158: {  	v61 =	vshll.u32 v43, $0x8;
	v48 =	vand.u32 $0x200, v48;
	v35 =	vshll.u32 v43, $0x7  }
0x159: {  	v56 =	vadd.s32 v1, v43;
	v62 =	vand.u32 $0xFFFFF800, v61;
	v60 =	vand.u32 $0x200, v35  }
0x15a: {  	v52 =	vor.u32 v50, v48;
	v48 =	vor.u32 v50, v60;
	v39 =	vadd.s32 s28, v62;
	[tilespmem:v57+s21+$0x0] =	vst.idx.add.f32.msk vm10, v3  }
0x15b: {  	v11 =	vadd.s32 v1, v40;
	v58 =	vadd.s32 $0xFFFFFFFF, v58;
	v48 =	vor.u32 v39, v48;
	v59 =	vld.idx.msk [tilespmem:v63+s2+$0x0], $0xffff  }
0x15c: {  	v60 =	vadd.s32 v1, v38;
	v62 =	vshll.u32 v38, $0x8;
	v44 =	vor.u32 v0, v48  }
0x15d: {  	v41 =	vnsel vm11, $0x0, v49;
	vm13 =	vgt.s32 v58, $0xFFFFFFFF;
	v45 =	vand.u32 $0xFFFFF800, v62  }
0x15e: {  	v61 =	vshll.u32 v41, $0x8;
	v45 =	vadd.s32 s28, v45;
	v63 =	vshll.u32 v41, $0x7  }
0x15f: {  	v39 =	vnsel vm3, $0x0, v53;
	v47 =	vor.u32 v45, v52;
	v35 =	vand.u32 $0x200, v63  }
0x160: {  	[tilespmem:v56+s21+$0x0] =	vst.idx.add.f32.msk vm9, v3;
	v52 =	vor.u32 v13, v47;
	v45 =	vor.u32 v50, v35;
	v35 =	vmul.f32 $1.442695020e+00, v59  }
0x161: {  	v54 =	vadd.s32 v1, v41;
	v12 =	vor.u32 v26, v46;
	v49 =	vand.u32 $0xFFFFF800, v61;
	v61 =	vld.idx.msk [tilespmem:v44+s2+$0x0], $0xffff  }
0x162: {  	v62 =	vshll.u32 v39, $0x7;
	v49 =	vadd.s32 s28, v49;
	(erf) = vpow2.f32 v35  }
0x163: {  	v55 =	vadd.s32 v1, v39;
	v49 =	vor.u32 v49, v45;
	v45 =	vshll.u32 v40, $0x8  }
0x164: {  	v21 =	vand.u32 $0x200, v62;
	[tilespmem:v60+s21+$0x0] =	vst.idx.add.f32.msk vm12, v3;
	v6 =	vand.u32 $0xFFFFF800, v45;
	v8 =	vor.u32 v25, v49  }
0x165: {  	v4 =	vld.idx.msk [tilespmem:v52+s2+$0x0], $0xffff;
	v45 =	vnsel vm14, $0x0, v2;
	v44 =	vshll.u32 v58, $0x2;
	v35 =	vshll.u32 v40, $0x7  }
0x166: {  	v58 =	vshll.u32 v39, $0x8;
	v53 =	vand.u32 $0x200, v35;
	v35 =	vmul.f32 $1.442695020e+00, v61  }
0x167: {  	v2 =	vadd.s32 s28, v6;
	v6 =	vshll.u32 v45, $0x8;
	vm6 =	vgt.s32 v44, $0x0  }
0x168: {  	v44 =	vnsel vm6, $0x0, v44;
	v52 =	vor.u32 v50, v53;
	(erf) = vpow2.f32 v35  }
0x169: {  	v31 =	vld [tilespmem:$0x1FF30];
	v63 =	vshll.u32 v44, $0x8;
	v0 =	vshll.u32 v44, $0x7;
	v53 =	vor.u32 v2, v52  }
0x16a: {  	[tilespmem:v54+s21+$0x0] =	vst.idx.add.f32.msk vm4, v3;
	v51 =	vmul.f32 $1.442695020e+00, v4;
	v63 =	vand.u32 $0xFFFFF800, v63;
	v10 =	vor.u32 v16, v53  }
0x16b: {  	v8 =	vld.idx.msk [tilespmem:v8+s2+$0x0], $0xffff;
	v0 =	vand.u32 $0x200, v0;
	v2 =	vand.u32 $0xFFFFF800, v6;
	v6 =	vshll.u32 v45, $0x7;
	v35 =	vpop (erf)  }
0x16c: {  	[tilespmem:v11+s21+$0x0] =	vst.idx.add.f32.msk vm15, v3;
	v0 =	vor.u32 v50, v0;
	v6 =	vand.u32 $0x200, v6;
	v59 =	vmul.f32 v35, v59  }
0x16d: {  	v2 =	vadd.s32 s28, v2;
	v6 =	vor.u32 v50, v6;
	(erf) = vpow2.f32 v51;
	[tilespmem:v57+s22+$0x0] =	vst.idx.add.f32.msk vm10, v35  }
0x16e: {  	v52 =	vor.u32 v2, v6;
	v2 =	vadd.s32 s28, v63;
	[tilespmem:v57+s23+$0x0] =	vst.idx.add.f32.msk vm10, v59;
	v59 =	vadd.s32 v1, v45  }
0x16f: {  	v6 =	vor.u32 v32, v52;
	v51 =	vor.u32 v2, v0;
	v0 =	vand.u32 $0xFFFFF800, v58;
	v10 =	vld.idx.msk [tilespmem:v10+s2+$0x0], $0xffff  }
0x170: {  	[tilespmem:v55+s21+$0x0] =	vst.idx.add.f32.msk vm7, v3;
	v50 =	vor.u32 v50, v21;
	v0 =	vadd.s32 s28, v0;
	v35 =	vmul.f32 $1.442695020e+00, v8  }
0x171: {  	v50 =	vor.u32 v0, v50;
	v0 =	vor.u32 v19, v48;
	v12 =	vld.idx.msk [tilespmem:v12+s2+$0x0], $0xffff;
	v57 =	vpop (erf)  }
0x172: {  	v2 =	vadd.s32 v1, v44;
	(erf) = vpow2.f32 v35;
	[tilespmem:v56+s22+$0x0] =	vst.idx.add.f32.msk vm9, v57  }
0x173: {  	v58 =	vor.u32 v36, v51;
	v61 =	vmul.f32 v57, v61;
	[tilespmem:v59+s21+$0x0] =	vst.idx.add.f32.msk vm5, v3  }
0x174: {  	v63 =	vmul.f32 $1.442695020e+00, v10;
	v6 =	vld.idx.msk [tilespmem:v6+s2+$0x0], $0xffff  }
0x175: {  	v57 =	vor.u32 v29, v50;
	[tilespmem:v56+s23+$0x0] =	vst.idx.add.f32.msk vm9, v61  }
0x176: {  	v56 =	vpop (erf);
	v0 =	vld.idx.msk [tilespmem:v0+s2+$0x0], $0xffff;
	v35 =	vmul.f32 $1.442695020e+00, v12;
	(erf) = vpow2.f32 v63  }
0x177: {  	[tilespmem:v2+s21+$0x0] =	vst.idx.add.f32.msk vm13, v3;
	v4 =	vmul.f32 v56, v4  }
0x178: {  	v62 =	vor.u32 v14, v47;
	v58 =	vld.idx.msk [tilespmem:v58+s2+$0x0], $0xffff;
	(erf) = vpow2.f32 v35  }
0x179: {  	[tilespmem:v60+s22+$0x0] =	vst.idx.add.f32.msk vm12, v56;
	v63 =	vmul.f32 $1.442695020e+00, v6  }
0x17a: {  	v57 =	vld.idx.msk [tilespmem:v57+s2+$0x0], $0xffff  }
0x17b: {  	[tilespmem:v60+s23+$0x0] =	vst.idx.add.f32.msk vm12, v4;
	v4 =	vpop (erf);
	v60 =	vmul.f32 $1.442695020e+00, v0;
	(erf) = vpow2.f32 v63  }
0x17c: {  	v8 =	vmul.f32 v4, v8;
	[tilespmem:v54+s22+$0x0] =	vst.idx.add.f32.msk vm4, v4;
	v4 =	vor.u32 v23, v49  }
0x17d: {  	v61 =	vadd.s32 v5, v42;
	v35 =	vmul.f32 $1.442695020e+00, v58;
	v56 =	vld.idx.msk [tilespmem:v62+s2+$0x0], $0xffff;
	(erf) = vpow2.f32 v60  }
0x17e: {  	v28 =	vld [tilespmem:$0x1FF00]  }
0x17f: {  	[tilespmem:v54+s23+$0x0] =	vst.idx.add.f32.msk vm4, v8;
	(erf) = vpow2.f32 v35;
	v63 =	vpop (erf)  }
0x180: {  	[tilespmem:v11+s22+$0x0] =	vst.idx.add.f32.msk vm15, v63  }
0x181: {  	v60 =	vor.u32 v17, v53;
	v8 =	vmul.f32 $1.442695020e+00, v57;
	v10 =	vmul.f32 v63, v10;
	v62 =	vpop (erf);
	v4 =	vld.idx.msk [tilespmem:v4+s2+$0x0], $0xffff  }
0x182: {  	v54 =	vadd.s32 v5, v43;
	v35 =	vmul.f32 $1.442695020e+00, v56;
	[tilespmem:v61+s22+$0x0] =	vst.idx.add.f32.msk vm10, v62  }
0x183: {  	(erf) = vpow2.f32 v8;
	[tilespmem:v11+s23+$0x0] =	vst.idx.add.f32.msk vm15, v10  }
0x184: {  	v8 =	vmul.f32 v62, v12;
	(erf) = vpow2.f32 v35;
	v62 =	vld [tilespmem:$0x1FE50];
	v11 =	vpop (erf)  }
0x185: {  	v10 =	vor.u32 v33, v52;
	[tilespmem:v59+s22+$0x0] =	vst.idx.add.f32.msk vm5, v11  }
0x186: {  	v21 =	vmul.f32 v11, v6;
	v11 =	vld.idx.msk [tilespmem:v60+s2+$0x0], $0xffff;
	v6 =	vpop (erf)  }
0x187: {  	v12 =	vor.u32 v20, v48;
	[tilespmem:v54+s22+$0x0] =	vst.idx.add.f32.msk vm9, v6  }
0x188: {  	v0 =	vmul.f32 v6, v0;
	v6 =	vpop (erf);
	[tilespmem:v59+s23+$0x0] =	vst.idx.add.f32.msk vm5, v21  }
0x189: {  	[tilespmem:v2+s22+$0x0] =	vst.idx.add.f32.msk vm13, v6  }
0x18a: {  	v59 =	vadd.s32 v5, v38;
	v10 =	vld.idx.msk [tilespmem:v10+s2+$0x0], $0xffff  }
0x18b: {  	[tilespmem:v54+s23+$0x0] =	vst.idx.add.f32.msk vm9, v0;
	v0 =	vmul.f32 $1.442695020e+00, v4  }
0x18c: {  	v60 =	vor.u32 v15, v47;
	v58 =	vmul.f32 v6, v58;
	v54 =	vpop (erf);
	v12 =	vld.idx.msk [tilespmem:v12+s2+$0x0], $0xffff;
	v35 =	vmul.f32 $1.442695020e+00, v11  }
0x18d: {  	[tilespmem:v55+s22+$0x0] =	vst.idx.add.f32.msk vm7, v54;
	(erf) = vpow2.f32 v0;
	v0 =	vmul.f32 v54, v57;
	v57 =	vpop (erf)  }
0x18e: {  	v6 =	vor.u32 v37, v51;
	[tilespmem:v2+s23+$0x0] =	vst.idx.add.f32.msk vm13, v58;
	v54 =	vmul.f32 v57, v56  }
0x18f: {  	[tilespmem:v59+s22+$0x0] =	vst.idx.add.f32.msk vm12, v57;
	(erf) = vpow2.f32 v35  }
0x190: {  	v56 =	vor.u32 v30, v50;
	[tilespmem:v59+s23+$0x0] =	vst.idx.add.f32.msk vm12, v54  }
0x191: {  	v35 =	vor.u32 v27, v46;
	v57 =	vmul.f32 $1.442695020e+00, v10;
	v2 =	vld.idx.msk [tilespmem:v60+s2+$0x0], $0xffff  }
0x192: {  	[tilespmem:v61+s23+$0x0] =	vst.idx.add.f32.msk vm10, v8;
	v54 =	vadd.s32 v5, v41  }
0x193: {  	v6 =	vld.idx.msk [tilespmem:v6+s2+$0x0], $0xffff;
	v63 =	vmul.f32 $1.442695020e+00, v12;
	(erf) = vpow2.f32 v57  }
0x194: {  	[tilespmem:v55+s23+$0x0] =	vst.idx.add.f32.msk vm7, v0;
	v57 =	vadd.s32 v5, v40  }
0x195: {  	(erf) = vpow2.f32 v63;
	v0 =	vld.idx.msk [tilespmem:v56+s2+$0x0], $0xffff  }
0x196: {  	v55 =	vor.u32 v24, v49;
	v56 =	vld.idx.msk [tilespmem:v35+s2+$0x0], $0xffff;
	v8 =	vpop (erf);
	v21 =	vmul.f32 $1.442695020e+00, v2  }
0x197: {  	[tilespmem:v54+s22+$0x0] =	vst.idx.add.f32.msk vm4, v8  }
0x198: {  	v60 =	vadd.s32 v5, v45;
	v4 =	vmul.f32 v8, v4;
	v58 =	vpop (erf);
	(erf) = vpow2.f32 v21;
	v21 =	vld [tilespmem:$0x1FE90]  }
0x199: {  	v59 =	vor.u32 v62, v53;
	[tilespmem:v57+s22+$0x0] =	vst.idx.add.f32.msk vm15, v58  }
0x19a: {  	v11 =	vmul.f32 v58, v11;
	[tilespmem:v54+s23+$0x0] =	vst.idx.add.f32.msk vm4, v4  }
0x19b: {  	v61 =	vmul.f32 $1.442695020e+00, v6;
	v4 =	vld.idx.msk [tilespmem:v55+s2+$0x0], $0xffff  }
0x19c: {  	v8 =	vmul.f32 $1.442695020e+00, v0;
	v54 =	vor.u32 v34, v52;
	v35 =	vpop (erf);
	[tilespmem:v57+s23+$0x0] =	vst.idx.add.f32.msk vm15, v11  }
0x19d: {  	(erf) = vpow2.f32 v61;
	v11 =	vadd.s32 v7, v43;
	v10 =	vmul.f32 v35, v10;
	[tilespmem:v60+s22+$0x0] =	vst.idx.add.f32.msk vm5, v35  }
0x19e: {  	v35 =	vpop (erf);
	(erf) = vpow2.f32 v8;
	v8 =	vld.idx.msk [tilespmem:v59+s2+$0x0], $0xffff  }
0x19f: {  	[tilespmem:v60+s23+$0x0] =	vst.idx.add.f32.msk vm5, v10  }
0x1a0: {  	v59 =	vadd.s32 v7, v38;
	v60 =	vld [tilespmem:$0x1FFB0]  }
0x1a1: {  	v63 =	vmul.f32 $1.442695020e+00, v56;
	v12 =	vmul.f32 v35, v12;
	v54 =	vld.idx.msk [tilespmem:v54+s2+$0x0], $0xffff  }
0x1a2: {  	[tilespmem:v11+s22+$0x0] =	vst.idx.add.f32.msk vm9, v35  }
0x1a3: {  	(erf) = vpow2.f32 v63;
	[tilespmem:v11+s23+$0x0] =	vst.idx.add.f32.msk vm9, v12;
	v11 =	vpop (erf)  }
0x1a4: {  	v55 =	vadd.s32 v5, v44;
	v35 =	vld [tilespmem:$0x1FF80];
	v2 =	vmul.f32 v11, v2  }
0x1a5: {  	[tilespmem:v59+s22+$0x0] =	vst.idx.add.f32.msk vm12, v11  }
0x1a6: {  	v47 =	vor.u32 v22, v47;
	v58 =	vmul.f32 $1.442695020e+00, v8;
	[tilespmem:v59+s23+$0x0] =	vst.idx.add.f32.msk vm12, v2  }
0x1a7: {  	v12 =	vadd.s32 v5, v39;
	v63 =	vpop (erf);
	v59 =	vld [tilespmem:$0x1FED0]  }
0x1a8: {  	v10 =	vor.u32 v60, v51;
	(erf) = vpow2.f32 v58;
	v58 =	vld [tilespmem:$0x1FE60];
	v6 =	vmul.f32 v63, v6  }
0x1a9: {  	[tilespmem:v55+s22+$0x0] =	vst.idx.add.f32.msk vm13, v63  }
0x1aa: {  	v57 =	vadd.s32 v7, v42;
	[tilespmem:v55+s23+$0x0] =	vst.idx.add.f32.msk vm13, v6;
	v6 =	vmul.f32 $1.442695020e+00, v4  }
0x1ab: {  	v11 =	vpop (erf);
	v47 =	vld.idx.msk [tilespmem:v47+s2+$0x0], $0xffff;
	v55 =	vor.u32 v31, v50  }
0x1ac: {  	v48 =	vor.u32 v21, v48;
	v0 =	vmul.f32 v11, v0;
	v63 =	vpop (erf);
	[tilespmem:v12+s22+$0x0] =	vst.idx.add.f32.msk vm7, v11;
	(erf) = vpow2.f32 v6  }
0x1ad: {  	v10 =	vld.idx.msk [tilespmem:v10+s2+$0x0], $0xffff  }
0x1ae: {  	v2 =	vmul.f32 $1.442695020e+00, v54;
	[tilespmem:v12+s23+$0x0] =	vst.idx.add.f32.msk vm7, v0;
	v0 =	vadd.s32 v7, v40  }
0x1af: {  	[tilespmem:v57+s22+$0x0] =	vst.idx.add.f32.msk vm10, v63  }
0x1b0: {  	v56 =	vmul.f32 v63, v56;
	v6 =	vor.u32 v28, v46;
	(erf) = vpow2.f32 v2;
	v11 =	vld.idx.msk [tilespmem:v55+s2+$0x0], $0xffff  }
0x1b1: {  	v12 =	vld.idx.msk [tilespmem:v48+s2+$0x0], $0xffff;
	v2 =	vor.u32 v58, v53;
	v55 =	vpop (erf)  }
0x1b2: {  	v46 =	vadd.s32 v7, v41;
	[tilespmem:v57+s23+$0x0] =	vst.idx.add.f32.msk vm10, v56;
	v8 =	vmul.f32 v55, v8  }
0x1b3: {  	v56 =	vmul.f32 $1.442695020e+00, v10;
	[tilespmem:v0+s22+$0x0] =	vst.idx.add.f32.msk vm15, v55  }
0x1b4: {  	[tilespmem:v0+s23+$0x0] =	vst.idx.add.f32.msk vm15, v8;
	v0 =	vor.u32 v59, v49  }
0x1b5: {  	v6 =	vld.idx.msk [tilespmem:v6+s2+$0x0], $0xffff;
	v8 =	vmul.f32 $1.442695020e+00, v11;
	v63 =	vpop (erf);
	(erf) = vpow2.f32 v56  }
0x1b6: {  	v57 =	vmov v22;
	v49 =	vadd.s32 v7, v45;
	v2 =	vld.idx.msk [tilespmem:v2+s2+$0x0], $0xffff;
	v22 =	vmul.f32 v63, v4  }
0x1b7: {  	[tilespmem:v46+s22+$0x0] =	vst.idx.add.f32.msk vm4, v63;
	(erf) = vpow2.f32 v8  }
0x1b8: {  	[tilespmem:v46+s23+$0x0] =	vst.idx.add.f32.msk vm4, v22  }
0x1b9: {  	v55 =	vmul.f32 $1.442695020e+00, v12;
	v4 =	vpop (erf);
	v0 =	vld.idx.msk [tilespmem:v0+s2+$0x0], $0xffff  }
0x1ba: {  	v56 =	vmul.f32 $1.442695020e+00, v6;
	v8 =	vmul.f32 v4, v54;
	v46 =	vor.u32 v35, v52  }
0x1bb: {  	(erf) = vpow2.f32 v55;
	[tilespmem:v49+s22+$0x0] =	vst.idx.add.f32.msk vm5, v4;
	v4 =	vadd.s32 v7, v44;
	v63 =	vmul.f32 $1.442695020e+00, v2  }
0x1bc: {  	(erf) = vpow2.f32 v56  }
0x1bd: {  	v61 =	vld [tilespmem:$0x1FF40];
	v48 =	vor.u32 v18, v51;
	v22 =	vmul.f32 $1.442695020e+00, v47;
	(erf) = vpow2.f32 v63  }
0x1be: {  	[tilespmem:v49+s23+$0x0] =	vst.idx.add.f32.msk vm5, v8;
	v56 =	vpop (erf);
	v63 =	vmul.f32 $1.442695020e+00, v0  }
0x1bf: {  	v52 =	vadd.s32 v7, v39;
	v46 =	vld.idx.msk [tilespmem:v46+s2+$0x0], $0xffff;
	(erf) = vpow2.f32 v22;
	v10 =	vmul.f32 v56, v10  }
0x1c0: {  	[tilespmem:v4+s22+$0x0] =	vst.idx.add.f32.msk vm13, v56;
	v8 =	vpop (erf);
	(erf) = vpow2.f32 v63  }
0x1c1: {  	v42 =	vadd.s32 v9, v42;
	v11 =	vmul.f32 v8, v11;
	[tilespmem:v4+s23+$0x0] =	vst.idx.add.f32.msk vm13, v10  }
0x1c2: {  	v4 =	vadd.s32 v9, v40;
	v10 =	vld.idx.msk [tilespmem:v48+s2+$0x0], $0xffff  }
0x1c3: {  	v63 =	vor.u32 v61, v50  }
0x1c4: {  	v56 =	vpop (erf);
	[tilespmem:v52+s22+$0x0] =	vst.idx.add.f32.msk vm7, v8;
	v8 =	vmul.f32 $1.442695020e+00, v46  }
0x1c5: {  	[tilespmem:v52+s23+$0x0] =	vst.idx.add.f32.msk vm7, v11;
	v11 =	vpop (erf)  }
0x1c6: {  	[tilespmem:v42+s22+$0x0] =	vst.idx.add.f32.msk vm10, v11;
	v6 =	vmul.f32 v11, v6;
	v11 =	vpop (erf);
	(erf) = vpow2.f32 v8  }
0x1c7: {  	v38 =	vadd.s32 v9, v38;
	[tilespmem:v4+s22+$0x0] =	vst.idx.add.f32.msk vm15, v11;
	v22 =	vmul.f32 v11, v2;
	v11 =	vmul.f32 $1.442695020e+00, v10  }
0x1c8: {  	v41 =	vadd.s32 v9, v41;
	v8 =	vld.idx.msk [tilespmem:v63+s2+$0x0], $0xffff;
	v2 =	vpop (erf)  }
0x1c9: {  	[tilespmem:v4+s23+$0x0] =	vst.idx.add.f32.msk vm15, v22;
	v4 =	vpop (erf);
	(erf) = vpow2.f32 v11;
	_ =	sdelay $0x1  }
0x1ca: {  	[tilespmem:v42+s23+$0x0] =	vst.idx.add.f32.msk vm10, v6  }
0x1cb: {  	[tilespmem:v38+s22+$0x0] =	vst.idx.add.f32.msk vm12, v2;
	v2 =	vmul.f32 v2, v47;
	v0 =	vmul.f32 v4, v0  }
0x1cc: {  	[tilespmem:v41+s22+$0x0] =	vst.idx.add.f32.msk vm4, v4;
	v4 =	vadd.s32 v9, v45  }
0x1cd: {  	v6 =	vmul.f32 $1.442695020e+00, v8;
	[tilespmem:v41+s23+$0x0] =	vst.idx.add.f32.msk vm4, v0;
	v0 =	vadd.s32 v9, v44;
	_ =	sdelay $0x1  }
0x1ce: {  	[tilespmem:v38+s23+$0x0] =	vst.idx.add.f32.msk vm12, v2;
	v2 =	vpop (erf);
	(erf) = vpow2.f32 v6;
	_ =	sdelay $0x1  }
0x1cf: {  	[tilespmem:v4+s22+$0x0] =	vst.idx.add.f32.msk vm5, v2;
	v11 =	vmul.f32 v2, v46;
	v2 =	vpop (erf)  }
0x1d0: {  	v43 =	vadd.s32 v9, v43;
	[tilespmem:v0+s22+$0x0] =	vst.idx.add.f32.msk vm13, v2;
	v2 =	vmul.f32 v2, v10;
	_ =	sdelay $0x1  }
0x1d1: {  	[tilespmem:v0+s23+$0x0] =	vst.idx.add.f32.msk vm13, v2;
	v0 =	vadd.s32 v9, v39;
	_ =	sdelay $0x1  }
0x1d2: {  	p0 =	slt.u32 s0, $0x38;
	v12 =	vmul.f32 v56, v12  }
.Ltmp0:
0x1d3: {  	[tilespmem:v43+s22+$0x0] =	vst.idx.add.f32.msk vm9, v56;
	(pc) =	sbr.rel @p0 .LBB2_2-.Ltmp0, $4  }
0x1d4: {  	[tilespmem:v43+s23+$0x0] =	vst.idx.add.f32.msk vm9, v12;
	v2 =	vpop (erf)  }
0x1d5: {  	[tilespmem:v0+s22+$0x0] =	vst.idx.add.f32.msk vm7, v2;
	v2 =	vmul.f32 v2, v8  }
0x1d6: {  	[tilespmem:v4+s23+$0x0] =	vst.idx.add.f32.msk vm5, v11  }
0x1d7: {  	[tilespmem:v0+s23+$0x0] =	vst.idx.add.f32.msk vm7, v2  }
0x1d8: {  	_ =	swait.ge [sflag:s24], $0x8000  }
0x1d9: {  	[sflag:s24] =	ssyncset.done $0x0  }
0x1da: {  	s0 =	simm.s32 $0x0;
	s31 =	simm.s32 $0xFFFFFFF8;
	v63 =	vld [tilespmem:$0x1FFE0];
	[sflag:s24] =	ssyncadd.s32 $0xFFFF8000  }
0x1db: {  	v22 =	vmov v25;
	v25 =	vld [tilespmem:$0x1FFF0];
	[tilespmem:s0], [sflag:$0x1] =	stream.linear.gather [hbm4b:s7+s0], $0x8000, $0x38  }
.LBB2_4:
0x1dc: {  	s31 =	sadd.s32 $0x8, s31  }
0x1dd: {  	s1 =	sand.u32 $0x80, s0;
	s17 =	sshll.u32 s31, $0x3  }
0x1de: {  	s26 =	sshll.u32 s1, $0x3;
	s17 =	sand.u32 $0x3FFFFF80, s17  }
0x1df: {  	s17 =	sadd.s32 s17, s26  }
0x1e0: {  	s17 =	sadd.s32 $0x18000, s17  }
0x1e1: {  	v0 =	vld [tilespmem:s17+$0x200];
	_ =	sdelay $0x4  }
0x1e2: {  	v0 =	vadd.s32 $0xFFFFFFFF, v0  }
0x1e3: {  	v4 =	vmov s1;
	v2 =	vshll.u32 v0, $0x2  }
0x1e4: {  	v4 =	vshrl.u32 v4, $0x7;
	vm0 =	vgt.s32 v2, $0x0  }
0x1e5: {  	v38 =	vnsel vm0, $0x0, v2;
	v2 =	vshll.u32 v4, $0xA  }
0x1e6: {  	s28 =	sshll.u32 s31, $0x9;
	v4 =	vshll.u32 v38, $0x8;
	v40 =	vbroadcast v2, $0x0;
	v2 =	vshll.u32 v38, $0x7  }
0x1e7: {  	s1 =	sand.u32 $0xFFFFE000, s28;
	v4 =	vand.u32 $0xFFFFF800, v4;
	v2 =	vand.u32 $0x200, v2  }
0x1e8: {  	vm0 =	vgt.s32 v0, $0xFFFFFFFF;
	v0 =	vadd.s32 s1, v4;
	v2 =	vor.u32 v40, v2  }
0x1e9: {  	v4 =	vadd.s32 v1, v38;
	v0 =	vor.u32 v0, v2  }
0x1ea: {  	v2 =	vor.u32 v13, v0;
	_ =	sdelay $0x3  }
0x1eb: {  	[tilespmem:v4+s21+$0x0] =	vst.idx.add.f32.msk vm0, v3  }
0x1ec: {  	v2 =	vld.idx.msk [tilespmem:v2+s16+$0x0], $0xffff;
	_ =	sdelay $0x4  }
0x1ed: {  	v6 =	vmul.f32 $1.442695020e+00, v2;
	_ =	sdelay $0x1  }
0x1ee: {  	(erf) = vpow2.f32 v6;
	_ =	sdelay $0x7  }
0x1ef: {  	v6 =	vor.u32 v14, v0  }
0x1f0: {  	v8 =	vpop (erf)  }
0x1f1: {  	v2 =	vmul.f32 v8, v2  }
0x1f2: {  	[tilespmem:v4+s22+$0x0] =	vst.idx.add.f32.msk vm0, v8  }
0x1f3: {  	[tilespmem:v4+s23+$0x0] =	vst.idx.add.f32.msk vm0, v2  }
0x1f4: {  	v2 =	vld.idx.msk [tilespmem:v6+s16+$0x0], $0xffff;
	_ =	sdelay $0x4  }
0x1f5: {  	v4 =	vmul.f32 $1.442695020e+00, v2;
	_ =	sdelay $0x1  }
0x1f6: {  	(erf) = vpow2.f32 v4;
	_ =	sdelay $0x5  }
0x1f7: {  	v4 =	vadd.s32 v5, v38;
	_ =	sdelay $0x1  }
0x1f8: {  	v6 =	vor.u32 v15, v0  }
0x1f9: {  	v8 =	vpop (erf)  }
0x1fa: {  	v2 =	vmul.f32 v8, v2  }
0x1fb: {  	[tilespmem:v4+s22+$0x0] =	vst.idx.add.f32.msk vm0, v8  }
0x1fc: {  	[tilespmem:v4+s23+$0x0] =	vst.idx.add.f32.msk vm0, v2  }
0x1fd: {  	v2 =	vld.idx.msk [tilespmem:v6+s16+$0x0], $0xffff;
	_ =	sdelay $0x2  }
0x1fe: {  	v4 =	vld [tilespmem:s17+$0x210];
	_ =	sdelay $0x1  }
0x1ff: {  	v6 =	vmul.f32 $1.442695020e+00, v2;
	_ =	sdelay $0x1  }
0x200: {  	(erf) = vpow2.f32 v6  }
0x201: {  	v4 =	vadd.s32 $0xFFFFFFFF, v4  }
0x202: {  	v6 =	vshll.u32 v4, $0x2  }
0x203: {  	vm1 =	vgt.s32 v6, $0x0  }
0x204: {  	vm9 =	vgt.s32 v4, $0xFFFFFFFF;
	v39 =	vnsel vm1, $0x0, v6  }
0x205: {  	v8 =	vshll.u32 v39, $0x8;
	v10 =	vshll.u32 v39, $0x7;
	v11 =	vadd.s32 v1, v39  }
0x206: {  	v6 =	vadd.s32 v7, v38;
	v8 =	vand.u32 $0xFFFFF800, v8;
	v10 =	vand.u32 $0x200, v10  }
0x207: {  	v4 =	vadd.s32 s1, v8;
	v8 =	vor.u32 v40, v10  }
0x208: {  	v0 =	vor.u32 v57, v0;
	v4 =	vor.u32 v4, v8  }
0x209: {  	v8 =	vor.u32 v16, v4;
	v10 =	vpop (erf)  }
0x20a: {  	[tilespmem:v11+s21+$0x0] =	vst.idx.add.f32.msk vm9, v3;
	v2 =	vmul.f32 v10, v2  }
0x20b: {  	[tilespmem:v6+s22+$0x0] =	vst.idx.add.f32.msk vm0, v10  }
0x20c: {  	[tilespmem:v6+s23+$0x0] =	vst.idx.add.f32.msk vm0, v2  }
0x20d: {  	v41 =	vld.idx.msk [tilespmem:v0+s16+$0x0], $0xffff  }
0x20e: {  	v0 =	vld.idx.msk [tilespmem:v8+s16+$0x0], $0xffff;
	_ =	sdelay $0x3  }
0x20f: {  	v2 =	vmul.f32 $1.442695020e+00, v41  }
0x210: {  	v6 =	vmul.f32 $1.442695020e+00, v0  }
0x211: {  	(erf) = vpow2.f32 v2  }
0x212: {  	(erf) = vpow2.f32 v6;
	_ =	sdelay $0x7  }
0x213: {  	v2 =	vor.u32 v17, v4;
	v42 =	vpop (erf)  }
0x214: {  	v6 =	vpop (erf)  }
0x215: {  	v0 =	vmul.f32 v6, v0  }
0x216: {  	[tilespmem:v11+s22+$0x0] =	vst.idx.add.f32.msk vm9, v6  }
0x217: {  	[tilespmem:v11+s23+$0x0] =	vst.idx.add.f32.msk vm9, v0  }
0x218: {  	v0 =	vld.idx.msk [tilespmem:v2+s16+$0x0], $0xffff;
	_ =	sdelay $0x4  }
0x219: {  	v2 =	vmul.f32 $1.442695020e+00, v0;
	_ =	sdelay $0x1  }
0x21a: {  	(erf) = vpow2.f32 v2;
	_ =	sdelay $0x5  }
0x21b: {  	v2 =	vadd.s32 v5, v39;
	_ =	sdelay $0x1  }
0x21c: {  	v6 =	vor.u32 v62, v4  }
0x21d: {  	v8 =	vpop (erf)  }
0x21e: {  	v0 =	vmul.f32 v8, v0  }
0x21f: {  	[tilespmem:v2+s22+$0x0] =	vst.idx.add.f32.msk vm9, v8  }
0x220: {  	[tilespmem:v2+s23+$0x0] =	vst.idx.add.f32.msk vm9, v0  }
0x221: {  	v0 =	vld.idx.msk [tilespmem:v6+s16+$0x0], $0xffff;
	_ =	sdelay $0x2  }
0x222: {  	v2 =	vld [tilespmem:s17+$0x220];
	_ =	sdelay $0x1  }
0x223: {  	v6 =	vmul.f32 $1.442695020e+00, v0;
	_ =	sdelay $0x1  }
0x224: {  	(erf) = vpow2.f32 v6  }
0x225: {  	v2 =	vadd.s32 $0xFFFFFFFF, v2  }
0x226: {  	v6 =	vshll.u32 v2, $0x2  }
0x227: {  	vm2 =	vgt.s32 v6, $0x0  }
0x228: {  	vm10 =	vgt.s32 v2, $0xFFFFFFFF;
	v43 =	vnsel vm2, $0x0, v6  }
0x229: {  	v8 =	vshll.u32 v43, $0x8;
	v10 =	vshll.u32 v43, $0x7;
	v11 =	vadd.s32 v1, v43  }
0x22a: {  	v6 =	vadd.s32 v7, v39;
	v8 =	vand.u32 $0xFFFFF800, v8;
	v10 =	vand.u32 $0x200, v10  }
0x22b: {  	v2 =	vadd.s32 s1, v8;
	v8 =	vor.u32 v40, v10  }
0x22c: {  	v4 =	vor.u32 v58, v4;
	v2 =	vor.u32 v2, v8  }
0x22d: {  	v8 =	vor.u32 v63, v2;
	v10 =	vpop (erf)  }
0x22e: {  	[tilespmem:v11+s21+$0x0] =	vst.idx.add.f32.msk vm10, v3;
	v0 =	vmul.f32 v10, v0  }
0x22f: {  	[tilespmem:v6+s22+$0x0] =	vst.idx.add.f32.msk vm9, v10  }
0x230: {  	[tilespmem:v6+s23+$0x0] =	vst.idx.add.f32.msk vm9, v0  }
0x231: {  	v44 =	vld.idx.msk [tilespmem:v4+s16+$0x0], $0xffff  }
0x232: {  	v0 =	vld.idx.msk [tilespmem:v8+s16+$0x0], $0xffff;
	_ =	sdelay $0x3  }
0x233: {  	v4 =	vmul.f32 $1.442695020e+00, v44  }
0x234: {  	v6 =	vmul.f32 $1.442695020e+00, v0  }
0x235: {  	(erf) = vpow2.f32 v4  }
0x236: {  	(erf) = vpow2.f32 v6;
	_ =	sdelay $0x7  }
0x237: {  	v4 =	vor.u32 v19, v2;
	v45 =	vpop (erf)  }
0x238: {  	v6 =	vpop (erf)  }
0x239: {  	v0 =	vmul.f32 v6, v0  }
0x23a: {  	[tilespmem:v11+s22+$0x0] =	vst.idx.add.f32.msk vm10, v6  }
0x23b: {  	[tilespmem:v11+s23+$0x0] =	vst.idx.add.f32.msk vm10, v0  }
0x23c: {  	v0 =	vld.idx.msk [tilespmem:v4+s16+$0x0], $0xffff;
	_ =	sdelay $0x4  }
0x23d: {  	v4 =	vmul.f32 $1.442695020e+00, v0;
	_ =	sdelay $0x1  }
0x23e: {  	(erf) = vpow2.f32 v4;
	_ =	sdelay $0x5  }
0x23f: {  	v4 =	vadd.s32 v5, v43;
	_ =	sdelay $0x1  }
0x240: {  	v6 =	vor.u32 v20, v2  }
0x241: {  	v8 =	vpop (erf)  }
0x242: {  	v0 =	vmul.f32 v8, v0  }
0x243: {  	[tilespmem:v4+s22+$0x0] =	vst.idx.add.f32.msk vm10, v8  }
0x244: {  	[tilespmem:v4+s23+$0x0] =	vst.idx.add.f32.msk vm10, v0  }
0x245: {  	v0 =	vld.idx.msk [tilespmem:v6+s16+$0x0], $0xffff;
	_ =	sdelay $0x2  }
0x246: {  	v4 =	vld [tilespmem:s17+$0x230];
	_ =	sdelay $0x1  }
0x247: {  	v6 =	vmul.f32 $1.442695020e+00, v0;
	_ =	sdelay $0x1  }
0x248: {  	(erf) = vpow2.f32 v6  }
0x249: {  	v4 =	vadd.s32 $0xFFFFFFFF, v4  }
0x24a: {  	v6 =	vshll.u32 v4, $0x2  }
0x24b: {  	vm3 =	vgt.s32 v6, $0x0  }
0x24c: {  	vm11 =	vgt.s32 v4, $0xFFFFFFFF;
	v46 =	vnsel vm3, $0x0, v6  }
0x24d: {  	v8 =	vshll.u32 v46, $0x8;
	v10 =	vshll.u32 v46, $0x7;
	v11 =	vadd.s32 v1, v46  }
0x24e: {  	v6 =	vadd.s32 v7, v43;
	v8 =	vand.u32 $0xFFFFF800, v8;
	v10 =	vand.u32 $0x200, v10  }
0x24f: {  	v4 =	vadd.s32 s1, v8;
	v8 =	vor.u32 v40, v10  }
0x250: {  	v2 =	vor.u32 v21, v2;
	v4 =	vor.u32 v4, v8  }
0x251: {  	v8 =	vor.u32 v22, v4;
	v10 =	vpop (erf)  }
0x252: {  	[tilespmem:v11+s21+$0x0] =	vst.idx.add.f32.msk vm11, v3;
	v0 =	vmul.f32 v10, v0  }
0x253: {  	[tilespmem:v6+s22+$0x0] =	vst.idx.add.f32.msk vm10, v10  }
0x254: {  	[tilespmem:v6+s23+$0x0] =	vst.idx.add.f32.msk vm10, v0  }
0x255: {  	v47 =	vld.idx.msk [tilespmem:v2+s16+$0x0], $0xffff  }
0x256: {  	v0 =	vld.idx.msk [tilespmem:v8+s16+$0x0], $0xffff;
	_ =	sdelay $0x3  }
0x257: {  	v2 =	vmul.f32 $1.442695020e+00, v47  }
0x258: {  	v6 =	vmul.f32 $1.442695020e+00, v0  }
0x259: {  	(erf) = vpow2.f32 v2  }
0x25a: {  	(erf) = vpow2.f32 v6;
	_ =	sdelay $0x7  }
0x25b: {  	v2 =	vor.u32 v23, v4;
	v48 =	vpop (erf)  }
0x25c: {  	v6 =	vpop (erf)  }
0x25d: {  	v0 =	vmul.f32 v6, v0  }
0x25e: {  	[tilespmem:v11+s22+$0x0] =	vst.idx.add.f32.msk vm11, v6  }
0x25f: {  	[tilespmem:v11+s23+$0x0] =	vst.idx.add.f32.msk vm11, v0  }
0x260: {  	v0 =	vld.idx.msk [tilespmem:v2+s16+$0x0], $0xffff;
	_ =	sdelay $0x4  }
0x261: {  	v2 =	vmul.f32 $1.442695020e+00, v0;
	_ =	sdelay $0x1  }
0x262: {  	(erf) = vpow2.f32 v2;
	_ =	sdelay $0x5  }
0x263: {  	v2 =	vadd.s32 v5, v46;
	_ =	sdelay $0x1  }
0x264: {  	v6 =	vor.u32 v24, v4  }
0x265: {  	v8 =	vpop (erf)  }
0x266: {  	v0 =	vmul.f32 v8, v0  }
0x267: {  	[tilespmem:v2+s22+$0x0] =	vst.idx.add.f32.msk vm11, v8  }
0x268: {  	[tilespmem:v2+s23+$0x0] =	vst.idx.add.f32.msk vm11, v0  }
0x269: {  	v0 =	vld.idx.msk [tilespmem:v6+s16+$0x0], $0xffff;
	_ =	sdelay $0x2  }
0x26a: {  	v2 =	vld [tilespmem:s17+$0x240];
	_ =	sdelay $0x1  }
0x26b: {  	v6 =	vmul.f32 $1.442695020e+00, v0;
	_ =	sdelay $0x1  }
0x26c: {  	(erf) = vpow2.f32 v6  }
0x26d: {  	v2 =	vadd.s32 $0xFFFFFFFF, v2  }
0x26e: {  	v6 =	vshll.u32 v2, $0x2  }
0x26f: {  	vm4 =	vgt.s32 v6, $0x0  }
0x270: {  	vm12 =	vgt.s32 v2, $0xFFFFFFFF;
	v49 =	vnsel vm4, $0x0, v6  }
0x271: {  	v8 =	vshll.u32 v49, $0x8;
	v10 =	vshll.u32 v49, $0x7;
	v11 =	vadd.s32 v1, v49  }
0x272: {  	v6 =	vadd.s32 v7, v46;
	v8 =	vand.u32 $0xFFFFF800, v8;
	v10 =	vand.u32 $0x200, v10  }
0x273: {  	v2 =	vadd.s32 s1, v8;
	v8 =	vor.u32 v40, v10  }
0x274: {  	v4 =	vor.u32 v59, v4;
	v2 =	vor.u32 v2, v8  }
0x275: {  	v8 =	vor.u32 v25, v2;
	v10 =	vpop (erf)  }
0x276: {  	[tilespmem:v11+s21+$0x0] =	vst.idx.add.f32.msk vm12, v3;
	v0 =	vmul.f32 v10, v0  }
0x277: {  	[tilespmem:v6+s22+$0x0] =	vst.idx.add.f32.msk vm11, v10  }
0x278: {  	[tilespmem:v6+s23+$0x0] =	vst.idx.add.f32.msk vm11, v0  }
0x279: {  	v50 =	vld.idx.msk [tilespmem:v4+s16+$0x0], $0xffff  }
0x27a: {  	v0 =	vld.idx.msk [tilespmem:v8+s16+$0x0], $0xffff;
	_ =	sdelay $0x3  }
0x27b: {  	v4 =	vmul.f32 $1.442695020e+00, v50  }
0x27c: {  	v6 =	vmul.f32 $1.442695020e+00, v0  }
0x27d: {  	(erf) = vpow2.f32 v4  }
0x27e: {  	(erf) = vpow2.f32 v6;
	_ =	sdelay $0x7  }
0x27f: {  	v4 =	vor.u32 v26, v2;
	v51 =	vpop (erf)  }
0x280: {  	v6 =	vpop (erf)  }
0x281: {  	v0 =	vmul.f32 v6, v0  }
0x282: {  	[tilespmem:v11+s22+$0x0] =	vst.idx.add.f32.msk vm12, v6  }
0x283: {  	[tilespmem:v11+s23+$0x0] =	vst.idx.add.f32.msk vm12, v0  }
0x284: {  	v0 =	vld.idx.msk [tilespmem:v4+s16+$0x0], $0xffff;
	_ =	sdelay $0x4  }
0x285: {  	v4 =	vmul.f32 $1.442695020e+00, v0;
	_ =	sdelay $0x1  }
0x286: {  	(erf) = vpow2.f32 v4;
	_ =	sdelay $0x5  }
0x287: {  	v4 =	vadd.s32 v5, v49;
	_ =	sdelay $0x1  }
0x288: {  	v6 =	vor.u32 v27, v2  }
0x289: {  	v8 =	vpop (erf)  }
0x28a: {  	v0 =	vmul.f32 v8, v0  }
0x28b: {  	[tilespmem:v4+s22+$0x0] =	vst.idx.add.f32.msk vm12, v8  }
0x28c: {  	[tilespmem:v4+s23+$0x0] =	vst.idx.add.f32.msk vm12, v0  }
0x28d: {  	v0 =	vld.idx.msk [tilespmem:v6+s16+$0x0], $0xffff;
	_ =	sdelay $0x2  }
0x28e: {  	v4 =	vld [tilespmem:s17+$0x250];
	_ =	sdelay $0x1  }
0x28f: {  	v6 =	vmul.f32 $1.442695020e+00, v0;
	_ =	sdelay $0x1  }
0x290: {  	(erf) = vpow2.f32 v6  }
0x291: {  	v4 =	vadd.s32 $0xFFFFFFFF, v4  }
0x292: {  	v6 =	vshll.u32 v4, $0x2  }
0x293: {  	vm5 =	vgt.s32 v6, $0x0  }
0x294: {  	vm13 =	vgt.s32 v4, $0xFFFFFFFF;
	v52 =	vnsel vm5, $0x0, v6  }
0x295: {  	v8 =	vshll.u32 v52, $0x8;
	v10 =	vshll.u32 v52, $0x7;
	v11 =	vadd.s32 v1, v52  }
0x296: {  	v6 =	vadd.s32 v7, v49;
	v8 =	vand.u32 $0xFFFFF800, v8;
	v10 =	vand.u32 $0x200, v10  }
0x297: {  	v4 =	vadd.s32 s1, v8;
	v8 =	vor.u32 v40, v10  }
0x298: {  	v2 =	vor.u32 v28, v2;
	v4 =	vor.u32 v4, v8  }
0x299: {  	v8 =	vor.u32 v29, v4;
	v10 =	vpop (erf)  }
0x29a: {  	[tilespmem:v11+s21+$0x0] =	vst.idx.add.f32.msk vm13, v3;
	v0 =	vmul.f32 v10, v0  }
0x29b: {  	[tilespmem:v6+s22+$0x0] =	vst.idx.add.f32.msk vm12, v10  }
0x29c: {  	[tilespmem:v6+s23+$0x0] =	vst.idx.add.f32.msk vm12, v0  }
0x29d: {  	v53 =	vld.idx.msk [tilespmem:v2+s16+$0x0], $0xffff  }
0x29e: {  	v0 =	vld.idx.msk [tilespmem:v8+s16+$0x0], $0xffff;
	_ =	sdelay $0x3  }
0x29f: {  	v2 =	vmul.f32 $1.442695020e+00, v53  }
0x2a0: {  	v6 =	vmul.f32 $1.442695020e+00, v0  }
0x2a1: {  	(erf) = vpow2.f32 v2  }
0x2a2: {  	(erf) = vpow2.f32 v6;
	_ =	sdelay $0x7  }
0x2a3: {  	v2 =	vor.u32 v30, v4;
	v54 =	vpop (erf)  }
0x2a4: {  	v6 =	vpop (erf)  }
0x2a5: {  	v0 =	vmul.f32 v6, v0  }
0x2a6: {  	[tilespmem:v11+s22+$0x0] =	vst.idx.add.f32.msk vm13, v6  }
0x2a7: {  	[tilespmem:v11+s23+$0x0] =	vst.idx.add.f32.msk vm13, v0  }
0x2a8: {  	v0 =	vld.idx.msk [tilespmem:v2+s16+$0x0], $0xffff;
	_ =	sdelay $0x4  }
0x2a9: {  	v2 =	vmul.f32 $1.442695020e+00, v0;
	_ =	sdelay $0x1  }
0x2aa: {  	(erf) = vpow2.f32 v2;
	_ =	sdelay $0x5  }
0x2ab: {  	v2 =	vadd.s32 v5, v52;
	_ =	sdelay $0x1  }
0x2ac: {  	v6 =	vor.u32 v31, v4  }
0x2ad: {  	v8 =	vpop (erf)  }
0x2ae: {  	v0 =	vmul.f32 v8, v0  }
0x2af: {  	[tilespmem:v2+s22+$0x0] =	vst.idx.add.f32.msk vm13, v8  }
0x2b0: {  	[tilespmem:v2+s23+$0x0] =	vst.idx.add.f32.msk vm13, v0  }
0x2b1: {  	v0 =	vld.idx.msk [tilespmem:v6+s16+$0x0], $0xffff;
	_ =	sdelay $0x2  }
0x2b2: {  	v2 =	vld [tilespmem:s17+$0x260];
	_ =	sdelay $0x1  }
0x2b3: {  	v6 =	vmul.f32 $1.442695020e+00, v0;
	_ =	sdelay $0x1  }
0x2b4: {  	(erf) = vpow2.f32 v6  }
0x2b5: {  	v2 =	vadd.s32 $0xFFFFFFFF, v2  }
0x2b6: {  	v6 =	vshll.u32 v2, $0x2  }
0x2b7: {  	vm6 =	vgt.s32 v6, $0x0  }
0x2b8: {  	vm14 =	vgt.s32 v2, $0xFFFFFFFF;
	v6 =	vnsel vm6, $0x0, v6  }
0x2b9: {  	v10 =	vshll.u32 v6, $0x8;
	v11 =	vshll.u32 v6, $0x7;
	v12 =	vadd.s32 v1, v6  }
0x2ba: {  	v8 =	vadd.s32 v7, v52;
	v10 =	vand.u32 $0xFFFFF800, v10;
	v11 =	vand.u32 $0x200, v11  }
0x2bb: {  	v2 =	vadd.s32 s1, v10;
	v10 =	vor.u32 v40, v11  }
0x2bc: {  	v4 =	vor.u32 v61, v4;
	v2 =	vor.u32 v2, v10  }
0x2bd: {  	v10 =	vor.u32 v32, v2;
	v11 =	vpop (erf)  }
0x2be: {  	[tilespmem:v12+s21+$0x0] =	vst.idx.add.f32.msk vm14, v3;
	v0 =	vmul.f32 v11, v0  }
0x2bf: {  	[tilespmem:v8+s22+$0x0] =	vst.idx.add.f32.msk vm13, v11  }
0x2c0: {  	[tilespmem:v8+s23+$0x0] =	vst.idx.add.f32.msk vm13, v0  }
0x2c1: {  	v0 =	vld.idx.msk [tilespmem:v4+s16+$0x0], $0xffff  }
0x2c2: {  	v4 =	vld.idx.msk [tilespmem:v10+s16+$0x0], $0xffff;
	_ =	sdelay $0x3  }
0x2c3: {  	v8 =	vmul.f32 $1.442695020e+00, v0  }
0x2c4: {  	v10 =	vmul.f32 $1.442695020e+00, v4  }
0x2c5: {  	(erf) = vpow2.f32 v8  }
0x2c6: {  	(erf) = vpow2.f32 v10;
	_ =	sdelay $0x7  }
0x2c7: {  	v10 =	vor.u32 v33, v2;
	v8 =	vpop (erf)  }
0x2c8: {  	v11 =	vpop (erf)  }
0x2c9: {  	v4 =	vmul.f32 v11, v4  }
0x2ca: {  	[tilespmem:v12+s22+$0x0] =	vst.idx.add.f32.msk vm14, v11  }
0x2cb: {  	[tilespmem:v12+s23+$0x0] =	vst.idx.add.f32.msk vm14, v4  }
0x2cc: {  	v4 =	vld.idx.msk [tilespmem:v10+s16+$0x0], $0xffff;
	_ =	sdelay $0x4  }
0x2cd: {  	v10 =	vmul.f32 $1.442695020e+00, v4;
	_ =	sdelay $0x1  }
0x2ce: {  	(erf) = vpow2.f32 v10;
	_ =	sdelay $0x5  }
0x2cf: {  	v10 =	vadd.s32 v5, v6;
	_ =	sdelay $0x1  }
0x2d0: {  	v11 =	vor.u32 v34, v2  }
0x2d1: {  	v12 =	vpop (erf)  }
0x2d2: {  	v4 =	vmul.f32 v12, v4  }
0x2d3: {  	[tilespmem:v10+s22+$0x0] =	vst.idx.add.f32.msk vm14, v12  }
0x2d4: {  	[tilespmem:v10+s23+$0x0] =	vst.idx.add.f32.msk vm14, v4  }
0x2d5: {  	v4 =	vld.idx.msk [tilespmem:v11+s16+$0x0], $0xffff;
	_ =	sdelay $0x1  }
0x2d6: {  	v10 =	vld [tilespmem:s17+$0x270];
	_ =	sdelay $0x2  }
0x2d7: {  	v11 =	vmul.f32 $1.442695020e+00, v4;
	_ =	sdelay $0x1  }
0x2d8: {  	v10 =	vadd.s32 $0xFFFFFFFF, v10;
	(erf) = vpow2.f32 v11  }
0x2d9: {  	v11 =	vshll.u32 v10, $0x2  }
0x2da: {  	vm7 =	vgt.s32 v11, $0x0  }
0x2db: {  	v11 =	vnsel vm7, $0x0, v11  }
0x2dc: {  	v12 =	vadd.s32 v7, v6;
	v56 =	vshll.u32 v11, $0x7  }
0x2dd: {  	vm15 =	vgt.s32 v10, $0xFFFFFFFF;
	v55 =	vshll.u32 v11, $0x8;
	v56 =	vand.u32 $0x200, v56  }
0x2de: {  	v55 =	vand.u32 $0xFFFFF800, v55;
	v40 =	vor.u32 v40, v56;
	v56 =	vadd.s32 v1, v11  }
0x2df: {  	v10 =	vadd.s32 s1, v55  }
0x2e0: {  	v2 =	vor.u32 v35, v2;
	v10 =	vor.u32 v10, v40  }
0x2e1: {  	v40 =	vor.u32 v36, v10;
	v55 =	vpop (erf)  }
0x2e2: {  	v4 =	vmul.f32 v55, v4;
	[tilespmem:v12+s22+$0x0] =	vst.idx.add.f32.msk vm14, v55  }
0x2e3: {  	[tilespmem:v56+s21+$0x0] =	vst.idx.add.f32.msk vm15, v3  }
0x2e4: {  	[tilespmem:v12+s23+$0x0] =	vst.idx.add.f32.msk vm14, v4  }
0x2e5: {  	v2 =	vld.idx.msk [tilespmem:v2+s16+$0x0], $0xffff  }
0x2e6: {  	v4 =	vld.idx.msk [tilespmem:v40+s16+$0x0], $0xffff;
	_ =	sdelay $0x3  }
0x2e7: {  	v12 =	vmul.f32 $1.442695020e+00, v2  }
0x2e8: {  	v40 =	vmul.f32 $1.442695020e+00, v4  }
0x2e9: {  	(erf) = vpow2.f32 v12  }
0x2ea: {  	(erf) = vpow2.f32 v40;
	_ =	sdelay $0x7  }
0x2eb: {  	v40 =	vor.u32 v37, v10;
	v12 =	vpop (erf)  }
0x2ec: {  	v55 =	vpop (erf)  }
0x2ed: {  	v4 =	vmul.f32 v55, v4  }
0x2ee: {  	[tilespmem:v56+s22+$0x0] =	vst.idx.add.f32.msk vm15, v55  }
0x2ef: {  	[tilespmem:v56+s23+$0x0] =	vst.idx.add.f32.msk vm15, v4  }
0x2f0: {  	v4 =	vld.idx.msk [tilespmem:v40+s16+$0x0], $0xffff;
	_ =	sdelay $0x4  }
0x2f1: {  	v40 =	vmul.f32 $1.442695020e+00, v4;
	_ =	sdelay $0x1  }
0x2f2: {  	(erf) = vpow2.f32 v40;
	_ =	sdelay $0x5  }
0x2f3: {  	v40 =	vadd.s32 v5, v11;
	_ =	sdelay $0x1  }
0x2f4: {  	v55 =	vor.u32 v60, v10  }
0x2f5: {  	v56 =	vpop (erf)  }
0x2f6: {  	v4 =	vmul.f32 v56, v4  }
0x2f7: {  	[tilespmem:v40+s22+$0x0] =	vst.idx.add.f32.msk vm15, v56  }
0x2f8: {  	[tilespmem:v40+s23+$0x0] =	vst.idx.add.f32.msk vm15, v4  }
0x2f9: {  	v4 =	vld.idx.msk [tilespmem:v55+s16+$0x0], $0xffff;
	_ =	sdelay $0x4  }
0x2fa: {  	v56 =	vmul.f32 $1.442695020e+00, v4;
	_ =	sdelay $0x1  }
0x2fb: {  	(erf) = vpow2.f32 v56;
	_ =	sdelay $0x5  }
0x2fc: {  	v40 =	vadd.s32 v7, v11;
	_ =	sdelay $0x1  }
0x2fd: {  	v10 =	vor.u32 v18, v10  }
0x2fe: {  	v55 =	vpop (erf)  }
0x2ff: {  	v4 =	vmul.f32 v55, v4  }
0x300: {  	[tilespmem:v40+s22+$0x0] =	vst.idx.add.f32.msk vm15, v55  }
0x301: {  	[tilespmem:v40+s23+$0x0] =	vst.idx.add.f32.msk vm15, v4;
	v4 =	vadd.s32 v9, v38  }
0x302: {  	v10 =	vld.idx.msk [tilespmem:v10+s16+$0x0], $0xffff  }
0x303: {  	v38 =	vadd.s32 v9, v39;
	_ =	sdelay $0x1  }
0x304: {  	v56 =	vadd.s32 v9, v43;
	v55 =	vmul.f32 v42, v41  }
0x305: {  	[tilespmem:v4+s22+$0x0] =	vst.idx.add.f32.msk vm0, v42  }
0x306: {  	[tilespmem:v4+s23+$0x0] =	vst.idx.add.f32.msk vm0, v55;
	v4 =	vmul.f32 v45, v44;
	v44 =	vadd.s32 v9, v46;
	v46 =	vmul.f32 $1.442695020e+00, v10  }
0x307: {  	[tilespmem:v38+s22+$0x0] =	vst.idx.add.f32.msk vm9, v45  }
0x308: {  	v55 =	vadd.s32 v9, v49;
	[tilespmem:v38+s23+$0x0] =	vst.idx.add.f32.msk vm9, v4;
	(erf) = vpow2.f32 v46;
	v4 =	vmul.f32 v48, v47  }
0x309: {  	[tilespmem:v56+s22+$0x0] =	vst.idx.add.f32.msk vm10, v48  }
0x30a: {  	[tilespmem:v56+s23+$0x0] =	vst.idx.add.f32.msk vm10, v4;
	v4 =	vmul.f32 v51, v50;
	v56 =	vadd.s32 v9, v52  }
0x30b: {  	[tilespmem:v44+s22+$0x0] =	vst.idx.add.f32.msk vm11, v51  }
0x30c: {  	v6 =	vadd.s32 v9, v6;
	[tilespmem:v44+s23+$0x0] =	vst.idx.add.f32.msk vm11, v4;
	v4 =	vmul.f32 v54, v53  }
0x30d: {  	[tilespmem:v55+s22+$0x0] =	vst.idx.add.f32.msk vm12, v54  }
0x30e: {  	v0 =	vmul.f32 v8, v0;
	[tilespmem:v55+s23+$0x0] =	vst.idx.add.f32.msk vm12, v4;
	v4 =	vadd.s32 v9, v11  }
0x30f: {  	p0 =	slt.u32 s31, $0x38;
	[tilespmem:v56+s22+$0x0] =	vst.idx.add.f32.msk vm13, v8  }
.Ltmp1:
0x310: {  	[tilespmem:v56+s23+$0x0] =	vst.idx.add.f32.msk vm13, v0;
	v0 =	vmul.f32 v12, v2;
	(pc) =	sbr.rel @p0 .LBB2_4-.Ltmp1, $4  }
0x311: {  	[tilespmem:v6+s22+$0x0] =	vst.idx.add.f32.msk vm14, v12;
	v2 =	vpop (erf)  }
0x312: {  	[tilespmem:v6+s23+$0x0] =	vst.idx.add.f32.msk vm14, v0;
	v0 =	vmul.f32 v2, v10  }
0x313: {  	[tilespmem:v4+s22+$0x0] =	vst.idx.add.f32.msk vm15, v2  }
0x314: {  	s0 =	sadd.s32 $0x80, s0;
	[tilespmem:v4+s23+$0x0] =	vst.idx.add.f32.msk vm15, v0  }
0x315: {  	_ =	swait.ge [sflag:s25], $0x8000  }
0x316: {  	[sflag:s25] =	ssyncset.done $0x0  }
0x317: {  	s0 =	simm.s32 $0x0;
	[sflag:s25] =	ssyncadd.s32 $0xFFFF8000  }
0x318: {  	[tilespmem:s16], [sflag:$0x2] =	stream.linear.gather [hbm4b:s8+s0], $0x8000, $0x38;
	[tilespmem:$0x1A800] =	vst v63  }
0x319: {  	s1 =	simm.s32 $0x0;
	s0 =	sand.u32 $0x80, s0  }
0x31a: {  	s1 =	sand.u32 $0x3FFFFF80, s1;
	s17 =	sshll.u32 s0, $0x3  }
0x31b: {  	s17 =	sadd.s32 s1, s17  }
0x31c: {  	s1 =	sadd.s32 $0x18000, s17  }
0x31d: {  	v0 =	vld [tilespmem:s1+$0x810]  }
0x31e: {  	v4 =	vmov s0;
	v2 =	vld [tilespmem:s1+$0x820]  }
0x31f: {  	v4 =	vshrl.u32 v4, $0x7;
	v6 =	vld [tilespmem:s1+$0x830]  }
0x320: {  	v4 =	vshll.u32 v4, $0xA;
	v8 =	vld [tilespmem:s1+$0x840]  }
0x321: {  	v51 =	vbroadcast v4, $0x0;
	v4 =	vld [tilespmem:s1+$0x860];
	_ =	sdelay $0x3  }
0x322: {  	v0 =	vadd.s32 $0xFFFFFFFF, v0;
	v2 =	vadd.s32 $0xFFFFFFFF, v2;
	v6 =	vadd.s32 $0xFFFFFFFF, v6  }
0x323: {  	v8 =	vadd.s32 $0xFFFFFFFF, v8;
	v4 =	vadd.s32 $0xFFFFFFFF, v4;
	vm1 =	vgt.s32 v0, $0xFFFFFFFF  }
0x324: {  	v0 =	vshll.u32 v0, $0x2;
	vm2 =	vgt.s32 v2, $0xFFFFFFFF;
	v2 =	vshll.u32 v2, $0x2  }
0x325: {  	v10 =	vshll.u32 v8, $0x2;
	vm4 =	vgt.s32 v6, $0xFFFFFFFF;
	vm3 =	vgt.s32 v2, $0x0  }
0x326: {  	vm6 =	vgt.s32 v4, $0xFFFFFFFF;
	vm0 =	vgt.s32 v0, $0x0;
	v40 =	vnsel vm3, $0x0, v2  }
0x327: {  	v2 =	vshll.u32 v6, $0x2;
	vm3 =	vgt.s32 v10, $0x0;
	v38 =	vnsel vm0, $0x0, v0  }
0x328: {  	v11 =	vshll.u32 v40, $0x8;
	v41 =	vnsel vm3, $0x0, v10;
	v10 =	vshll.u32 v4, $0x2  }
0x329: {  	v12 =	vld [tilespmem:s17+$0x18800];
	vm0 =	vgt.s32 v2, $0x0;
	vm3 =	vgt.s32 v8, $0xFFFFFFFF;
	v6 =	vshll.u32 v40, $0x7  }
0x32a: {  	s28 =	simm.s32 $0x0;
	v55 =	vadd.s32 v1, v40;
	v11 =	vand.u32 $0xFFFFF800, v11;
	v0 =	vshll.u32 v41, $0x8  }
0x32b: {  	s0 =	sand.u32 $0xFFFFE000, s28;
	v39 =	vshll.u32 v41, $0x7;
	v6 =	vand.u32 $0x200, v6;
	v0 =	vand.u32 $0xFFFFF800, v0  }
0x32c: {  	v39 =	vand.u32 $0x200, v39;
	v11 =	vadd.s32 s0, v11;
	v6 =	vor.u32 v51, v6  }
0x32d: {  	v0 =	vadd.s32 s0, v0;
	v8 =	vor.u32 v51, v39;
	v39 =	vnsel vm0, $0x0, v2  }
0x32e: {  	v2 =	vadd.s32 v1, v41;
	v45 =	vor.u32 v0, v8;
	v0 =	vadd.s32 $0xFFFFFFFF, v12  }
0x32f: {  	vm0 =	vgt.s32 v10, $0x0;
	v8 =	vor.u32 v25, v45;
	v43 =	vshll.u32 v0, $0x2  }
0x330: {  	v50 =	vor.u32 v11, v6;
	v12 =	vld [tilespmem:s1+$0x850];
	v42 =	vnsel vm0, $0x0, v10;
	vm0 =	vgt.s32 v43, $0x0  }
0x331: {  	v11 =	vor.u32 v63, v50;
	v10 =	vshll.u32 v42, $0x8;
	v43 =	vnsel vm0, $0x0, v43  }
0x332: {  	vm5 =	vgt.s32 v0, $0xFFFFFFFF;
	v44 =	vshll.u32 v43, $0x8;
	v46 =	vshll.u32 v43, $0x7  }
0x333: {  	v62 =	vshll.u32 v42, $0x7;
	[tilespmem:v2+s21+$0x0] =	vst.idx.add.f32.msk vm3, v3;
	v44 =	vand.u32 $0xFFFFF800, v44;
	v46 =	vand.u32 $0x200, v46  }
0x334: {  	v0 =	vand.u32 $0xFFFFF800, v10;
	v8 =	vld.idx.msk [tilespmem:v8+s20+$0x0], $0xffff;
	v44 =	vadd.s32 s0, v44;
	v46 =	vor.u32 v51, v46  }
0x335: {  	v10 =	vadd.s32 v1, v43;
	v12 =	vadd.s32 $0xFFFFFFFF, v12;
	v48 =	vor.u32 v44, v46  }
0x336: {  	v47 =	vand.u32 $0x200, v62;
	v6 =	vshll.u32 v12, $0x2;
	v46 =	vor.u32 v13, v48  }
0x337: {  	v62 =	vshll.u32 v39, $0x8;
	vm7 =	vgt.s32 v12, $0xFFFFFFFF;
	vm0 =	vgt.s32 v6, $0x0  }
0x338: {  	v44 =	vnsel vm0, $0x0, v6;
	v6 =	vor.u32 v51, v47;
	v47 =	vand.u32 $0xFFFFF800, v62  }
0x339: {  	v57 =	vshll.u32 v44, $0x8;
	v52 =	vshll.u32 v44, $0x7;
	v49 =	vmul.f32 $1.442695020e+00, v8  }
0x33a: {  	v62 =	vadd.s32 v1, v38;
	[tilespmem:v10+s21+$0x0] =	vst.idx.add.f32.msk vm5, v3;
	v58 =	vand.u32 $0xFFFFF800, v57;
	v59 =	vand.u32 $0x200, v52  }
0x33b: {  	v12 =	vadd.s32 s0, v58;
	v60 =	vor.u32 v51, v59;
	v4 =	vld.idx.msk [tilespmem:v46+s20+$0x0], $0xffff;
	(erf) = vpow2.f32 v49  }
0x33c: {  	[tilespmem:v55+s21+$0x0] =	vst.idx.add.f32.msk vm2, v3;
	v0 =	vadd.s32 s0, v0;
	v56 =	vadd.s32 v1, v44;
	v53 =	vor.u32 v12, v60  }
0x33d: {  	v49 =	vor.u32 v0, v6;
	v0 =	vld.idx.msk [tilespmem:v11+s20+$0x0], $0xffff;
	v6 =	vor.u32 v29, v53  }
0x33e: {  	v11 =	vadd.s32 v1, v42  }
0x33f: {  	v54 =	vld [tilespmem:s1+$0x870];
	v61 =	vshll.u32 v38, $0x8;
	v60 =	vshll.u32 v39, $0x7;
	v12 =	vor.u32 v32, v49  }
0x340: {  	v47 =	vadd.s32 s0, v47;
	v52 =	vand.u32 $0x200, v60;
	[tilespmem:v62+s21+$0x0] =	vst.idx.add.f32.msk vm1, v3;
	v58 =	vmul.f32 $1.442695020e+00, v4  }
0x341: {  	v59 =	vshll.u32 v38, $0x7;
	v46 =	vand.u32 $0xFFFFF800, v61;
	v52 =	vor.u32 v51, v52;
	[tilespmem:v56+s21+$0x0] =	vst.idx.add.f32.msk vm7, v3  }
0x342: {  	v47 =	vor.u32 v47, v52;
	v52 =	vmul.f32 $1.442695020e+00, v0;
	v6 =	vld.idx.msk [tilespmem:v6+s20+$0x0], $0xffff;
	(erf) = vpow2.f32 v58  }
0x343: {  	v57 =	vadd.s32 v1, v39;
	v46 =	vadd.s32 s0, v46;
	[tilespmem:v11+s21+$0x0] =	vst.idx.add.f32.msk vm6, v3;
	v58 =	vand.u32 $0x200, v59  }
0x344: {  	v12 =	vld.idx.msk [tilespmem:v12+s20+$0x0], $0xffff;
	v59 =	vor.u32 v26, v45;
	v58 =	vor.u32 v51, v58;
	(erf) = vpow2.f32 v52;
	v61 =	vpop (erf)  }
0x345: {  	v60 =	vor.u32 v22, v47;
	v52 =	vor.u32 v46, v58;
	v8 =	vmul.f32 v61, v8  }
0x346: {  	v46 =	vor.u32 v16, v52;
	[tilespmem:v2+s22+$0x0] =	vst.idx.add.f32.msk vm3, v61  }
0x347: {  	[tilespmem:v2+s23+$0x0] =	vst.idx.add.f32.msk vm3, v8;
	v2 =	vmul.f32 $1.442695020e+00, v6  }
0x348: {  	[tilespmem:v57+s21+$0x0] =	vst.idx.add.f32.msk vm4, v3  }
0x349: {  	v8 =	vld.idx.msk [tilespmem:v59+s20+$0x0], $0xffff;
	(erf) = vpow2.f32 v2;
	v2 =	vadd.s32 $0xFFFFFFFF, v54;
	v54 =	vmul.f32 $1.442695020e+00, v12  }
0x34a: {  	v58 =	vld.idx.msk [tilespmem:v60+s20+$0x0], $0xffff  }
0x34b: {  	v60 =	vld.idx.msk [tilespmem:v46+s20+$0x0], $0xffff;
	v46 =	vpop (erf)  }
0x34c: {  	v18 =	vmov v63;
	v61 =	vor.u32 v19, v50;
	v4 =	vmul.f32 v46, v4  }
0x34d: {  	v63 =	vor.u32 v14, v48;
	v59 =	vshll.u32 v2, $0x2;
	(erf) = vpow2.f32 v54;
	[tilespmem:v10+s22+$0x0] =	vst.idx.add.f32.msk vm5, v46;
	v54 =	vpop (erf)  }
0x34e: {  	vm8 =	vgt.s32 v59, $0x0;
	v46 =	vmul.f32 $1.442695020e+00, v8;
	[tilespmem:v10+s23+$0x0] =	vst.idx.add.f32.msk vm5, v4;
	v0 =	vmul.f32 v54, v0  }
0x34f: {  	vm0 =	vgt.s32 v2, $0xFFFFFFFF;
	v2 =	vnsel vm8, $0x0, v59;
	[tilespmem:v55+s22+$0x0] =	vst.idx.add.f32.msk vm2, v54;
	v4 =	vmul.f32 $1.442695020e+00, v58  }
0x350: {  	v54 =	vadd.s32 v1, v2;
	(erf) = vpow2.f32 v46;
	[tilespmem:v55+s23+$0x0] =	vst.idx.add.f32.msk vm2, v0  }
0x351: {  	v0 =	vmul.f32 $1.442695020e+00, v60;
	(erf) = vpow2.f32 v4;
	v4 =	vld.idx.msk [tilespmem:v61+s20+$0x0], $0xffff;
	_ =	sdelay $0x2  }
0x352: {  	v46 =	vld.idx.msk [tilespmem:v63+s20+$0x0], $0xffff  }
0x353: {  	v10 =	vor.u32 v30, v53;
	(erf) = vpow2.f32 v0;
	[tilespmem:v54+s21+$0x0] =	vst.idx.add.f32.msk vm0, v3;
	v0 =	vpop (erf)  }
0x354: {  	[tilespmem:v56+s22+$0x0] =	vst.idx.add.f32.msk vm7, v0;
	v0 =	vmul.f32 v0, v6;
	v6 =	vadd.s32 v5, v41;
	v61 =	vpop (erf);
	v63 =	vmul.f32 $1.442695020e+00, v4  }
0x355: {  	v12 =	vmul.f32 v61, v12;
	[tilespmem:v11+s22+$0x0] =	vst.idx.add.f32.msk vm6, v61  }
0x356: {  	[tilespmem:v56+s23+$0x0] =	vst.idx.add.f32.msk vm7, v0;
	(erf) = vpow2.f32 v63  }
0x357: {  	v0 =	vor.u32 v33, v49;
	[tilespmem:v11+s23+$0x0] =	vst.idx.add.f32.msk vm6, v12;
	v11 =	vpop (erf)  }
0x358: {  	v10 =	vld.idx.msk [tilespmem:v10+s20+$0x0], $0xffff;
	v8 =	vmul.f32 v11, v8  }
0x359: {  	v61 =	vmul.f32 $1.442695020e+00, v46;
	[tilespmem:v6+s22+$0x0] =	vst.idx.add.f32.msk vm3, v11  }
0x35a: {  	v11 =	vpop (erf);
	[tilespmem:v6+s23+$0x0] =	vst.idx.add.f32.msk vm3, v8  }
0x35b: {  	(erf) = vpow2.f32 v61;
	v8 =	vmul.f32 v11, v58;
	[tilespmem:v57+s22+$0x0] =	vst.idx.add.f32.msk vm4, v11;
	v58 =	vadd.s32 v5, v40  }
0x35c: {  	v6 =	vpop (erf);
	v0 =	vld.idx.msk [tilespmem:v0+s20+$0x0], $0xffff  }
0x35d: {  	v12 =	vor.u32 v23, v47;
	[tilespmem:v62+s22+$0x0] =	vst.idx.add.f32.msk vm1, v6;
	v6 =	vmul.f32 v6, v60  }
0x35e: {  	v55 =	vor.u32 v17, v52;
	[tilespmem:v57+s23+$0x0] =	vst.idx.add.f32.msk vm4, v8  }
0x35f: {  	v63 =	vor.u32 v27, v45;
	v11 =	vmul.f32 $1.442695020e+00, v10;
	[tilespmem:v62+s23+$0x0] =	vst.idx.add.f32.msk vm1, v6;
	v62 =	vpop (erf)  }
0x360: {  	v61 =	vadd.s32 v5, v43;
	v60 =	vshll.u32 v2, $0x7;
	v8 =	vshll.u32 v2, $0x8;
	[tilespmem:v58+s22+$0x0] =	vst.idx.add.f32.msk vm2, v62  }
0x361: {  	v8 =	vand.u32 $0xFFFFF800, v8;
	(erf) = vpow2.f32 v11;
	v11 =	vand.u32 $0x200, v60;
	v15 =	vld [tilespmem:$0x1FE20]  }
0x362: {  	v12 =	vld.idx.msk [tilespmem:v12+s20+$0x0], $0xffff;
	v6 =	vadd.s32 s0, v8;
	v8 =	vor.u32 v51, v11  }
0x363: {  	v11 =	vld.idx.msk [tilespmem:v55+s20+$0x0], $0xffff;
	v51 =	vor.u32 v6, v8;
	v6 =	vor.u32 v20, v50  }
0x364: {  	v8 =	vld.idx.msk [tilespmem:v63+s20+$0x0], $0xffff;
	v4 =	vmul.f32 v62, v4;
	v63 =	vpop (erf)  }
0x365: {  	v56 =	vor.u32 v36, v51;
	[tilespmem:v61+s22+$0x0] =	vst.idx.add.f32.msk vm5, v63;
	v46 =	vmul.f32 v63, v46  }
0x366: {  	v60 =	vmul.f32 $1.442695020e+00, v0;
	[tilespmem:v58+s23+$0x0] =	vst.idx.add.f32.msk vm2, v4;
	v57 =	vor.u32 v15, v48  }
0x367: {  	v4 =	vadd.s32 v5, v44;
	[tilespmem:v61+s23+$0x0] =	vst.idx.add.f32.msk vm5, v46  }
0x368: {  	(erf) = vpow2.f32 v60;
	v61 =	vmul.f32 $1.442695020e+00, v12;
	v6 =	vld.idx.msk [tilespmem:v6+s20+$0x0], $0xffff;
	_ =	sdelay $0x1  }
0x369: {  	v62 =	vor.u32 v31, v53;
	v56 =	vld.idx.msk [tilespmem:v56+s20+$0x0], $0xffff;
	(erf) = vpow2.f32 v61;
	v60 =	vpop (erf)  }
0x36a: {  	v63 =	vmul.f32 $1.442695020e+00, v11;
	v10 =	vmul.f32 v60, v10;
	v57 =	vld.idx.msk [tilespmem:v57+s20+$0x0], $0xffff  }
0x36b: {  	v61 =	vmul.f32 $1.442695020e+00, v8;
	[tilespmem:v4+s22+$0x0] =	vst.idx.add.f32.msk vm7, v60  }
0x36c: {  	(erf) = vpow2.f32 v63;
	[tilespmem:v4+s23+$0x0] =	vst.idx.add.f32.msk vm7, v10;
	v4 =	vmul.f32 $1.442695020e+00, v6  }
0x36d: {  	(erf) = vpow2.f32 v61  }
0x36e: {  	v55 =	vadd.s32 v5, v42;
	v10 =	vld.idx.msk [tilespmem:v62+s20+$0x0], $0xffff;
	v62 =	vmul.f32 $1.442695020e+00, v56;
	(erf) = vpow2.f32 v4  }
0x36f: {  	v4 =	vmul.f32 $1.442695020e+00, v57  }
0x370: {  	v58 =	vadd.s32 v5, v39;
	v63 =	vpop (erf);
	(erf) = vpow2.f32 v62  }
0x371: {  	v0 =	vmul.f32 v63, v0;
	(erf) = vpow2.f32 v4;
	v4 =	vadd.s32 v5, v38  }
0x372: {  	v61 =	vpop (erf)  }
0x373: {  	[tilespmem:v55+s22+$0x0] =	vst.idx.add.f32.msk vm6, v63;
	v12 =	vmul.f32 v61, v12  }
0x374: {  	v62 =	vadd.s32 v7, v40;
	[tilespmem:v55+s23+$0x0] =	vst.idx.add.f32.msk vm6, v0  }
0x375: {  	v60 =	vmul.f32 $1.442695020e+00, v10;
	[tilespmem:v58+s22+$0x0] =	vst.idx.add.f32.msk vm4, v61;
	v0 =	vpop (erf)  }
0x376: {  	v46 =	vpop (erf);
	[tilespmem:v4+s22+$0x0] =	vst.idx.add.f32.msk vm1, v0;
	v0 =	vmul.f32 v0, v11  }
0x377: {  	[tilespmem:v58+s23+$0x0] =	vst.idx.add.f32.msk vm4, v12;
	(erf) = vpow2.f32 v60;
	v12 =	vpop (erf)  }
0x378: {  	v11 =	vadd.s32 v7, v43;
	[tilespmem:v4+s23+$0x0] =	vst.idx.add.f32.msk vm1, v0;
	v0 =	vmul.f32 v12, v6  }
0x379: {  	[tilespmem:v62+s22+$0x0] =	vst.idx.add.f32.msk vm2, v12  }
0x37a: {  	v63 =	vor.u32 v34, v49;
	v4 =	vpop (erf);
	[tilespmem:v62+s23+$0x0] =	vst.idx.add.f32.msk vm2, v0  }
0x37b: {  	v12 =	vpop (erf);
	v0 =	vld [tilespmem:$0x1FE50]  }
0x37c: {  	v6 =	vadd.s32 v7, v44;
	v57 =	vmul.f32 v12, v57  }
0x37d: {  	[tilespmem:v11+s22+$0x0] =	vst.idx.add.f32.msk vm5, v12  }
0x37e: {  	[tilespmem:v11+s23+$0x0] =	vst.idx.add.f32.msk vm5, v57  }
0x37f: {  	v11 =	vld.idx.msk [tilespmem:v63+s20+$0x0], $0xffff  }
0x380: {  	v55 =	vpop (erf);
	v57 =	vld [tilespmem:$0x1FFD0];
	v0 =	vor.u32 v0, v52  }
0x381: {  	v12 =	vor.u32 v21, v50;
	[tilespmem:v6+s22+$0x0] =	vst.idx.add.f32.msk vm7, v55  }
0x382: {  	v10 =	vmul.f32 v55, v10;
	[tilespmem:v54+s22+$0x0] =	vst.idx.add.f32.msk vm0, v4  }
0x383: {  	v15 =	vld [tilespmem:$0x1FF40]  }
0x384: {  	[tilespmem:v6+s23+$0x0] =	vst.idx.add.f32.msk vm7, v10  }
0x385: {  	v58 =	vor.u32 v24, v47;
	v6 =	vmul.f32 $1.442695020e+00, v11;
	v0 =	vld.idx.msk [tilespmem:v0+s20+$0x0], $0xffff  }
0x386: {  	v10 =	vld.idx.msk [tilespmem:v12+s20+$0x0], $0xffff;
	v12 =	vor.u32 v37, v51  }
0x387: {  	v4 =	vmul.f32 v4, v56;
	(erf) = vpow2.f32 v6;
	_ =	sdelay $0x1  }
0x388: {  	[tilespmem:v54+s23+$0x0] =	vst.idx.add.f32.msk vm0, v4;
	v48 =	vor.u32 v57, v48  }
0x389: {  	v53 =	vor.u32 v15, v53;
	v6 =	vld.idx.msk [tilespmem:v58+s20+$0x0], $0xffff;
	v59 =	vmul.f32 $1.442695020e+00, v0  }
0x38a: {  	v4 =	vld.idx.msk [tilespmem:v12+s20+$0x0], $0xffff;
	v12 =	vadd.s32 v7, v41  }
0x38b: {  	v60 =	vmul.f32 $1.442695020e+00, v10;
	(erf) = vpow2.f32 v59;
	_ =	sdelay $0x1  }
0x38c: {  	v62 =	vadd.s32 v7, v42;
	v48 =	vld.idx.msk [tilespmem:v48+s20+$0x0], $0xffff  }
0x38d: {  	v8 =	vmul.f32 v46, v8;
	v50 =	vld.idx.msk [tilespmem:v53+s20+$0x0], $0xffff;
	v61 =	vmul.f32 $1.442695020e+00, v6  }
0x38e: {  	[tilespmem:v12+s22+$0x0] =	vst.idx.add.f32.msk vm3, v46;
	(erf) = vpow2.f32 v60;
	v60 =	vpop (erf)  }
0x38f: {  	[tilespmem:v12+s23+$0x0] =	vst.idx.add.f32.msk vm3, v8;
	(erf) = vpow2.f32 v61;
	v8 =	vmul.f32 v60, v11;
	v11 =	vadd.s32 v7, v38;
	_ =	sdelay $0x1  }
0x390: {  	[tilespmem:v62+s22+$0x0] =	vst.idx.add.f32.msk vm6, v60  }
0x391: {  	[tilespmem:v62+s23+$0x0] =	vst.idx.add.f32.msk vm6, v8  }
0x392: {  	v63 =	vmul.f32 $1.442695020e+00, v50;
	v8 =	vld [tilespmem:$0x1FE60];
	v61 =	vpop (erf)  }
0x393: {  	v58 =	vmul.f32 $1.442695020e+00, v48;
	v62 =	vadd.s32 v7, v39;
	v0 =	vmul.f32 v61, v0;
	[tilespmem:v11+s22+$0x0] =	vst.idx.add.f32.msk vm1, v61  }
0x394: {  	v59 =	vmul.f32 $1.442695020e+00, v4;
	(erf) = vpow2.f32 v63;
	v15 =	vld [tilespmem:$0x1FED0]  }
0x395: {  	(erf) = vpow2.f32 v58  }
0x396: {  	(erf) = vpow2.f32 v59;
	v63 =	vpop (erf)  }
0x397: {  	v45 =	vor.u32 v28, v45;
	[tilespmem:v11+s23+$0x0] =	vst.idx.add.f32.msk vm1, v0;
	v0 =	vpop (erf)  }
0x398: {  	v49 =	vor.u32 v35, v49;
	[tilespmem:v62+s22+$0x0] =	vst.idx.add.f32.msk vm4, v0  }
0x399: {  	v8 =	vor.u32 v8, v52;
	v47 =	vor.u32 v15, v47;
	v15 =	vld [tilespmem:$0x1FFB0];
	_ =	sdelay $0x1  }
0x39a: {  	v11 =	vadd.s32 v5, v2;
	v6 =	vmul.f32 v0, v6  }
0x39b: {  	v45 =	vld.idx.msk [tilespmem:v45+s20+$0x0], $0xffff  }
0x39c: {  	v12 =	vld.idx.msk [tilespmem:v49+s20+$0x0], $0xffff;
	v52 =	vpop (erf)  }
0x39d: {  	v8 =	vld.idx.msk [tilespmem:v8+s20+$0x0], $0xffff;
	v0 =	vpop (erf);
	v56 =	vor.u32 v15, v51  }
0x39e: {  	[tilespmem:v62+s23+$0x0] =	vst.idx.add.f32.msk vm4, v6;
	v6 =	vpop (erf)  }
0x39f: {  	v4 =	vmul.f32 v6, v4;
	[tilespmem:v11+s22+$0x0] =	vst.idx.add.f32.msk vm0, v6  }
0x3a0: {  	v47 =	vld.idx.msk [tilespmem:v47+s20+$0x0], $0xffff  }
0x3a1: {  	[tilespmem:v11+s23+$0x0] =	vst.idx.add.f32.msk vm0, v4  }
0x3a2: {  	v4 =	vld.idx.msk [tilespmem:v56+s20+$0x0], $0xffff  }
0x3a3: {  	v6 =	vmul.f32 $1.442695020e+00, v12  }
0x3a4: {  	v11 =	vmul.f32 $1.442695020e+00, v45  }
0x3a5: {  	(erf) = vpow2.f32 v6;
	v6 =	vmul.f32 $1.442695020e+00, v8  }
0x3a6: {  	(erf) = vpow2.f32 v11;
	v11 =	vmul.f32 $1.442695020e+00, v47  }
0x3a7: {  	(erf) = vpow2.f32 v6;
	v6 =	vmul.f32 $1.442695020e+00, v4  }
0x3a8: {  	(erf) = vpow2.f32 v11  }
0x3a9: {  	(erf) = vpow2.f32 v6;
	_ =	sdelay $0x2  }
0x3aa: {  	v15 =	vld [tilespmem:$0x1FFC0];
	_ =	sdelay $0x1  }
0x3ab: {  	v6 =	vpop (erf)  }
0x3ac: {  	v58 =	vadd.s32 v7, v2;
	v11 =	vpop (erf)  }
0x3ad: {  	v59 =	vpop (erf)  }
0x3ae: {  	v51 =	vor.u32 v15, v51;
	v60 =	vpop (erf)  }
0x3af: {  	v61 =	vpop (erf)  }
0x3b0: {  	v40 =	vadd.s32 v9, v40;
	v4 =	vmul.f32 v61, v4  }
0x3b1: {  	[tilespmem:v58+s22+$0x0] =	vst.idx.add.f32.msk vm0, v61  }
0x3b2: {  	[tilespmem:v58+s23+$0x0] =	vst.idx.add.f32.msk vm0, v4;
	v4 =	vadd.s32 v9, v43  }
0x3b3: {  	v62 =	vld.idx.msk [tilespmem:v51+s20+$0x0], $0xffff  }
0x3b4: {  	v44 =	vadd.s32 v9, v44;
	v10 =	vmul.f32 v63, v10  }
0x3b5: {  	[tilespmem:v40+s22+$0x0] =	vst.idx.add.f32.msk vm2, v63  }
0x3b6: {  	v63 =	vmul.f32 v0, v48;
	[tilespmem:v40+s23+$0x0] =	vst.idx.add.f32.msk vm2, v10;
	v10 =	vadd.s32 v9, v41  }
0x3b7: {  	[tilespmem:v4+s22+$0x0] =	vst.idx.add.f32.msk vm5, v0  }
0x3b8: {  	v38 =	vadd.s32 v9, v38;
	v0 =	vmul.f32 $1.442695020e+00, v62;
	[tilespmem:v4+s23+$0x0] =	vst.idx.add.f32.msk vm5, v63;
	v4 =	vmul.f32 v52, v50  }
0x3b9: {  	[tilespmem:v44+s22+$0x0] =	vst.idx.add.f32.msk vm7, v52  }
0x3ba: {  	(erf) = vpow2.f32 v0;
	[tilespmem:v44+s23+$0x0] =	vst.idx.add.f32.msk vm7, v4;
	v0 =	vadd.s32 v9, v42;
	v4 =	vmul.f32 v11, v45  }
0x3bb: {  	[tilespmem:v10+s22+$0x0] =	vst.idx.add.f32.msk vm3, v11  }
0x3bc: {  	[tilespmem:v10+s23+$0x0] =	vst.idx.add.f32.msk vm3, v4;
	v4 =	vmul.f32 v59, v8  }
0x3bd: {  	[tilespmem:v38+s22+$0x0] =	vst.idx.add.f32.msk vm1, v59  }
0x3be: {  	v8 =	vadd.s32 v9, v39;
	[tilespmem:v38+s23+$0x0] =	vst.idx.add.f32.msk vm1, v4;
	v4 =	vmul.f32 v6, v12  }
0x3bf: {  	[tilespmem:v0+s22+$0x0] =	vst.idx.add.f32.msk vm6, v6  }
0x3c0: {  	v38 =	vadd.s32 v9, v2;
	[tilespmem:v0+s23+$0x0] =	vst.idx.add.f32.msk vm6, v4;
	v0 =	vmul.f32 v60, v47;
	_ =	sdelay $0x2  }
0x3c1: {  	[tilespmem:v8+s22+$0x0] =	vst.idx.add.f32.msk vm4, v60  }
0x3c2: {  	[tilespmem:v8+s23+$0x0] =	vst.idx.add.f32.msk vm4, v0;
	v0 =	vpop (erf)  }
0x3c3: {  	s31 =	simm.s32 $0x0;
	s0 =	simm.s32 $0x80;
	v15 =	vmov v57;
	[tilespmem:v38+s22+$0x0] =	vst.idx.add.f32.msk vm0, v0;
	v39 =	vmul.f32 v0, v62  }
.LBB2_6:
0x3c4: {  	s31 =	sadd.s32 $0x8, s31  }
0x3c5: {  	s1 =	sand.u32 $0x80, s0;
	s17 =	sshll.u32 s31, $0x3  }
0x3c6: {  	v0 =	vmov s1;
	s1 =	sshll.u32 s1, $0x3;
	s17 =	sand.u32 $0x3FFFFF80, s17  }
0x3c7: {  	s1 =	sadd.s32 s17, s1  }
0x3c8: {  	s17 =	sadd.s32 $0x18000, s1  }
0x3c9: {  	v2 =	vld [tilespmem:s17+$0x810]  }
0x3ca: {  	v4 =	vld [tilespmem:s17+$0x820]  }
0x3cb: {  	v6 =	vld [tilespmem:s17+$0x830]  }
0x3cc: {  	v8 =	vld [tilespmem:s17+$0x840]  }
0x3cd: {  	v10 =	vld [tilespmem:s17+$0x850];
	_ =	sdelay $0x1  }
0x3ce: {  	v0 =	vshrl.u32 v0, $0x7  }
0x3cf: {  	v0 =	vshll.u32 v0, $0xA  }
0x3d0: {  	v46 =	vbroadcast v0, $0x0;
	v0 =	vadd.s32 $0xFFFFFFFF, v2;
	v4 =	vadd.s32 $0xFFFFFFFF, v4  }
0x3d1: {  	v6 =	vadd.s32 $0xFFFFFFFF, v6;
	v8 =	vadd.s32 $0xFFFFFFFF, v8;
	v10 =	vadd.s32 $0xFFFFFFFF, v10  }
0x3d2: {  	vm1 =	vgt.s32 v0, $0xFFFFFFFF;
	vm4 =	vgt.s32 v4, $0xFFFFFFFF;
	v4 =	vshll.u32 v4, $0x2  }
0x3d3: {  	v2 =	vld [tilespmem:s17+$0x860];
	v0 =	vshll.u32 v0, $0x2;
	v11 =	vshll.u32 v8, $0x2;
	vm2 =	vgt.s32 v4, $0x0  }
0x3d4: {  	[tilespmem:v38+s23+$0x0] =	vst.idx.add.f32.msk vm0, v39;
	vm3 =	vgt.s32 v8, $0xFFFFFFFF;
	vm0 =	vgt.s32 v0, $0x0;
	v42 =	vnsel vm2, $0x0, v4  }
0x3d5: {  	v41 =	vld [tilespmem:s1+$0x18800];
	v4 =	vshll.u32 v6, $0x2;
	vm2 =	vgt.s32 v11, $0x0;
	v39 =	vnsel vm0, $0x0, v0  }
0x3d6: {  	v12 =	vshll.u32 v42, $0x8;
	v40 =	vnsel vm2, $0x0, v11;
	vm0 =	vgt.s32 v4, $0x0  }
0x3d7: {  	s26 =	sshll.u32 s31, $0x9;
	vm2 =	vgt.s32 v6, $0xFFFFFFFF;
	v0 =	vshll.u32 v40, $0x8;
	v59 =	vshll.u32 v40, $0x7  }
0x3d8: {  	s28 =	sand.u32 $0xFFFFE000, s26;
	v2 =	vadd.s32 $0xFFFFFFFF, v2;
	v0 =	vand.u32 $0xFFFFF800, v0;
	v38 =	vand.u32 $0x200, v59  }
0x3d9: {  	v11 =	vshll.u32 v2, $0x2;
	v0 =	vadd.s32 s28, v0;
	v8 =	vor.u32 v46, v38  }
0x3da: {  	v38 =	vnsel vm0, $0x0, v4;
	v51 =	vor.u32 v0, v8;
	v0 =	vadd.s32 $0xFFFFFFFF, v41  }
0x3db: {  	v4 =	vadd.s32 v1, v40;
	vm0 =	vgt.s32 v11, $0x0;
	v43 =	vshll.u32 v0, $0x2  }
0x3dc: {  	v41 =	vnsel vm0, $0x0, v11;
	v8 =	vor.u32 v25, v51;
	vm0 =	vgt.s32 v43, $0x0  }
0x3dd: {  	v11 =	vshll.u32 v41, $0x8;
	vm5 =	vgt.s32 v0, $0xFFFFFFFF;
	v43 =	vnsel vm0, $0x0, v43  }
0x3de: {  	v0 =	vand.u32 $0xFFFFF800, v11;
	v11 =	vshll.u32 v43, $0x8;
	v45 =	vshll.u32 v43, $0x7  }
0x3df: {  	v6 =	vshll.u32 v42, $0x7;
	v11 =	vand.u32 $0xFFFFF800, v11;
	v45 =	vand.u32 $0x200, v45  }
0x3e0: {  	v12 =	vand.u32 $0xFFFFF800, v12;
	v11 =	vadd.s32 s28, v11;
	v45 =	vor.u32 v46, v45  }
0x3e1: {  	v6 =	vand.u32 $0x200, v6;
	v54 =	vadd.s32 v1, v43;
	[tilespmem:v4+s21+$0x0] =	vst.idx.add.f32.msk vm3, v3;
	v48 =	vor.u32 v11, v45  }
0x3e2: {  	v12 =	vadd.s32 s28, v12;
	v6 =	vor.u32 v46, v6;
	v8 =	vld.idx.msk [tilespmem:v8+s20+$0x0], $0xffff;
	v47 =	vor.u32 v13, v48  }
0x3e3: {  	vm7 =	vgt.s32 v10, $0xFFFFFFFF;
	v52 =	vor.u32 v12, v6;
	v6 =	vshll.u32 v10, $0x2  }
0x3e4: {  	v56 =	vadd.s32 v1, v42;
	vm6 =	vgt.s32 v2, $0xFFFFFFFF;
	vm0 =	vgt.s32 v6, $0x0  }
0x3e5: {  	v12 =	vor.u32 v18, v52;
	v11 =	vshll.u32 v41, $0x7;
	v45 =	vnsel vm0, $0x0, v6  }
0x3e6: {  	v61 =	vshll.u32 v38, $0x8;
	v11 =	vand.u32 $0x200, v11;
	v50 =	vshll.u32 v45, $0x7;
	[tilespmem:v54+s21+$0x0] =	vst.idx.add.f32.msk vm5, v3  }
0x3e7: {  	v6 =	vor.u32 v46, v11;
	v11 =	vshll.u32 v45, $0x8;
	v49 =	vmul.f32 $1.442695020e+00, v8;
	v2 =	vld.idx.msk [tilespmem:v47+s20+$0x0], $0xffff  }
0x3e8: {  	v53 =	vshll.u32 v38, $0x7;
	v60 =	vand.u32 $0x200, v50;
	v11 =	vand.u32 $0xFFFFF800, v11  }
0x3e9: {  	v10 =	vadd.s32 s28, v11;
	v11 =	vor.u32 v46, v60;
	(erf) = vpow2.f32 v49  }
0x3ea: {  	[tilespmem:v56+s21+$0x0] =	vst.idx.add.f32.msk vm4, v3;
	v0 =	vadd.s32 s28, v0;
	v57 =	vadd.s32 v1, v45;
	v50 =	vor.u32 v10, v11  }
0x3eb: {  	v55 =	vadd.s32 v1, v38;
	v12 =	vld.idx.msk [tilespmem:v12+s20+$0x0], $0xffff;
	v49 =	vor.u32 v0, v6;
	v0 =	vor.u32 v29, v50  }
0x3ec: {  	v53 =	vand.u32 $0x200, v53;
	v6 =	vadd.s32 v1, v41;
	v58 =	vmul.f32 $1.442695020e+00, v2  }
0x3ed: {  	v44 =	vld [tilespmem:s17+$0x870];
	v53 =	vor.u32 v46, v53;
	v47 =	vand.u32 $0xFFFFF800, v61;
	v10 =	vor.u32 v32, v49  }
0x3ee: {  	v11 =	vshll.u32 v39, $0x8;
	v47 =	vadd.s32 s28, v47;
	(erf) = vpow2.f32 v58  }
0x3ef: {  	v59 =	vshll.u32 v39, $0x7;
	v11 =	vand.u32 $0xFFFFF800, v11;
	[tilespmem:v57+s21+$0x0] =	vst.idx.add.f32.msk vm7, v3;
	v47 =	vor.u32 v47, v53  }
0x3f0: {  	v53 =	vmul.f32 $1.442695020e+00, v12;
	v60 =	vor.u32 v22, v47;
	v0 =	vld.idx.msk [tilespmem:v0+s20+$0x0], $0xffff;
	v58 =	vand.u32 $0x200, v59  }
0x3f1: {  	v11 =	vadd.s32 s28, v11;
	[tilespmem:v6+s21+$0x0] =	vst.idx.add.f32.msk vm6, v3;
	v59 =	vor.u32 v26, v51;
	v58 =	vor.u32 v46, v58  }
0x3f2: {  	v10 =	vld.idx.msk [tilespmem:v10+s20+$0x0], $0xffff;
	v61 =	vpop (erf);
	(erf) = vpow2.f32 v53;
	v53 =	vor.u32 v11, v58;
	v11 =	vadd.s32 $0xFFFFFFFF, v44  }
0x3f3: {  	[tilespmem:v55+s21+$0x0] =	vst.idx.add.f32.msk vm2, v3;
	v8 =	vmul.f32 v61, v8;
	v44 =	vshll.u32 v11, $0x2  }
0x3f4: {  	v62 =	vadd.s32 v1, v39;
	[tilespmem:v4+s22+$0x0] =	vst.idx.add.f32.msk vm3, v61;
	vm0 =	vgt.s32 v44, $0x0  }
0x3f5: {  	v58 =	vor.u32 v16, v53;
	[tilespmem:v4+s23+$0x0] =	vst.idx.add.f32.msk vm3, v8;
	v44 =	vnsel vm0, $0x0, v44  }
0x3f6: {  	v8 =	vmul.f32 $1.442695020e+00, v0;
	v4 =	vld.idx.msk [tilespmem:v59+s20+$0x0], $0xffff;
	v61 =	vshll.u32 v44, $0x7  }
0x3f7: {  	v63 =	vmul.f32 $1.442695020e+00, v10;
	v59 =	vld.idx.msk [tilespmem:v60+s20+$0x0], $0xffff;
	v60 =	vshll.u32 v44, $0x8;
	v61 =	vand.u32 $0x200, v61;
	v13 =	vpop (erf)  }
0x3f8: {  	(erf) = vpow2.f32 v8;
	[tilespmem:v54+s22+$0x0] =	vst.idx.add.f32.msk vm5, v13;
	v2 =	vmul.f32 v13, v2;
	v13 =	vor.u32 v46, v61  }
0x3f9: {  	[tilespmem:v62+s21+$0x0] =	vst.idx.add.f32.msk vm1, v3;
	v60 =	vand.u32 $0xFFFFF800, v60  }
0x3fa: {  	v58 =	vld.idx.msk [tilespmem:v58+s20+$0x0], $0xffff;
	v60 =	vadd.s32 s28, v60;
	(erf) = vpow2.f32 v63  }
0x3fb: {  	v46 =	vor.u32 v60, v13;
	v13 =	vpop (erf)  }
0x3fc: {  	v8 =	vor.u32 v14, v48;
	[tilespmem:v56+s22+$0x0] =	vst.idx.add.f32.msk vm4, v13;
	v12 =	vmul.f32 v13, v12;
	v13 =	vmul.f32 $1.442695020e+00, v4  }
0x3fd: {  	v61 =	vor.u32 v19, v52  }
0x3fe: {  	[tilespmem:v54+s23+$0x0] =	vst.idx.add.f32.msk vm5, v2;
	v2 =	vmul.f32 $1.442695020e+00, v59;
	(erf) = vpow2.f32 v13  }
0x3ff: {  	v13 =	vmul.f32 $1.442695020e+00, v58  }
0x400: {  	[tilespmem:v56+s23+$0x0] =	vst.idx.add.f32.msk vm4, v12;
	v12 =	vor.u32 v30, v50;
	(erf) = vpow2.f32 v2  }
0x401: {  	vm0 =	vgt.s32 v11, $0xFFFFFFFF;
	v8 =	vld.idx.msk [tilespmem:v8+s20+$0x0], $0xffff;
	v11 =	vpop (erf)  }
0x402: {  	v2 =	vld.idx.msk [tilespmem:v61+s20+$0x0], $0xffff;
	v0 =	vmul.f32 v11, v0;
	(erf) = vpow2.f32 v13  }
0x403: {  	[tilespmem:v57+s22+$0x0] =	vst.idx.add.f32.msk vm7, v11;
	v11 =	vadd.s32 v5, v40;
	v13 =	vpop (erf)  }
0x404: {  	[tilespmem:v57+s23+$0x0] =	vst.idx.add.f32.msk vm7, v0;
	v61 =	vmul.f32 v13, v10;
	v10 =	vor.u32 v33, v49  }
0x405: {  	v12 =	vld.idx.msk [tilespmem:v12+s20+$0x0], $0xffff  }
0x406: {  	[tilespmem:v6+s22+$0x0] =	vst.idx.add.f32.msk vm6, v13  }
0x407: {  	v56 =	vmul.f32 $1.442695020e+00, v2;
	[tilespmem:v6+s23+$0x0] =	vst.idx.add.f32.msk vm6, v61;
	v0 =	vpop (erf)  }
0x408: {  	v13 =	vmul.f32 $1.442695020e+00, v8;
	[tilespmem:v11+s22+$0x0] =	vst.idx.add.f32.msk vm3, v0  }
0x409: {  	(erf) = vpow2.f32 v56;
	v56 =	vor.u32 v23, v47;
	v61 =	vmul.f32 v0, v4;
	v4 =	vpop (erf);
	v10 =	vld.idx.msk [tilespmem:v10+s20+$0x0], $0xffff  }
0x40a: {  	[tilespmem:v55+s22+$0x0] =	vst.idx.add.f32.msk vm2, v4  }
0x40b: {  	(erf) = vpow2.f32 v13;
	v6 =	vmul.f32 v4, v59;
	v0 =	vpop (erf);
	[tilespmem:v11+s23+$0x0] =	vst.idx.add.f32.msk vm3, v61  }
0x40c: {  	v54 =	vadd.s32 v1, v44;
	v13 =	vmul.f32 $1.442695020e+00, v12;
	[tilespmem:v62+s22+$0x0] =	vst.idx.add.f32.msk vm1, v0  }
0x40d: {  	v11 =	vor.u32 v17, v53;
	[tilespmem:v55+s23+$0x0] =	vst.idx.add.f32.msk vm2, v6  }
0x40e: {  	v4 =	vadd.s32 v5, v42;
	v0 =	vmul.f32 v0, v58;
	(erf) = vpow2.f32 v13;
	v13 =	vld.idx.msk [tilespmem:v56+s20+$0x0], $0xffff  }
0x40f: {  	v63 =	vld [tilespmem:$0x1FE20];
	v57 =	vor.u32 v27, v51  }
0x410: {  	v6 =	vadd.s32 v5, v43;
	[tilespmem:v62+s23+$0x0] =	vst.idx.add.f32.msk vm1, v0;
	v0 =	vmul.f32 $1.442695020e+00, v10  }
0x411: {  	[tilespmem:v54+s21+$0x0] =	vst.idx.add.f32.msk vm0, v3  }
0x412: {  	v11 =	vld.idx.msk [tilespmem:v11+s20+$0x0], $0xffff;
	v62 =	vpop (erf);
	(erf) = vpow2.f32 v0  }
0x413: {  	v55 =	vor.u32 v20, v52;
	[tilespmem:v4+s22+$0x0] =	vst.idx.add.f32.msk vm4, v62;
	v2 =	vmul.f32 v62, v2;
	v62 =	vmul.f32 $1.442695020e+00, v13  }
0x414: {  	v60 =	vor.u32 v36, v46;
	v56 =	vld.idx.msk [tilespmem:v57+s20+$0x0], $0xffff;
	v61 =	vpop (erf)  }
0x415: {  	v0 =	vor.u32 v63, v48;
	[tilespmem:v6+s22+$0x0] =	vst.idx.add.f32.msk vm5, v61;
	v8 =	vmul.f32 v61, v8;
	(erf) = vpow2.f32 v62  }
0x416: {  	[tilespmem:v4+s23+$0x0] =	vst.idx.add.f32.msk vm4, v2;
	v4 =	vadd.s32 v5, v45  }
0x417: {  	[tilespmem:v6+s23+$0x0] =	vst.idx.add.f32.msk vm5, v8;
	v6 =	vmul.f32 $1.442695020e+00, v11  }
0x418: {  	v62 =	vor.u32 v31, v50;
	v8 =	vld.idx.msk [tilespmem:v55+s20+$0x0], $0xffff  }
0x419: {  	v58 =	vld.idx.msk [tilespmem:v60+s20+$0x0], $0xffff;
	v61 =	vmul.f32 $1.442695020e+00, v56;
	v2 =	vpop (erf);
	(erf) = vpow2.f32 v6;
	v6 =	vadd.s32 v5, v41  }
0x41a: {  	v55 =	vadd.s32 v5, v38;
	v0 =	vld.idx.msk [tilespmem:v0+s20+$0x0], $0xffff;
	v12 =	vmul.f32 v2, v12  }
0x41b: {  	(erf) = vpow2.f32 v61;
	[tilespmem:v4+s22+$0x0] =	vst.idx.add.f32.msk vm7, v2  }
0x41c: {  	v2 =	vpop (erf);
	[tilespmem:v4+s23+$0x0] =	vst.idx.add.f32.msk vm7, v12  }
0x41d: {  	v60 =	vor.u32 v34, v49;
	v4 =	vmul.f32 v2, v10;
	v10 =	vmul.f32 $1.442695020e+00, v8;
	v12 =	vld.idx.msk [tilespmem:v62+s20+$0x0], $0xffff  }
0x41e: {  	[tilespmem:v6+s22+$0x0] =	vst.idx.add.f32.msk vm6, v2;
	v62 =	vpop (erf)  }
0x41f: {  	v57 =	vadd.s32 v5, v39;
	v61 =	vmul.f32 $1.442695020e+00, v58;
	(erf) = vpow2.f32 v10;
	[tilespmem:v55+s22+$0x0] =	vst.idx.add.f32.msk vm2, v62  }
0x420: {  	v59 =	vadd.s32 v7, v40;
	v2 =	vmul.f32 $1.442695020e+00, v0;
	v13 =	vmul.f32 v62, v13;
	v62 =	vld [tilespmem:$0x1FE50]  }
0x421: {  	[tilespmem:v6+s23+$0x0] =	vst.idx.add.f32.msk vm6, v4  }
0x422: {  	(erf) = vpow2.f32 v61;
	v60 =	vld.idx.msk [tilespmem:v60+s20+$0x0], $0xffff  }
0x423: {  	v4 =	vpop (erf);
	v6 =	vmul.f32 $1.442695020e+00, v12;
	[tilespmem:v55+s23+$0x0] =	vst.idx.add.f32.msk vm2, v13  }
0x424: {  	(erf) = vpow2.f32 v2;
	[tilespmem:v57+s22+$0x0] =	vst.idx.add.f32.msk vm1, v4;
	v2 =	vpop (erf);
	v4 =	vmul.f32 v4, v11;
	v11 =	vadd.s32 v7, v42  }
0x425: {  	[tilespmem:v59+s22+$0x0] =	vst.idx.add.f32.msk vm3, v2;
	v61 =	vor.u32 v62, v53  }
0x426: {  	v56 =	vmul.f32 v2, v56;
	[tilespmem:v57+s23+$0x0] =	vst.idx.add.f32.msk vm1, v4  }
0x427: {  	(erf) = vpow2.f32 v6;
	v57 =	vld [tilespmem:$0x1FE60]  }
0x428: {  	[tilespmem:v59+s23+$0x0] =	vst.idx.add.f32.msk vm3, v56;
	v6 =	vpop (erf)  }
0x429: {  	v2 =	vadd.s32 v7, v43;
	[tilespmem:v11+s22+$0x0] =	vst.idx.add.f32.msk vm4, v6  }
0x42a: {  	v4 =	vor.u32 v21, v52;
	v13 =	vld.idx.msk [tilespmem:v61+s20+$0x0], $0xffff  }
0x42b: {  	v55 =	vmul.f32 $1.442695020e+00, v60;
	v6 =	vmul.f32 v6, v8;
	v8 =	vpop (erf);
	v61 =	vld [tilespmem:$0x1FF40]  }
0x42c: {  	v52 =	vadd.s32 v7, v45;
	[tilespmem:v54+s22+$0x0] =	vst.idx.add.f32.msk vm0, v8  }
0x42d: {  	v56 =	vmul.f32 v8, v58;
	[tilespmem:v11+s23+$0x0] =	vst.idx.add.f32.msk vm4, v6;
	v6 =	vor.u32 v15, v48;
	v8 =	vpop (erf);
	(erf) = vpow2.f32 v55  }
0x42e: {  	[tilespmem:v2+s22+$0x0] =	vst.idx.add.f32.msk vm5, v8;
	v0 =	vmul.f32 v8, v0  }
0x42f: {  	v10 =	vor.u32 v24, v47;
	v4 =	vld.idx.msk [tilespmem:v4+s20+$0x0], $0xffff  }
0x430: {  	v8 =	vpop (erf);
	[tilespmem:v2+s23+$0x0] =	vst.idx.add.f32.msk vm5, v0;
	v0 =	vmul.f32 $1.442695020e+00, v13  }
0x431: {  	[tilespmem:v52+s22+$0x0] =	vst.idx.add.f32.msk vm7, v8;
	v8 =	vmul.f32 v8, v12;
	v11 =	vor.u32 v61, v50  }
0x432: {  	v2 =	vld.idx.msk [tilespmem:v6+s20+$0x0], $0xffff;
	v6 =	vadd.s32 v7, v41;
	(erf) = vpow2.f32 v0  }
0x433: {  	[tilespmem:v52+s23+$0x0] =	vst.idx.add.f32.msk vm7, v8;
	v8 =	vor.u32 v37, v46  }
0x434: {  	v0 =	vld.idx.msk [tilespmem:v10+s20+$0x0], $0xffff  }
0x435: {  	[tilespmem:v54+s23+$0x0] =	vst.idx.add.f32.msk vm0, v56;
	v10 =	vmul.f32 $1.442695020e+00, v4  }
0x436: {  	v51 =	vor.u32 v28, v51;
	v11 =	vld.idx.msk [tilespmem:v11+s20+$0x0], $0xffff;
	v54 =	vpop (erf)  }
0x437: {  	v12 =	vor.u32 v35, v49;
	(erf) = vpow2.f32 v10;
	[tilespmem:v6+s22+$0x0] =	vst.idx.add.f32.msk vm6, v54;
	v48 =	vmul.f32 v54, v60  }
0x438: {  	v10 =	vadd.s32 v7, v39;
	v8 =	vld.idx.msk [tilespmem:v8+s20+$0x0], $0xffff  }
0x439: {  	[tilespmem:v6+s23+$0x0] =	vst.idx.add.f32.msk vm6, v48;
	v6 =	vmul.f32 $1.442695020e+00, v0  }
0x43a: {  	v59 =	vld [tilespmem:$0x1FED0];
	v48 =	vor.u32 v57, v53  }
0x43b: {  	v49 =	vld.idx.msk [tilespmem:v51+s20+$0x0], $0xffff;
	v55 =	vmul.f32 $1.442695020e+00, v11;
	v60 =	vpop (erf);
	(erf) = vpow2.f32 v6  }
0x43c: {  	v42 =	vadd.s32 v9, v42;
	v12 =	vld.idx.msk [tilespmem:v12+s20+$0x0], $0xffff;
	v6 =	vmul.f32 v60, v13  }
0x43d: {  	v54 =	vmul.f32 $1.442695020e+00, v2;
	[tilespmem:v10+s22+$0x0] =	vst.idx.add.f32.msk vm1, v60;
	(erf) = vpow2.f32 v55  }
0x43e: {  	v55 =	vmul.f32 $1.442695020e+00, v8;
	[tilespmem:v10+s23+$0x0] =	vst.idx.add.f32.msk vm1, v6  }
0x43f: {  	(erf) = vpow2.f32 v54;
	v6 =	vld.idx.msk [tilespmem:v48+s20+$0x0], $0xffff  }
0x440: {  	v13 =	vpop (erf);
	(erf) = vpow2.f32 v55  }
0x441: {  	[tilespmem:v42+s22+$0x0] =	vst.idx.add.f32.msk vm4, v13;
	v4 =	vmul.f32 v13, v4;
	v13 =	vadd.s32 v7, v38  }
0x442: {  	v56 =	vld [tilespmem:$0x1FFB0];
	v10 =	vmul.f32 $1.442695020e+00, v12  }
0x443: {  	v60 =	vmul.f32 $1.442695020e+00, v49;
	[tilespmem:v42+s23+$0x0] =	vst.idx.add.f32.msk vm4, v4;
	v4 =	vor.u32 v59, v47  }
0x444: {  	v45 =	vadd.s32 v9, v45;
	(erf) = vpow2.f32 v10;
	v47 =	vpop (erf);
	v48 =	vmul.f32 $1.442695020e+00, v6  }
0x445: {  	v10 =	vadd.s32 v9, v43;
	(erf) = vpow2.f32 v60;
	v0 =	vmul.f32 v47, v0  }
0x446: {  	v50 =	vadd.s32 v5, v44;
	[tilespmem:v13+s22+$0x0] =	vst.idx.add.f32.msk vm2, v47;
	v51 =	vpop (erf);
	(erf) = vpow2.f32 v48  }
0x447: {  	[tilespmem:v13+s23+$0x0] =	vst.idx.add.f32.msk vm2, v0  }
0x448: {  	v54 =	vor.u32 v56, v46;
	v52 =	vpop (erf);
	v4 =	vld.idx.msk [tilespmem:v4+s20+$0x0], $0xffff  }
0x449: {  	[tilespmem:v45+s22+$0x0] =	vst.idx.add.f32.msk vm7, v51;
	v53 =	vpop (erf)  }
0x44a: {  	[tilespmem:v10+s22+$0x0] =	vst.idx.add.f32.msk vm5, v52;
	v8 =	vmul.f32 v53, v8  }
0x44b: {  	v11 =	vmul.f32 v51, v11;
	[tilespmem:v50+s22+$0x0] =	vst.idx.add.f32.msk vm0, v53  }
0x44c: {  	v0 =	vadd.s32 v9, v41;
	v2 =	vmul.f32 v52, v2;
	[tilespmem:v50+s23+$0x0] =	vst.idx.add.f32.msk vm0, v8  }
0x44d: {  	v55 =	vpop (erf);
	v8 =	vld.idx.msk [tilespmem:v54+s20+$0x0], $0xffff;
	v60 =	vmul.f32 $1.442695020e+00, v4  }
0x44e: {  	[tilespmem:v10+s23+$0x0] =	vst.idx.add.f32.msk vm5, v2;
	v2 =	vmul.f32 v55, v12;
	v12 =	vpop (erf)  }
0x44f: {  	[tilespmem:v45+s23+$0x0] =	vst.idx.add.f32.msk vm7, v11;
	v11 =	vpop (erf);
	(erf) = vpow2.f32 v60;
	_ =	sdelay $0x1  }
0x450: {  	[tilespmem:v0+s22+$0x0] =	vst.idx.add.f32.msk vm6, v55  }
0x451: {  	[tilespmem:v0+s23+$0x0] =	vst.idx.add.f32.msk vm6, v2;
	v0 =	vmul.f32 $1.442695020e+00, v8;
	_ =	sdelay $0x1  }
0x452: {  	v2 =	vadd.s32 v9, v38;
	(erf) = vpow2.f32 v0;
	_ =	sdelay $0x2  }
0x453: {  	v58 =	vld [tilespmem:$0x1FFC0]  }
0x454: {  	v0 =	vpop (erf)  }
0x455: {  	[tilespmem:v2+s22+$0x0] =	vst.idx.add.f32.msk vm2, v0;
	v0 =	vmul.f32 v0, v4;
	v4 =	vadd.s32 v7, v44;
	_ =	sdelay $0x2  }
0x456: {  	[tilespmem:v2+s23+$0x0] =	vst.idx.add.f32.msk vm2, v0;
	v0 =	vor.u32 v58, v46  }
0x457: {  	v2 =	vpop (erf)  }
0x458: {  	[tilespmem:v4+s22+$0x0] =	vst.idx.add.f32.msk vm0, v2;
	v2 =	vmul.f32 v2, v8;
	_ =	sdelay $0x1  }
0x459: {  	[tilespmem:v4+s23+$0x0] =	vst.idx.add.f32.msk vm0, v2  }
0x45a: {  	v0 =	vld.idx.msk [tilespmem:v0+s20+$0x0], $0xffff;
	_ =	sdelay $0x4  }
0x45b: {  	v2 =	vmul.f32 $1.442695020e+00, v0;
	_ =	sdelay $0x1  }
0x45c: {  	v13 =	vadd.s32 v9, v40;
	(erf) = vpow2.f32 v2;
	_ =	sdelay $0x2  }
0x45d: {  	v10 =	vadd.s32 v9, v39;
	_ =	sdelay $0x1  }
0x45e: {  	p0 =	slt.u32 s31, $0x38;
	[tilespmem:v13+s22+$0x0] =	vst.idx.add.f32.msk vm3, v12;
	v12 =	vmul.f32 v12, v49;
	v38 =	vadd.s32 v9, v44  }
.Ltmp2:
0x45f: {  	_ = 	snop;
	(pc) =	sbr.rel @p0 .LBB2_6-.Ltmp2, $4  }
0x460: {  	[tilespmem:v13+s23+$0x0] =	vst.idx.add.f32.msk vm3, v12;
	v6 =	vmul.f32 v11, v6  }
0x461: {  	[tilespmem:v10+s22+$0x0] =	vst.idx.add.f32.msk vm1, v11  }
0x462: {  	[tilespmem:v10+s23+$0x0] =	vst.idx.add.f32.msk vm1, v6;
	v2 =	vpop (erf)  }
0x463: {  	s0 =	sadd.s32 $0x80, s0;
	v13 =	vlaneseq.u32;
	[tilespmem:v38+s22+$0x0] =	vst.idx.add.f32.msk vm0, v2;
	v39 =	vmul.f32 v2, v0  }
0x464: {  	_ =	sdelay $0x4  }
0x465: {  	[tilespmem:v38+s23+$0x0] =	vst.idx.add.f32.msk vm0, v39  }
0x466: {  	_ =	swait.ge [sflag:s19], $0x8000  }
0x467: {  	[sflag:s19] =	ssyncset.done $0x0  }
0x468: {  	s0 =	simm.s32 $0x0;
	s31 =	simm.s32 $0xFFFFFFF8;
	[sflag:s19] =	ssyncadd.s32 $0xFFFF8000  }
0x469: {  	v60 =	vlaneseq.u32;
	[tilespmem:s20], [sflag:$0x3] =	stream.linear.gather [hbm4b:s9+s0], $0x8000, $0x38;
	[tilespmem:$0x1A800] =	vst v63  }
.LBB2_8:
0x46a: {  	s31 =	sadd.s32 $0x8, s31  }
0x46b: {  	s1 =	sand.u32 $0x80, s0;
	s17 =	sshll.u32 s31, $0x3  }
0x46c: {  	s26 =	sshll.u32 s1, $0x3;
	s17 =	sand.u32 $0x3FFFFF80, s17  }
0x46d: {  	s17 =	sadd.s32 s17, s26  }
0x46e: {  	s17 =	sadd.s32 $0x18000, s17  }
0x46f: {  	v0 =	vld [tilespmem:s17+$0xA00];
	_ =	sdelay $0x4  }
0x470: {  	v0 =	vadd.s32 $0xFFFFFFFF, v0  }
0x471: {  	v4 =	vmov s1;
	v2 =	vshll.u32 v0, $0x2  }
0x472: {  	v4 =	vshrl.u32 v4, $0x7;
	vm0 =	vgt.s32 v2, $0x0  }
0x473: {  	v38 =	vnsel vm0, $0x0, v2;
	v2 =	vshll.u32 v4, $0xA  }
0x474: {  	s28 =	sshll.u32 s31, $0x9;
	v4 =	vshll.u32 v38, $0x8;
	v40 =	vbroadcast v2, $0x0;
	v2 =	vshll.u32 v38, $0x7  }
0x475: {  	s1 =	sand.u32 $0xFFFFE000, s28;
	v4 =	vand.u32 $0xFFFFF800, v4;
	v2 =	vand.u32 $0x200, v2  }
0x476: {  	vm0 =	vgt.s32 v0, $0xFFFFFFFF;
	v0 =	vadd.s32 s1, v4;
	v2 =	vor.u32 v40, v2  }
0x477: {  	v4 =	vadd.s32 v1, v38;
	v0 =	vor.u32 v0, v2  }
0x478: {  	v2 =	vor.u32 v60, v0;
	_ =	sdelay $0x3  }
0x479: {  	[tilespmem:v4+s21+$0x0] =	vst.idx.add.f32.msk vm0, v3  }
0x47a: {  	v2 =	vld.idx.msk [tilespmem:v2+s2+$0x0], $0xffff;
	_ =	sdelay $0x4  }
0x47b: {  	v6 =	vmul.f32 $1.442695020e+00, v2;
	_ =	sdelay $0x1  }
0x47c: {  	(erf) = vpow2.f32 v6;
	_ =	sdelay $0x7  }
0x47d: {  	v6 =	vor.u32 v14, v0  }
0x47e: {  	v8 =	vpop (erf)  }
0x47f: {  	v2 =	vmul.f32 v8, v2  }
0x480: {  	[tilespmem:v4+s22+$0x0] =	vst.idx.add.f32.msk vm0, v8  }
0x481: {  	[tilespmem:v4+s23+$0x0] =	vst.idx.add.f32.msk vm0, v2  }
0x482: {  	v2 =	vld.idx.msk [tilespmem:v6+s2+$0x0], $0xffff;
	_ =	sdelay $0x4  }
0x483: {  	v4 =	vmul.f32 $1.442695020e+00, v2;
	_ =	sdelay $0x1  }
0x484: {  	(erf) = vpow2.f32 v4;
	_ =	sdelay $0x5  }
0x485: {  	v4 =	vadd.s32 v5, v38;
	_ =	sdelay $0x1  }
0x486: {  	v6 =	vor.u32 v63, v0  }
0x487: {  	v8 =	vpop (erf)  }
0x488: {  	v2 =	vmul.f32 v8, v2  }
0x489: {  	[tilespmem:v4+s22+$0x0] =	vst.idx.add.f32.msk vm0, v8  }
0x48a: {  	[tilespmem:v4+s23+$0x0] =	vst.idx.add.f32.msk vm0, v2  }
0x48b: {  	v2 =	vld.idx.msk [tilespmem:v6+s2+$0x0], $0xffff;
	_ =	sdelay $0x2  }
0x48c: {  	v4 =	vld [tilespmem:s17+$0xA10];
	_ =	sdelay $0x1  }
0x48d: {  	v6 =	vmul.f32 $1.442695020e+00, v2;
	_ =	sdelay $0x1  }
0x48e: {  	(erf) = vpow2.f32 v6  }
0x48f: {  	v4 =	vadd.s32 $0xFFFFFFFF, v4  }
0x490: {  	v6 =	vshll.u32 v4, $0x2  }
0x491: {  	vm1 =	vgt.s32 v6, $0x0  }
0x492: {  	vm9 =	vgt.s32 v4, $0xFFFFFFFF;
	v39 =	vnsel vm1, $0x0, v6  }
0x493: {  	v8 =	vshll.u32 v39, $0x8;
	v10 =	vshll.u32 v39, $0x7;
	v11 =	vadd.s32 v1, v39  }
0x494: {  	v6 =	vadd.s32 v7, v38;
	v8 =	vand.u32 $0xFFFFF800, v8;
	v10 =	vand.u32 $0x200, v10  }
0x495: {  	v4 =	vadd.s32 s1, v8;
	v8 =	vor.u32 v40, v10  }
0x496: {  	v0 =	vor.u32 v15, v0;
	v4 =	vor.u32 v4, v8  }
0x497: {  	v8 =	vor.u32 v16, v4;
	v10 =	vpop (erf)  }
0x498: {  	[tilespmem:v11+s21+$0x0] =	vst.idx.add.f32.msk vm9, v3;
	v2 =	vmul.f32 v10, v2  }
0x499: {  	[tilespmem:v6+s22+$0x0] =	vst.idx.add.f32.msk vm0, v10  }
0x49a: {  	[tilespmem:v6+s23+$0x0] =	vst.idx.add.f32.msk vm0, v2  }
0x49b: {  	v41 =	vld.idx.msk [tilespmem:v0+s2+$0x0], $0xffff  }
0x49c: {  	v0 =	vld.idx.msk [tilespmem:v8+s2+$0x0], $0xffff;
	_ =	sdelay $0x3  }
0x49d: {  	v2 =	vmul.f32 $1.442695020e+00, v41  }
0x49e: {  	v6 =	vmul.f32 $1.442695020e+00, v0  }
0x49f: {  	(erf) = vpow2.f32 v2  }
0x4a0: {  	(erf) = vpow2.f32 v6;
	_ =	sdelay $0x7  }
0x4a1: {  	v2 =	vor.u32 v17, v4;
	v42 =	vpop (erf)  }
0x4a2: {  	v6 =	vpop (erf)  }
0x4a3: {  	v0 =	vmul.f32 v6, v0  }
0x4a4: {  	[tilespmem:v11+s22+$0x0] =	vst.idx.add.f32.msk vm9, v6  }
0x4a5: {  	[tilespmem:v11+s23+$0x0] =	vst.idx.add.f32.msk vm9, v0  }
0x4a6: {  	v0 =	vld.idx.msk [tilespmem:v2+s2+$0x0], $0xffff;
	_ =	sdelay $0x4  }
0x4a7: {  	v2 =	vmul.f32 $1.442695020e+00, v0;
	_ =	sdelay $0x1  }
0x4a8: {  	(erf) = vpow2.f32 v2;
	_ =	sdelay $0x5  }
0x4a9: {  	v2 =	vadd.s32 v5, v39;
	_ =	sdelay $0x1  }
0x4aa: {  	v6 =	vor.u32 v62, v4  }
0x4ab: {  	v8 =	vpop (erf)  }
0x4ac: {  	v0 =	vmul.f32 v8, v0  }
0x4ad: {  	[tilespmem:v2+s22+$0x0] =	vst.idx.add.f32.msk vm9, v8  }
0x4ae: {  	[tilespmem:v2+s23+$0x0] =	vst.idx.add.f32.msk vm9, v0  }
0x4af: {  	v0 =	vld.idx.msk [tilespmem:v6+s2+$0x0], $0xffff;
	_ =	sdelay $0x2  }
0x4b0: {  	v2 =	vld [tilespmem:s17+$0xA20];
	_ =	sdelay $0x1  }
0x4b1: {  	v6 =	vmul.f32 $1.442695020e+00, v0;
	_ =	sdelay $0x1  }
0x4b2: {  	(erf) = vpow2.f32 v6  }
0x4b3: {  	v2 =	vadd.s32 $0xFFFFFFFF, v2  }
0x4b4: {  	v6 =	vshll.u32 v2, $0x2  }
0x4b5: {  	vm2 =	vgt.s32 v6, $0x0  }
0x4b6: {  	vm10 =	vgt.s32 v2, $0xFFFFFFFF;
	v43 =	vnsel vm2, $0x0, v6  }
0x4b7: {  	v8 =	vshll.u32 v43, $0x8;
	v10 =	vshll.u32 v43, $0x7;
	v11 =	vadd.s32 v1, v43  }
0x4b8: {  	v6 =	vadd.s32 v7, v39;
	v8 =	vand.u32 $0xFFFFF800, v8;
	v10 =	vand.u32 $0x200, v10  }
0x4b9: {  	v2 =	vadd.s32 s1, v8;
	v8 =	vor.u32 v40, v10  }
0x4ba: {  	v4 =	vor.u32 v57, v4;
	v2 =	vor.u32 v2, v8  }
0x4bb: {  	v8 =	vor.u32 v18, v2;
	v10 =	vpop (erf)  }
0x4bc: {  	[tilespmem:v11+s21+$0x0] =	vst.idx.add.f32.msk vm10, v3;
	v0 =	vmul.f32 v10, v0  }
0x4bd: {  	[tilespmem:v6+s22+$0x0] =	vst.idx.add.f32.msk vm9, v10  }
0x4be: {  	[tilespmem:v6+s23+$0x0] =	vst.idx.add.f32.msk vm9, v0  }
0x4bf: {  	v44 =	vld.idx.msk [tilespmem:v4+s2+$0x0], $0xffff  }
0x4c0: {  	v0 =	vld.idx.msk [tilespmem:v8+s2+$0x0], $0xffff;
	_ =	sdelay $0x3  }
0x4c1: {  	v4 =	vmul.f32 $1.442695020e+00, v44  }
0x4c2: {  	v6 =	vmul.f32 $1.442695020e+00, v0  }
0x4c3: {  	(erf) = vpow2.f32 v4  }
0x4c4: {  	(erf) = vpow2.f32 v6;
	_ =	sdelay $0x7  }
0x4c5: {  	v4 =	vor.u32 v19, v2;
	v45 =	vpop (erf)  }
0x4c6: {  	v6 =	vpop (erf)  }
0x4c7: {  	v0 =	vmul.f32 v6, v0  }
0x4c8: {  	[tilespmem:v11+s22+$0x0] =	vst.idx.add.f32.msk vm10, v6  }
0x4c9: {  	[tilespmem:v11+s23+$0x0] =	vst.idx.add.f32.msk vm10, v0  }
0x4ca: {  	v0 =	vld.idx.msk [tilespmem:v4+s2+$0x0], $0xffff;
	_ =	sdelay $0x4  }
0x4cb: {  	v4 =	vmul.f32 $1.442695020e+00, v0;
	_ =	sdelay $0x1  }
0x4cc: {  	(erf) = vpow2.f32 v4;
	_ =	sdelay $0x5  }
0x4cd: {  	v4 =	vadd.s32 v5, v43;
	_ =	sdelay $0x1  }
0x4ce: {  	v6 =	vor.u32 v20, v2  }
0x4cf: {  	v8 =	vpop (erf)  }
0x4d0: {  	v0 =	vmul.f32 v8, v0  }
0x4d1: {  	[tilespmem:v4+s22+$0x0] =	vst.idx.add.f32.msk vm10, v8  }
0x4d2: {  	[tilespmem:v4+s23+$0x0] =	vst.idx.add.f32.msk vm10, v0  }
0x4d3: {  	v0 =	vld.idx.msk [tilespmem:v6+s2+$0x0], $0xffff;
	_ =	sdelay $0x2  }
0x4d4: {  	v4 =	vld [tilespmem:s17+$0xA30];
	_ =	sdelay $0x1  }
0x4d5: {  	v6 =	vmul.f32 $1.442695020e+00, v0;
	_ =	sdelay $0x1  }
0x4d6: {  	(erf) = vpow2.f32 v6  }
0x4d7: {  	v4 =	vadd.s32 $0xFFFFFFFF, v4  }
0x4d8: {  	v6 =	vshll.u32 v4, $0x2  }
0x4d9: {  	vm3 =	vgt.s32 v6, $0x0  }
0x4da: {  	vm11 =	vgt.s32 v4, $0xFFFFFFFF;
	v46 =	vnsel vm3, $0x0, v6  }
0x4db: {  	v8 =	vshll.u32 v46, $0x8;
	v10 =	vshll.u32 v46, $0x7;
	v11 =	vadd.s32 v1, v46  }
0x4dc: {  	v6 =	vadd.s32 v7, v43;
	v8 =	vand.u32 $0xFFFFF800, v8;
	v10 =	vand.u32 $0x200, v10  }
0x4dd: {  	v4 =	vadd.s32 s1, v8;
	v8 =	vor.u32 v40, v10  }
0x4de: {  	v2 =	vor.u32 v21, v2;
	v4 =	vor.u32 v4, v8  }
0x4df: {  	v8 =	vor.u32 v22, v4;
	v10 =	vpop (erf)  }
0x4e0: {  	[tilespmem:v11+s21+$0x0] =	vst.idx.add.f32.msk vm11, v3;
	v0 =	vmul.f32 v10, v0  }
0x4e1: {  	[tilespmem:v6+s22+$0x0] =	vst.idx.add.f32.msk vm10, v10  }
0x4e2: {  	[tilespmem:v6+s23+$0x0] =	vst.idx.add.f32.msk vm10, v0  }
0x4e3: {  	v47 =	vld.idx.msk [tilespmem:v2+s2+$0x0], $0xffff  }
0x4e4: {  	v0 =	vld.idx.msk [tilespmem:v8+s2+$0x0], $0xffff;
	_ =	sdelay $0x3  }
0x4e5: {  	v2 =	vmul.f32 $1.442695020e+00, v47  }
0x4e6: {  	v6 =	vmul.f32 $1.442695020e+00, v0  }
0x4e7: {  	(erf) = vpow2.f32 v2  }
0x4e8: {  	(erf) = vpow2.f32 v6;
	_ =	sdelay $0x7  }
0x4e9: {  	v2 =	vor.u32 v23, v4;
	v48 =	vpop (erf)  }
0x4ea: {  	v6 =	vpop (erf)  }
0x4eb: {  	v0 =	vmul.f32 v6, v0  }
0x4ec: {  	[tilespmem:v11+s22+$0x0] =	vst.idx.add.f32.msk vm11, v6  }
0x4ed: {  	[tilespmem:v11+s23+$0x0] =	vst.idx.add.f32.msk vm11, v0  }
0x4ee: {  	v0 =	vld.idx.msk [tilespmem:v2+s2+$0x0], $0xffff;
	_ =	sdelay $0x4  }
0x4ef: {  	v2 =	vmul.f32 $1.442695020e+00, v0;
	_ =	sdelay $0x1  }
0x4f0: {  	(erf) = vpow2.f32 v2;
	_ =	sdelay $0x5  }
0x4f1: {  	v2 =	vadd.s32 v5, v46;
	_ =	sdelay $0x1  }
0x4f2: {  	v6 =	vor.u32 v24, v4  }
0x4f3: {  	v8 =	vpop (erf)  }
0x4f4: {  	v0 =	vmul.f32 v8, v0  }
0x4f5: {  	[tilespmem:v2+s22+$0x0] =	vst.idx.add.f32.msk vm11, v8  }
0x4f6: {  	[tilespmem:v2+s23+$0x0] =	vst.idx.add.f32.msk vm11, v0  }
0x4f7: {  	v0 =	vld.idx.msk [tilespmem:v6+s2+$0x0], $0xffff;
	_ =	sdelay $0x2  }
0x4f8: {  	v2 =	vld [tilespmem:s17+$0xA40];
	_ =	sdelay $0x1  }
0x4f9: {  	v6 =	vmul.f32 $1.442695020e+00, v0;
	_ =	sdelay $0x1  }
0x4fa: {  	(erf) = vpow2.f32 v6  }
0x4fb: {  	v2 =	vadd.s32 $0xFFFFFFFF, v2  }
0x4fc: {  	v6 =	vshll.u32 v2, $0x2  }
0x4fd: {  	vm4 =	vgt.s32 v6, $0x0  }
0x4fe: {  	vm12 =	vgt.s32 v2, $0xFFFFFFFF;
	v49 =	vnsel vm4, $0x0, v6  }
0x4ff: {  	v8 =	vshll.u32 v49, $0x8;
	v10 =	vshll.u32 v49, $0x7;
	v11 =	vadd.s32 v1, v49  }
0x500: {  	v6 =	vadd.s32 v7, v46;
	v8 =	vand.u32 $0xFFFFF800, v8;
	v10 =	vand.u32 $0x200, v10  }
0x501: {  	v2 =	vadd.s32 s1, v8;
	v8 =	vor.u32 v40, v10  }
0x502: {  	v4 =	vor.u32 v59, v4;
	v2 =	vor.u32 v2, v8  }
0x503: {  	v8 =	vor.u32 v25, v2;
	v10 =	vpop (erf)  }
0x504: {  	[tilespmem:v11+s21+$0x0] =	vst.idx.add.f32.msk vm12, v3;
	v0 =	vmul.f32 v10, v0  }
0x505: {  	[tilespmem:v6+s22+$0x0] =	vst.idx.add.f32.msk vm11, v10  }
0x506: {  	[tilespmem:v6+s23+$0x0] =	vst.idx.add.f32.msk vm11, v0  }
0x507: {  	v50 =	vld.idx.msk [tilespmem:v4+s2+$0x0], $0xffff  }
0x508: {  	v0 =	vld.idx.msk [tilespmem:v8+s2+$0x0], $0xffff;
	_ =	sdelay $0x3  }
0x509: {  	v4 =	vmul.f32 $1.442695020e+00, v50  }
0x50a: {  	v6 =	vmul.f32 $1.442695020e+00, v0  }
0x50b: {  	(erf) = vpow2.f32 v4  }
0x50c: {  	(erf) = vpow2.f32 v6;
	_ =	sdelay $0x7  }
0x50d: {  	v4 =	vor.u32 v26, v2;
	v51 =	vpop (erf)  }
0x50e: {  	v6 =	vpop (erf)  }
0x50f: {  	v0 =	vmul.f32 v6, v0  }
0x510: {  	[tilespmem:v11+s22+$0x0] =	vst.idx.add.f32.msk vm12, v6  }
0x511: {  	[tilespmem:v11+s23+$0x0] =	vst.idx.add.f32.msk vm12, v0  }
0x512: {  	v0 =	vld.idx.msk [tilespmem:v4+s2+$0x0], $0xffff;
	_ =	sdelay $0x4  }
0x513: {  	v4 =	vmul.f32 $1.442695020e+00, v0;
	_ =	sdelay $0x1  }
0x514: {  	(erf) = vpow2.f32 v4;
	_ =	sdelay $0x5  }
0x515: {  	v4 =	vadd.s32 v5, v49;
	_ =	sdelay $0x1  }
0x516: {  	v6 =	vor.u32 v27, v2  }
0x517: {  	v8 =	vpop (erf)  }
0x518: {  	v0 =	vmul.f32 v8, v0  }
0x519: {  	[tilespmem:v4+s22+$0x0] =	vst.idx.add.f32.msk vm12, v8  }
0x51a: {  	[tilespmem:v4+s23+$0x0] =	vst.idx.add.f32.msk vm12, v0  }
0x51b: {  	v0 =	vld.idx.msk [tilespmem:v6+s2+$0x0], $0xffff;
	_ =	sdelay $0x2  }
0x51c: {  	v4 =	vld [tilespmem:s17+$0xA50];
	_ =	sdelay $0x1  }
0x51d: {  	v6 =	vmul.f32 $1.442695020e+00, v0;
	_ =	sdelay $0x1  }
0x51e: {  	(erf) = vpow2.f32 v6  }
0x51f: {  	v4 =	vadd.s32 $0xFFFFFFFF, v4  }
0x520: {  	v6 =	vshll.u32 v4, $0x2  }
0x521: {  	vm5 =	vgt.s32 v6, $0x0  }
0x522: {  	vm13 =	vgt.s32 v4, $0xFFFFFFFF;
	v52 =	vnsel vm5, $0x0, v6  }
0x523: {  	v8 =	vshll.u32 v52, $0x8;
	v10 =	vshll.u32 v52, $0x7;
	v11 =	vadd.s32 v1, v52  }
0x524: {  	v6 =	vadd.s32 v7, v49;
	v8 =	vand.u32 $0xFFFFF800, v8;
	v10 =	vand.u32 $0x200, v10  }
0x525: {  	v4 =	vadd.s32 s1, v8;
	v8 =	vor.u32 v40, v10  }
0x526: {  	v2 =	vor.u32 v28, v2;
	v4 =	vor.u32 v4, v8  }
0x527: {  	v8 =	vor.u32 v29, v4;
	v10 =	vpop (erf)  }
0x528: {  	[tilespmem:v11+s21+$0x0] =	vst.idx.add.f32.msk vm13, v3;
	v0 =	vmul.f32 v10, v0  }
0x529: {  	[tilespmem:v6+s22+$0x0] =	vst.idx.add.f32.msk vm12, v10  }
0x52a: {  	[tilespmem:v6+s23+$0x0] =	vst.idx.add.f32.msk vm12, v0  }
0x52b: {  	v53 =	vld.idx.msk [tilespmem:v2+s2+$0x0], $0xffff  }
0x52c: {  	v0 =	vld.idx.msk [tilespmem:v8+s2+$0x0], $0xffff;
	_ =	sdelay $0x3  }
0x52d: {  	v2 =	vmul.f32 $1.442695020e+00, v53  }
0x52e: {  	v6 =	vmul.f32 $1.442695020e+00, v0  }
0x52f: {  	(erf) = vpow2.f32 v2  }
0x530: {  	(erf) = vpow2.f32 v6;
	_ =	sdelay $0x7  }
0x531: {  	v2 =	vor.u32 v30, v4;
	v54 =	vpop (erf)  }
0x532: {  	v6 =	vpop (erf)  }
0x533: {  	v0 =	vmul.f32 v6, v0  }
0x534: {  	[tilespmem:v11+s22+$0x0] =	vst.idx.add.f32.msk vm13, v6  }
0x535: {  	[tilespmem:v11+s23+$0x0] =	vst.idx.add.f32.msk vm13, v0  }
0x536: {  	v0 =	vld.idx.msk [tilespmem:v2+s2+$0x0], $0xffff;
	_ =	sdelay $0x4  }
0x537: {  	v2 =	vmul.f32 $1.442695020e+00, v0;
	_ =	sdelay $0x1  }
0x538: {  	(erf) = vpow2.f32 v2;
	_ =	sdelay $0x5  }
0x539: {  	v2 =	vadd.s32 v5, v52;
	_ =	sdelay $0x1  }
0x53a: {  	v6 =	vor.u32 v31, v4  }
0x53b: {  	v8 =	vpop (erf)  }
0x53c: {  	v0 =	vmul.f32 v8, v0  }
0x53d: {  	[tilespmem:v2+s22+$0x0] =	vst.idx.add.f32.msk vm13, v8  }
0x53e: {  	[tilespmem:v2+s23+$0x0] =	vst.idx.add.f32.msk vm13, v0  }
0x53f: {  	v0 =	vld.idx.msk [tilespmem:v6+s2+$0x0], $0xffff;
	_ =	sdelay $0x2  }
0x540: {  	v2 =	vld [tilespmem:s17+$0xA60];
	_ =	sdelay $0x1  }
0x541: {  	v6 =	vmul.f32 $1.442695020e+00, v0;
	_ =	sdelay $0x1  }
0x542: {  	(erf) = vpow2.f32 v6  }
0x543: {  	v2 =	vadd.s32 $0xFFFFFFFF, v2  }
0x544: {  	v6 =	vshll.u32 v2, $0x2  }
0x545: {  	vm6 =	vgt.s32 v6, $0x0  }
0x546: {  	vm14 =	vgt.s32 v2, $0xFFFFFFFF;
	v6 =	vnsel vm6, $0x0, v6  }
0x547: {  	v10 =	vshll.u32 v6, $0x8;
	v11 =	vshll.u32 v6, $0x7;
	v12 =	vadd.s32 v1, v6  }
0x548: {  	v8 =	vadd.s32 v7, v52;
	v10 =	vand.u32 $0xFFFFF800, v10;
	v11 =	vand.u32 $0x200, v11  }
0x549: {  	v2 =	vadd.s32 s1, v10;
	v10 =	vor.u32 v40, v11  }
0x54a: {  	v4 =	vor.u32 v61, v4;
	v2 =	vor.u32 v2, v10  }
0x54b: {  	v10 =	vor.u32 v32, v2;
	v11 =	vpop (erf)  }
0x54c: {  	[tilespmem:v12+s21+$0x0] =	vst.idx.add.f32.msk vm14, v3;
	v0 =	vmul.f32 v11, v0  }
0x54d: {  	[tilespmem:v8+s22+$0x0] =	vst.idx.add.f32.msk vm13, v11  }
0x54e: {  	[tilespmem:v8+s23+$0x0] =	vst.idx.add.f32.msk vm13, v0  }
0x54f: {  	v0 =	vld.idx.msk [tilespmem:v4+s2+$0x0], $0xffff  }
0x550: {  	v4 =	vld.idx.msk [tilespmem:v10+s2+$0x0], $0xffff;
	_ =	sdelay $0x3  }
0x551: {  	v8 =	vmul.f32 $1.442695020e+00, v0  }
0x552: {  	v10 =	vmul.f32 $1.442695020e+00, v4  }
0x553: {  	(erf) = vpow2.f32 v8  }
0x554: {  	(erf) = vpow2.f32 v10;
	_ =	sdelay $0x7  }
0x555: {  	v10 =	vor.u32 v33, v2;
	v8 =	vpop (erf)  }
0x556: {  	v11 =	vpop (erf)  }
0x557: {  	v4 =	vmul.f32 v11, v4  }
0x558: {  	[tilespmem:v12+s22+$0x0] =	vst.idx.add.f32.msk vm14, v11  }
0x559: {  	[tilespmem:v12+s23+$0x0] =	vst.idx.add.f32.msk vm14, v4  }
0x55a: {  	v4 =	vld.idx.msk [tilespmem:v10+s2+$0x0], $0xffff;
	_ =	sdelay $0x4  }
0x55b: {  	v10 =	vmul.f32 $1.442695020e+00, v4;
	_ =	sdelay $0x1  }
0x55c: {  	(erf) = vpow2.f32 v10;
	_ =	sdelay $0x5  }
0x55d: {  	v10 =	vadd.s32 v5, v6;
	_ =	sdelay $0x1  }
0x55e: {  	v11 =	vor.u32 v34, v2  }
0x55f: {  	v12 =	vpop (erf)  }
0x560: {  	v4 =	vmul.f32 v12, v4  }
0x561: {  	[tilespmem:v10+s22+$0x0] =	vst.idx.add.f32.msk vm14, v12  }
0x562: {  	[tilespmem:v10+s23+$0x0] =	vst.idx.add.f32.msk vm14, v4  }
0x563: {  	v4 =	vld.idx.msk [tilespmem:v11+s2+$0x0], $0xffff;
	_ =	sdelay $0x1  }
0x564: {  	v10 =	vld [tilespmem:s17+$0xA70];
	_ =	sdelay $0x2  }
0x565: {  	v11 =	vmul.f32 $1.442695020e+00, v4;
	_ =	sdelay $0x1  }
0x566: {  	v10 =	vadd.s32 $0xFFFFFFFF, v10;
	(erf) = vpow2.f32 v11  }
0x567: {  	v11 =	vshll.u32 v10, $0x2  }
0x568: {  	vm7 =	vgt.s32 v11, $0x0  }
0x569: {  	v11 =	vnsel vm7, $0x0, v11  }
0x56a: {  	v12 =	vadd.s32 v7, v6;
	v13 =	vshll.u32 v11, $0x8;
	v55 =	vshll.u32 v11, $0x7  }
0x56b: {  	vm15 =	vgt.s32 v10, $0xFFFFFFFF;
	v13 =	vand.u32 $0xFFFFF800, v13;
	v55 =	vand.u32 $0x200, v55  }
0x56c: {  	v10 =	vadd.s32 s1, v13;
	v13 =	vor.u32 v40, v55;
	v55 =	vadd.s32 v1, v11;
	_ =	sdelay $0x1  }
0x56d: {  	v2 =	vor.u32 v35, v2;
	v10 =	vor.u32 v10, v13  }
0x56e: {  	v13 =	vor.u32 v36, v10;
	v40 =	vpop (erf)  }
0x56f: {  	v4 =	vmul.f32 v40, v4;
	[tilespmem:v12+s22+$0x0] =	vst.idx.add.f32.msk vm14, v40  }
0x570: {  	[tilespmem:v55+s21+$0x0] =	vst.idx.add.f32.msk vm15, v3  }
0x571: {  	[tilespmem:v12+s23+$0x0] =	vst.idx.add.f32.msk vm14, v4  }
0x572: {  	v2 =	vld.idx.msk [tilespmem:v2+s2+$0x0], $0xffff  }
0x573: {  	v4 =	vld.idx.msk [tilespmem:v13+s2+$0x0], $0xffff;
	_ =	sdelay $0x3  }
0x574: {  	v12 =	vmul.f32 $1.442695020e+00, v2  }
0x575: {  	v13 =	vmul.f32 $1.442695020e+00, v4  }
0x576: {  	(erf) = vpow2.f32 v12  }
0x577: {  	(erf) = vpow2.f32 v13;
	_ =	sdelay $0x7  }
0x578: {  	v13 =	vor.u32 v37, v10;
	v12 =	vpop (erf)  }
0x579: {  	v40 =	vpop (erf)  }
0x57a: {  	v4 =	vmul.f32 v40, v4  }
0x57b: {  	[tilespmem:v55+s22+$0x0] =	vst.idx.add.f32.msk vm15, v40  }
0x57c: {  	[tilespmem:v55+s23+$0x0] =	vst.idx.add.f32.msk vm15, v4  }
0x57d: {  	v4 =	vld.idx.msk [tilespmem:v13+s2+$0x0], $0xffff;
	_ =	sdelay $0x4  }
0x57e: {  	v13 =	vmul.f32 $1.442695020e+00, v4;
	_ =	sdelay $0x1  }
0x57f: {  	(erf) = vpow2.f32 v13;
	_ =	sdelay $0x5  }
0x580: {  	v13 =	vadd.s32 v5, v11;
	_ =	sdelay $0x1  }
0x581: {  	v40 =	vor.u32 v56, v10  }
0x582: {  	v55 =	vpop (erf)  }
0x583: {  	v4 =	vmul.f32 v55, v4  }
0x584: {  	[tilespmem:v13+s22+$0x0] =	vst.idx.add.f32.msk vm15, v55  }
0x585: {  	[tilespmem:v13+s23+$0x0] =	vst.idx.add.f32.msk vm15, v4  }
0x586: {  	v4 =	vld.idx.msk [tilespmem:v40+s2+$0x0], $0xffff;
	_ =	sdelay $0x4  }
0x587: {  	v13 =	vmul.f32 $1.442695020e+00, v4;
	_ =	sdelay $0x1  }
0x588: {  	(erf) = vpow2.f32 v13;
	_ =	sdelay $0x5  }
0x589: {  	v13 =	vadd.s32 v7, v11;
	_ =	sdelay $0x1  }
0x58a: {  	v10 =	vor.u32 v58, v10  }
0x58b: {  	v55 =	vpop (erf)  }
0x58c: {  	v4 =	vmul.f32 v55, v4  }
0x58d: {  	[tilespmem:v13+s22+$0x0] =	vst.idx.add.f32.msk vm15, v55  }
0x58e: {  	[tilespmem:v13+s23+$0x0] =	vst.idx.add.f32.msk vm15, v4;
	v4 =	vadd.s32 v9, v38  }
0x58f: {  	v10 =	vld.idx.msk [tilespmem:v10+s2+$0x0], $0xffff  }
0x590: {  	v13 =	vadd.s32 v9, v39;
	_ =	sdelay $0x1  }
0x591: {  	v55 =	vadd.s32 v9, v43;
	v38 =	vmul.f32 v42, v41  }
0x592: {  	[tilespmem:v4+s22+$0x0] =	vst.idx.add.f32.msk vm0, v42  }
0x593: {  	[tilespmem:v4+s23+$0x0] =	vst.idx.add.f32.msk vm0, v38;
	v4 =	vmul.f32 v45, v44;
	v44 =	vadd.s32 v9, v46;
	v46 =	vmul.f32 $1.442695020e+00, v10  }
0x594: {  	[tilespmem:v13+s22+$0x0] =	vst.idx.add.f32.msk vm9, v45  }
0x595: {  	[tilespmem:v13+s23+$0x0] =	vst.idx.add.f32.msk vm9, v4;
	(erf) = vpow2.f32 v46;
	v4 =	vmul.f32 v48, v47;
	v13 =	vadd.s32 v9, v49  }
0x596: {  	[tilespmem:v55+s22+$0x0] =	vst.idx.add.f32.msk vm10, v48  }
0x597: {  	[tilespmem:v55+s23+$0x0] =	vst.idx.add.f32.msk vm10, v4;
	v4 =	vmul.f32 v51, v50;
	v55 =	vadd.s32 v9, v52  }
0x598: {  	[tilespmem:v44+s22+$0x0] =	vst.idx.add.f32.msk vm11, v51  }
0x599: {  	v6 =	vadd.s32 v9, v6;
	[tilespmem:v44+s23+$0x0] =	vst.idx.add.f32.msk vm11, v4;
	v4 =	vmul.f32 v54, v53  }
0x59a: {  	[tilespmem:v13+s22+$0x0] =	vst.idx.add.f32.msk vm12, v54  }
0x59b: {  	v0 =	vmul.f32 v8, v0;
	[tilespmem:v13+s23+$0x0] =	vst.idx.add.f32.msk vm12, v4;
	v4 =	vadd.s32 v9, v11  }
0x59c: {  	p0 =	slt.u32 s31, $0x38;
	[tilespmem:v55+s22+$0x0] =	vst.idx.add.f32.msk vm13, v8  }
.Ltmp3:
0x59d: {  	[tilespmem:v55+s23+$0x0] =	vst.idx.add.f32.msk vm13, v0;
	v0 =	vmul.f32 v12, v2;
	(pc) =	sbr.rel @p0 .LBB2_8-.Ltmp3, $4  }
0x59e: {  	[tilespmem:v6+s22+$0x0] =	vst.idx.add.f32.msk vm14, v12;
	v2 =	vpop (erf)  }
0x59f: {  	[tilespmem:v6+s23+$0x0] =	vst.idx.add.f32.msk vm14, v0;
	v0 =	vmul.f32 v2, v10  }
0x5a0: {  	[tilespmem:v4+s22+$0x0] =	vst.idx.add.f32.msk vm15, v2  }
0x5a1: {  	s0 =	sadd.s32 $0x80, s0;
	[tilespmem:v4+s23+$0x0] =	vst.idx.add.f32.msk vm15, v0  }
0x5a2: {  	_ =	swait.ge [sflag:s24], $0x8000  }
0x5a3: {  	[sflag:s24] =	ssyncset.done $0x0  }
0x5a4: {  	s0 =	simm.s32 $0x0;
	[sflag:s24] =	ssyncadd.s32 $0xFFFF8000  }
0x5a5: {  	[tilespmem:s0], [sflag:$0x1] =	stream.linear.gather [hbm4b:s10+s0], $0x8000, $0x38;
	[tilespmem:$0x1A800] =	vst v63  }
0x5a6: {  	s1 =	simm.s32 $0x0;
	s0 =	sand.u32 $0x80, s0  }
0x5a7: {  	s1 =	sand.u32 $0x3FFFFF80, s1;
	s17 =	sshll.u32 s0, $0x3  }
0x5a8: {  	s17 =	sadd.s32 s1, s17  }
0x5a9: {  	s1 =	sadd.s32 $0x18000, s17  }
0x5aa: {  	v0 =	vld [tilespmem:s1+$0x1010]  }
0x5ab: {  	v4 =	vmov s0;
	v2 =	vld [tilespmem:s1+$0x1020]  }
0x5ac: {  	v4 =	vshrl.u32 v4, $0x7;
	v6 =	vld [tilespmem:s1+$0x1030]  }
0x5ad: {  	v4 =	vshll.u32 v4, $0xA;
	v8 =	vld [tilespmem:s1+$0x1040]  }
0x5ae: {  	v51 =	vbroadcast v4, $0x0;
	v4 =	vld [tilespmem:s1+$0x1060];
	_ =	sdelay $0x3  }
0x5af: {  	v0 =	vadd.s32 $0xFFFFFFFF, v0;
	v2 =	vadd.s32 $0xFFFFFFFF, v2;
	v6 =	vadd.s32 $0xFFFFFFFF, v6  }
0x5b0: {  	v8 =	vadd.s32 $0xFFFFFFFF, v8;
	v4 =	vadd.s32 $0xFFFFFFFF, v4;
	vm1 =	vgt.s32 v0, $0xFFFFFFFF  }
0x5b1: {  	v0 =	vshll.u32 v0, $0x2;
	vm2 =	vgt.s32 v2, $0xFFFFFFFF;
	v2 =	vshll.u32 v2, $0x2  }
0x5b2: {  	v10 =	vshll.u32 v8, $0x2;
	vm4 =	vgt.s32 v6, $0xFFFFFFFF;
	vm3 =	vgt.s32 v2, $0x0  }
0x5b3: {  	vm6 =	vgt.s32 v4, $0xFFFFFFFF;
	vm0 =	vgt.s32 v0, $0x0;
	v40 =	vnsel vm3, $0x0, v2  }
0x5b4: {  	v2 =	vshll.u32 v6, $0x2;
	vm3 =	vgt.s32 v10, $0x0;
	v38 =	vnsel vm0, $0x0, v0  }
0x5b5: {  	v11 =	vshll.u32 v40, $0x8;
	v41 =	vnsel vm3, $0x0, v10;
	v10 =	vshll.u32 v4, $0x2  }
0x5b6: {  	v12 =	vld [tilespmem:s17+$0x19000];
	vm0 =	vgt.s32 v2, $0x0;
	vm3 =	vgt.s32 v8, $0xFFFFFFFF;
	v6 =	vshll.u32 v40, $0x7  }
0x5b7: {  	v55 =	vadd.s32 v1, v40;
	v58 =	vshll.u32 v38, $0x7;
	v61 =	vadd.s32 v1, v38  }
0x5b8: {  	s28 =	simm.s32 $0x0;
	v11 =	vand.u32 $0xFFFFF800, v11;
	v0 =	vshll.u32 v41, $0x8;
	v13 =	vshll.u32 v41, $0x7  }
0x5b9: {  	s0 =	sand.u32 $0xFFFFE000, s28;
	v39 =	vnsel vm0, $0x0, v2;
	v0 =	vand.u32 $0xFFFFF800, v0;
	v13 =	vand.u32 $0x200, v13  }
0x5ba: {  	v2 =	vadd.s32 v1, v41;
	v0 =	vadd.s32 s0, v0;
	v8 =	vor.u32 v51, v13  }
0x5bb: {  	vm0 =	vgt.s32 v10, $0x0;
	v45 =	vor.u32 v0, v8;
	v0 =	vadd.s32 $0xFFFFFFFF, v12  }
0x5bc: {  	v6 =	vand.u32 $0x200, v6;
	v8 =	vor.u32 v25, v45;
	v13 =	vshll.u32 v0, $0x2  }
0x5bd: {  	v42 =	vnsel vm0, $0x0, v10;
	v11 =	vadd.s32 s0, v11;
	vm0 =	vgt.s32 v13, $0x0  }
0x5be: {  	v6 =	vor.u32 v51, v6;
	v57 =	vadd.s32 v1, v39;
	v12 =	vld [tilespmem:s1+$0x1050];
	v43 =	vnsel vm0, $0x0, v13  }
0x5bf: {  	v10 =	vshll.u32 v42, $0x8;
	v13 =	vshll.u32 v43, $0x8;
	v44 =	vshll.u32 v43, $0x7  }
0x5c0: {  	v50 =	vor.u32 v11, v6;
	[tilespmem:v2+s21+$0x0] =	vst.idx.add.f32.msk vm3, v3;
	v13 =	vand.u32 $0xFFFFF800, v13;
	v44 =	vand.u32 $0x200, v44  }
0x5c1: {  	vm5 =	vgt.s32 v0, $0xFFFFFFFF;
	v8 =	vld.idx.msk [tilespmem:v8+s16+$0x0], $0xffff;
	v13 =	vadd.s32 s0, v13;
	v44 =	vor.u32 v51, v44  }
0x5c2: {  	v0 =	vand.u32 $0xFFFFF800, v10;
	v10 =	vadd.s32 v1, v43;
	v48 =	vor.u32 v13, v44  }
0x5c3: {  	v11 =	vor.u32 v18, v50;
	v12 =	vadd.s32 $0xFFFFFFFF, v12;
	v46 =	vor.u32 v60, v48  }
0x5c4: {  	v0 =	vadd.s32 s0, v0;
	v6 =	vshll.u32 v12, $0x2;
	v13 =	vshll.u32 v42, $0x7  }
0x5c5: {  	vm7 =	vgt.s32 v12, $0xFFFFFFFF;
	vm0 =	vgt.s32 v6, $0x0;
	v13 =	vand.u32 $0x200, v13  }
0x5c6: {  	[tilespmem:v55+s21+$0x0] =	vst.idx.add.f32.msk vm2, v3;
	v44 =	vnsel vm0, $0x0, v6;
	v6 =	vor.u32 v51, v13;
	v47 =	vmul.f32 $1.442695020e+00, v8  }
0x5c7: {  	[tilespmem:v10+s21+$0x0] =	vst.idx.add.f32.msk vm5, v3;
	v13 =	vshll.u32 v44, $0x8;
	v49 =	vshll.u32 v44, $0x7;
	v56 =	vadd.s32 v1, v44  }
0x5c8: {  	v13 =	vand.u32 $0xFFFFF800, v13;
	v49 =	vand.u32 $0x200, v49;
	v4 =	vld.idx.msk [tilespmem:v46+s16+$0x0], $0xffff;
	(erf) = vpow2.f32 v47  }
0x5c9: {  	v12 =	vadd.s32 s0, v13;
	v13 =	vor.u32 v51, v49;
	v49 =	vor.u32 v0, v6;
	v0 =	vld.idx.msk [tilespmem:v11+s16+$0x0], $0xffff  }
0x5ca: {  	v52 =	vshll.u32 v39, $0x8;
	v11 =	vadd.s32 v1, v42;
	v53 =	vor.u32 v12, v13  }
0x5cb: {  	v54 =	vshll.u32 v39, $0x7;
	v12 =	vor.u32 v32, v49;
	v6 =	vor.u32 v29, v53  }
0x5cc: {  	[tilespmem:v61+s21+$0x0] =	vst.idx.add.f32.msk vm1, v3;
	v13 =	vshll.u32 v38, $0x8;
	v46 =	vand.u32 $0xFFFFF800, v52;
	v47 =	vand.u32 $0x200, v54  }
0x5cd: {  	[tilespmem:v57+s21+$0x0] =	vst.idx.add.f32.msk vm4, v3;
	v46 =	vadd.s32 s0, v46;
	v47 =	vor.u32 v51, v47;
	v52 =	vmul.f32 $1.442695020e+00, v4  }
0x5ce: {  	v13 =	vand.u32 $0xFFFFF800, v13;
	[tilespmem:v56+s21+$0x0] =	vst.idx.add.f32.msk vm7, v3;
	v47 =	vor.u32 v46, v47;
	v46 =	vmul.f32 $1.442695020e+00, v0  }
0x5cf: {  	v13 =	vadd.s32 s0, v13;
	[tilespmem:v11+s21+$0x0] =	vst.idx.add.f32.msk vm6, v3;
	(erf) = vpow2.f32 v52;
	v52 =	vand.u32 $0x200, v58  }
0x5d0: {  	v6 =	vld.idx.msk [tilespmem:v6+s16+$0x0], $0xffff;
	v58 =	vor.u32 v26, v45;
	v52 =	vor.u32 v51, v52;
	(erf) = vpow2.f32 v46  }
0x5d1: {  	v59 =	vor.u32 v22, v47;
	v12 =	vld.idx.msk [tilespmem:v12+s16+$0x0], $0xffff;
	v60 =	vpop (erf);
	v52 =	vor.u32 v13, v52  }
0x5d2: {  	v54 =	vld [tilespmem:s1+$0x1070];
	v8 =	vmul.f32 v60, v8;
	v13 =	vor.u32 v16, v52  }
0x5d3: {  	[tilespmem:v2+s22+$0x0] =	vst.idx.add.f32.msk vm3, v60  }
0x5d4: {  	[tilespmem:v2+s23+$0x0] =	vst.idx.add.f32.msk vm3, v8  }
0x5d5: {  	v2 =	vmul.f32 $1.442695020e+00, v6;
	v8 =	vld.idx.msk [tilespmem:v58+s16+$0x0], $0xffff  }
0x5d6: {  	v60 =	vmul.f32 $1.442695020e+00, v12;
	v58 =	vld.idx.msk [tilespmem:v59+s16+$0x0], $0xffff  }
0x5d7: {  	v62 =	vor.u32 v14, v48;
	(erf) = vpow2.f32 v2;
	v2 =	vadd.s32 $0xFFFFFFFF, v54;
	v13 =	vld.idx.msk [tilespmem:v13+s16+$0x0], $0xffff  }
0x5d8: {  	v54 =	vshll.u32 v2, $0x2;
	(erf) = vpow2.f32 v60;
	v60 =	vor.u32 v19, v50;
	v59 =	vpop (erf)  }
0x5d9: {  	vm0 =	vgt.s32 v2, $0xFFFFFFFF;
	vm8 =	vgt.s32 v54, $0x0;
	v4 =	vmul.f32 v59, v4;
	[tilespmem:v10+s22+$0x0] =	vst.idx.add.f32.msk vm5, v59;
	v59 =	vpop (erf)  }
0x5da: {  	v46 =	vnsel vm8, $0x0, v54;
	v63 =	vmul.f32 $1.442695020e+00, v8;
	v0 =	vmul.f32 v59, v0  }
0x5db: {  	[tilespmem:v55+s22+$0x0] =	vst.idx.add.f32.msk vm2, v59;
	v2 =	vmul.f32 $1.442695020e+00, v58;
	v54 =	vadd.s32 v1, v46  }
0x5dc: {  	(erf) = vpow2.f32 v63;
	[tilespmem:v55+s23+$0x0] =	vst.idx.add.f32.msk vm2, v0;
	v0 =	vmul.f32 $1.442695020e+00, v13  }
0x5dd: {  	(erf) = vpow2.f32 v2;
	v2 =	vld.idx.msk [tilespmem:v60+s16+$0x0], $0xffff  }
0x5de: {  	[tilespmem:v10+s23+$0x0] =	vst.idx.add.f32.msk vm5, v4  }
0x5df: {  	v4 =	vor.u32 v30, v53;
	v10 =	vld.idx.msk [tilespmem:v62+s16+$0x0], $0xffff;
	(erf) = vpow2.f32 v0  }
0x5e0: {  	[tilespmem:v54+s21+$0x0] =	vst.idx.add.f32.msk vm0, v3;
	v0 =	vpop (erf)  }
0x5e1: {  	[tilespmem:v56+s22+$0x0] =	vst.idx.add.f32.msk vm7, v0;
	v0 =	vmul.f32 v0, v6;
	v6 =	vadd.s32 v5, v41;
	v62 =	vpop (erf)  }
0x5e2: {  	v63 =	vmul.f32 $1.442695020e+00, v2;
	[tilespmem:v11+s22+$0x0] =	vst.idx.add.f32.msk vm6, v62  }
0x5e3: {  	v12 =	vmul.f32 v62, v12;
	[tilespmem:v56+s23+$0x0] =	vst.idx.add.f32.msk vm7, v0  }
0x5e4: {  	v4 =	vld.idx.msk [tilespmem:v4+s16+$0x0], $0xffff;
	(erf) = vpow2.f32 v63  }
0x5e5: {  	[tilespmem:v11+s23+$0x0] =	vst.idx.add.f32.msk vm6, v12;
	v11 =	vpop (erf)  }
0x5e6: {  	[tilespmem:v6+s22+$0x0] =	vst.idx.add.f32.msk vm3, v11;
	v8 =	vmul.f32 v11, v8;
	v11 =	vpop (erf)  }
0x5e7: {  	v62 =	vor.u32 v17, v52;
	[tilespmem:v57+s22+$0x0] =	vst.idx.add.f32.msk vm4, v11  }
0x5e8: {  	v60 =	vmul.f32 $1.442695020e+00, v10;
	v63 =	vor.u32 v27, v45;
	[tilespmem:v6+s23+$0x0] =	vst.idx.add.f32.msk vm3, v8;
	v6 =	vpop (erf);
	v8 =	vmul.f32 v11, v58  }
0x5e9: {  	[tilespmem:v61+s22+$0x0] =	vst.idx.add.f32.msk vm1, v6;
	v6 =	vmul.f32 v6, v13;
	v11 =	vmul.f32 $1.442695020e+00, v4;
	v13 =	vadd.s32 v5, v40  }
0x5ea: {  	(erf) = vpow2.f32 v60;
	v60 =	vshll.u32 v46, $0x7;
	[tilespmem:v57+s23+$0x0] =	vst.idx.add.f32.msk vm4, v8;
	v8 =	vshll.u32 v46, $0x8  }
0x5eb: {  	(erf) = vpow2.f32 v11;
	v8 =	vand.u32 $0xFFFFF800, v8;
	v11 =	vand.u32 $0x200, v60;
	[tilespmem:v61+s23+$0x0] =	vst.idx.add.f32.msk vm1, v6  }
0x5ec: {  	v0 =	vor.u32 v33, v49;
	v6 =	vadd.s32 s0, v8;
	v8 =	vor.u32 v51, v11;
	v11 =	vld.idx.msk [tilespmem:v62+s16+$0x0], $0xffff  }
0x5ed: {  	v12 =	vor.u32 v23, v47;
	v51 =	vor.u32 v6, v8;
	v8 =	vld.idx.msk [tilespmem:v63+s16+$0x0], $0xffff;
	v62 =	vpop (erf)  }
0x5ee: {  	v63 =	vor.u32 v36, v51;
	[tilespmem:v13+s22+$0x0] =	vst.idx.add.f32.msk vm2, v62  }
0x5ef: {  	v15 =	vld [tilespmem:$0x1FE20]  }
0x5f0: {  	v58 =	vadd.s32 v5, v43  }
0x5f1: {  	v0 =	vld.idx.msk [tilespmem:v0+s16+$0x0], $0xffff  }
0x5f2: {  	v12 =	vld.idx.msk [tilespmem:v12+s16+$0x0], $0xffff  }
0x5f3: {  	v6 =	vor.u32 v20, v50;
	v60 =	vpop (erf);
	v56 =	vld.idx.msk [tilespmem:v63+s16+$0x0], $0xffff  }
0x5f4: {  	v10 =	vmul.f32 v60, v10;
	v61 =	vor.u32 v15, v48;
	v15 =	vld [tilespmem:$0x1FFD0]  }
0x5f5: {  	v2 =	vmul.f32 v62, v2;
	[tilespmem:v58+s22+$0x0] =	vst.idx.add.f32.msk vm5, v60  }
0x5f6: {  	[tilespmem:v58+s23+$0x0] =	vst.idx.add.f32.msk vm5, v10;
	v10 =	vmul.f32 $1.442695020e+00, v0  }
0x5f7: {  	[tilespmem:v13+s23+$0x0] =	vst.idx.add.f32.msk vm2, v2;
	v2 =	vadd.s32 v5, v44  }
0x5f8: {  	v13 =	vmul.f32 $1.442695020e+00, v12;
	v6 =	vld.idx.msk [tilespmem:v6+s16+$0x0], $0xffff;
	(erf) = vpow2.f32 v10;
	_ =	sdelay $0x1  }
0x5f9: {  	v63 =	vpop (erf);
	v10 =	vmul.f32 $1.442695020e+00, v11;
	(erf) = vpow2.f32 v13  }
0x5fa: {  	v4 =	vmul.f32 v63, v4;
	v57 =	vld.idx.msk [tilespmem:v61+s16+$0x0], $0xffff  }
0x5fb: {  	v13 =	vmul.f32 $1.442695020e+00, v8;
	[tilespmem:v2+s22+$0x0] =	vst.idx.add.f32.msk vm7, v63;
	(erf) = vpow2.f32 v10  }
0x5fc: {  	v62 =	vor.u32 v31, v53;
	v10 =	vmul.f32 $1.442695020e+00, v56;
	[tilespmem:v2+s23+$0x0] =	vst.idx.add.f32.msk vm7, v4;
	v2 =	vmul.f32 $1.442695020e+00, v6  }
0x5fd: {  	(erf) = vpow2.f32 v13;
	v13 =	vadd.s32 v5, v42  }
0x5fe: {  	v60 =	vadd.s32 v5, v39;
	(erf) = vpow2.f32 v2  }
0x5ff: {  	v2 =	vmul.f32 $1.442695020e+00, v57  }
0x600: {  	(erf) = vpow2.f32 v10;
	v10 =	vpop (erf)  }
0x601: {  	v4 =	vld.idx.msk [tilespmem:v62+s16+$0x0], $0xffff;
	(erf) = vpow2.f32 v2;
	v2 =	vadd.s32 v5, v38;
	v0 =	vmul.f32 v10, v0  }
0x602: {  	[tilespmem:v13+s22+$0x0] =	vst.idx.add.f32.msk vm6, v10;
	v10 =	vpop (erf)  }
0x603: {  	[tilespmem:v60+s22+$0x0] =	vst.idx.add.f32.msk vm4, v10;
	v10 =	vmul.f32 v10, v12  }
0x604: {  	v62 =	vadd.s32 v7, v40  }
0x605: {  	[tilespmem:v13+s23+$0x0] =	vst.idx.add.f32.msk vm6, v0;
	v0 =	vpop (erf)  }
0x606: {  	[tilespmem:v2+s22+$0x0] =	vst.idx.add.f32.msk vm1, v0;
	v12 =	vpop (erf);
	v0 =	vmul.f32 v0, v11  }
0x607: {  	[tilespmem:v60+s23+$0x0] =	vst.idx.add.f32.msk vm4, v10;
	v10 =	vpop (erf)  }
0x608: {  	v61 =	vmul.f32 $1.442695020e+00, v4;
	[tilespmem:v2+s23+$0x0] =	vst.idx.add.f32.msk vm1, v0;
	v0 =	vmul.f32 v10, v6  }
0x609: {  	[tilespmem:v62+s22+$0x0] =	vst.idx.add.f32.msk vm2, v10  }
0x60a: {  	(erf) = vpow2.f32 v61;
	[tilespmem:v62+s23+$0x0] =	vst.idx.add.f32.msk vm2, v0  }
0x60b: {  	v11 =	vadd.s32 v7, v43;
	v0 =	vld [tilespmem:$0x1FE50]  }
0x60c: {  	v13 =	vor.u32 v34, v49;
	_ =	sdelay $0x1  }
0x60d: {  	v2 =	vpop (erf)  }
0x60e: {  	v6 =	vadd.s32 v7, v44;
	v10 =	vpop (erf)  }
0x60f: {  	[tilespmem:v11+s22+$0x0] =	vst.idx.add.f32.msk vm5, v10;
	v0 =	vor.u32 v0, v52  }
0x610: {  	v63 =	vmul.f32 v10, v57;
	v10 =	vld.idx.msk [tilespmem:v13+s16+$0x0], $0xffff  }
0x611: {  	[tilespmem:v54+s22+$0x0] =	vst.idx.add.f32.msk vm0, v2  }
0x612: {  	v13 =	vpop (erf);
	[tilespmem:v11+s23+$0x0] =	vst.idx.add.f32.msk vm5, v63;
	v11 =	vor.u32 v21, v50  }
0x613: {  	[tilespmem:v6+s22+$0x0] =	vst.idx.add.f32.msk vm7, v13  }
0x614: {  	v4 =	vmul.f32 v13, v4;
	v13 =	vor.u32 v24, v47;
	v0 =	vld.idx.msk [tilespmem:v0+s16+$0x0], $0xffff  }
0x615: {  	v55 =	vld [tilespmem:$0x1FF40]  }
0x616: {  	[tilespmem:v6+s23+$0x0] =	vst.idx.add.f32.msk vm7, v4;
	v4 =	vmul.f32 $1.442695020e+00, v10  }
0x617: {  	v6 =	vld.idx.msk [tilespmem:v11+s16+$0x0], $0xffff;
	v11 =	vor.u32 v37, v51  }
0x618: {  	(erf) = vpow2.f32 v4  }
0x619: {  	v2 =	vmul.f32 v2, v56;
	v4 =	vld.idx.msk [tilespmem:v13+s16+$0x0], $0xffff;
	v56 =	vmul.f32 $1.442695020e+00, v0  }
0x61a: {  	v50 =	vor.u32 v55, v53  }
0x61b: {  	v48 =	vor.u32 v15, v48;
	[tilespmem:v54+s23+$0x0] =	vst.idx.add.f32.msk vm0, v2;
	(erf) = vpow2.f32 v56  }
0x61c: {  	v2 =	vld.idx.msk [tilespmem:v11+s16+$0x0], $0xffff;
	v11 =	vadd.s32 v7, v41  }
0x61d: {  	v57 =	vmul.f32 $1.442695020e+00, v6  }
0x61e: {  	v58 =	vmul.f32 $1.442695020e+00, v4  }
0x61f: {  	v59 =	vadd.s32 v7, v42;
	v13 =	vld.idx.msk [tilespmem:v50+s16+$0x0], $0xffff;
	(erf) = vpow2.f32 v57  }
0x620: {  	v8 =	vmul.f32 v12, v8;
	v48 =	vld.idx.msk [tilespmem:v48+s16+$0x0], $0xffff;
	(erf) = vpow2.f32 v58  }
0x621: {  	[tilespmem:v11+s22+$0x0] =	vst.idx.add.f32.msk vm3, v12;
	v12 =	vpop (erf)  }
0x622: {  	[tilespmem:v11+s23+$0x0] =	vst.idx.add.f32.msk vm3, v8;
	v8 =	vmul.f32 v12, v10;
	v10 =	vadd.s32 v7, v38;
	_ =	sdelay $0x1  }
0x623: {  	[tilespmem:v59+s22+$0x0] =	vst.idx.add.f32.msk vm6, v12;
	v60 =	vmul.f32 $1.442695020e+00, v13;
	v12 =	vpop (erf)  }
0x624: {  	v63 =	vadd.s32 v7, v39;
	v61 =	vmul.f32 $1.442695020e+00, v48;
	[tilespmem:v59+s23+$0x0] =	vst.idx.add.f32.msk vm6, v8;
	v0 =	vmul.f32 v12, v0  }
0x625: {  	v62 =	vmul.f32 $1.442695020e+00, v2;
	(erf) = vpow2.f32 v60;
	v8 =	vld [tilespmem:$0x1FE60]  }
0x626: {  	(erf) = vpow2.f32 v61;
	[tilespmem:v10+s22+$0x0] =	vst.idx.add.f32.msk vm1, v12  }
0x627: {  	(erf) = vpow2.f32 v62;
	v12 =	vpop (erf);
	v56 =	vld [tilespmem:$0x1FED0]  }
0x628: {  	v45 =	vor.u32 v28, v45;
	[tilespmem:v10+s23+$0x0] =	vst.idx.add.f32.msk vm1, v0;
	v0 =	vpop (erf)  }
0x629: {  	v49 =	vor.u32 v35, v49;
	[tilespmem:v63+s22+$0x0] =	vst.idx.add.f32.msk vm4, v0  }
0x62a: {  	v8 =	vor.u32 v8, v52;
	v58 =	vld [tilespmem:$0x1FFB0];
	_ =	sdelay $0x1  }
0x62b: {  	v10 =	vadd.s32 v5, v46;
	v4 =	vmul.f32 v0, v4  }
0x62c: {  	v45 =	vld.idx.msk [tilespmem:v45+s16+$0x0], $0xffff;
	v47 =	vor.u32 v56, v47  }
0x62d: {  	v11 =	vld.idx.msk [tilespmem:v49+s16+$0x0], $0xffff;
	v57 =	vpop (erf)  }
0x62e: {  	v8 =	vld.idx.msk [tilespmem:v8+s16+$0x0], $0xffff;
	v0 =	vpop (erf);
	v52 =	vor.u32 v58, v51  }
0x62f: {  	[tilespmem:v63+s23+$0x0] =	vst.idx.add.f32.msk vm4, v4;
	v4 =	vpop (erf)  }
0x630: {  	v2 =	vmul.f32 v4, v2;
	[tilespmem:v10+s22+$0x0] =	vst.idx.add.f32.msk vm0, v4  }
0x631: {  	v47 =	vld.idx.msk [tilespmem:v47+s16+$0x0], $0xffff  }
0x632: {  	[tilespmem:v10+s23+$0x0] =	vst.idx.add.f32.msk vm0, v2  }
0x633: {  	v2 =	vld.idx.msk [tilespmem:v52+s16+$0x0], $0xffff  }
0x634: {  	v4 =	vmul.f32 $1.442695020e+00, v11  }
0x635: {  	v10 =	vmul.f32 $1.442695020e+00, v45  }
0x636: {  	(erf) = vpow2.f32 v4;
	v4 =	vmul.f32 $1.442695020e+00, v8  }
0x637: {  	(erf) = vpow2.f32 v10;
	v10 =	vmul.f32 $1.442695020e+00, v47  }
0x638: {  	(erf) = vpow2.f32 v4;
	v4 =	vmul.f32 $1.442695020e+00, v2  }
0x639: {  	(erf) = vpow2.f32 v10  }
0x63a: {  	(erf) = vpow2.f32 v4;
	_ =	sdelay $0x2  }
0x63b: {  	v54 =	vld [tilespmem:$0x1FFC0];
	_ =	sdelay $0x1  }
0x63c: {  	v4 =	vpop (erf)  }
0x63d: {  	v59 =	vadd.s32 v7, v46;
	v10 =	vpop (erf)  }
0x63e: {  	v60 =	vpop (erf)  }
0x63f: {  	v51 =	vor.u32 v54, v51;
	v61 =	vpop (erf)  }
0x640: {  	v62 =	vpop (erf)  }
0x641: {  	v40 =	vadd.s32 v9, v40;
	v2 =	vmul.f32 v62, v2  }
0x642: {  	[tilespmem:v59+s22+$0x0] =	vst.idx.add.f32.msk vm0, v62  }
0x643: {  	[tilespmem:v59+s23+$0x0] =	vst.idx.add.f32.msk vm0, v2;
	v2 =	vadd.s32 v9, v43  }
0x644: {  	v63 =	vld.idx.msk [tilespmem:v51+s16+$0x0], $0xffff  }
0x645: {  	v44 =	vadd.s32 v9, v44;
	v6 =	vmul.f32 v12, v6  }
0x646: {  	[tilespmem:v40+s22+$0x0] =	vst.idx.add.f32.msk vm2, v12  }
0x647: {  	v12 =	vmul.f32 v0, v48;
	[tilespmem:v40+s23+$0x0] =	vst.idx.add.f32.msk vm2, v6;
	v6 =	vadd.s32 v9, v41  }
0x648: {  	[tilespmem:v2+s22+$0x0] =	vst.idx.add.f32.msk vm5, v0  }
0x649: {  	v0 =	vmul.f32 $1.442695020e+00, v63;
	[tilespmem:v2+s23+$0x0] =	vst.idx.add.f32.msk vm5, v12;
	v2 =	vmul.f32 v57, v13;
	v12 =	vadd.s32 v9, v38  }
0x64a: {  	[tilespmem:v44+s22+$0x0] =	vst.idx.add.f32.msk vm7, v57  }
0x64b: {  	(erf) = vpow2.f32 v0;
	[tilespmem:v44+s23+$0x0] =	vst.idx.add.f32.msk vm7, v2;
	v0 =	vadd.s32 v9, v42;
	v2 =	vmul.f32 v10, v45  }
0x64c: {  	[tilespmem:v6+s22+$0x0] =	vst.idx.add.f32.msk vm3, v10  }
0x64d: {  	[tilespmem:v6+s23+$0x0] =	vst.idx.add.f32.msk vm3, v2;
	v2 =	vmul.f32 v60, v8  }
0x64e: {  	[tilespmem:v12+s22+$0x0] =	vst.idx.add.f32.msk vm1, v60  }
0x64f: {  	v6 =	vadd.s32 v9, v39;
	[tilespmem:v12+s23+$0x0] =	vst.idx.add.f32.msk vm1, v2;
	v2 =	vmul.f32 v4, v11  }
0x650: {  	[tilespmem:v0+s22+$0x0] =	vst.idx.add.f32.msk vm6, v4  }
0x651: {  	v38 =	vadd.s32 v9, v46;
	[tilespmem:v0+s23+$0x0] =	vst.idx.add.f32.msk vm6, v2;
	v0 =	vmul.f32 v61, v47;
	_ =	sdelay $0x2  }
0x652: {  	[tilespmem:v6+s22+$0x0] =	vst.idx.add.f32.msk vm4, v61  }
0x653: {  	[tilespmem:v6+s23+$0x0] =	vst.idx.add.f32.msk vm4, v0;
	v0 =	vpop (erf)  }
0x654: {  	s31 =	simm.s32 $0x0;
	s0 =	simm.s32 $0x80;
	[tilespmem:v38+s22+$0x0] =	vst.idx.add.f32.msk vm0, v0;
	v39 =	vmul.f32 v0, v63  }
.LBB2_10:
0x655: {  	s31 =	sadd.s32 $0x8, s31  }
0x656: {  	s1 =	sand.u32 $0x80, s0;
	s17 =	sshll.u32 s31, $0x3  }
0x657: {  	v0 =	vmov s1;
	s1 =	sshll.u32 s1, $0x3;
	s17 =	sand.u32 $0x3FFFFF80, s17  }
0x658: {  	s1 =	sadd.s32 s17, s1  }
0x659: {  	s17 =	sadd.s32 $0x18000, s1  }
0x65a: {  	v2 =	vld [tilespmem:s17+$0x1010]  }
0x65b: {  	v4 =	vld [tilespmem:s17+$0x1020]  }
0x65c: {  	v6 =	vld [tilespmem:s17+$0x1030]  }
0x65d: {  	v8 =	vld [tilespmem:s17+$0x1040]  }
0x65e: {  	v10 =	vld [tilespmem:s17+$0x1050]  }
0x65f: {  	v0 =	vshrl.u32 v0, $0x7  }
0x660: {  	v0 =	vshll.u32 v0, $0xA  }
0x661: {  	v46 =	vbroadcast v0, $0x0;
	v0 =	vadd.s32 $0xFFFFFFFF, v2  }
0x662: {  	v4 =	vadd.s32 $0xFFFFFFFF, v4;
	v6 =	vadd.s32 $0xFFFFFFFF, v6;
	v8 =	vadd.s32 $0xFFFFFFFF, v8  }
0x663: {  	v10 =	vadd.s32 $0xFFFFFFFF, v10;
	vm1 =	vgt.s32 v0, $0xFFFFFFFF;
	v0 =	vshll.u32 v0, $0x2  }
0x664: {  	v2 =	vld [tilespmem:s17+$0x1060];
	vm4 =	vgt.s32 v4, $0xFFFFFFFF;
	v4 =	vshll.u32 v4, $0x2;
	v11 =	vshll.u32 v8, $0x2  }
0x665: {  	vm3 =	vgt.s32 v8, $0xFFFFFFFF;
	vm7 =	vgt.s32 v10, $0xFFFFFFFF;
	vm2 =	vgt.s32 v4, $0x0  }
0x666: {  	[tilespmem:v38+s23+$0x0] =	vst.idx.add.f32.msk vm0, v39;
	vm0 =	vgt.s32 v0, $0x0;
	v42 =	vnsel vm2, $0x0, v4;
	v4 =	vshll.u32 v6, $0x2  }
0x667: {  	vm2 =	vgt.s32 v11, $0x0;
	v39 =	vnsel vm0, $0x0, v0;
	v12 =	vshll.u32 v42, $0x8  }
0x668: {  	v13 =	vld [tilespmem:s1+$0x19000];
	v40 =	vnsel vm2, $0x0, v11;
	vm0 =	vgt.s32 v4, $0x0;
	vm2 =	vgt.s32 v6, $0xFFFFFFFF  }
0x669: {  	v6 =	vshll.u32 v42, $0x7;
	v56 =	vadd.s32 v1, v42;
	v2 =	vadd.s32 $0xFFFFFFFF, v2  }
0x66a: {  	s26 =	sshll.u32 s31, $0x9;
	v12 =	vand.u32 $0xFFFFF800, v12;
	v0 =	vshll.u32 v40, $0x8;
	v60 =	vshll.u32 v40, $0x7  }
0x66b: {  	s28 =	sand.u32 $0xFFFFE000, s26;
	v11 =	vshll.u32 v2, $0x2;
	v0 =	vand.u32 $0xFFFFF800, v0;
	v38 =	vand.u32 $0x200, v60  }
0x66c: {  	v0 =	vadd.s32 s28, v0;
	v8 =	vor.u32 v46, v38;
	v38 =	vnsel vm0, $0x0, v4  }
0x66d: {  	v4 =	vadd.s32 v1, v40;
	v51 =	vor.u32 v0, v8;
	v0 =	vadd.s32 $0xFFFFFFFF, v13  }
0x66e: {  	vm0 =	vgt.s32 v11, $0x0;
	v8 =	vor.u32 v25, v51;
	v13 =	vshll.u32 v0, $0x2  }
0x66f: {  	v6 =	vand.u32 $0x200, v6;
	v41 =	vnsel vm0, $0x0, v11;
	vm0 =	vgt.s32 v13, $0x0  }
0x670: {  	v11 =	vshll.u32 v41, $0x8;
	vm5 =	vgt.s32 v0, $0xFFFFFFFF;
	v43 =	vnsel vm0, $0x0, v13  }
0x671: {  	v0 =	vand.u32 $0xFFFFF800, v11;
	v11 =	vshll.u32 v43, $0x8;
	v13 =	vshll.u32 v43, $0x7  }
0x672: {  	v12 =	vadd.s32 s28, v12;
	[tilespmem:v4+s21+$0x0] =	vst.idx.add.f32.msk vm3, v3;
	v11 =	vand.u32 $0xFFFFF800, v11;
	v13 =	vand.u32 $0x200, v13  }
0x673: {  	v6 =	vor.u32 v46, v6;
	v8 =	vld.idx.msk [tilespmem:v8+s16+$0x0], $0xffff;
	v11 =	vadd.s32 s28, v11;
	v13 =	vor.u32 v46, v13  }
0x674: {  	v54 =	vadd.s32 v1, v43;
	v48 =	vor.u32 v11, v13;
	v13 =	vlaneseq.u32  }
0x675: {  	v52 =	vor.u32 v12, v6;
	v6 =	vshll.u32 v10, $0x2;
	v13 =	vor.u32 v13, v48  }
0x676: {  	vm6 =	vgt.s32 v2, $0xFFFFFFFF;
	vm0 =	vgt.s32 v6, $0x0;
	v11 =	vshll.u32 v41, $0x7  }
0x677: {  	v12 =	vor.u32 v18, v52;
	v45 =	vnsel vm0, $0x0, v6;
	v11 =	vand.u32 $0x200, v11  }
0x678: {  	v6 =	vor.u32 v46, v11;
	v11 =	vshll.u32 v45, $0x8;
	v47 =	vmul.f32 $1.442695020e+00, v8  }
0x679: {  	v0 =	vadd.s32 s28, v0;
	v49 =	vshll.u32 v45, $0x7;
	[tilespmem:v54+s21+$0x0] =	vst.idx.add.f32.msk vm5, v3;
	v11 =	vand.u32 $0xFFFFF800, v11  }
0x67a: {  	v10 =	vadd.s32 s28, v11;
	v2 =	vld.idx.msk [tilespmem:v13+s16+$0x0], $0xffff;
	v13 =	vand.u32 $0x200, v49;
	(erf) = vpow2.f32 v47  }
0x67b: {  	v49 =	vor.u32 v0, v6;
	v6 =	vadd.s32 v1, v41;
	v11 =	vor.u32 v46, v13  }
0x67c: {  	v13 =	vadd.s32 v1, v45;
	v50 =	vor.u32 v10, v11  }
0x67d: {  	v58 =	vshll.u32 v39, $0x7;
	[tilespmem:v56+s21+$0x0] =	vst.idx.add.f32.msk vm4, v3;
	v0 =	vor.u32 v29, v50  }
0x67e: {  	v61 =	vshll.u32 v38, $0x8;
	v53 =	vshll.u32 v38, $0x7;
	v12 =	vld.idx.msk [tilespmem:v12+s16+$0x0], $0xffff;
	v10 =	vor.u32 v32, v49  }
0x67f: {  	v44 =	vld [tilespmem:s17+$0x1070];
	v55 =	vadd.s32 v1, v38;
	v53 =	vand.u32 $0x200, v53;
	v57 =	vmul.f32 $1.442695020e+00, v2  }
0x680: {  	v53 =	vor.u32 v46, v53;
	v47 =	vand.u32 $0xFFFFF800, v61;
	v61 =	vadd.s32 v1, v39;
	[tilespmem:v6+s21+$0x0] =	vst.idx.add.f32.msk vm6, v3  }
0x681: {  	v47 =	vadd.s32 s28, v47;
	v11 =	vshll.u32 v39, $0x8;
	[tilespmem:v13+s21+$0x0] =	vst.idx.add.f32.msk vm7, v3;
	(erf) = vpow2.f32 v57  }
0x682: {  	v47 =	vor.u32 v47, v53;
	v57 =	vand.u32 $0x200, v58;
	v58 =	vor.u32 v26, v51;
	v0 =	vld.idx.msk [tilespmem:v0+s16+$0x0], $0xffff  }
0x683: {  	v53 =	vmul.f32 $1.442695020e+00, v12;
	v11 =	vand.u32 $0xFFFFF800, v11;
	v59 =	vor.u32 v22, v47;
	v10 =	vld.idx.msk [tilespmem:v10+s16+$0x0], $0xffff;
	v60 =	vpop (erf)  }
0x684: {  	v11 =	vadd.s32 s28, v11;
	v57 =	vor.u32 v46, v57;
	v8 =	vmul.f32 v60, v8  }
0x685: {  	(erf) = vpow2.f32 v53;
	v53 =	vor.u32 v11, v57;
	v11 =	vadd.s32 $0xFFFFFFFF, v44;
	[tilespmem:v4+s22+$0x0] =	vst.idx.add.f32.msk vm3, v60  }
0x686: {  	v57 =	vor.u32 v16, v53;
	v44 =	vshll.u32 v11, $0x2;
	[tilespmem:v4+s23+$0x0] =	vst.idx.add.f32.msk vm3, v8  }
0x687: {  	vm0 =	vgt.s32 v44, $0x0;
	v4 =	vld.idx.msk [tilespmem:v58+s16+$0x0], $0xffff;
	v8 =	vmul.f32 $1.442695020e+00, v0  }
0x688: {  	[tilespmem:v55+s21+$0x0] =	vst.idx.add.f32.msk vm2, v3;
	v44 =	vnsel vm0, $0x0, v44;
	v62 =	vmul.f32 $1.442695020e+00, v10  }
0x689: {  	v58 =	vld.idx.msk [tilespmem:v59+s16+$0x0], $0xffff;
	v59 =	vshll.u32 v44, $0x8;
	v60 =	vshll.u32 v44, $0x7;
	(erf) = vpow2.f32 v8  }
0x68a: {  	[tilespmem:v61+s21+$0x0] =	vst.idx.add.f32.msk vm1, v3;
	v59 =	vand.u32 $0xFFFFF800, v59;
	v60 =	vand.u32 $0x200, v60;
	v63 =	vpop (erf);
	(erf) = vpow2.f32 v62  }
0x68b: {  	v8 =	vor.u32 v14, v48;
	v57 =	vld.idx.msk [tilespmem:v57+s16+$0x0], $0xffff;
	v59 =	vadd.s32 s28, v59;
	v46 =	vor.u32 v46, v60  }
0x68c: {  	v46 =	vor.u32 v59, v46;
	v2 =	vmul.f32 v63, v2;
	v59 =	vmul.f32 $1.442695020e+00, v4  }
0x68d: {  	v60 =	vor.u32 v19, v52;
	[tilespmem:v54+s22+$0x0] =	vst.idx.add.f32.msk vm5, v63  }
0x68e: {  	v62 =	vpop (erf);
	[tilespmem:v54+s23+$0x0] =	vst.idx.add.f32.msk vm5, v2;
	v2 =	vmul.f32 $1.442695020e+00, v58;
	(erf) = vpow2.f32 v59  }
0x68f: {  	[tilespmem:v56+s22+$0x0] =	vst.idx.add.f32.msk vm4, v62;
	v12 =	vmul.f32 v62, v12  }
0x690: {  	v59 =	vmul.f32 $1.442695020e+00, v57;
	v8 =	vld.idx.msk [tilespmem:v8+s16+$0x0], $0xffff;
	(erf) = vpow2.f32 v2  }
0x691: {  	[tilespmem:v56+s23+$0x0] =	vst.idx.add.f32.msk vm4, v12;
	v12 =	vor.u32 v30, v50  }
0x692: {  	vm0 =	vgt.s32 v11, $0xFFFFFFFF;
	v2 =	vld.idx.msk [tilespmem:v60+s16+$0x0], $0xffff;
	(erf) = vpow2.f32 v59;
	v11 =	vpop (erf)  }
0x693: {  	[tilespmem:v13+s22+$0x0] =	vst.idx.add.f32.msk vm7, v11;
	v0 =	vmul.f32 v11, v0;
	v11 =	vadd.s32 v5, v40;
	v56 =	vpop (erf)  }
0x694: {  	v60 =	vmul.f32 v56, v10;
	v10 =	vor.u32 v33, v49;
	[tilespmem:v6+s22+$0x0] =	vst.idx.add.f32.msk vm6, v56  }
0x695: {  	[tilespmem:v13+s23+$0x0] =	vst.idx.add.f32.msk vm7, v0  }
0x696: {  	v12 =	vld.idx.msk [tilespmem:v12+s16+$0x0], $0xffff  }
0x697: {  	v13 =	vmul.f32 $1.442695020e+00, v2;
	[tilespmem:v6+s23+$0x0] =	vst.idx.add.f32.msk vm6, v60;
	v0 =	vpop (erf)  }
0x698: {  	v56 =	vmul.f32 $1.442695020e+00, v8;
	[tilespmem:v11+s22+$0x0] =	vst.idx.add.f32.msk vm3, v0  }
0x699: {  	(erf) = vpow2.f32 v13;
	v13 =	vor.u32 v23, v47;
	v60 =	vmul.f32 v0, v4;
	v4 =	vpop (erf);
	v10 =	vld.idx.msk [tilespmem:v10+s16+$0x0], $0xffff  }
0x69a: {  	[tilespmem:v55+s22+$0x0] =	vst.idx.add.f32.msk vm2, v4  }
0x69b: {  	(erf) = vpow2.f32 v56;
	v6 =	vmul.f32 v4, v58;
	v0 =	vpop (erf);
	[tilespmem:v11+s23+$0x0] =	vst.idx.add.f32.msk vm3, v60  }
0x69c: {  	v54 =	vadd.s32 v1, v44;
	[tilespmem:v61+s22+$0x0] =	vst.idx.add.f32.msk vm1, v0  }
0x69d: {  	v11 =	vor.u32 v17, v53;
	[tilespmem:v55+s23+$0x0] =	vst.idx.add.f32.msk vm2, v6  }
0x69e: {  	v4 =	vadd.s32 v5, v42;
	v0 =	vmul.f32 v0, v57;
	v60 =	vmul.f32 $1.442695020e+00, v12;
	v13 =	vld.idx.msk [tilespmem:v13+s16+$0x0], $0xffff  }
0x69f: {  	v63 =	vld [tilespmem:$0x1FE20];
	v59 =	vor.u32 v27, v51  }
0x6a0: {  	v6 =	vadd.s32 v5, v43;
	[tilespmem:v61+s23+$0x0] =	vst.idx.add.f32.msk vm1, v0;
	(erf) = vpow2.f32 v60;
	v0 =	vmul.f32 $1.442695020e+00, v10  }
0x6a1: {  	[tilespmem:v54+s21+$0x0] =	vst.idx.add.f32.msk vm0, v3  }
0x6a2: {  	v11 =	vld.idx.msk [tilespmem:v11+s16+$0x0], $0xffff;
	v61 =	vpop (erf);
	(erf) = vpow2.f32 v0  }
0x6a3: {  	v55 =	vor.u32 v20, v52;
	[tilespmem:v4+s22+$0x0] =	vst.idx.add.f32.msk vm4, v61;
	v2 =	vmul.f32 v61, v2;
	v61 =	vmul.f32 $1.442695020e+00, v13  }
0x6a4: {  	v62 =	vor.u32 v36, v46;
	v56 =	vld.idx.msk [tilespmem:v59+s16+$0x0], $0xffff;
	v60 =	vpop (erf)  }
0x6a5: {  	v0 =	vor.u32 v63, v48;
	[tilespmem:v6+s22+$0x0] =	vst.idx.add.f32.msk vm5, v60;
	v8 =	vmul.f32 v60, v8;
	(erf) = vpow2.f32 v61  }
0x6a6: {  	[tilespmem:v4+s23+$0x0] =	vst.idx.add.f32.msk vm4, v2;
	v4 =	vadd.s32 v5, v45  }
0x6a7: {  	[tilespmem:v6+s23+$0x0] =	vst.idx.add.f32.msk vm5, v8;
	v6 =	vmul.f32 $1.442695020e+00, v11  }
0x6a8: {  	v61 =	vor.u32 v31, v50;
	v8 =	vld.idx.msk [tilespmem:v55+s16+$0x0], $0xffff  }
0x6a9: {  	v58 =	vld.idx.msk [tilespmem:v62+s16+$0x0], $0xffff;
	v60 =	vmul.f32 $1.442695020e+00, v56;
	v2 =	vpop (erf);
	(erf) = vpow2.f32 v6;
	v6 =	vadd.s32 v5, v41  }
0x6aa: {  	v55 =	vadd.s32 v5, v38;
	v0 =	vld.idx.msk [tilespmem:v0+s16+$0x0], $0xffff;
	v12 =	vmul.f32 v2, v12  }
0x6ab: {  	(erf) = vpow2.f32 v60;
	[tilespmem:v4+s22+$0x0] =	vst.idx.add.f32.msk vm7, v2  }
0x6ac: {  	v2 =	vpop (erf);
	[tilespmem:v4+s23+$0x0] =	vst.idx.add.f32.msk vm7, v12  }
0x6ad: {  	v60 =	vor.u32 v34, v49;
	v4 =	vmul.f32 v2, v10;
	v10 =	vmul.f32 $1.442695020e+00, v8;
	v12 =	vld.idx.msk [tilespmem:v61+s16+$0x0], $0xffff  }
0x6ae: {  	[tilespmem:v6+s22+$0x0] =	vst.idx.add.f32.msk vm6, v2;
	v62 =	vpop (erf)  }
0x6af: {  	v57 =	vadd.s32 v5, v39;
	v61 =	vmul.f32 $1.442695020e+00, v58;
	(erf) = vpow2.f32 v10;
	[tilespmem:v55+s22+$0x0] =	vst.idx.add.f32.msk vm2, v62  }
0x6b0: {  	v59 =	vadd.s32 v7, v40;
	v2 =	vmul.f32 $1.442695020e+00, v0;
	v13 =	vmul.f32 v62, v13;
	v62 =	vld [tilespmem:$0x1FE50]  }
0x6b1: {  	[tilespmem:v6+s23+$0x0] =	vst.idx.add.f32.msk vm6, v4  }
0x6b2: {  	(erf) = vpow2.f32 v61;
	v60 =	vld.idx.msk [tilespmem:v60+s16+$0x0], $0xffff  }
0x6b3: {  	v4 =	vpop (erf);
	v6 =	vmul.f32 $1.442695020e+00, v12;
	[tilespmem:v55+s23+$0x0] =	vst.idx.add.f32.msk vm2, v13  }
0x6b4: {  	(erf) = vpow2.f32 v2;
	[tilespmem:v57+s22+$0x0] =	vst.idx.add.f32.msk vm1, v4;
	v2 =	vpop (erf);
	v4 =	vmul.f32 v4, v11;
	v11 =	vadd.s32 v7, v42  }
0x6b5: {  	[tilespmem:v59+s22+$0x0] =	vst.idx.add.f32.msk vm3, v2;
	v61 =	vor.u32 v62, v53  }
0x6b6: {  	v56 =	vmul.f32 v2, v56;
	[tilespmem:v57+s23+$0x0] =	vst.idx.add.f32.msk vm1, v4  }
0x6b7: {  	(erf) = vpow2.f32 v6;
	v57 =	vld [tilespmem:$0x1FE60]  }
0x6b8: {  	[tilespmem:v59+s23+$0x0] =	vst.idx.add.f32.msk vm3, v56;
	v6 =	vpop (erf)  }
0x6b9: {  	v2 =	vadd.s32 v7, v43;
	[tilespmem:v11+s22+$0x0] =	vst.idx.add.f32.msk vm4, v6  }
0x6ba: {  	v4 =	vor.u32 v21, v52;
	v13 =	vld.idx.msk [tilespmem:v61+s16+$0x0], $0xffff  }
0x6bb: {  	v55 =	vmul.f32 $1.442695020e+00, v60;
	v6 =	vmul.f32 v6, v8;
	v8 =	vpop (erf);
	v61 =	vld [tilespmem:$0x1FF40]  }
0x6bc: {  	v52 =	vadd.s32 v7, v45;
	[tilespmem:v54+s22+$0x0] =	vst.idx.add.f32.msk vm0, v8  }
0x6bd: {  	v56 =	vmul.f32 v8, v58;
	[tilespmem:v11+s23+$0x0] =	vst.idx.add.f32.msk vm4, v6;
	v6 =	vor.u32 v15, v48;
	v8 =	vpop (erf);
	(erf) = vpow2.f32 v55  }
0x6be: {  	[tilespmem:v2+s22+$0x0] =	vst.idx.add.f32.msk vm5, v8;
	v0 =	vmul.f32 v8, v0  }
0x6bf: {  	v10 =	vor.u32 v24, v47;
	v4 =	vld.idx.msk [tilespmem:v4+s16+$0x0], $0xffff  }
0x6c0: {  	v8 =	vpop (erf);
	[tilespmem:v2+s23+$0x0] =	vst.idx.add.f32.msk vm5, v0;
	v0 =	vmul.f32 $1.442695020e+00, v13  }
0x6c1: {  	[tilespmem:v52+s22+$0x0] =	vst.idx.add.f32.msk vm7, v8;
	v8 =	vmul.f32 v8, v12;
	v11 =	vor.u32 v61, v50  }
0x6c2: {  	v2 =	vld.idx.msk [tilespmem:v6+s16+$0x0], $0xffff;
	v6 =	vadd.s32 v7, v41;
	(erf) = vpow2.f32 v0  }
0x6c3: {  	[tilespmem:v52+s23+$0x0] =	vst.idx.add.f32.msk vm7, v8;
	v8 =	vor.u32 v37, v46  }
0x6c4: {  	v0 =	vld.idx.msk [tilespmem:v10+s16+$0x0], $0xffff  }
0x6c5: {  	[tilespmem:v54+s23+$0x0] =	vst.idx.add.f32.msk vm0, v56;
	v10 =	vmul.f32 $1.442695020e+00, v4  }
0x6c6: {  	v51 =	vor.u32 v28, v51;
	v11 =	vld.idx.msk [tilespmem:v11+s16+$0x0], $0xffff;
	v54 =	vpop (erf)  }
0x6c7: {  	v12 =	vor.u32 v35, v49;
	(erf) = vpow2.f32 v10;
	[tilespmem:v6+s22+$0x0] =	vst.idx.add.f32.msk vm6, v54;
	v48 =	vmul.f32 v54, v60  }
0x6c8: {  	v10 =	vadd.s32 v7, v39;
	v8 =	vld.idx.msk [tilespmem:v8+s16+$0x0], $0xffff  }
0x6c9: {  	[tilespmem:v6+s23+$0x0] =	vst.idx.add.f32.msk vm6, v48;
	v6 =	vmul.f32 $1.442695020e+00, v0  }
0x6ca: {  	v59 =	vld [tilespmem:$0x1FED0];
	v48 =	vor.u32 v57, v53  }
0x6cb: {  	v49 =	vld.idx.msk [tilespmem:v51+s16+$0x0], $0xffff;
	v55 =	vmul.f32 $1.442695020e+00, v11;
	v60 =	vpop (erf);
	(erf) = vpow2.f32 v6  }
0x6cc: {  	v42 =	vadd.s32 v9, v42;
	v12 =	vld.idx.msk [tilespmem:v12+s16+$0x0], $0xffff;
	v6 =	vmul.f32 v60, v13  }
0x6cd: {  	v54 =	vmul.f32 $1.442695020e+00, v2;
	[tilespmem:v10+s22+$0x0] =	vst.idx.add.f32.msk vm1, v60;
	(erf) = vpow2.f32 v55  }
0x6ce: {  	v55 =	vmul.f32 $1.442695020e+00, v8;
	[tilespmem:v10+s23+$0x0] =	vst.idx.add.f32.msk vm1, v6  }
0x6cf: {  	(erf) = vpow2.f32 v54;
	v6 =	vld.idx.msk [tilespmem:v48+s16+$0x0], $0xffff  }
0x6d0: {  	v13 =	vpop (erf);
	(erf) = vpow2.f32 v55  }
0x6d1: {  	[tilespmem:v42+s22+$0x0] =	vst.idx.add.f32.msk vm4, v13;
	v4 =	vmul.f32 v13, v4;
	v13 =	vadd.s32 v7, v38  }
0x6d2: {  	v56 =	vld [tilespmem:$0x1FFB0];
	v10 =	vmul.f32 $1.442695020e+00, v12  }
0x6d3: {  	v60 =	vmul.f32 $1.442695020e+00, v49;
	[tilespmem:v42+s23+$0x0] =	vst.idx.add.f32.msk vm4, v4;
	v4 =	vor.u32 v59, v47  }
0x6d4: {  	v45 =	vadd.s32 v9, v45;
	(erf) = vpow2.f32 v10;
	v47 =	vpop (erf);
	v48 =	vmul.f32 $1.442695020e+00, v6  }
0x6d5: {  	v10 =	vadd.s32 v9, v43;
	(erf) = vpow2.f32 v60;
	v0 =	vmul.f32 v47, v0  }
0x6d6: {  	v50 =	vadd.s32 v5, v44;
	[tilespmem:v13+s22+$0x0] =	vst.idx.add.f32.msk vm2, v47;
	v51 =	vpop (erf);
	(erf) = vpow2.f32 v48  }
0x6d7: {  	[tilespmem:v13+s23+$0x0] =	vst.idx.add.f32.msk vm2, v0  }
0x6d8: {  	v54 =	vor.u32 v56, v46;
	v52 =	vpop (erf);
	v4 =	vld.idx.msk [tilespmem:v4+s16+$0x0], $0xffff  }
0x6d9: {  	[tilespmem:v45+s22+$0x0] =	vst.idx.add.f32.msk vm7, v51;
	v53 =	vpop (erf)  }
0x6da: {  	[tilespmem:v10+s22+$0x0] =	vst.idx.add.f32.msk vm5, v52;
	v8 =	vmul.f32 v53, v8  }
0x6db: {  	v11 =	vmul.f32 v51, v11;
	[tilespmem:v50+s22+$0x0] =	vst.idx.add.f32.msk vm0, v53  }
0x6dc: {  	v0 =	vadd.s32 v9, v41;
	v2 =	vmul.f32 v52, v2;
	[tilespmem:v50+s23+$0x0] =	vst.idx.add.f32.msk vm0, v8  }
0x6dd: {  	v55 =	vpop (erf);
	v8 =	vld.idx.msk [tilespmem:v54+s16+$0x0], $0xffff;
	v60 =	vmul.f32 $1.442695020e+00, v4  }
0x6de: {  	[tilespmem:v10+s23+$0x0] =	vst.idx.add.f32.msk vm5, v2;
	v2 =	vmul.f32 v55, v12;
	v12 =	vpop (erf)  }
0x6df: {  	[tilespmem:v45+s23+$0x0] =	vst.idx.add.f32.msk vm7, v11;
	v11 =	vpop (erf);
	(erf) = vpow2.f32 v60;
	_ =	sdelay $0x1  }
0x6e0: {  	[tilespmem:v0+s22+$0x0] =	vst.idx.add.f32.msk vm6, v55  }
0x6e1: {  	[tilespmem:v0+s23+$0x0] =	vst.idx.add.f32.msk vm6, v2;
	v0 =	vmul.f32 $1.442695020e+00, v8;
	_ =	sdelay $0x1  }
0x6e2: {  	v2 =	vadd.s32 v9, v38;
	(erf) = vpow2.f32 v0;
	_ =	sdelay $0x2  }
0x6e3: {  	v58 =	vld [tilespmem:$0x1FFC0]  }
0x6e4: {  	v0 =	vpop (erf)  }
0x6e5: {  	[tilespmem:v2+s22+$0x0] =	vst.idx.add.f32.msk vm2, v0;
	v0 =	vmul.f32 v0, v4;
	v4 =	vadd.s32 v7, v44;
	_ =	sdelay $0x2  }
0x6e6: {  	[tilespmem:v2+s23+$0x0] =	vst.idx.add.f32.msk vm2, v0;
	v0 =	vor.u32 v58, v46  }
0x6e7: {  	v2 =	vpop (erf)  }
0x6e8: {  	[tilespmem:v4+s22+$0x0] =	vst.idx.add.f32.msk vm0, v2;
	v2 =	vmul.f32 v2, v8;
	_ =	sdelay $0x1  }
0x6e9: {  	[tilespmem:v4+s23+$0x0] =	vst.idx.add.f32.msk vm0, v2  }
0x6ea: {  	v0 =	vld.idx.msk [tilespmem:v0+s16+$0x0], $0xffff;
	_ =	sdelay $0x4  }
0x6eb: {  	v2 =	vmul.f32 $1.442695020e+00, v0;
	_ =	sdelay $0x1  }
0x6ec: {  	v13 =	vadd.s32 v9, v40;
	(erf) = vpow2.f32 v2;
	_ =	sdelay $0x2  }
0x6ed: {  	v10 =	vadd.s32 v9, v39;
	_ =	sdelay $0x1  }
0x6ee: {  	p0 =	slt.u32 s31, $0x38;
	[tilespmem:v13+s22+$0x0] =	vst.idx.add.f32.msk vm3, v12;
	v12 =	vmul.f32 v12, v49;
	v38 =	vadd.s32 v9, v44  }
.Ltmp4:
0x6ef: {  	_ = 	snop;
	(pc) =	sbr.rel @p0 .LBB2_10-.Ltmp4, $4  }
0x6f0: {  	[tilespmem:v13+s23+$0x0] =	vst.idx.add.f32.msk vm3, v12;
	v6 =	vmul.f32 v11, v6  }
0x6f1: {  	[tilespmem:v10+s22+$0x0] =	vst.idx.add.f32.msk vm1, v11  }
0x6f2: {  	[tilespmem:v10+s23+$0x0] =	vst.idx.add.f32.msk vm1, v6;
	v2 =	vpop (erf)  }
0x6f3: {  	s0 =	sadd.s32 $0x80, s0;
	[tilespmem:v38+s22+$0x0] =	vst.idx.add.f32.msk vm0, v2;
	v39 =	vmul.f32 v2, v0  }
0x6f4: {  	_ =	sdelay $0x4  }
0x6f5: {  	[tilespmem:v38+s23+$0x0] =	vst.idx.add.f32.msk vm0, v39  }
0x6f6: {  	_ =	swait.ge [sflag:s25], $0x8000  }
0x6f7: {  	[sflag:s25] =	ssyncset.done $0x0  }
0x6f8: {  	s0 =	simm.s32 $0x0;
	s31 =	simm.s32 $0xFFFFFFF8;
	[sflag:s25] =	ssyncadd.s32 $0xFFFF8000  }
0x6f9: {  	v60 =	vlaneseq.u32;
	[tilespmem:s16], [sflag:$0x2] =	stream.linear.gather [hbm4b:s11+s0], $0x8000, $0x38;
	[tilespmem:$0x1A800] =	vst v63  }
.LBB2_12:
0x6fa: {  	s31 =	sadd.s32 $0x8, s31  }
0x6fb: {  	s1 =	sand.u32 $0x80, s0;
	s17 =	sshll.u32 s31, $0x3  }
0x6fc: {  	s26 =	sshll.u32 s1, $0x3;
	s17 =	sand.u32 $0x3FFFFF80, s17  }
0x6fd: {  	s17 =	sadd.s32 s17, s26  }
0x6fe: {  	s17 =	sadd.s32 $0x18000, s17  }
0x6ff: {  	v0 =	vld [tilespmem:s17+$0x1200];
	_ =	sdelay $0x4  }
0x700: {  	v0 =	vadd.s32 $0xFFFFFFFF, v0  }
0x701: {  	v4 =	vmov s1;
	v2 =	vshll.u32 v0, $0x2  }
0x702: {  	v4 =	vshrl.u32 v4, $0x7;
	vm0 =	vgt.s32 v2, $0x0  }
0x703: {  	v38 =	vnsel vm0, $0x0, v2;
	v2 =	vshll.u32 v4, $0xA  }
0x704: {  	s28 =	sshll.u32 s31, $0x9;
	v4 =	vshll.u32 v38, $0x8;
	v40 =	vbroadcast v2, $0x0;
	v2 =	vshll.u32 v38, $0x7  }
0x705: {  	s1 =	sand.u32 $0xFFFFE000, s28;
	v4 =	vand.u32 $0xFFFFF800, v4;
	v2 =	vand.u32 $0x200, v2  }
0x706: {  	vm0 =	vgt.s32 v0, $0xFFFFFFFF;
	v0 =	vadd.s32 s1, v4;
	v2 =	vor.u32 v40, v2  }
0x707: {  	v4 =	vadd.s32 v1, v38;
	v0 =	vor.u32 v0, v2  }
0x708: {  	v2 =	vor.u32 v60, v0;
	_ =	sdelay $0x3  }
0x709: {  	[tilespmem:v4+s21+$0x0] =	vst.idx.add.f32.msk vm0, v3  }
0x70a: {  	v2 =	vld.idx.msk [tilespmem:v2+s20+$0x0], $0xffff;
	_ =	sdelay $0x4  }
0x70b: {  	v6 =	vmul.f32 $1.442695020e+00, v2;
	_ =	sdelay $0x1  }
0x70c: {  	(erf) = vpow2.f32 v6;
	_ =	sdelay $0x7  }
0x70d: {  	v6 =	vor.u32 v14, v0  }
0x70e: {  	v8 =	vpop (erf)  }
0x70f: {  	v2 =	vmul.f32 v8, v2  }
0x710: {  	[tilespmem:v4+s22+$0x0] =	vst.idx.add.f32.msk vm0, v8  }
0x711: {  	[tilespmem:v4+s23+$0x0] =	vst.idx.add.f32.msk vm0, v2  }
0x712: {  	v2 =	vld.idx.msk [tilespmem:v6+s20+$0x0], $0xffff;
	_ =	sdelay $0x4  }
0x713: {  	v4 =	vmul.f32 $1.442695020e+00, v2;
	_ =	sdelay $0x1  }
0x714: {  	(erf) = vpow2.f32 v4;
	_ =	sdelay $0x5  }
0x715: {  	v4 =	vadd.s32 v5, v38;
	_ =	sdelay $0x1  }
0x716: {  	v6 =	vor.u32 v63, v0  }
0x717: {  	v8 =	vpop (erf)  }
0x718: {  	v2 =	vmul.f32 v8, v2  }
0x719: {  	[tilespmem:v4+s22+$0x0] =	vst.idx.add.f32.msk vm0, v8  }
0x71a: {  	[tilespmem:v4+s23+$0x0] =	vst.idx.add.f32.msk vm0, v2  }
0x71b: {  	v2 =	vld.idx.msk [tilespmem:v6+s20+$0x0], $0xffff;
	_ =	sdelay $0x2  }
0x71c: {  	v4 =	vld [tilespmem:s17+$0x1210];
	_ =	sdelay $0x1  }
0x71d: {  	v6 =	vmul.f32 $1.442695020e+00, v2;
	_ =	sdelay $0x1  }
0x71e: {  	(erf) = vpow2.f32 v6  }
0x71f: {  	v4 =	vadd.s32 $0xFFFFFFFF, v4  }
0x720: {  	v6 =	vshll.u32 v4, $0x2  }
0x721: {  	vm1 =	vgt.s32 v6, $0x0  }
0x722: {  	vm9 =	vgt.s32 v4, $0xFFFFFFFF;
	v39 =	vnsel vm1, $0x0, v6  }
0x723: {  	v8 =	vshll.u32 v39, $0x8;
	v10 =	vshll.u32 v39, $0x7;
	v11 =	vadd.s32 v1, v39  }
0x724: {  	v6 =	vadd.s32 v7, v38;
	v8 =	vand.u32 $0xFFFFF800, v8;
	v10 =	vand.u32 $0x200, v10  }
0x725: {  	v4 =	vadd.s32 s1, v8;
	v8 =	vor.u32 v40, v10  }
0x726: {  	v0 =	vor.u32 v15, v0;
	v4 =	vor.u32 v4, v8  }
0x727: {  	v8 =	vor.u32 v16, v4;
	v10 =	vpop (erf)  }
0x728: {  	[tilespmem:v11+s21+$0x0] =	vst.idx.add.f32.msk vm9, v3;
	v2 =	vmul.f32 v10, v2  }
0x729: {  	[tilespmem:v6+s22+$0x0] =	vst.idx.add.f32.msk vm0, v10  }
0x72a: {  	[tilespmem:v6+s23+$0x0] =	vst.idx.add.f32.msk vm0, v2  }
0x72b: {  	v41 =	vld.idx.msk [tilespmem:v0+s20+$0x0], $0xffff  }
0x72c: {  	v0 =	vld.idx.msk [tilespmem:v8+s20+$0x0], $0xffff;
	_ =	sdelay $0x3  }
0x72d: {  	v2 =	vmul.f32 $1.442695020e+00, v41  }
0x72e: {  	v6 =	vmul.f32 $1.442695020e+00, v0  }
0x72f: {  	(erf) = vpow2.f32 v2  }
0x730: {  	(erf) = vpow2.f32 v6;
	_ =	sdelay $0x7  }
0x731: {  	v2 =	vor.u32 v17, v4;
	v42 =	vpop (erf)  }
0x732: {  	v6 =	vpop (erf)  }
0x733: {  	v0 =	vmul.f32 v6, v0  }
0x734: {  	[tilespmem:v11+s22+$0x0] =	vst.idx.add.f32.msk vm9, v6  }
0x735: {  	[tilespmem:v11+s23+$0x0] =	vst.idx.add.f32.msk vm9, v0  }
0x736: {  	v0 =	vld.idx.msk [tilespmem:v2+s20+$0x0], $0xffff;
	_ =	sdelay $0x4  }
0x737: {  	v2 =	vmul.f32 $1.442695020e+00, v0;
	_ =	sdelay $0x1  }
0x738: {  	(erf) = vpow2.f32 v2;
	_ =	sdelay $0x5  }
0x739: {  	v2 =	vadd.s32 v5, v39;
	_ =	sdelay $0x1  }
0x73a: {  	v6 =	vor.u32 v62, v4  }
0x73b: {  	v8 =	vpop (erf)  }
0x73c: {  	v0 =	vmul.f32 v8, v0  }
0x73d: {  	[tilespmem:v2+s22+$0x0] =	vst.idx.add.f32.msk vm9, v8  }
0x73e: {  	[tilespmem:v2+s23+$0x0] =	vst.idx.add.f32.msk vm9, v0  }
0x73f: {  	v0 =	vld.idx.msk [tilespmem:v6+s20+$0x0], $0xffff;
	_ =	sdelay $0x2  }
0x740: {  	v2 =	vld [tilespmem:s17+$0x1220];
	_ =	sdelay $0x1  }
0x741: {  	v6 =	vmul.f32 $1.442695020e+00, v0;
	_ =	sdelay $0x1  }
0x742: {  	(erf) = vpow2.f32 v6  }
0x743: {  	v2 =	vadd.s32 $0xFFFFFFFF, v2  }
0x744: {  	v6 =	vshll.u32 v2, $0x2  }
0x745: {  	vm2 =	vgt.s32 v6, $0x0  }
0x746: {  	vm10 =	vgt.s32 v2, $0xFFFFFFFF;
	v43 =	vnsel vm2, $0x0, v6  }
0x747: {  	v8 =	vshll.u32 v43, $0x8;
	v10 =	vshll.u32 v43, $0x7;
	v11 =	vadd.s32 v1, v43  }
0x748: {  	v6 =	vadd.s32 v7, v39;
	v8 =	vand.u32 $0xFFFFF800, v8;
	v10 =	vand.u32 $0x200, v10  }
0x749: {  	v2 =	vadd.s32 s1, v8;
	v8 =	vor.u32 v40, v10  }
0x74a: {  	v4 =	vor.u32 v57, v4;
	v2 =	vor.u32 v2, v8  }
0x74b: {  	v8 =	vor.u32 v18, v2;
	v10 =	vpop (erf)  }
0x74c: {  	[tilespmem:v11+s21+$0x0] =	vst.idx.add.f32.msk vm10, v3;
	v0 =	vmul.f32 v10, v0  }
0x74d: {  	[tilespmem:v6+s22+$0x0] =	vst.idx.add.f32.msk vm9, v10  }
0x74e: {  	[tilespmem:v6+s23+$0x0] =	vst.idx.add.f32.msk vm9, v0  }
0x74f: {  	v44 =	vld.idx.msk [tilespmem:v4+s20+$0x0], $0xffff  }
0x750: {  	v0 =	vld.idx.msk [tilespmem:v8+s20+$0x0], $0xffff;
	_ =	sdelay $0x3  }
0x751: {  	v4 =	vmul.f32 $1.442695020e+00, v44  }
0x752: {  	v6 =	vmul.f32 $1.442695020e+00, v0  }
0x753: {  	(erf) = vpow2.f32 v4  }
0x754: {  	(erf) = vpow2.f32 v6;
	_ =	sdelay $0x7  }
0x755: {  	v4 =	vor.u32 v19, v2;
	v45 =	vpop (erf)  }
0x756: {  	v6 =	vpop (erf)  }
0x757: {  	v0 =	vmul.f32 v6, v0  }
0x758: {  	[tilespmem:v11+s22+$0x0] =	vst.idx.add.f32.msk vm10, v6  }
0x759: {  	[tilespmem:v11+s23+$0x0] =	vst.idx.add.f32.msk vm10, v0  }
0x75a: {  	v0 =	vld.idx.msk [tilespmem:v4+s20+$0x0], $0xffff;
	_ =	sdelay $0x4  }
0x75b: {  	v4 =	vmul.f32 $1.442695020e+00, v0;
	_ =	sdelay $0x1  }
0x75c: {  	(erf) = vpow2.f32 v4;
	_ =	sdelay $0x5  }
0x75d: {  	v4 =	vadd.s32 v5, v43;
	_ =	sdelay $0x1  }
0x75e: {  	v6 =	vor.u32 v20, v2  }
0x75f: {  	v8 =	vpop (erf)  }
0x760: {  	v0 =	vmul.f32 v8, v0  }
0x761: {  	[tilespmem:v4+s22+$0x0] =	vst.idx.add.f32.msk vm10, v8  }
0x762: {  	[tilespmem:v4+s23+$0x0] =	vst.idx.add.f32.msk vm10, v0  }
0x763: {  	v0 =	vld.idx.msk [tilespmem:v6+s20+$0x0], $0xffff;
	_ =	sdelay $0x2  }
0x764: {  	v4 =	vld [tilespmem:s17+$0x1230];
	_ =	sdelay $0x1  }
0x765: {  	v6 =	vmul.f32 $1.442695020e+00, v0;
	_ =	sdelay $0x1  }
0x766: {  	(erf) = vpow2.f32 v6  }
0x767: {  	v4 =	vadd.s32 $0xFFFFFFFF, v4  }
0x768: {  	v6 =	vshll.u32 v4, $0x2  }
0x769: {  	vm3 =	vgt.s32 v6, $0x0  }
0x76a: {  	vm11 =	vgt.s32 v4, $0xFFFFFFFF;
	v46 =	vnsel vm3, $0x0, v6  }
0x76b: {  	v8 =	vshll.u32 v46, $0x8;
	v10 =	vshll.u32 v46, $0x7;
	v11 =	vadd.s32 v1, v46  }
0x76c: {  	v6 =	vadd.s32 v7, v43;
	v8 =	vand.u32 $0xFFFFF800, v8;
	v10 =	vand.u32 $0x200, v10  }
0x76d: {  	v4 =	vadd.s32 s1, v8;
	v8 =	vor.u32 v40, v10  }
0x76e: {  	v2 =	vor.u32 v21, v2;
	v4 =	vor.u32 v4, v8  }
0x76f: {  	v8 =	vor.u32 v22, v4;
	v10 =	vpop (erf)  }
0x770: {  	[tilespmem:v11+s21+$0x0] =	vst.idx.add.f32.msk vm11, v3;
	v0 =	vmul.f32 v10, v0  }
0x771: {  	[tilespmem:v6+s22+$0x0] =	vst.idx.add.f32.msk vm10, v10  }
0x772: {  	[tilespmem:v6+s23+$0x0] =	vst.idx.add.f32.msk vm10, v0  }
0x773: {  	v47 =	vld.idx.msk [tilespmem:v2+s20+$0x0], $0xffff  }
0x774: {  	v0 =	vld.idx.msk [tilespmem:v8+s20+$0x0], $0xffff;
	_ =	sdelay $0x3  }
0x775: {  	v2 =	vmul.f32 $1.442695020e+00, v47  }
0x776: {  	v6 =	vmul.f32 $1.442695020e+00, v0  }
0x777: {  	(erf) = vpow2.f32 v2  }
0x778: {  	(erf) = vpow2.f32 v6;
	_ =	sdelay $0x7  }
0x779: {  	v2 =	vor.u32 v23, v4;
	v48 =	vpop (erf)  }
0x77a: {  	v6 =	vpop (erf)  }
0x77b: {  	v0 =	vmul.f32 v6, v0  }
0x77c: {  	[tilespmem:v11+s22+$0x0] =	vst.idx.add.f32.msk vm11, v6  }
0x77d: {  	[tilespmem:v11+s23+$0x0] =	vst.idx.add.f32.msk vm11, v0  }
0x77e: {  	v0 =	vld.idx.msk [tilespmem:v2+s20+$0x0], $0xffff;
	_ =	sdelay $0x4  }
0x77f: {  	v2 =	vmul.f32 $1.442695020e+00, v0;
	_ =	sdelay $0x1  }
0x780: {  	(erf) = vpow2.f32 v2;
	_ =	sdelay $0x5  }
0x781: {  	v2 =	vadd.s32 v5, v46;
	_ =	sdelay $0x1  }
0x782: {  	v6 =	vor.u32 v24, v4  }
0x783: {  	v8 =	vpop (erf)  }
0x784: {  	v0 =	vmul.f32 v8, v0  }
0x785: {  	[tilespmem:v2+s22+$0x0] =	vst.idx.add.f32.msk vm11, v8  }
0x786: {  	[tilespmem:v2+s23+$0x0] =	vst.idx.add.f32.msk vm11, v0  }
0x787: {  	v0 =	vld.idx.msk [tilespmem:v6+s20+$0x0], $0xffff;
	_ =	sdelay $0x2  }
0x788: {  	v2 =	vld [tilespmem:s17+$0x1240];
	_ =	sdelay $0x1  }
0x789: {  	v6 =	vmul.f32 $1.442695020e+00, v0;
	_ =	sdelay $0x1  }
0x78a: {  	(erf) = vpow2.f32 v6  }
0x78b: {  	v2 =	vadd.s32 $0xFFFFFFFF, v2  }
0x78c: {  	v6 =	vshll.u32 v2, $0x2  }
0x78d: {  	vm4 =	vgt.s32 v6, $0x0  }
0x78e: {  	vm12 =	vgt.s32 v2, $0xFFFFFFFF;
	v49 =	vnsel vm4, $0x0, v6  }
0x78f: {  	v8 =	vshll.u32 v49, $0x8;
	v10 =	vshll.u32 v49, $0x7;
	v11 =	vadd.s32 v1, v49  }
0x790: {  	v6 =	vadd.s32 v7, v46;
	v8 =	vand.u32 $0xFFFFF800, v8;
	v10 =	vand.u32 $0x200, v10  }
0x791: {  	v2 =	vadd.s32 s1, v8;
	v8 =	vor.u32 v40, v10  }
0x792: {  	v4 =	vor.u32 v59, v4;
	v2 =	vor.u32 v2, v8  }
0x793: {  	v8 =	vor.u32 v25, v2;
	v10 =	vpop (erf)  }
0x794: {  	[tilespmem:v11+s21+$0x0] =	vst.idx.add.f32.msk vm12, v3;
	v0 =	vmul.f32 v10, v0  }
0x795: {  	[tilespmem:v6+s22+$0x0] =	vst.idx.add.f32.msk vm11, v10  }
0x796: {  	[tilespmem:v6+s23+$0x0] =	vst.idx.add.f32.msk vm11, v0  }
0x797: {  	v50 =	vld.idx.msk [tilespmem:v4+s20+$0x0], $0xffff  }
0x798: {  	v0 =	vld.idx.msk [tilespmem:v8+s20+$0x0], $0xffff;
	_ =	sdelay $0x3  }
0x799: {  	v4 =	vmul.f32 $1.442695020e+00, v50  }
0x79a: {  	v6 =	vmul.f32 $1.442695020e+00, v0  }
0x79b: {  	(erf) = vpow2.f32 v4  }
0x79c: {  	(erf) = vpow2.f32 v6;
	_ =	sdelay $0x7  }
0x79d: {  	v4 =	vor.u32 v26, v2;
	v51 =	vpop (erf)  }
0x79e: {  	v6 =	vpop (erf)  }
0x79f: {  	v0 =	vmul.f32 v6, v0  }
0x7a0: {  	[tilespmem:v11+s22+$0x0] =	vst.idx.add.f32.msk vm12, v6  }
0x7a1: {  	[tilespmem:v11+s23+$0x0] =	vst.idx.add.f32.msk vm12, v0  }
0x7a2: {  	v0 =	vld.idx.msk [tilespmem:v4+s20+$0x0], $0xffff;
	_ =	sdelay $0x4  }
0x7a3: {  	v4 =	vmul.f32 $1.442695020e+00, v0;
	_ =	sdelay $0x1  }
0x7a4: {  	(erf) = vpow2.f32 v4;
	_ =	sdelay $0x5  }
0x7a5: {  	v4 =	vadd.s32 v5, v49;
	_ =	sdelay $0x1  }
0x7a6: {  	v6 =	vor.u32 v27, v2  }
0x7a7: {  	v8 =	vpop (erf)  }
0x7a8: {  	v0 =	vmul.f32 v8, v0  }
0x7a9: {  	[tilespmem:v4+s22+$0x0] =	vst.idx.add.f32.msk vm12, v8  }
0x7aa: {  	[tilespmem:v4+s23+$0x0] =	vst.idx.add.f32.msk vm12, v0  }
0x7ab: {  	v0 =	vld.idx.msk [tilespmem:v6+s20+$0x0], $0xffff;
	_ =	sdelay $0x2  }
0x7ac: {  	v4 =	vld [tilespmem:s17+$0x1250];
	_ =	sdelay $0x1  }
0x7ad: {  	v6 =	vmul.f32 $1.442695020e+00, v0;
	_ =	sdelay $0x1  }
0x7ae: {  	(erf) = vpow2.f32 v6  }
0x7af: {  	v4 =	vadd.s32 $0xFFFFFFFF, v4  }
0x7b0: {  	v6 =	vshll.u32 v4, $0x2  }
0x7b1: {  	vm5 =	vgt.s32 v6, $0x0  }
0x7b2: {  	vm13 =	vgt.s32 v4, $0xFFFFFFFF;
	v52 =	vnsel vm5, $0x0, v6  }
0x7b3: {  	v8 =	vshll.u32 v52, $0x8;
	v10 =	vshll.u32 v52, $0x7;
	v11 =	vadd.s32 v1, v52  }
0x7b4: {  	v6 =	vadd.s32 v7, v49;
	v8 =	vand.u32 $0xFFFFF800, v8;
	v10 =	vand.u32 $0x200, v10  }
0x7b5: {  	v4 =	vadd.s32 s1, v8;
	v8 =	vor.u32 v40, v10  }
0x7b6: {  	v2 =	vor.u32 v28, v2;
	v4 =	vor.u32 v4, v8  }
0x7b7: {  	v8 =	vor.u32 v29, v4;
	v10 =	vpop (erf)  }
0x7b8: {  	[tilespmem:v11+s21+$0x0] =	vst.idx.add.f32.msk vm13, v3;
	v0 =	vmul.f32 v10, v0  }
0x7b9: {  	[tilespmem:v6+s22+$0x0] =	vst.idx.add.f32.msk vm12, v10  }
0x7ba: {  	[tilespmem:v6+s23+$0x0] =	vst.idx.add.f32.msk vm12, v0  }
0x7bb: {  	v53 =	vld.idx.msk [tilespmem:v2+s20+$0x0], $0xffff  }
0x7bc: {  	v0 =	vld.idx.msk [tilespmem:v8+s20+$0x0], $0xffff;
	_ =	sdelay $0x3  }
0x7bd: {  	v2 =	vmul.f32 $1.442695020e+00, v53  }
0x7be: {  	v6 =	vmul.f32 $1.442695020e+00, v0  }
0x7bf: {  	(erf) = vpow2.f32 v2  }
0x7c0: {  	(erf) = vpow2.f32 v6;
	_ =	sdelay $0x7  }
0x7c1: {  	v2 =	vor.u32 v30, v4;
	v54 =	vpop (erf)  }
0x7c2: {  	v6 =	vpop (erf)  }
0x7c3: {  	v0 =	vmul.f32 v6, v0  }
0x7c4: {  	[tilespmem:v11+s22+$0x0] =	vst.idx.add.f32.msk vm13, v6  }
0x7c5: {  	[tilespmem:v11+s23+$0x0] =	vst.idx.add.f32.msk vm13, v0  }
0x7c6: {  	v0 =	vld.idx.msk [tilespmem:v2+s20+$0x0], $0xffff;
	_ =	sdelay $0x4  }
0x7c7: {  	v2 =	vmul.f32 $1.442695020e+00, v0;
	_ =	sdelay $0x1  }
0x7c8: {  	(erf) = vpow2.f32 v2;
	_ =	sdelay $0x5  }
0x7c9: {  	v2 =	vadd.s32 v5, v52;
	_ =	sdelay $0x1  }
0x7ca: {  	v6 =	vor.u32 v31, v4  }
0x7cb: {  	v8 =	vpop (erf)  }
0x7cc: {  	v0 =	vmul.f32 v8, v0  }
0x7cd: {  	[tilespmem:v2+s22+$0x0] =	vst.idx.add.f32.msk vm13, v8  }
0x7ce: {  	[tilespmem:v2+s23+$0x0] =	vst.idx.add.f32.msk vm13, v0  }
0x7cf: {  	v0 =	vld.idx.msk [tilespmem:v6+s20+$0x0], $0xffff;
	_ =	sdelay $0x2  }
0x7d0: {  	v2 =	vld [tilespmem:s17+$0x1260];
	_ =	sdelay $0x1  }
0x7d1: {  	v6 =	vmul.f32 $1.442695020e+00, v0;
	_ =	sdelay $0x1  }
0x7d2: {  	(erf) = vpow2.f32 v6  }
0x7d3: {  	v2 =	vadd.s32 $0xFFFFFFFF, v2  }
0x7d4: {  	v6 =	vshll.u32 v2, $0x2  }
0x7d5: {  	vm6 =	vgt.s32 v6, $0x0  }
0x7d6: {  	vm14 =	vgt.s32 v2, $0xFFFFFFFF;
	v6 =	vnsel vm6, $0x0, v6  }
0x7d7: {  	v10 =	vshll.u32 v6, $0x8;
	v11 =	vshll.u32 v6, $0x7;
	v12 =	vadd.s32 v1, v6  }
0x7d8: {  	v8 =	vadd.s32 v7, v52;
	v10 =	vand.u32 $0xFFFFF800, v10;
	v11 =	vand.u32 $0x200, v11  }
0x7d9: {  	v2 =	vadd.s32 s1, v10;
	v10 =	vor.u32 v40, v11  }
0x7da: {  	v4 =	vor.u32 v61, v4;
	v2 =	vor.u32 v2, v10  }
0x7db: {  	v10 =	vor.u32 v32, v2;
	v11 =	vpop (erf)  }
0x7dc: {  	[tilespmem:v12+s21+$0x0] =	vst.idx.add.f32.msk vm14, v3;
	v0 =	vmul.f32 v11, v0  }
0x7dd: {  	[tilespmem:v8+s22+$0x0] =	vst.idx.add.f32.msk vm13, v11  }
0x7de: {  	[tilespmem:v8+s23+$0x0] =	vst.idx.add.f32.msk vm13, v0  }
0x7df: {  	v0 =	vld.idx.msk [tilespmem:v4+s20+$0x0], $0xffff  }
0x7e0: {  	v4 =	vld.idx.msk [tilespmem:v10+s20+$0x0], $0xffff;
	_ =	sdelay $0x3  }
0x7e1: {  	v8 =	vmul.f32 $1.442695020e+00, v0  }
0x7e2: {  	v10 =	vmul.f32 $1.442695020e+00, v4  }
0x7e3: {  	(erf) = vpow2.f32 v8  }
0x7e4: {  	(erf) = vpow2.f32 v10;
	_ =	sdelay $0x7  }
0x7e5: {  	v10 =	vor.u32 v33, v2;
	v8 =	vpop (erf)  }
0x7e6: {  	v11 =	vpop (erf)  }
0x7e7: {  	v4 =	vmul.f32 v11, v4  }
0x7e8: {  	[tilespmem:v12+s22+$0x0] =	vst.idx.add.f32.msk vm14, v11  }
0x7e9: {  	[tilespmem:v12+s23+$0x0] =	vst.idx.add.f32.msk vm14, v4  }
0x7ea: {  	v4 =	vld.idx.msk [tilespmem:v10+s20+$0x0], $0xffff;
	_ =	sdelay $0x4  }
0x7eb: {  	v10 =	vmul.f32 $1.442695020e+00, v4;
	_ =	sdelay $0x1  }
0x7ec: {  	(erf) = vpow2.f32 v10;
	_ =	sdelay $0x5  }
0x7ed: {  	v10 =	vadd.s32 v5, v6;
	_ =	sdelay $0x1  }
0x7ee: {  	v11 =	vor.u32 v34, v2  }
0x7ef: {  	v12 =	vpop (erf)  }
0x7f0: {  	v4 =	vmul.f32 v12, v4  }
0x7f1: {  	[tilespmem:v10+s22+$0x0] =	vst.idx.add.f32.msk vm14, v12  }
0x7f2: {  	[tilespmem:v10+s23+$0x0] =	vst.idx.add.f32.msk vm14, v4  }
0x7f3: {  	v4 =	vld.idx.msk [tilespmem:v11+s20+$0x0], $0xffff;
	_ =	sdelay $0x1  }
0x7f4: {  	v10 =	vld [tilespmem:s17+$0x1270];
	_ =	sdelay $0x2  }
0x7f5: {  	v11 =	vmul.f32 $1.442695020e+00, v4;
	_ =	sdelay $0x1  }
0x7f6: {  	v10 =	vadd.s32 $0xFFFFFFFF, v10;
	(erf) = vpow2.f32 v11  }
0x7f7: {  	v11 =	vshll.u32 v10, $0x2  }
0x7f8: {  	vm7 =	vgt.s32 v11, $0x0  }
0x7f9: {  	v11 =	vnsel vm7, $0x0, v11  }
0x7fa: {  	v12 =	vadd.s32 v7, v6;
	v13 =	vshll.u32 v11, $0x8;
	v55 =	vshll.u32 v11, $0x7  }
0x7fb: {  	vm15 =	vgt.s32 v10, $0xFFFFFFFF;
	v13 =	vand.u32 $0xFFFFF800, v13;
	v55 =	vand.u32 $0x200, v55  }
0x7fc: {  	v10 =	vadd.s32 s1, v13;
	v13 =	vor.u32 v40, v55;
	v55 =	vadd.s32 v1, v11;
	_ =	sdelay $0x1  }
0x7fd: {  	v2 =	vor.u32 v35, v2;
	v10 =	vor.u32 v10, v13  }
0x7fe: {  	v13 =	vor.u32 v36, v10;
	v40 =	vpop (erf)  }
0x7ff: {  	v4 =	vmul.f32 v40, v4;
	[tilespmem:v12+s22+$0x0] =	vst.idx.add.f32.msk vm14, v40  }
0x800: {  	[tilespmem:v55+s21+$0x0] =	vst.idx.add.f32.msk vm15, v3  }
0x801: {  	[tilespmem:v12+s23+$0x0] =	vst.idx.add.f32.msk vm14, v4  }
0x802: {  	v2 =	vld.idx.msk [tilespmem:v2+s20+$0x0], $0xffff  }
0x803: {  	v4 =	vld.idx.msk [tilespmem:v13+s20+$0x0], $0xffff;
	_ =	sdelay $0x3  }
0x804: {  	v12 =	vmul.f32 $1.442695020e+00, v2  }
0x805: {  	v13 =	vmul.f32 $1.442695020e+00, v4  }
0x806: {  	(erf) = vpow2.f32 v12  }
0x807: {  	(erf) = vpow2.f32 v13;
	_ =	sdelay $0x7  }
0x808: {  	v13 =	vor.u32 v37, v10;
	v12 =	vpop (erf)  }
0x809: {  	v40 =	vpop (erf)  }
0x80a: {  	v4 =	vmul.f32 v40, v4  }
0x80b: {  	[tilespmem:v55+s22+$0x0] =	vst.idx.add.f32.msk vm15, v40  }
0x80c: {  	[tilespmem:v55+s23+$0x0] =	vst.idx.add.f32.msk vm15, v4  }
0x80d: {  	v4 =	vld.idx.msk [tilespmem:v13+s20+$0x0], $0xffff;
	_ =	sdelay $0x4  }
0x80e: {  	v13 =	vmul.f32 $1.442695020e+00, v4;
	_ =	sdelay $0x1  }
0x80f: {  	(erf) = vpow2.f32 v13;
	_ =	sdelay $0x5  }
0x810: {  	v13 =	vadd.s32 v5, v11;
	_ =	sdelay $0x1  }
0x811: {  	v40 =	vor.u32 v56, v10  }
0x812: {  	v55 =	vpop (erf)  }
0x813: {  	v4 =	vmul.f32 v55, v4  }
0x814: {  	[tilespmem:v13+s22+$0x0] =	vst.idx.add.f32.msk vm15, v55  }
0x815: {  	[tilespmem:v13+s23+$0x0] =	vst.idx.add.f32.msk vm15, v4  }
0x816: {  	v4 =	vld.idx.msk [tilespmem:v40+s20+$0x0], $0xffff;
	_ =	sdelay $0x4  }
0x817: {  	v13 =	vmul.f32 $1.442695020e+00, v4;
	_ =	sdelay $0x1  }
0x818: {  	(erf) = vpow2.f32 v13;
	_ =	sdelay $0x5  }
0x819: {  	v13 =	vadd.s32 v7, v11;
	_ =	sdelay $0x1  }
0x81a: {  	v10 =	vor.u32 v58, v10  }
0x81b: {  	v55 =	vpop (erf)  }
0x81c: {  	v4 =	vmul.f32 v55, v4  }
0x81d: {  	[tilespmem:v13+s22+$0x0] =	vst.idx.add.f32.msk vm15, v55  }
0x81e: {  	[tilespmem:v13+s23+$0x0] =	vst.idx.add.f32.msk vm15, v4;
	v4 =	vadd.s32 v9, v38  }
0x81f: {  	v10 =	vld.idx.msk [tilespmem:v10+s20+$0x0], $0xffff  }
0x820: {  	v13 =	vadd.s32 v9, v39;
	_ =	sdelay $0x1  }
0x821: {  	v55 =	vadd.s32 v9, v43;
	v38 =	vmul.f32 v42, v41  }
0x822: {  	[tilespmem:v4+s22+$0x0] =	vst.idx.add.f32.msk vm0, v42  }
0x823: {  	[tilespmem:v4+s23+$0x0] =	vst.idx.add.f32.msk vm0, v38;
	v4 =	vmul.f32 v45, v44;
	v44 =	vadd.s32 v9, v46;
	v46 =	vmul.f32 $1.442695020e+00, v10  }
0x824: {  	[tilespmem:v13+s22+$0x0] =	vst.idx.add.f32.msk vm9, v45  }
0x825: {  	[tilespmem:v13+s23+$0x0] =	vst.idx.add.f32.msk vm9, v4;
	(erf) = vpow2.f32 v46;
	v4 =	vmul.f32 v48, v47;
	v13 =	vadd.s32 v9, v49  }
0x826: {  	[tilespmem:v55+s22+$0x0] =	vst.idx.add.f32.msk vm10, v48  }
0x827: {  	[tilespmem:v55+s23+$0x0] =	vst.idx.add.f32.msk vm10, v4;
	v4 =	vmul.f32 v51, v50;
	v55 =	vadd.s32 v9, v52  }
0x828: {  	[tilespmem:v44+s22+$0x0] =	vst.idx.add.f32.msk vm11, v51  }
0x829: {  	v6 =	vadd.s32 v9, v6;
	[tilespmem:v44+s23+$0x0] =	vst.idx.add.f32.msk vm11, v4;
	v4 =	vmul.f32 v54, v53  }
0x82a: {  	[tilespmem:v13+s22+$0x0] =	vst.idx.add.f32.msk vm12, v54  }
0x82b: {  	v0 =	vmul.f32 v8, v0;
	[tilespmem:v13+s23+$0x0] =	vst.idx.add.f32.msk vm12, v4;
	v4 =	vadd.s32 v9, v11  }
0x82c: {  	p0 =	slt.u32 s31, $0x38;
	[tilespmem:v55+s22+$0x0] =	vst.idx.add.f32.msk vm13, v8  }
.Ltmp5:
0x82d: {  	[tilespmem:v55+s23+$0x0] =	vst.idx.add.f32.msk vm13, v0;
	v0 =	vmul.f32 v12, v2;
	(pc) =	sbr.rel @p0 .LBB2_12-.Ltmp5, $4  }
0x82e: {  	[tilespmem:v6+s22+$0x0] =	vst.idx.add.f32.msk vm14, v12;
	v2 =	vpop (erf)  }
0x82f: {  	[tilespmem:v6+s23+$0x0] =	vst.idx.add.f32.msk vm14, v0;
	v0 =	vmul.f32 v2, v10  }
0x830: {  	[tilespmem:v4+s22+$0x0] =	vst.idx.add.f32.msk vm15, v2  }
0x831: {  	s0 =	sadd.s32 $0x80, s0;
	[tilespmem:v4+s23+$0x0] =	vst.idx.add.f32.msk vm15, v0  }
0x832: {  	s0 =	simm.s32 $0x0  }
0x833: {  	s1 =	simm.s32 $0x0;
	s0 =	sand.u32 $0x80, s0  }
0x834: {  	_ =	swait.ge [sflag:s19], $0x8000;
	s1 =	sand.u32 $0x3FFFFF80, s1;
	s17 =	sshll.u32 s0, $0x3  }
0x835: {  	[sflag:s19] =	ssyncset.done $0x0;
	s17 =	sadd.s32 s1, s17  }
0x836: {  	[sflag:s19] =	ssyncadd.s32 $0xFFFF8000;
	s1 =	sadd.s32 $0x18000, s17  }
0x837: {  	v0 =	vld [tilespmem:s1+$0x1810]  }
0x838: {  	v4 =	vmov s0;
	v2 =	vld [tilespmem:s1+$0x1820]  }
0x839: {  	v4 =	vshrl.u32 v4, $0x7;
	v6 =	vld [tilespmem:s1+$0x1830]  }
0x83a: {  	v4 =	vshll.u32 v4, $0xA;
	v8 =	vld [tilespmem:s1+$0x1840]  }
0x83b: {  	v51 =	vbroadcast v4, $0x0;
	v4 =	vld [tilespmem:s1+$0x1860];
	_ =	sdelay $0x3  }
0x83c: {  	v0 =	vadd.s32 $0xFFFFFFFF, v0;
	v2 =	vadd.s32 $0xFFFFFFFF, v2;
	v6 =	vadd.s32 $0xFFFFFFFF, v6  }
0x83d: {  	v8 =	vadd.s32 $0xFFFFFFFF, v8;
	v4 =	vadd.s32 $0xFFFFFFFF, v4;
	vm1 =	vgt.s32 v0, $0xFFFFFFFF  }
0x83e: {  	v0 =	vshll.u32 v0, $0x2;
	vm2 =	vgt.s32 v2, $0xFFFFFFFF;
	v2 =	vshll.u32 v2, $0x2  }
0x83f: {  	v10 =	vshll.u32 v8, $0x2;
	vm4 =	vgt.s32 v6, $0xFFFFFFFF;
	vm3 =	vgt.s32 v2, $0x0  }
0x840: {  	vm6 =	vgt.s32 v4, $0xFFFFFFFF;
	vm0 =	vgt.s32 v0, $0x0;
	v40 =	vnsel vm3, $0x0, v2  }
0x841: {  	v2 =	vshll.u32 v6, $0x2;
	vm3 =	vgt.s32 v10, $0x0;
	v38 =	vnsel vm0, $0x0, v0  }
0x842: {  	v11 =	vshll.u32 v40, $0x8;
	v41 =	vnsel vm3, $0x0, v10;
	v10 =	vshll.u32 v4, $0x2  }
0x843: {  	v12 =	vld [tilespmem:s17+$0x19800];
	vm0 =	vgt.s32 v2, $0x0;
	vm3 =	vgt.s32 v8, $0xFFFFFFFF;
	v6 =	vshll.u32 v40, $0x7  }
0x844: {  	v55 =	vadd.s32 v1, v40;
	v58 =	vshll.u32 v38, $0x7;
	v61 =	vadd.s32 v1, v38  }
0x845: {  	s28 =	simm.s32 $0x0;
	v11 =	vand.u32 $0xFFFFF800, v11;
	v0 =	vshll.u32 v41, $0x8;
	v13 =	vshll.u32 v41, $0x7  }
0x846: {  	s0 =	sand.u32 $0xFFFFE000, s28;
	v39 =	vnsel vm0, $0x0, v2;
	v0 =	vand.u32 $0xFFFFF800, v0;
	v13 =	vand.u32 $0x200, v13  }
0x847: {  	v2 =	vadd.s32 v1, v41;
	v0 =	vadd.s32 s0, v0;
	v8 =	vor.u32 v51, v13  }
0x848: {  	vm0 =	vgt.s32 v10, $0x0;
	v45 =	vor.u32 v0, v8;
	v0 =	vadd.s32 $0xFFFFFFFF, v12  }
0x849: {  	v6 =	vand.u32 $0x200, v6;
	v8 =	vor.u32 v25, v45;
	v13 =	vshll.u32 v0, $0x2  }
0x84a: {  	v42 =	vnsel vm0, $0x0, v10;
	v11 =	vadd.s32 s0, v11;
	vm0 =	vgt.s32 v13, $0x0  }
0x84b: {  	v6 =	vor.u32 v51, v6;
	v57 =	vadd.s32 v1, v39;
	v12 =	vld [tilespmem:s1+$0x1850];
	v43 =	vnsel vm0, $0x0, v13  }
0x84c: {  	v10 =	vshll.u32 v42, $0x8;
	v13 =	vshll.u32 v43, $0x8;
	v44 =	vshll.u32 v43, $0x7  }
0x84d: {  	v50 =	vor.u32 v11, v6;
	[tilespmem:v2+s21+$0x0] =	vst.idx.add.f32.msk vm3, v3;
	v13 =	vand.u32 $0xFFFFF800, v13;
	v44 =	vand.u32 $0x200, v44  }
0x84e: {  	vm5 =	vgt.s32 v0, $0xFFFFFFFF;
	v8 =	vld.idx.msk [tilespmem:v8+s2+$0x0], $0xffff;
	v13 =	vadd.s32 s0, v13;
	v44 =	vor.u32 v51, v44  }
0x84f: {  	v0 =	vand.u32 $0xFFFFF800, v10;
	v10 =	vadd.s32 v1, v43;
	v48 =	vor.u32 v13, v44  }
0x850: {  	v11 =	vor.u32 v18, v50;
	v12 =	vadd.s32 $0xFFFFFFFF, v12;
	v46 =	vor.u32 v60, v48  }
0x851: {  	v0 =	vadd.s32 s0, v0;
	v6 =	vshll.u32 v12, $0x2;
	v13 =	vshll.u32 v42, $0x7  }
0x852: {  	vm7 =	vgt.s32 v12, $0xFFFFFFFF;
	vm0 =	vgt.s32 v6, $0x0;
	v13 =	vand.u32 $0x200, v13  }
0x853: {  	[tilespmem:v55+s21+$0x0] =	vst.idx.add.f32.msk vm2, v3;
	v44 =	vnsel vm0, $0x0, v6;
	v6 =	vor.u32 v51, v13;
	v47 =	vmul.f32 $1.442695020e+00, v8  }
0x854: {  	[tilespmem:v10+s21+$0x0] =	vst.idx.add.f32.msk vm5, v3;
	v13 =	vshll.u32 v44, $0x8;
	v49 =	vshll.u32 v44, $0x7;
	v56 =	vadd.s32 v1, v44  }
0x855: {  	v13 =	vand.u32 $0xFFFFF800, v13;
	v49 =	vand.u32 $0x200, v49;
	v4 =	vld.idx.msk [tilespmem:v46+s2+$0x0], $0xffff;
	(erf) = vpow2.f32 v47  }
0x856: {  	v12 =	vadd.s32 s0, v13;
	v13 =	vor.u32 v51, v49;
	v49 =	vor.u32 v0, v6;
	v0 =	vld.idx.msk [tilespmem:v11+s2+$0x0], $0xffff  }
0x857: {  	v52 =	vshll.u32 v39, $0x8;
	v11 =	vadd.s32 v1, v42;
	v53 =	vor.u32 v12, v13  }
0x858: {  	v54 =	vshll.u32 v39, $0x7;
	v12 =	vor.u32 v32, v49;
	v6 =	vor.u32 v29, v53  }
0x859: {  	[tilespmem:v61+s21+$0x0] =	vst.idx.add.f32.msk vm1, v3;
	v13 =	vshll.u32 v38, $0x8;
	v46 =	vand.u32 $0xFFFFF800, v52;
	v47 =	vand.u32 $0x200, v54  }
0x85a: {  	[tilespmem:v57+s21+$0x0] =	vst.idx.add.f32.msk vm4, v3;
	v46 =	vadd.s32 s0, v46;
	v47 =	vor.u32 v51, v47;
	v52 =	vmul.f32 $1.442695020e+00, v4  }
0x85b: {  	v13 =	vand.u32 $0xFFFFF800, v13;
	[tilespmem:v56+s21+$0x0] =	vst.idx.add.f32.msk vm7, v3;
	v47 =	vor.u32 v46, v47;
	v46 =	vmul.f32 $1.442695020e+00, v0  }
0x85c: {  	v13 =	vadd.s32 s0, v13;
	[tilespmem:v11+s21+$0x0] =	vst.idx.add.f32.msk vm6, v3;
	(erf) = vpow2.f32 v52;
	v52 =	vand.u32 $0x200, v58  }
0x85d: {  	v6 =	vld.idx.msk [tilespmem:v6+s2+$0x0], $0xffff;
	v58 =	vor.u32 v26, v45;
	v52 =	vor.u32 v51, v52;
	(erf) = vpow2.f32 v46  }
0x85e: {  	v59 =	vor.u32 v22, v47;
	v12 =	vld.idx.msk [tilespmem:v12+s2+$0x0], $0xffff;
	v60 =	vpop (erf);
	v52 =	vor.u32 v13, v52  }
0x85f: {  	v54 =	vld [tilespmem:s1+$0x1870];
	v8 =	vmul.f32 v60, v8;
	v13 =	vor.u32 v16, v52  }
0x860: {  	[tilespmem:v2+s22+$0x0] =	vst.idx.add.f32.msk vm3, v60  }
0x861: {  	[tilespmem:v2+s23+$0x0] =	vst.idx.add.f32.msk vm3, v8  }
0x862: {  	v2 =	vmul.f32 $1.442695020e+00, v6;
	v8 =	vld.idx.msk [tilespmem:v58+s2+$0x0], $0xffff  }
0x863: {  	v60 =	vmul.f32 $1.442695020e+00, v12;
	v58 =	vld.idx.msk [tilespmem:v59+s2+$0x0], $0xffff  }
0x864: {  	v62 =	vor.u32 v14, v48;
	(erf) = vpow2.f32 v2;
	v2 =	vadd.s32 $0xFFFFFFFF, v54;
	v13 =	vld.idx.msk [tilespmem:v13+s2+$0x0], $0xffff  }
0x865: {  	v54 =	vshll.u32 v2, $0x2;
	(erf) = vpow2.f32 v60;
	v60 =	vor.u32 v19, v50;
	v59 =	vpop (erf)  }
0x866: {  	vm0 =	vgt.s32 v2, $0xFFFFFFFF;
	vm8 =	vgt.s32 v54, $0x0;
	v4 =	vmul.f32 v59, v4;
	[tilespmem:v10+s22+$0x0] =	vst.idx.add.f32.msk vm5, v59;
	v59 =	vpop (erf)  }
0x867: {  	v46 =	vnsel vm8, $0x0, v54;
	v63 =	vmul.f32 $1.442695020e+00, v8;
	v0 =	vmul.f32 v59, v0  }
0x868: {  	[tilespmem:v55+s22+$0x0] =	vst.idx.add.f32.msk vm2, v59;
	v2 =	vmul.f32 $1.442695020e+00, v58;
	v54 =	vadd.s32 v1, v46  }
0x869: {  	(erf) = vpow2.f32 v63;
	[tilespmem:v55+s23+$0x0] =	vst.idx.add.f32.msk vm2, v0;
	v0 =	vmul.f32 $1.442695020e+00, v13  }
0x86a: {  	(erf) = vpow2.f32 v2;
	v2 =	vld.idx.msk [tilespmem:v60+s2+$0x0], $0xffff  }
0x86b: {  	[tilespmem:v10+s23+$0x0] =	vst.idx.add.f32.msk vm5, v4  }
0x86c: {  	v4 =	vor.u32 v30, v53;
	v10 =	vld.idx.msk [tilespmem:v62+s2+$0x0], $0xffff;
	(erf) = vpow2.f32 v0  }
0x86d: {  	[tilespmem:v54+s21+$0x0] =	vst.idx.add.f32.msk vm0, v3;
	v0 =	vpop (erf)  }
0x86e: {  	[tilespmem:v56+s22+$0x0] =	vst.idx.add.f32.msk vm7, v0;
	v0 =	vmul.f32 v0, v6;
	v6 =	vadd.s32 v5, v41;
	v62 =	vpop (erf)  }
0x86f: {  	v63 =	vmul.f32 $1.442695020e+00, v2;
	[tilespmem:v11+s22+$0x0] =	vst.idx.add.f32.msk vm6, v62  }
0x870: {  	v12 =	vmul.f32 v62, v12;
	[tilespmem:v56+s23+$0x0] =	vst.idx.add.f32.msk vm7, v0  }
0x871: {  	v4 =	vld.idx.msk [tilespmem:v4+s2+$0x0], $0xffff;
	(erf) = vpow2.f32 v63  }
0x872: {  	[tilespmem:v11+s23+$0x0] =	vst.idx.add.f32.msk vm6, v12;
	v11 =	vpop (erf)  }
0x873: {  	[tilespmem:v6+s22+$0x0] =	vst.idx.add.f32.msk vm3, v11;
	v8 =	vmul.f32 v11, v8;
	v11 =	vpop (erf)  }
0x874: {  	v62 =	vor.u32 v17, v52;
	[tilespmem:v57+s22+$0x0] =	vst.idx.add.f32.msk vm4, v11  }
0x875: {  	v60 =	vmul.f32 $1.442695020e+00, v10;
	v63 =	vor.u32 v27, v45;
	[tilespmem:v6+s23+$0x0] =	vst.idx.add.f32.msk vm3, v8;
	v6 =	vpop (erf);
	v8 =	vmul.f32 v11, v58  }
0x876: {  	[tilespmem:v61+s22+$0x0] =	vst.idx.add.f32.msk vm1, v6;
	v6 =	vmul.f32 v6, v13;
	v11 =	vmul.f32 $1.442695020e+00, v4;
	v13 =	vadd.s32 v5, v40  }
0x877: {  	(erf) = vpow2.f32 v60;
	v60 =	vshll.u32 v46, $0x7;
	[tilespmem:v57+s23+$0x0] =	vst.idx.add.f32.msk vm4, v8;
	v8 =	vshll.u32 v46, $0x8  }
0x878: {  	(erf) = vpow2.f32 v11;
	v8 =	vand.u32 $0xFFFFF800, v8;
	v11 =	vand.u32 $0x200, v60;
	[tilespmem:v61+s23+$0x0] =	vst.idx.add.f32.msk vm1, v6  }
0x879: {  	v0 =	vor.u32 v33, v49;
	v6 =	vadd.s32 s0, v8;
	v8 =	vor.u32 v51, v11;
	v11 =	vld.idx.msk [tilespmem:v62+s2+$0x0], $0xffff  }
0x87a: {  	v12 =	vor.u32 v23, v47;
	v51 =	vor.u32 v6, v8;
	v8 =	vld.idx.msk [tilespmem:v63+s2+$0x0], $0xffff;
	v62 =	vpop (erf)  }
0x87b: {  	v63 =	vor.u32 v36, v51;
	[tilespmem:v13+s22+$0x0] =	vst.idx.add.f32.msk vm2, v62  }
0x87c: {  	v15 =	vld [tilespmem:$0x1FE20]  }
0x87d: {  	v58 =	vadd.s32 v5, v43  }
0x87e: {  	v0 =	vld.idx.msk [tilespmem:v0+s2+$0x0], $0xffff  }
0x87f: {  	v12 =	vld.idx.msk [tilespmem:v12+s2+$0x0], $0xffff  }
0x880: {  	v6 =	vor.u32 v20, v50;
	v60 =	vpop (erf);
	v56 =	vld.idx.msk [tilespmem:v63+s2+$0x0], $0xffff  }
0x881: {  	v10 =	vmul.f32 v60, v10;
	v61 =	vor.u32 v15, v48;
	v15 =	vld [tilespmem:$0x1FFD0]  }
0x882: {  	v2 =	vmul.f32 v62, v2;
	[tilespmem:v58+s22+$0x0] =	vst.idx.add.f32.msk vm5, v60  }
0x883: {  	[tilespmem:v58+s23+$0x0] =	vst.idx.add.f32.msk vm5, v10;
	v10 =	vmul.f32 $1.442695020e+00, v0  }
0x884: {  	[tilespmem:v13+s23+$0x0] =	vst.idx.add.f32.msk vm2, v2;
	v2 =	vadd.s32 v5, v44  }
0x885: {  	v13 =	vmul.f32 $1.442695020e+00, v12;
	v6 =	vld.idx.msk [tilespmem:v6+s2+$0x0], $0xffff;
	(erf) = vpow2.f32 v10;
	_ =	sdelay $0x1  }
0x886: {  	v63 =	vpop (erf);
	v10 =	vmul.f32 $1.442695020e+00, v11;
	(erf) = vpow2.f32 v13  }
0x887: {  	v4 =	vmul.f32 v63, v4;
	v57 =	vld.idx.msk [tilespmem:v61+s2+$0x0], $0xffff  }
0x888: {  	v13 =	vmul.f32 $1.442695020e+00, v8;
	[tilespmem:v2+s22+$0x0] =	vst.idx.add.f32.msk vm7, v63;
	(erf) = vpow2.f32 v10  }
0x889: {  	v62 =	vor.u32 v31, v53;
	v10 =	vmul.f32 $1.442695020e+00, v56;
	[tilespmem:v2+s23+$0x0] =	vst.idx.add.f32.msk vm7, v4;
	v2 =	vmul.f32 $1.442695020e+00, v6  }
0x88a: {  	(erf) = vpow2.f32 v13;
	v13 =	vadd.s32 v5, v42  }
0x88b: {  	v60 =	vadd.s32 v5, v39;
	(erf) = vpow2.f32 v2  }
0x88c: {  	v2 =	vmul.f32 $1.442695020e+00, v57  }
0x88d: {  	(erf) = vpow2.f32 v10;
	v10 =	vpop (erf)  }
0x88e: {  	v4 =	vld.idx.msk [tilespmem:v62+s2+$0x0], $0xffff;
	(erf) = vpow2.f32 v2;
	v2 =	vadd.s32 v5, v38;
	v0 =	vmul.f32 v10, v0  }
0x88f: {  	[tilespmem:v13+s22+$0x0] =	vst.idx.add.f32.msk vm6, v10;
	v10 =	vpop (erf)  }
0x890: {  	[tilespmem:v60+s22+$0x0] =	vst.idx.add.f32.msk vm4, v10;
	v10 =	vmul.f32 v10, v12  }
0x891: {  	v62 =	vadd.s32 v7, v40  }
0x892: {  	[tilespmem:v13+s23+$0x0] =	vst.idx.add.f32.msk vm6, v0;
	v0 =	vpop (erf)  }
0x893: {  	[tilespmem:v2+s22+$0x0] =	vst.idx.add.f32.msk vm1, v0;
	v12 =	vpop (erf);
	v0 =	vmul.f32 v0, v11  }
0x894: {  	[tilespmem:v60+s23+$0x0] =	vst.idx.add.f32.msk vm4, v10;
	v10 =	vpop (erf)  }
0x895: {  	v61 =	vmul.f32 $1.442695020e+00, v4;
	[tilespmem:v2+s23+$0x0] =	vst.idx.add.f32.msk vm1, v0;
	v0 =	vmul.f32 v10, v6  }
0x896: {  	[tilespmem:v62+s22+$0x0] =	vst.idx.add.f32.msk vm2, v10  }
0x897: {  	(erf) = vpow2.f32 v61;
	[tilespmem:v62+s23+$0x0] =	vst.idx.add.f32.msk vm2, v0  }
0x898: {  	v11 =	vadd.s32 v7, v43;
	v0 =	vld [tilespmem:$0x1FE50]  }
0x899: {  	v13 =	vor.u32 v34, v49;
	_ =	sdelay $0x1  }
0x89a: {  	v2 =	vpop (erf)  }
0x89b: {  	v6 =	vadd.s32 v7, v44;
	v10 =	vpop (erf)  }
0x89c: {  	[tilespmem:v11+s22+$0x0] =	vst.idx.add.f32.msk vm5, v10;
	v0 =	vor.u32 v0, v52  }
0x89d: {  	v63 =	vmul.f32 v10, v57;
	v10 =	vld.idx.msk [tilespmem:v13+s2+$0x0], $0xffff  }
0x89e: {  	[tilespmem:v54+s22+$0x0] =	vst.idx.add.f32.msk vm0, v2  }
0x89f: {  	v13 =	vpop (erf);
	[tilespmem:v11+s23+$0x0] =	vst.idx.add.f32.msk vm5, v63;
	v11 =	vor.u32 v21, v50  }
0x8a0: {  	[tilespmem:v6+s22+$0x0] =	vst.idx.add.f32.msk vm7, v13  }
0x8a1: {  	v4 =	vmul.f32 v13, v4;
	v13 =	vor.u32 v24, v47;
	v0 =	vld.idx.msk [tilespmem:v0+s2+$0x0], $0xffff  }
0x8a2: {  	v55 =	vld [tilespmem:$0x1FF40]  }
0x8a3: {  	[tilespmem:v6+s23+$0x0] =	vst.idx.add.f32.msk vm7, v4;
	v4 =	vmul.f32 $1.442695020e+00, v10  }
0x8a4: {  	v6 =	vld.idx.msk [tilespmem:v11+s2+$0x0], $0xffff;
	v11 =	vor.u32 v37, v51  }
0x8a5: {  	(erf) = vpow2.f32 v4  }
0x8a6: {  	v2 =	vmul.f32 v2, v56;
	v4 =	vld.idx.msk [tilespmem:v13+s2+$0x0], $0xffff;
	v56 =	vmul.f32 $1.442695020e+00, v0  }
0x8a7: {  	v50 =	vor.u32 v55, v53  }
0x8a8: {  	v48 =	vor.u32 v15, v48;
	[tilespmem:v54+s23+$0x0] =	vst.idx.add.f32.msk vm0, v2;
	(erf) = vpow2.f32 v56  }
0x8a9: {  	v2 =	vld.idx.msk [tilespmem:v11+s2+$0x0], $0xffff;
	v11 =	vadd.s32 v7, v41  }
0x8aa: {  	v57 =	vmul.f32 $1.442695020e+00, v6  }
0x8ab: {  	v58 =	vmul.f32 $1.442695020e+00, v4  }
0x8ac: {  	v59 =	vadd.s32 v7, v42;
	v13 =	vld.idx.msk [tilespmem:v50+s2+$0x0], $0xffff;
	(erf) = vpow2.f32 v57  }
0x8ad: {  	v8 =	vmul.f32 v12, v8;
	v48 =	vld.idx.msk [tilespmem:v48+s2+$0x0], $0xffff;
	(erf) = vpow2.f32 v58  }
0x8ae: {  	[tilespmem:v11+s22+$0x0] =	vst.idx.add.f32.msk vm3, v12;
	v12 =	vpop (erf)  }
0x8af: {  	[tilespmem:v11+s23+$0x0] =	vst.idx.add.f32.msk vm3, v8;
	v8 =	vmul.f32 v12, v10;
	v10 =	vadd.s32 v7, v38;
	_ =	sdelay $0x1  }
0x8b0: {  	[tilespmem:v59+s22+$0x0] =	vst.idx.add.f32.msk vm6, v12;
	v60 =	vmul.f32 $1.442695020e+00, v13;
	v12 =	vpop (erf)  }
0x8b1: {  	v63 =	vadd.s32 v7, v39;
	v61 =	vmul.f32 $1.442695020e+00, v48;
	[tilespmem:v59+s23+$0x0] =	vst.idx.add.f32.msk vm6, v8;
	v0 =	vmul.f32 v12, v0  }
0x8b2: {  	v62 =	vmul.f32 $1.442695020e+00, v2;
	(erf) = vpow2.f32 v60;
	v8 =	vld [tilespmem:$0x1FE60]  }
0x8b3: {  	(erf) = vpow2.f32 v61;
	[tilespmem:v10+s22+$0x0] =	vst.idx.add.f32.msk vm1, v12  }
0x8b4: {  	(erf) = vpow2.f32 v62;
	v12 =	vpop (erf);
	v56 =	vld [tilespmem:$0x1FED0]  }
0x8b5: {  	v45 =	vor.u32 v28, v45;
	[tilespmem:v10+s23+$0x0] =	vst.idx.add.f32.msk vm1, v0;
	v0 =	vpop (erf)  }
0x8b6: {  	v49 =	vor.u32 v35, v49;
	[tilespmem:v63+s22+$0x0] =	vst.idx.add.f32.msk vm4, v0  }
0x8b7: {  	v8 =	vor.u32 v8, v52;
	v58 =	vld [tilespmem:$0x1FFB0];
	_ =	sdelay $0x1  }
0x8b8: {  	v10 =	vadd.s32 v5, v46;
	v4 =	vmul.f32 v0, v4  }
0x8b9: {  	v45 =	vld.idx.msk [tilespmem:v45+s2+$0x0], $0xffff;
	v47 =	vor.u32 v56, v47  }
0x8ba: {  	v11 =	vld.idx.msk [tilespmem:v49+s2+$0x0], $0xffff;
	v57 =	vpop (erf)  }
0x8bb: {  	v8 =	vld.idx.msk [tilespmem:v8+s2+$0x0], $0xffff;
	v0 =	vpop (erf);
	v52 =	vor.u32 v58, v51  }
0x8bc: {  	[tilespmem:v63+s23+$0x0] =	vst.idx.add.f32.msk vm4, v4;
	v4 =	vpop (erf)  }
0x8bd: {  	v2 =	vmul.f32 v4, v2;
	[tilespmem:v10+s22+$0x0] =	vst.idx.add.f32.msk vm0, v4  }
0x8be: {  	v47 =	vld.idx.msk [tilespmem:v47+s2+$0x0], $0xffff  }
0x8bf: {  	[tilespmem:v10+s23+$0x0] =	vst.idx.add.f32.msk vm0, v2  }
0x8c0: {  	v2 =	vld.idx.msk [tilespmem:v52+s2+$0x0], $0xffff  }
0x8c1: {  	v4 =	vmul.f32 $1.442695020e+00, v11  }
0x8c2: {  	v10 =	vmul.f32 $1.442695020e+00, v45  }
0x8c3: {  	(erf) = vpow2.f32 v4;
	v4 =	vmul.f32 $1.442695020e+00, v8  }
0x8c4: {  	(erf) = vpow2.f32 v10;
	v10 =	vmul.f32 $1.442695020e+00, v47  }
0x8c5: {  	(erf) = vpow2.f32 v4;
	v4 =	vmul.f32 $1.442695020e+00, v2  }
0x8c6: {  	(erf) = vpow2.f32 v10  }
0x8c7: {  	(erf) = vpow2.f32 v4;
	_ =	sdelay $0x2  }
0x8c8: {  	v54 =	vld [tilespmem:$0x1FFC0];
	_ =	sdelay $0x1  }
0x8c9: {  	v4 =	vpop (erf)  }
0x8ca: {  	v59 =	vadd.s32 v7, v46;
	v10 =	vpop (erf)  }
0x8cb: {  	v60 =	vpop (erf)  }
0x8cc: {  	v51 =	vor.u32 v54, v51;
	v61 =	vpop (erf)  }
0x8cd: {  	v62 =	vpop (erf)  }
0x8ce: {  	v40 =	vadd.s32 v9, v40;
	v2 =	vmul.f32 v62, v2  }
0x8cf: {  	[tilespmem:v59+s22+$0x0] =	vst.idx.add.f32.msk vm0, v62  }
0x8d0: {  	[tilespmem:v59+s23+$0x0] =	vst.idx.add.f32.msk vm0, v2;
	v2 =	vadd.s32 v9, v43  }
0x8d1: {  	v63 =	vld.idx.msk [tilespmem:v51+s2+$0x0], $0xffff  }
0x8d2: {  	v44 =	vadd.s32 v9, v44;
	v6 =	vmul.f32 v12, v6  }
0x8d3: {  	[tilespmem:v40+s22+$0x0] =	vst.idx.add.f32.msk vm2, v12  }
0x8d4: {  	v12 =	vmul.f32 v0, v48;
	[tilespmem:v40+s23+$0x0] =	vst.idx.add.f32.msk vm2, v6;
	v6 =	vadd.s32 v9, v41  }
0x8d5: {  	[tilespmem:v2+s22+$0x0] =	vst.idx.add.f32.msk vm5, v0  }
0x8d6: {  	v0 =	vmul.f32 $1.442695020e+00, v63;
	[tilespmem:v2+s23+$0x0] =	vst.idx.add.f32.msk vm5, v12;
	v2 =	vmul.f32 v57, v13;
	v12 =	vadd.s32 v9, v38  }
0x8d7: {  	[tilespmem:v44+s22+$0x0] =	vst.idx.add.f32.msk vm7, v57  }
0x8d8: {  	(erf) = vpow2.f32 v0;
	[tilespmem:v44+s23+$0x0] =	vst.idx.add.f32.msk vm7, v2;
	v0 =	vadd.s32 v9, v42;
	v2 =	vmul.f32 v10, v45  }
0x8d9: {  	[tilespmem:v6+s22+$0x0] =	vst.idx.add.f32.msk vm3, v10  }
0x8da: {  	[tilespmem:v6+s23+$0x0] =	vst.idx.add.f32.msk vm3, v2;
	v2 =	vmul.f32 v60, v8  }
0x8db: {  	[tilespmem:v12+s22+$0x0] =	vst.idx.add.f32.msk vm1, v60  }
0x8dc: {  	v6 =	vadd.s32 v9, v39;
	[tilespmem:v12+s23+$0x0] =	vst.idx.add.f32.msk vm1, v2;
	v2 =	vmul.f32 v4, v11  }
0x8dd: {  	[tilespmem:v0+s22+$0x0] =	vst.idx.add.f32.msk vm6, v4  }
0x8de: {  	v38 =	vadd.s32 v9, v46;
	[tilespmem:v0+s23+$0x0] =	vst.idx.add.f32.msk vm6, v2;
	v0 =	vmul.f32 v61, v47;
	_ =	sdelay $0x2  }
0x8df: {  	[tilespmem:v6+s22+$0x0] =	vst.idx.add.f32.msk vm4, v61  }
0x8e0: {  	[tilespmem:v6+s23+$0x0] =	vst.idx.add.f32.msk vm4, v0;
	v0 =	vpop (erf)  }
0x8e1: {  	s31 =	simm.s32 $0x0;
	s0 =	simm.s32 $0x80;
	[tilespmem:v38+s22+$0x0] =	vst.idx.add.f32.msk vm0, v0;
	v39 =	vmul.f32 v0, v63  }
.LBB2_14:
0x8e2: {  	s31 =	sadd.s32 $0x8, s31  }
0x8e3: {  	s1 =	sand.u32 $0x80, s0;
	s17 =	sshll.u32 s31, $0x3  }
0x8e4: {  	v0 =	vmov s1;
	s1 =	sshll.u32 s1, $0x3;
	s17 =	sand.u32 $0x3FFFFF80, s17  }
0x8e5: {  	s1 =	sadd.s32 s17, s1  }
0x8e6: {  	s17 =	sadd.s32 $0x18000, s1  }
0x8e7: {  	v2 =	vld [tilespmem:s17+$0x1810]  }
0x8e8: {  	v4 =	vld [tilespmem:s17+$0x1820]  }
0x8e9: {  	v6 =	vld [tilespmem:s17+$0x1830]  }
0x8ea: {  	v8 =	vld [tilespmem:s17+$0x1840]  }
0x8eb: {  	v10 =	vld [tilespmem:s17+$0x1850]  }
0x8ec: {  	v0 =	vshrl.u32 v0, $0x7  }
0x8ed: {  	v0 =	vshll.u32 v0, $0xA  }
0x8ee: {  	v46 =	vbroadcast v0, $0x0;
	v0 =	vadd.s32 $0xFFFFFFFF, v2  }
0x8ef: {  	v4 =	vadd.s32 $0xFFFFFFFF, v4;
	v6 =	vadd.s32 $0xFFFFFFFF, v6;
	v8 =	vadd.s32 $0xFFFFFFFF, v8  }
0x8f0: {  	v10 =	vadd.s32 $0xFFFFFFFF, v10;
	vm1 =	vgt.s32 v0, $0xFFFFFFFF;
	v0 =	vshll.u32 v0, $0x2  }
0x8f1: {  	v2 =	vld [tilespmem:s17+$0x1860];
	vm4 =	vgt.s32 v4, $0xFFFFFFFF;
	v4 =	vshll.u32 v4, $0x2;
	v11 =	vshll.u32 v8, $0x2  }
0x8f2: {  	vm3 =	vgt.s32 v8, $0xFFFFFFFF;
	vm7 =	vgt.s32 v10, $0xFFFFFFFF;
	vm2 =	vgt.s32 v4, $0x0  }
0x8f3: {  	[tilespmem:v38+s23+$0x0] =	vst.idx.add.f32.msk vm0, v39;
	vm0 =	vgt.s32 v0, $0x0;
	v42 =	vnsel vm2, $0x0, v4;
	v4 =	vshll.u32 v6, $0x2  }
0x8f4: {  	vm2 =	vgt.s32 v11, $0x0;
	v39 =	vnsel vm0, $0x0, v0;
	v12 =	vshll.u32 v42, $0x8  }
0x8f5: {  	v13 =	vld [tilespmem:s1+$0x19800];
	v40 =	vnsel vm2, $0x0, v11;
	vm0 =	vgt.s32 v4, $0x0;
	vm2 =	vgt.s32 v6, $0xFFFFFFFF  }
0x8f6: {  	v6 =	vshll.u32 v42, $0x7;
	v56 =	vadd.s32 v1, v42;
	v2 =	vadd.s32 $0xFFFFFFFF, v2  }
0x8f7: {  	s26 =	sshll.u32 s31, $0x9;
	v12 =	vand.u32 $0xFFFFF800, v12;
	v0 =	vshll.u32 v40, $0x8;
	v60 =	vshll.u32 v40, $0x7  }
0x8f8: {  	s28 =	sand.u32 $0xFFFFE000, s26;
	v11 =	vshll.u32 v2, $0x2;
	v0 =	vand.u32 $0xFFFFF800, v0;
	v38 =	vand.u32 $0x200, v60  }
0x8f9: {  	v0 =	vadd.s32 s28, v0;
	v8 =	vor.u32 v46, v38;
	v38 =	vnsel vm0, $0x0, v4  }
0x8fa: {  	v4 =	vadd.s32 v1, v40;
	v51 =	vor.u32 v0, v8;
	v0 =	vadd.s32 $0xFFFFFFFF, v13  }
0x8fb: {  	vm0 =	vgt.s32 v11, $0x0;
	v8 =	vor.u32 v25, v51;
	v13 =	vshll.u32 v0, $0x2  }
0x8fc: {  	v6 =	vand.u32 $0x200, v6;
	v41 =	vnsel vm0, $0x0, v11;
	vm0 =	vgt.s32 v13, $0x0  }
0x8fd: {  	v11 =	vshll.u32 v41, $0x8;
	vm5 =	vgt.s32 v0, $0xFFFFFFFF;
	v43 =	vnsel vm0, $0x0, v13  }
0x8fe: {  	v0 =	vand.u32 $0xFFFFF800, v11;
	v11 =	vshll.u32 v43, $0x8;
	v13 =	vshll.u32 v43, $0x7  }
0x8ff: {  	v12 =	vadd.s32 s28, v12;
	[tilespmem:v4+s21+$0x0] =	vst.idx.add.f32.msk vm3, v3;
	v11 =	vand.u32 $0xFFFFF800, v11;
	v13 =	vand.u32 $0x200, v13  }
0x900: {  	v6 =	vor.u32 v46, v6;
	v8 =	vld.idx.msk [tilespmem:v8+s2+$0x0], $0xffff;
	v11 =	vadd.s32 s28, v11;
	v13 =	vor.u32 v46, v13  }
0x901: {  	v54 =	vadd.s32 v1, v43;
	v48 =	vor.u32 v11, v13;
	v13 =	vlaneseq.u32  }
0x902: {  	v52 =	vor.u32 v12, v6;
	v6 =	vshll.u32 v10, $0x2;
	v13 =	vor.u32 v13, v48  }
0x903: {  	vm6 =	vgt.s32 v2, $0xFFFFFFFF;
	vm0 =	vgt.s32 v6, $0x0;
	v11 =	vshll.u32 v41, $0x7  }
0x904: {  	v12 =	vor.u32 v18, v52;
	v45 =	vnsel vm0, $0x0, v6;
	v11 =	vand.u32 $0x200, v11  }
0x905: {  	v6 =	vor.u32 v46, v11;
	v11 =	vshll.u32 v45, $0x8;
	v47 =	vmul.f32 $1.442695020e+00, v8  }
0x906: {  	v0 =	vadd.s32 s28, v0;
	v49 =	vshll.u32 v45, $0x7;
	[tilespmem:v54+s21+$0x0] =	vst.idx.add.f32.msk vm5, v3;
	v11 =	vand.u32 $0xFFFFF800, v11  }
0x907: {  	v10 =	vadd.s32 s28, v11;
	v2 =	vld.idx.msk [tilespmem:v13+s2+$0x0], $0xffff;
	v13 =	vand.u32 $0x200, v49;
	(erf) = vpow2.f32 v47  }
0x908: {  	v49 =	vor.u32 v0, v6;
	v6 =	vadd.s32 v1, v41;
	v11 =	vor.u32 v46, v13  }
0x909: {  	v13 =	vadd.s32 v1, v45;
	v50 =	vor.u32 v10, v11  }
0x90a: {  	v58 =	vshll.u32 v39, $0x7;
	[tilespmem:v56+s21+$0x0] =	vst.idx.add.f32.msk vm4, v3;
	v0 =	vor.u32 v29, v50  }
0x90b: {  	v61 =	vshll.u32 v38, $0x8;
	v53 =	vshll.u32 v38, $0x7;
	v12 =	vld.idx.msk [tilespmem:v12+s2+$0x0], $0xffff;
	v10 =	vor.u32 v32, v49  }
0x90c: {  	v44 =	vld [tilespmem:s17+$0x1870];
	v55 =	vadd.s32 v1, v38;
	v53 =	vand.u32 $0x200, v53;
	v57 =	vmul.f32 $1.442695020e+00, v2  }
0x90d: {  	v53 =	vor.u32 v46, v53;
	v47 =	vand.u32 $0xFFFFF800, v61;
	v61 =	vadd.s32 v1, v39;
	[tilespmem:v6+s21+$0x0] =	vst.idx.add.f32.msk vm6, v3  }
0x90e: {  	v47 =	vadd.s32 s28, v47;
	v11 =	vshll.u32 v39, $0x8;
	[tilespmem:v13+s21+$0x0] =	vst.idx.add.f32.msk vm7, v3;
	(erf) = vpow2.f32 v57  }
0x90f: {  	v47 =	vor.u32 v47, v53;
	v57 =	vand.u32 $0x200, v58;
	v58 =	vor.u32 v26, v51;
	v0 =	vld.idx.msk [tilespmem:v0+s2+$0x0], $0xffff  }
0x910: {  	v53 =	vmul.f32 $1.442695020e+00, v12;
	v11 =	vand.u32 $0xFFFFF800, v11;
	v59 =	vor.u32 v22, v47;
	v10 =	vld.idx.msk [tilespmem:v10+s2+$0x0], $0xffff;
	v60 =	vpop (erf)  }
0x911: {  	v11 =	vadd.s32 s28, v11;
	v57 =	vor.u32 v46, v57;
	v8 =	vmul.f32 v60, v8  }
0x912: {  	(erf) = vpow2.f32 v53;
	v53 =	vor.u32 v11, v57;
	v11 =	vadd.s32 $0xFFFFFFFF, v44;
	[tilespmem:v4+s22+$0x0] =	vst.idx.add.f32.msk vm3, v60  }
0x913: {  	v57 =	vor.u32 v16, v53;
	v44 =	vshll.u32 v11, $0x2;
	[tilespmem:v4+s23+$0x0] =	vst.idx.add.f32.msk vm3, v8  }
0x914: {  	vm0 =	vgt.s32 v44, $0x0;
	v4 =	vld.idx.msk [tilespmem:v58+s2+$0x0], $0xffff;
	v8 =	vmul.f32 $1.442695020e+00, v0  }
0x915: {  	[tilespmem:v55+s21+$0x0] =	vst.idx.add.f32.msk vm2, v3;
	v44 =	vnsel vm0, $0x0, v44;
	v62 =	vmul.f32 $1.442695020e+00, v10  }
0x916: {  	v58 =	vld.idx.msk [tilespmem:v59+s2+$0x0], $0xffff;
	v59 =	vshll.u32 v44, $0x8;
	v60 =	vshll.u32 v44, $0x7;
	(erf) = vpow2.f32 v8  }
0x917: {  	[tilespmem:v61+s21+$0x0] =	vst.idx.add.f32.msk vm1, v3;
	v59 =	vand.u32 $0xFFFFF800, v59;
	v60 =	vand.u32 $0x200, v60;
	v63 =	vpop (erf);
	(erf) = vpow2.f32 v62  }
0x918: {  	v8 =	vor.u32 v14, v48;
	v57 =	vld.idx.msk [tilespmem:v57+s2+$0x0], $0xffff;
	v59 =	vadd.s32 s28, v59;
	v46 =	vor.u32 v46, v60  }
0x919: {  	v46 =	vor.u32 v59, v46;
	v2 =	vmul.f32 v63, v2;
	v59 =	vmul.f32 $1.442695020e+00, v4  }
0x91a: {  	v60 =	vor.u32 v19, v52;
	[tilespmem:v54+s22+$0x0] =	vst.idx.add.f32.msk vm5, v63  }
0x91b: {  	v62 =	vpop (erf);
	[tilespmem:v54+s23+$0x0] =	vst.idx.add.f32.msk vm5, v2;
	v2 =	vmul.f32 $1.442695020e+00, v58;
	(erf) = vpow2.f32 v59  }
0x91c: {  	[tilespmem:v56+s22+$0x0] =	vst.idx.add.f32.msk vm4, v62;
	v12 =	vmul.f32 v62, v12  }
0x91d: {  	v59 =	vmul.f32 $1.442695020e+00, v57;
	v8 =	vld.idx.msk [tilespmem:v8+s2+$0x0], $0xffff;
	(erf) = vpow2.f32 v2  }
0x91e: {  	[tilespmem:v56+s23+$0x0] =	vst.idx.add.f32.msk vm4, v12;
	v12 =	vor.u32 v30, v50  }
0x91f: {  	vm0 =	vgt.s32 v11, $0xFFFFFFFF;
	v2 =	vld.idx.msk [tilespmem:v60+s2+$0x0], $0xffff;
	(erf) = vpow2.f32 v59;
	v11 =	vpop (erf)  }
0x920: {  	[tilespmem:v13+s22+$0x0] =	vst.idx.add.f32.msk vm7, v11;
	v0 =	vmul.f32 v11, v0;
	v11 =	vadd.s32 v5, v40;
	v56 =	vpop (erf)  }
0x921: {  	v60 =	vmul.f32 v56, v10;
	v10 =	vor.u32 v33, v49;
	[tilespmem:v6+s22+$0x0] =	vst.idx.add.f32.msk vm6, v56  }
0x922: {  	[tilespmem:v13+s23+$0x0] =	vst.idx.add.f32.msk vm7, v0  }
0x923: {  	v12 =	vld.idx.msk [tilespmem:v12+s2+$0x0], $0xffff  }
0x924: {  	v13 =	vmul.f32 $1.442695020e+00, v2;
	[tilespmem:v6+s23+$0x0] =	vst.idx.add.f32.msk vm6, v60;
	v0 =	vpop (erf)  }
0x925: {  	v56 =	vmul.f32 $1.442695020e+00, v8;
	[tilespmem:v11+s22+$0x0] =	vst.idx.add.f32.msk vm3, v0  }
0x926: {  	(erf) = vpow2.f32 v13;
	v13 =	vor.u32 v23, v47;
	v60 =	vmul.f32 v0, v4;
	v4 =	vpop (erf);
	v10 =	vld.idx.msk [tilespmem:v10+s2+$0x0], $0xffff  }
0x927: {  	[tilespmem:v55+s22+$0x0] =	vst.idx.add.f32.msk vm2, v4  }
0x928: {  	(erf) = vpow2.f32 v56;
	v6 =	vmul.f32 v4, v58;
	v0 =	vpop (erf);
	[tilespmem:v11+s23+$0x0] =	vst.idx.add.f32.msk vm3, v60  }
0x929: {  	v54 =	vadd.s32 v1, v44;
	[tilespmem:v61+s22+$0x0] =	vst.idx.add.f32.msk vm1, v0  }
0x92a: {  	v11 =	vor.u32 v17, v53;
	[tilespmem:v55+s23+$0x0] =	vst.idx.add.f32.msk vm2, v6  }
0x92b: {  	v4 =	vadd.s32 v5, v42;
	v0 =	vmul.f32 v0, v57;
	v60 =	vmul.f32 $1.442695020e+00, v12;
	v13 =	vld.idx.msk [tilespmem:v13+s2+$0x0], $0xffff  }
0x92c: {  	v63 =	vld [tilespmem:$0x1FE20];
	v59 =	vor.u32 v27, v51  }
0x92d: {  	v6 =	vadd.s32 v5, v43;
	[tilespmem:v61+s23+$0x0] =	vst.idx.add.f32.msk vm1, v0;
	(erf) = vpow2.f32 v60;
	v0 =	vmul.f32 $1.442695020e+00, v10  }
0x92e: {  	[tilespmem:v54+s21+$0x0] =	vst.idx.add.f32.msk vm0, v3  }
0x92f: {  	v11 =	vld.idx.msk [tilespmem:v11+s2+$0x0], $0xffff;
	v61 =	vpop (erf);
	(erf) = vpow2.f32 v0  }
0x930: {  	v55 =	vor.u32 v20, v52;
	[tilespmem:v4+s22+$0x0] =	vst.idx.add.f32.msk vm4, v61;
	v2 =	vmul.f32 v61, v2;
	v61 =	vmul.f32 $1.442695020e+00, v13  }
0x931: {  	v62 =	vor.u32 v36, v46;
	v56 =	vld.idx.msk [tilespmem:v59+s2+$0x0], $0xffff;
	v60 =	vpop (erf)  }
0x932: {  	v0 =	vor.u32 v63, v48;
	[tilespmem:v6+s22+$0x0] =	vst.idx.add.f32.msk vm5, v60;
	v8 =	vmul.f32 v60, v8;
	(erf) = vpow2.f32 v61  }
0x933: {  	[tilespmem:v4+s23+$0x0] =	vst.idx.add.f32.msk vm4, v2;
	v4 =	vadd.s32 v5, v45  }
0x934: {  	[tilespmem:v6+s23+$0x0] =	vst.idx.add.f32.msk vm5, v8;
	v6 =	vmul.f32 $1.442695020e+00, v11  }
0x935: {  	v61 =	vor.u32 v31, v50;
	v8 =	vld.idx.msk [tilespmem:v55+s2+$0x0], $0xffff  }
0x936: {  	v58 =	vld.idx.msk [tilespmem:v62+s2+$0x0], $0xffff;
	v60 =	vmul.f32 $1.442695020e+00, v56;
	v2 =	vpop (erf);
	(erf) = vpow2.f32 v6;
	v6 =	vadd.s32 v5, v41  }
0x937: {  	v55 =	vadd.s32 v5, v38;
	v0 =	vld.idx.msk [tilespmem:v0+s2+$0x0], $0xffff;
	v12 =	vmul.f32 v2, v12  }
0x938: {  	(erf) = vpow2.f32 v60;
	[tilespmem:v4+s22+$0x0] =	vst.idx.add.f32.msk vm7, v2  }
0x939: {  	v2 =	vpop (erf);
	[tilespmem:v4+s23+$0x0] =	vst.idx.add.f32.msk vm7, v12  }
0x93a: {  	v60 =	vor.u32 v34, v49;
	v4 =	vmul.f32 v2, v10;
	v10 =	vmul.f32 $1.442695020e+00, v8;
	v12 =	vld.idx.msk [tilespmem:v61+s2+$0x0], $0xffff  }
0x93b: {  	[tilespmem:v6+s22+$0x0] =	vst.idx.add.f32.msk vm6, v2;
	v62 =	vpop (erf)  }
0x93c: {  	v57 =	vadd.s32 v5, v39;
	v61 =	vmul.f32 $1.442695020e+00, v58;
	(erf) = vpow2.f32 v10;
	[tilespmem:v55+s22+$0x0] =	vst.idx.add.f32.msk vm2, v62  }
0x93d: {  	v59 =	vadd.s32 v7, v40;
	v2 =	vmul.f32 $1.442695020e+00, v0;
	v13 =	vmul.f32 v62, v13;
	v62 =	vld [tilespmem:$0x1FE50]  }
0x93e: {  	[tilespmem:v6+s23+$0x0] =	vst.idx.add.f32.msk vm6, v4  }
0x93f: {  	(erf) = vpow2.f32 v61;
	v60 =	vld.idx.msk [tilespmem:v60+s2+$0x0], $0xffff  }
0x940: {  	v4 =	vpop (erf);
	v6 =	vmul.f32 $1.442695020e+00, v12;
	[tilespmem:v55+s23+$0x0] =	vst.idx.add.f32.msk vm2, v13  }
0x941: {  	(erf) = vpow2.f32 v2;
	[tilespmem:v57+s22+$0x0] =	vst.idx.add.f32.msk vm1, v4;
	v2 =	vpop (erf);
	v4 =	vmul.f32 v4, v11;
	v11 =	vadd.s32 v7, v42  }
0x942: {  	[tilespmem:v59+s22+$0x0] =	vst.idx.add.f32.msk vm3, v2;
	v61 =	vor.u32 v62, v53  }
0x943: {  	v56 =	vmul.f32 v2, v56;
	[tilespmem:v57+s23+$0x0] =	vst.idx.add.f32.msk vm1, v4  }
0x944: {  	(erf) = vpow2.f32 v6;
	v57 =	vld [tilespmem:$0x1FE60]  }
0x945: {  	[tilespmem:v59+s23+$0x0] =	vst.idx.add.f32.msk vm3, v56;
	v6 =	vpop (erf)  }
0x946: {  	v2 =	vadd.s32 v7, v43;
	[tilespmem:v11+s22+$0x0] =	vst.idx.add.f32.msk vm4, v6  }
0x947: {  	v4 =	vor.u32 v21, v52;
	v13 =	vld.idx.msk [tilespmem:v61+s2+$0x0], $0xffff  }
0x948: {  	v55 =	vmul.f32 $1.442695020e+00, v60;
	v6 =	vmul.f32 v6, v8;
	v8 =	vpop (erf);
	v61 =	vld [tilespmem:$0x1FF40]  }
0x949: {  	v52 =	vadd.s32 v7, v45;
	[tilespmem:v54+s22+$0x0] =	vst.idx.add.f32.msk vm0, v8  }
0x94a: {  	v56 =	vmul.f32 v8, v58;
	[tilespmem:v11+s23+$0x0] =	vst.idx.add.f32.msk vm4, v6;
	v6 =	vor.u32 v15, v48;
	v8 =	vpop (erf);
	(erf) = vpow2.f32 v55  }
0x94b: {  	[tilespmem:v2+s22+$0x0] =	vst.idx.add.f32.msk vm5, v8;
	v0 =	vmul.f32 v8, v0  }
0x94c: {  	v10 =	vor.u32 v24, v47;
	v4 =	vld.idx.msk [tilespmem:v4+s2+$0x0], $0xffff  }
0x94d: {  	v8 =	vpop (erf);
	[tilespmem:v2+s23+$0x0] =	vst.idx.add.f32.msk vm5, v0;
	v0 =	vmul.f32 $1.442695020e+00, v13  }
0x94e: {  	[tilespmem:v52+s22+$0x0] =	vst.idx.add.f32.msk vm7, v8;
	v8 =	vmul.f32 v8, v12;
	v11 =	vor.u32 v61, v50  }
0x94f: {  	v2 =	vld.idx.msk [tilespmem:v6+s2+$0x0], $0xffff;
	v6 =	vadd.s32 v7, v41;
	(erf) = vpow2.f32 v0  }
0x950: {  	[tilespmem:v52+s23+$0x0] =	vst.idx.add.f32.msk vm7, v8;
	v8 =	vor.u32 v37, v46  }
0x951: {  	v0 =	vld.idx.msk [tilespmem:v10+s2+$0x0], $0xffff  }
0x952: {  	[tilespmem:v54+s23+$0x0] =	vst.idx.add.f32.msk vm0, v56;
	v10 =	vmul.f32 $1.442695020e+00, v4  }
0x953: {  	v51 =	vor.u32 v28, v51;
	v11 =	vld.idx.msk [tilespmem:v11+s2+$0x0], $0xffff;
	v54 =	vpop (erf)  }
0x954: {  	v12 =	vor.u32 v35, v49;
	(erf) = vpow2.f32 v10;
	[tilespmem:v6+s22+$0x0] =	vst.idx.add.f32.msk vm6, v54;
	v48 =	vmul.f32 v54, v60  }
0x955: {  	v10 =	vadd.s32 v7, v39;
	v8 =	vld.idx.msk [tilespmem:v8+s2+$0x0], $0xffff  }
0x956: {  	[tilespmem:v6+s23+$0x0] =	vst.idx.add.f32.msk vm6, v48;
	v6 =	vmul.f32 $1.442695020e+00, v0  }
0x957: {  	v59 =	vld [tilespmem:$0x1FED0];
	v48 =	vor.u32 v57, v53  }
0x958: {  	v49 =	vld.idx.msk [tilespmem:v51+s2+$0x0], $0xffff;
	v55 =	vmul.f32 $1.442695020e+00, v11;
	v60 =	vpop (erf);
	(erf) = vpow2.f32 v6  }
0x959: {  	v42 =	vadd.s32 v9, v42;
	v12 =	vld.idx.msk [tilespmem:v12+s2+$0x0], $0xffff;
	v6 =	vmul.f32 v60, v13  }
0x95a: {  	v54 =	vmul.f32 $1.442695020e+00, v2;
	[tilespmem:v10+s22+$0x0] =	vst.idx.add.f32.msk vm1, v60;
	(erf) = vpow2.f32 v55  }
0x95b: {  	v55 =	vmul.f32 $1.442695020e+00, v8;
	[tilespmem:v10+s23+$0x0] =	vst.idx.add.f32.msk vm1, v6  }
0x95c: {  	(erf) = vpow2.f32 v54;
	v6 =	vld.idx.msk [tilespmem:v48+s2+$0x0], $0xffff  }
0x95d: {  	v13 =	vpop (erf);
	(erf) = vpow2.f32 v55  }
0x95e: {  	[tilespmem:v42+s22+$0x0] =	vst.idx.add.f32.msk vm4, v13;
	v4 =	vmul.f32 v13, v4;
	v13 =	vadd.s32 v7, v38  }
0x95f: {  	v56 =	vld [tilespmem:$0x1FFB0];
	v10 =	vmul.f32 $1.442695020e+00, v12  }
0x960: {  	v60 =	vmul.f32 $1.442695020e+00, v49;
	[tilespmem:v42+s23+$0x0] =	vst.idx.add.f32.msk vm4, v4;
	v4 =	vor.u32 v59, v47  }
0x961: {  	v45 =	vadd.s32 v9, v45;
	(erf) = vpow2.f32 v10;
	v47 =	vpop (erf);
	v48 =	vmul.f32 $1.442695020e+00, v6  }
0x962: {  	v10 =	vadd.s32 v9, v43;
	(erf) = vpow2.f32 v60;
	v0 =	vmul.f32 v47, v0  }
0x963: {  	v50 =	vadd.s32 v5, v44;
	[tilespmem:v13+s22+$0x0] =	vst.idx.add.f32.msk vm2, v47;
	v51 =	vpop (erf);
	(erf) = vpow2.f32 v48  }
0x964: {  	[tilespmem:v13+s23+$0x0] =	vst.idx.add.f32.msk vm2, v0  }
0x965: {  	v54 =	vor.u32 v56, v46;
	v52 =	vpop (erf);
	v4 =	vld.idx.msk [tilespmem:v4+s2+$0x0], $0xffff  }
0x966: {  	[tilespmem:v45+s22+$0x0] =	vst.idx.add.f32.msk vm7, v51;
	v53 =	vpop (erf)  }
0x967: {  	[tilespmem:v10+s22+$0x0] =	vst.idx.add.f32.msk vm5, v52;
	v8 =	vmul.f32 v53, v8  }
0x968: {  	v11 =	vmul.f32 v51, v11;
	[tilespmem:v50+s22+$0x0] =	vst.idx.add.f32.msk vm0, v53  }
0x969: {  	v0 =	vadd.s32 v9, v41;
	v2 =	vmul.f32 v52, v2;
	[tilespmem:v50+s23+$0x0] =	vst.idx.add.f32.msk vm0, v8  }
0x96a: {  	v55 =	vpop (erf);
	v8 =	vld.idx.msk [tilespmem:v54+s2+$0x0], $0xffff;
	v60 =	vmul.f32 $1.442695020e+00, v4  }
0x96b: {  	[tilespmem:v10+s23+$0x0] =	vst.idx.add.f32.msk vm5, v2;
	v2 =	vmul.f32 v55, v12;
	v12 =	vpop (erf)  }
0x96c: {  	[tilespmem:v45+s23+$0x0] =	vst.idx.add.f32.msk vm7, v11;
	v11 =	vpop (erf);
	(erf) = vpow2.f32 v60;
	_ =	sdelay $0x1  }
0x96d: {  	[tilespmem:v0+s22+$0x0] =	vst.idx.add.f32.msk vm6, v55  }
0x96e: {  	[tilespmem:v0+s23+$0x0] =	vst.idx.add.f32.msk vm6, v2;
	v0 =	vmul.f32 $1.442695020e+00, v8;
	_ =	sdelay $0x1  }
0x96f: {  	v2 =	vadd.s32 v9, v38;
	(erf) = vpow2.f32 v0;
	_ =	sdelay $0x2  }
0x970: {  	v58 =	vld [tilespmem:$0x1FFC0]  }
0x971: {  	v0 =	vpop (erf)  }
0x972: {  	[tilespmem:v2+s22+$0x0] =	vst.idx.add.f32.msk vm2, v0;
	v0 =	vmul.f32 v0, v4;
	v4 =	vadd.s32 v7, v44;
	_ =	sdelay $0x2  }
0x973: {  	[tilespmem:v2+s23+$0x0] =	vst.idx.add.f32.msk vm2, v0;
	v0 =	vor.u32 v58, v46  }
0x974: {  	v2 =	vpop (erf)  }
0x975: {  	[tilespmem:v4+s22+$0x0] =	vst.idx.add.f32.msk vm0, v2;
	v2 =	vmul.f32 v2, v8;
	_ =	sdelay $0x1  }
0x976: {  	[tilespmem:v4+s23+$0x0] =	vst.idx.add.f32.msk vm0, v2  }
0x977: {  	v0 =	vld.idx.msk [tilespmem:v0+s2+$0x0], $0xffff;
	_ =	sdelay $0x4  }
0x978: {  	v2 =	vmul.f32 $1.442695020e+00, v0;
	_ =	sdelay $0x1  }
0x979: {  	v13 =	vadd.s32 v9, v40;
	(erf) = vpow2.f32 v2;
	_ =	sdelay $0x2  }
0x97a: {  	v10 =	vadd.s32 v9, v39;
	_ =	sdelay $0x1  }
0x97b: {  	p0 =	slt.u32 s31, $0x38;
	[tilespmem:v13+s22+$0x0] =	vst.idx.add.f32.msk vm3, v12;
	v12 =	vmul.f32 v12, v49;
	v38 =	vadd.s32 v9, v44  }
.Ltmp6:
0x97c: {  	_ = 	snop;
	(pc) =	sbr.rel @p0 .LBB2_14-.Ltmp6, $4  }
0x97d: {  	[tilespmem:v13+s23+$0x0] =	vst.idx.add.f32.msk vm3, v12;
	v6 =	vmul.f32 v11, v6  }
0x97e: {  	[tilespmem:v10+s22+$0x0] =	vst.idx.add.f32.msk vm1, v11  }
0x97f: {  	[tilespmem:v10+s23+$0x0] =	vst.idx.add.f32.msk vm1, v6;
	v2 =	vpop (erf)  }
0x980: {  	s0 =	sadd.s32 $0x80, s0;
	[tilespmem:v38+s22+$0x0] =	vst.idx.add.f32.msk vm0, v2;
	v39 =	vmul.f32 v2, v0  }
0x981: {  	_ =	sdelay $0x4  }
0x982: {  	[tilespmem:v38+s23+$0x0] =	vst.idx.add.f32.msk vm0, v39  }
0x983: {  	_ =	swait.ge [sflag:s24], $0x8000  }
0x984: {  	[sflag:s24] =	ssyncset.done $0x0  }
0x985: {  	s0 =	simm.s32 $0xFFFFFFF8;
	s31 =	simm.s32 $0x0;
	v60 =	vlaneseq.u32;
	[sflag:s24] =	ssyncadd.s32 $0xFFFF8000  }
.LBB2_16:
0x986: {  	s0 =	sadd.s32 $0x8, s0  }
0x987: {  	s1 =	sand.u32 $0x80, s31;
	s17 =	sshll.u32 s0, $0x3  }
0x988: {  	s26 =	sshll.u32 s1, $0x3;
	s17 =	sand.u32 $0x3FFFFF80, s17  }
0x989: {  	s17 =	sadd.s32 s17, s26  }
0x98a: {  	s17 =	sadd.s32 $0x18000, s17  }
0x98b: {  	v0 =	vld [tilespmem:s17+$0x1A00];
	_ =	sdelay $0x4  }
0x98c: {  	v0 =	vadd.s32 $0xFFFFFFFF, v0  }
0x98d: {  	v4 =	vmov s1;
	v2 =	vshll.u32 v0, $0x2  }
0x98e: {  	v4 =	vshrl.u32 v4, $0x7;
	vm0 =	vgt.s32 v2, $0x0  }
0x98f: {  	v38 =	vnsel vm0, $0x0, v2;
	v2 =	vshll.u32 v4, $0xA  }
0x990: {  	s28 =	sshll.u32 s0, $0x9;
	v4 =	vshll.u32 v38, $0x8;
	v40 =	vbroadcast v2, $0x0;
	v2 =	vshll.u32 v38, $0x7  }
0x991: {  	s1 =	sand.u32 $0xFFFFE000, s28;
	v4 =	vand.u32 $0xFFFFF800, v4;
	v2 =	vand.u32 $0x200, v2  }
0x992: {  	vm0 =	vgt.s32 v0, $0xFFFFFFFF;
	v0 =	vadd.s32 s1, v4;
	v2 =	vor.u32 v40, v2  }
0x993: {  	v4 =	vadd.s32 v1, v38;
	v0 =	vor.u32 v0, v2  }
0x994: {  	v2 =	vor.u32 v60, v0;
	_ =	sdelay $0x3  }
0x995: {  	[tilespmem:v4+s21+$0x0] =	vst.idx.add.f32.msk vm0, v3  }
0x996: {  	v2 =	vld.idx.msk [tilespmem:v2+s16+$0x0], $0xffff;
	_ =	sdelay $0x4  }
0x997: {  	v6 =	vmul.f32 $1.442695020e+00, v2;
	_ =	sdelay $0x1  }
0x998: {  	(erf) = vpow2.f32 v6;
	_ =	sdelay $0x7  }
0x999: {  	v6 =	vor.u32 v14, v0  }
0x99a: {  	v8 =	vpop (erf)  }
0x99b: {  	v2 =	vmul.f32 v8, v2  }
0x99c: {  	[tilespmem:v4+s22+$0x0] =	vst.idx.add.f32.msk vm0, v8  }
0x99d: {  	[tilespmem:v4+s23+$0x0] =	vst.idx.add.f32.msk vm0, v2  }
0x99e: {  	v2 =	vld.idx.msk [tilespmem:v6+s16+$0x0], $0xffff;
	_ =	sdelay $0x4  }
0x99f: {  	v4 =	vmul.f32 $1.442695020e+00, v2;
	_ =	sdelay $0x1  }
0x9a0: {  	(erf) = vpow2.f32 v4;
	_ =	sdelay $0x5  }
0x9a1: {  	v4 =	vadd.s32 v5, v38;
	_ =	sdelay $0x1  }
0x9a2: {  	v6 =	vor.u32 v63, v0  }
0x9a3: {  	v8 =	vpop (erf)  }
0x9a4: {  	v2 =	vmul.f32 v8, v2  }
0x9a5: {  	[tilespmem:v4+s22+$0x0] =	vst.idx.add.f32.msk vm0, v8  }
0x9a6: {  	[tilespmem:v4+s23+$0x0] =	vst.idx.add.f32.msk vm0, v2  }
0x9a7: {  	v2 =	vld.idx.msk [tilespmem:v6+s16+$0x0], $0xffff;
	_ =	sdelay $0x2  }
0x9a8: {  	v4 =	vld [tilespmem:s17+$0x1A10];
	_ =	sdelay $0x1  }
0x9a9: {  	v6 =	vmul.f32 $1.442695020e+00, v2;
	_ =	sdelay $0x1  }
0x9aa: {  	(erf) = vpow2.f32 v6  }
0x9ab: {  	v4 =	vadd.s32 $0xFFFFFFFF, v4  }
0x9ac: {  	v6 =	vshll.u32 v4, $0x2  }
0x9ad: {  	vm1 =	vgt.s32 v6, $0x0  }
0x9ae: {  	vm9 =	vgt.s32 v4, $0xFFFFFFFF;
	v39 =	vnsel vm1, $0x0, v6  }
0x9af: {  	v8 =	vshll.u32 v39, $0x8;
	v10 =	vshll.u32 v39, $0x7;
	v11 =	vadd.s32 v1, v39  }
0x9b0: {  	v6 =	vadd.s32 v7, v38;
	v8 =	vand.u32 $0xFFFFF800, v8;
	v10 =	vand.u32 $0x200, v10  }
0x9b1: {  	v4 =	vadd.s32 s1, v8;
	v8 =	vor.u32 v40, v10  }
0x9b2: {  	v0 =	vor.u32 v15, v0;
	v4 =	vor.u32 v4, v8  }
0x9b3: {  	v8 =	vor.u32 v16, v4;
	v10 =	vpop (erf)  }
0x9b4: {  	[tilespmem:v11+s21+$0x0] =	vst.idx.add.f32.msk vm9, v3;
	v2 =	vmul.f32 v10, v2  }
0x9b5: {  	[tilespmem:v6+s22+$0x0] =	vst.idx.add.f32.msk vm0, v10  }
0x9b6: {  	[tilespmem:v6+s23+$0x0] =	vst.idx.add.f32.msk vm0, v2  }
0x9b7: {  	v41 =	vld.idx.msk [tilespmem:v0+s16+$0x0], $0xffff  }
0x9b8: {  	v0 =	vld.idx.msk [tilespmem:v8+s16+$0x0], $0xffff;
	_ =	sdelay $0x3  }
0x9b9: {  	v2 =	vmul.f32 $1.442695020e+00, v41  }
0x9ba: {  	v6 =	vmul.f32 $1.442695020e+00, v0  }
0x9bb: {  	(erf) = vpow2.f32 v2  }
0x9bc: {  	(erf) = vpow2.f32 v6;
	_ =	sdelay $0x7  }
0x9bd: {  	v2 =	vor.u32 v17, v4;
	v42 =	vpop (erf)  }
0x9be: {  	v6 =	vpop (erf)  }
0x9bf: {  	v0 =	vmul.f32 v6, v0  }
0x9c0: {  	[tilespmem:v11+s22+$0x0] =	vst.idx.add.f32.msk vm9, v6  }
0x9c1: {  	[tilespmem:v11+s23+$0x0] =	vst.idx.add.f32.msk vm9, v0  }
0x9c2: {  	v0 =	vld.idx.msk [tilespmem:v2+s16+$0x0], $0xffff;
	_ =	sdelay $0x4  }
0x9c3: {  	v2 =	vmul.f32 $1.442695020e+00, v0;
	_ =	sdelay $0x1  }
0x9c4: {  	(erf) = vpow2.f32 v2;
	_ =	sdelay $0x5  }
0x9c5: {  	v2 =	vadd.s32 v5, v39;
	_ =	sdelay $0x1  }
0x9c6: {  	v6 =	vor.u32 v62, v4  }
0x9c7: {  	v8 =	vpop (erf)  }
0x9c8: {  	v0 =	vmul.f32 v8, v0  }
0x9c9: {  	[tilespmem:v2+s22+$0x0] =	vst.idx.add.f32.msk vm9, v8  }
0x9ca: {  	[tilespmem:v2+s23+$0x0] =	vst.idx.add.f32.msk vm9, v0  }
0x9cb: {  	v0 =	vld.idx.msk [tilespmem:v6+s16+$0x0], $0xffff;
	_ =	sdelay $0x2  }
0x9cc: {  	v2 =	vld [tilespmem:s17+$0x1A20];
	_ =	sdelay $0x1  }
0x9cd: {  	v6 =	vmul.f32 $1.442695020e+00, v0;
	_ =	sdelay $0x1  }
0x9ce: {  	(erf) = vpow2.f32 v6  }
0x9cf: {  	v2 =	vadd.s32 $0xFFFFFFFF, v2  }
0x9d0: {  	v6 =	vshll.u32 v2, $0x2  }
0x9d1: {  	vm2 =	vgt.s32 v6, $0x0  }
0x9d2: {  	vm10 =	vgt.s32 v2, $0xFFFFFFFF;
	v43 =	vnsel vm2, $0x0, v6  }
0x9d3: {  	v8 =	vshll.u32 v43, $0x8;
	v10 =	vshll.u32 v43, $0x7;
	v11 =	vadd.s32 v1, v43  }
0x9d4: {  	v6 =	vadd.s32 v7, v39;
	v8 =	vand.u32 $0xFFFFF800, v8;
	v10 =	vand.u32 $0x200, v10  }
0x9d5: {  	v2 =	vadd.s32 s1, v8;
	v8 =	vor.u32 v40, v10  }
0x9d6: {  	v4 =	vor.u32 v57, v4;
	v2 =	vor.u32 v2, v8  }
0x9d7: {  	v8 =	vor.u32 v18, v2;
	v10 =	vpop (erf)  }
0x9d8: {  	[tilespmem:v11+s21+$0x0] =	vst.idx.add.f32.msk vm10, v3;
	v0 =	vmul.f32 v10, v0  }
0x9d9: {  	[tilespmem:v6+s22+$0x0] =	vst.idx.add.f32.msk vm9, v10  }
0x9da: {  	[tilespmem:v6+s23+$0x0] =	vst.idx.add.f32.msk vm9, v0  }
0x9db: {  	v44 =	vld.idx.msk [tilespmem:v4+s16+$0x0], $0xffff  }
0x9dc: {  	v0 =	vld.idx.msk [tilespmem:v8+s16+$0x0], $0xffff;
	_ =	sdelay $0x3  }
0x9dd: {  	v4 =	vmul.f32 $1.442695020e+00, v44  }
0x9de: {  	v6 =	vmul.f32 $1.442695020e+00, v0  }
0x9df: {  	(erf) = vpow2.f32 v4  }
0x9e0: {  	(erf) = vpow2.f32 v6;
	_ =	sdelay $0x7  }
0x9e1: {  	v4 =	vor.u32 v19, v2;
	v45 =	vpop (erf)  }
0x9e2: {  	v6 =	vpop (erf)  }
0x9e3: {  	v0 =	vmul.f32 v6, v0  }
0x9e4: {  	[tilespmem:v11+s22+$0x0] =	vst.idx.add.f32.msk vm10, v6  }
0x9e5: {  	[tilespmem:v11+s23+$0x0] =	vst.idx.add.f32.msk vm10, v0  }
0x9e6: {  	v0 =	vld.idx.msk [tilespmem:v4+s16+$0x0], $0xffff;
	_ =	sdelay $0x4  }
0x9e7: {  	v4 =	vmul.f32 $1.442695020e+00, v0;
	_ =	sdelay $0x1  }
0x9e8: {  	(erf) = vpow2.f32 v4;
	_ =	sdelay $0x5  }
0x9e9: {  	v4 =	vadd.s32 v5, v43;
	_ =	sdelay $0x1  }
0x9ea: {  	v6 =	vor.u32 v20, v2  }
0x9eb: {  	v8 =	vpop (erf)  }
0x9ec: {  	v0 =	vmul.f32 v8, v0  }
0x9ed: {  	[tilespmem:v4+s22+$0x0] =	vst.idx.add.f32.msk vm10, v8  }
0x9ee: {  	[tilespmem:v4+s23+$0x0] =	vst.idx.add.f32.msk vm10, v0  }
0x9ef: {  	v0 =	vld.idx.msk [tilespmem:v6+s16+$0x0], $0xffff;
	_ =	sdelay $0x2  }
0x9f0: {  	v4 =	vld [tilespmem:s17+$0x1A30];
	_ =	sdelay $0x1  }
0x9f1: {  	v6 =	vmul.f32 $1.442695020e+00, v0;
	_ =	sdelay $0x1  }
0x9f2: {  	(erf) = vpow2.f32 v6  }
0x9f3: {  	v4 =	vadd.s32 $0xFFFFFFFF, v4  }
0x9f4: {  	v6 =	vshll.u32 v4, $0x2  }
0x9f5: {  	vm3 =	vgt.s32 v6, $0x0  }
0x9f6: {  	vm11 =	vgt.s32 v4, $0xFFFFFFFF;
	v46 =	vnsel vm3, $0x0, v6  }
0x9f7: {  	v8 =	vshll.u32 v46, $0x8;
	v10 =	vshll.u32 v46, $0x7;
	v11 =	vadd.s32 v1, v46  }
0x9f8: {  	v6 =	vadd.s32 v7, v43;
	v8 =	vand.u32 $0xFFFFF800, v8;
	v10 =	vand.u32 $0x200, v10  }
0x9f9: {  	v4 =	vadd.s32 s1, v8;
	v8 =	vor.u32 v40, v10  }
0x9fa: {  	v2 =	vor.u32 v21, v2;
	v4 =	vor.u32 v4, v8  }
0x9fb: {  	v8 =	vor.u32 v22, v4;
	v10 =	vpop (erf)  }
0x9fc: {  	[tilespmem:v11+s21+$0x0] =	vst.idx.add.f32.msk vm11, v3;
	v0 =	vmul.f32 v10, v0  }
0x9fd: {  	[tilespmem:v6+s22+$0x0] =	vst.idx.add.f32.msk vm10, v10  }
0x9fe: {  	[tilespmem:v6+s23+$0x0] =	vst.idx.add.f32.msk vm10, v0  }
0x9ff: {  	v47 =	vld.idx.msk [tilespmem:v2+s16+$0x0], $0xffff  }
0xa00: {  	v0 =	vld.idx.msk [tilespmem:v8+s16+$0x0], $0xffff;
	_ =	sdelay $0x3  }
0xa01: {  	v2 =	vmul.f32 $1.442695020e+00, v47  }
0xa02: {  	v6 =	vmul.f32 $1.442695020e+00, v0  }
0xa03: {  	(erf) = vpow2.f32 v2  }
0xa04: {  	(erf) = vpow2.f32 v6;
	_ =	sdelay $0x7  }
0xa05: {  	v2 =	vor.u32 v23, v4;
	v48 =	vpop (erf)  }
0xa06: {  	v6 =	vpop (erf)  }
0xa07: {  	v0 =	vmul.f32 v6, v0  }
0xa08: {  	[tilespmem:v11+s22+$0x0] =	vst.idx.add.f32.msk vm11, v6  }
0xa09: {  	[tilespmem:v11+s23+$0x0] =	vst.idx.add.f32.msk vm11, v0  }
0xa0a: {  	v0 =	vld.idx.msk [tilespmem:v2+s16+$0x0], $0xffff;
	_ =	sdelay $0x4  }
0xa0b: {  	v2 =	vmul.f32 $1.442695020e+00, v0;
	_ =	sdelay $0x1  }
0xa0c: {  	(erf) = vpow2.f32 v2;
	_ =	sdelay $0x5  }
0xa0d: {  	v2 =	vadd.s32 v5, v46;
	_ =	sdelay $0x1  }
0xa0e: {  	v6 =	vor.u32 v24, v4  }
0xa0f: {  	v8 =	vpop (erf)  }
0xa10: {  	v0 =	vmul.f32 v8, v0  }
0xa11: {  	[tilespmem:v2+s22+$0x0] =	vst.idx.add.f32.msk vm11, v8  }
0xa12: {  	[tilespmem:v2+s23+$0x0] =	vst.idx.add.f32.msk vm11, v0  }
0xa13: {  	v0 =	vld.idx.msk [tilespmem:v6+s16+$0x0], $0xffff;
	_ =	sdelay $0x2  }
0xa14: {  	v2 =	vld [tilespmem:s17+$0x1A40];
	_ =	sdelay $0x1  }
0xa15: {  	v6 =	vmul.f32 $1.442695020e+00, v0;
	_ =	sdelay $0x1  }
0xa16: {  	(erf) = vpow2.f32 v6  }
0xa17: {  	v2 =	vadd.s32 $0xFFFFFFFF, v2  }
0xa18: {  	v6 =	vshll.u32 v2, $0x2  }
0xa19: {  	vm4 =	vgt.s32 v6, $0x0  }
0xa1a: {  	vm12 =	vgt.s32 v2, $0xFFFFFFFF;
	v49 =	vnsel vm4, $0x0, v6  }
0xa1b: {  	v8 =	vshll.u32 v49, $0x8;
	v10 =	vshll.u32 v49, $0x7;
	v11 =	vadd.s32 v1, v49  }
0xa1c: {  	v6 =	vadd.s32 v7, v46;
	v8 =	vand.u32 $0xFFFFF800, v8;
	v10 =	vand.u32 $0x200, v10  }
0xa1d: {  	v2 =	vadd.s32 s1, v8;
	v8 =	vor.u32 v40, v10  }
0xa1e: {  	v4 =	vor.u32 v59, v4;
	v2 =	vor.u32 v2, v8  }
0xa1f: {  	v8 =	vor.u32 v25, v2;
	v10 =	vpop (erf)  }
0xa20: {  	[tilespmem:v11+s21+$0x0] =	vst.idx.add.f32.msk vm12, v3;
	v0 =	vmul.f32 v10, v0  }
0xa21: {  	[tilespmem:v6+s22+$0x0] =	vst.idx.add.f32.msk vm11, v10  }
0xa22: {  	[tilespmem:v6+s23+$0x0] =	vst.idx.add.f32.msk vm11, v0  }
0xa23: {  	v50 =	vld.idx.msk [tilespmem:v4+s16+$0x0], $0xffff  }
0xa24: {  	v0 =	vld.idx.msk [tilespmem:v8+s16+$0x0], $0xffff;
	_ =	sdelay $0x3  }
0xa25: {  	v4 =	vmul.f32 $1.442695020e+00, v50  }
0xa26: {  	v6 =	vmul.f32 $1.442695020e+00, v0  }
0xa27: {  	(erf) = vpow2.f32 v4  }
0xa28: {  	(erf) = vpow2.f32 v6;
	_ =	sdelay $0x7  }
0xa29: {  	v4 =	vor.u32 v26, v2;
	v51 =	vpop (erf)  }
0xa2a: {  	v6 =	vpop (erf)  }
0xa2b: {  	v0 =	vmul.f32 v6, v0  }
0xa2c: {  	[tilespmem:v11+s22+$0x0] =	vst.idx.add.f32.msk vm12, v6  }
0xa2d: {  	[tilespmem:v11+s23+$0x0] =	vst.idx.add.f32.msk vm12, v0  }
0xa2e: {  	v0 =	vld.idx.msk [tilespmem:v4+s16+$0x0], $0xffff;
	_ =	sdelay $0x4  }
0xa2f: {  	v4 =	vmul.f32 $1.442695020e+00, v0;
	_ =	sdelay $0x1  }
0xa30: {  	(erf) = vpow2.f32 v4;
	_ =	sdelay $0x5  }
0xa31: {  	v4 =	vadd.s32 v5, v49;
	_ =	sdelay $0x1  }
0xa32: {  	v6 =	vor.u32 v27, v2  }
0xa33: {  	v8 =	vpop (erf)  }
0xa34: {  	v0 =	vmul.f32 v8, v0  }
0xa35: {  	[tilespmem:v4+s22+$0x0] =	vst.idx.add.f32.msk vm12, v8  }
0xa36: {  	[tilespmem:v4+s23+$0x0] =	vst.idx.add.f32.msk vm12, v0  }
0xa37: {  	v0 =	vld.idx.msk [tilespmem:v6+s16+$0x0], $0xffff;
	_ =	sdelay $0x2  }
0xa38: {  	v4 =	vld [tilespmem:s17+$0x1A50];
	_ =	sdelay $0x1  }
0xa39: {  	v6 =	vmul.f32 $1.442695020e+00, v0;
	_ =	sdelay $0x1  }
0xa3a: {  	(erf) = vpow2.f32 v6  }
0xa3b: {  	v4 =	vadd.s32 $0xFFFFFFFF, v4  }
0xa3c: {  	v6 =	vshll.u32 v4, $0x2  }
0xa3d: {  	vm5 =	vgt.s32 v6, $0x0  }
0xa3e: {  	vm13 =	vgt.s32 v4, $0xFFFFFFFF;
	v52 =	vnsel vm5, $0x0, v6  }
0xa3f: {  	v8 =	vshll.u32 v52, $0x8;
	v10 =	vshll.u32 v52, $0x7;
	v11 =	vadd.s32 v1, v52  }
0xa40: {  	v6 =	vadd.s32 v7, v49;
	v8 =	vand.u32 $0xFFFFF800, v8;
	v10 =	vand.u32 $0x200, v10  }
0xa41: {  	v4 =	vadd.s32 s1, v8;
	v8 =	vor.u32 v40, v10  }
0xa42: {  	v2 =	vor.u32 v28, v2;
	v4 =	vor.u32 v4, v8  }
0xa43: {  	v8 =	vor.u32 v29, v4;
	v10 =	vpop (erf)  }
0xa44: {  	[tilespmem:v11+s21+$0x0] =	vst.idx.add.f32.msk vm13, v3;
	v0 =	vmul.f32 v10, v0  }
0xa45: {  	[tilespmem:v6+s22+$0x0] =	vst.idx.add.f32.msk vm12, v10  }
0xa46: {  	[tilespmem:v6+s23+$0x0] =	vst.idx.add.f32.msk vm12, v0  }
0xa47: {  	v53 =	vld.idx.msk [tilespmem:v2+s16+$0x0], $0xffff  }
0xa48: {  	v0 =	vld.idx.msk [tilespmem:v8+s16+$0x0], $0xffff;
	_ =	sdelay $0x3  }
0xa49: {  	v2 =	vmul.f32 $1.442695020e+00, v53  }
0xa4a: {  	v6 =	vmul.f32 $1.442695020e+00, v0  }
0xa4b: {  	(erf) = vpow2.f32 v2  }
0xa4c: {  	(erf) = vpow2.f32 v6;
	_ =	sdelay $0x7  }
0xa4d: {  	v2 =	vor.u32 v30, v4;
	v54 =	vpop (erf)  }
0xa4e: {  	v6 =	vpop (erf)  }
0xa4f: {  	v0 =	vmul.f32 v6, v0  }
0xa50: {  	[tilespmem:v11+s22+$0x0] =	vst.idx.add.f32.msk vm13, v6  }
0xa51: {  	[tilespmem:v11+s23+$0x0] =	vst.idx.add.f32.msk vm13, v0  }
0xa52: {  	v0 =	vld.idx.msk [tilespmem:v2+s16+$0x0], $0xffff;
	_ =	sdelay $0x4  }
0xa53: {  	v2 =	vmul.f32 $1.442695020e+00, v0;
	_ =	sdelay $0x1  }
0xa54: {  	(erf) = vpow2.f32 v2;
	_ =	sdelay $0x5  }
0xa55: {  	v2 =	vadd.s32 v5, v52;
	_ =	sdelay $0x1  }
0xa56: {  	v6 =	vor.u32 v31, v4  }
0xa57: {  	v8 =	vpop (erf)  }
0xa58: {  	v0 =	vmul.f32 v8, v0  }
0xa59: {  	[tilespmem:v2+s22+$0x0] =	vst.idx.add.f32.msk vm13, v8  }
0xa5a: {  	[tilespmem:v2+s23+$0x0] =	vst.idx.add.f32.msk vm13, v0  }
0xa5b: {  	v0 =	vld.idx.msk [tilespmem:v6+s16+$0x0], $0xffff;
	_ =	sdelay $0x2  }
0xa5c: {  	v2 =	vld [tilespmem:s17+$0x1A60];
	_ =	sdelay $0x1  }
0xa5d: {  	v6 =	vmul.f32 $1.442695020e+00, v0;
	_ =	sdelay $0x1  }
0xa5e: {  	(erf) = vpow2.f32 v6  }
0xa5f: {  	v2 =	vadd.s32 $0xFFFFFFFF, v2  }
0xa60: {  	v6 =	vshll.u32 v2, $0x2  }
0xa61: {  	vm6 =	vgt.s32 v6, $0x0  }
0xa62: {  	vm14 =	vgt.s32 v2, $0xFFFFFFFF;
	v6 =	vnsel vm6, $0x0, v6  }
0xa63: {  	v10 =	vshll.u32 v6, $0x8;
	v11 =	vshll.u32 v6, $0x7;
	v12 =	vadd.s32 v1, v6  }
0xa64: {  	v8 =	vadd.s32 v7, v52;
	v10 =	vand.u32 $0xFFFFF800, v10;
	v11 =	vand.u32 $0x200, v11  }
0xa65: {  	v2 =	vadd.s32 s1, v10;
	v10 =	vor.u32 v40, v11  }
0xa66: {  	v4 =	vor.u32 v61, v4;
	v2 =	vor.u32 v2, v10  }
0xa67: {  	v10 =	vor.u32 v32, v2;
	v11 =	vpop (erf)  }
0xa68: {  	[tilespmem:v12+s21+$0x0] =	vst.idx.add.f32.msk vm14, v3;
	v0 =	vmul.f32 v11, v0  }
0xa69: {  	[tilespmem:v8+s22+$0x0] =	vst.idx.add.f32.msk vm13, v11  }
0xa6a: {  	[tilespmem:v8+s23+$0x0] =	vst.idx.add.f32.msk vm13, v0  }
0xa6b: {  	v0 =	vld.idx.msk [tilespmem:v4+s16+$0x0], $0xffff  }
0xa6c: {  	v4 =	vld.idx.msk [tilespmem:v10+s16+$0x0], $0xffff;
	_ =	sdelay $0x3  }
0xa6d: {  	v8 =	vmul.f32 $1.442695020e+00, v0  }
0xa6e: {  	v10 =	vmul.f32 $1.442695020e+00, v4  }
0xa6f: {  	(erf) = vpow2.f32 v8  }
0xa70: {  	(erf) = vpow2.f32 v10;
	_ =	sdelay $0x7  }
0xa71: {  	v10 =	vor.u32 v33, v2;
	v8 =	vpop (erf)  }
0xa72: {  	v11 =	vpop (erf)  }
0xa73: {  	v4 =	vmul.f32 v11, v4  }
0xa74: {  	[tilespmem:v12+s22+$0x0] =	vst.idx.add.f32.msk vm14, v11  }
0xa75: {  	[tilespmem:v12+s23+$0x0] =	vst.idx.add.f32.msk vm14, v4  }
0xa76: {  	v4 =	vld.idx.msk [tilespmem:v10+s16+$0x0], $0xffff;
	_ =	sdelay $0x4  }
0xa77: {  	v10 =	vmul.f32 $1.442695020e+00, v4;
	_ =	sdelay $0x1  }
0xa78: {  	(erf) = vpow2.f32 v10;
	_ =	sdelay $0x5  }
0xa79: {  	v10 =	vadd.s32 v5, v6;
	_ =	sdelay $0x1  }
0xa7a: {  	v11 =	vor.u32 v34, v2  }
0xa7b: {  	v12 =	vpop (erf)  }
0xa7c: {  	v4 =	vmul.f32 v12, v4  }
0xa7d: {  	[tilespmem:v10+s22+$0x0] =	vst.idx.add.f32.msk vm14, v12  }
0xa7e: {  	[tilespmem:v10+s23+$0x0] =	vst.idx.add.f32.msk vm14, v4  }
0xa7f: {  	v4 =	vld.idx.msk [tilespmem:v11+s16+$0x0], $0xffff;
	_ =	sdelay $0x1  }
0xa80: {  	v10 =	vld [tilespmem:s17+$0x1A70];
	_ =	sdelay $0x2  }
0xa81: {  	v11 =	vmul.f32 $1.442695020e+00, v4;
	_ =	sdelay $0x1  }
0xa82: {  	v10 =	vadd.s32 $0xFFFFFFFF, v10;
	(erf) = vpow2.f32 v11  }
0xa83: {  	v11 =	vshll.u32 v10, $0x2  }
0xa84: {  	vm7 =	vgt.s32 v11, $0x0  }
0xa85: {  	v11 =	vnsel vm7, $0x0, v11  }
0xa86: {  	v12 =	vadd.s32 v7, v6;
	v13 =	vshll.u32 v11, $0x8;
	v55 =	vshll.u32 v11, $0x7  }
0xa87: {  	vm15 =	vgt.s32 v10, $0xFFFFFFFF;
	v13 =	vand.u32 $0xFFFFF800, v13;
	v55 =	vand.u32 $0x200, v55  }
0xa88: {  	v10 =	vadd.s32 s1, v13;
	v13 =	vor.u32 v40, v55;
	v55 =	vadd.s32 v1, v11;
	_ =	sdelay $0x1  }
0xa89: {  	v2 =	vor.u32 v35, v2;
	v10 =	vor.u32 v10, v13  }
0xa8a: {  	v13 =	vor.u32 v36, v10;
	v40 =	vpop (erf)  }
0xa8b: {  	v4 =	vmul.f32 v40, v4;
	[tilespmem:v12+s22+$0x0] =	vst.idx.add.f32.msk vm14, v40  }
0xa8c: {  	[tilespmem:v55+s21+$0x0] =	vst.idx.add.f32.msk vm15, v3  }
0xa8d: {  	[tilespmem:v12+s23+$0x0] =	vst.idx.add.f32.msk vm14, v4  }
0xa8e: {  	v2 =	vld.idx.msk [tilespmem:v2+s16+$0x0], $0xffff  }
0xa8f: {  	v4 =	vld.idx.msk [tilespmem:v13+s16+$0x0], $0xffff;
	_ =	sdelay $0x3  }
0xa90: {  	v12 =	vmul.f32 $1.442695020e+00, v2  }
0xa91: {  	v13 =	vmul.f32 $1.442695020e+00, v4  }
0xa92: {  	(erf) = vpow2.f32 v12  }
0xa93: {  	(erf) = vpow2.f32 v13;
	_ =	sdelay $0x7  }
0xa94: {  	v13 =	vor.u32 v37, v10;
	v12 =	vpop (erf)  }
0xa95: {  	v40 =	vpop (erf)  }
0xa96: {  	v4 =	vmul.f32 v40, v4  }
0xa97: {  	[tilespmem:v55+s22+$0x0] =	vst.idx.add.f32.msk vm15, v40  }
0xa98: {  	[tilespmem:v55+s23+$0x0] =	vst.idx.add.f32.msk vm15, v4  }
0xa99: {  	v4 =	vld.idx.msk [tilespmem:v13+s16+$0x0], $0xffff;
	_ =	sdelay $0x4  }
0xa9a: {  	v13 =	vmul.f32 $1.442695020e+00, v4;
	_ =	sdelay $0x1  }
0xa9b: {  	(erf) = vpow2.f32 v13;
	_ =	sdelay $0x5  }
0xa9c: {  	v13 =	vadd.s32 v5, v11;
	_ =	sdelay $0x1  }
0xa9d: {  	v40 =	vor.u32 v56, v10  }
0xa9e: {  	v55 =	vpop (erf)  }
0xa9f: {  	v4 =	vmul.f32 v55, v4  }
0xaa0: {  	[tilespmem:v13+s22+$0x0] =	vst.idx.add.f32.msk vm15, v55  }
0xaa1: {  	[tilespmem:v13+s23+$0x0] =	vst.idx.add.f32.msk vm15, v4  }
0xaa2: {  	v4 =	vld.idx.msk [tilespmem:v40+s16+$0x0], $0xffff;
	_ =	sdelay $0x4  }
0xaa3: {  	v13 =	vmul.f32 $1.442695020e+00, v4;
	_ =	sdelay $0x1  }
0xaa4: {  	(erf) = vpow2.f32 v13;
	_ =	sdelay $0x5  }
0xaa5: {  	v13 =	vadd.s32 v7, v11;
	_ =	sdelay $0x1  }
0xaa6: {  	v10 =	vor.u32 v58, v10  }
0xaa7: {  	v55 =	vpop (erf)  }
0xaa8: {  	v4 =	vmul.f32 v55, v4  }
0xaa9: {  	[tilespmem:v13+s22+$0x0] =	vst.idx.add.f32.msk vm15, v55  }
0xaaa: {  	[tilespmem:v13+s23+$0x0] =	vst.idx.add.f32.msk vm15, v4;
	v4 =	vadd.s32 v9, v38  }
0xaab: {  	v10 =	vld.idx.msk [tilespmem:v10+s16+$0x0], $0xffff  }
0xaac: {  	v13 =	vadd.s32 v9, v39;
	_ =	sdelay $0x1  }
0xaad: {  	v55 =	vadd.s32 v9, v43;
	v38 =	vmul.f32 v42, v41  }
0xaae: {  	[tilespmem:v4+s22+$0x0] =	vst.idx.add.f32.msk vm0, v42  }
0xaaf: {  	[tilespmem:v4+s23+$0x0] =	vst.idx.add.f32.msk vm0, v38;
	v4 =	vmul.f32 v45, v44;
	v44 =	vadd.s32 v9, v46;
	v46 =	vmul.f32 $1.442695020e+00, v10  }
0xab0: {  	[tilespmem:v13+s22+$0x0] =	vst.idx.add.f32.msk vm9, v45  }
0xab1: {  	[tilespmem:v13+s23+$0x0] =	vst.idx.add.f32.msk vm9, v4;
	(erf) = vpow2.f32 v46;
	v4 =	vmul.f32 v48, v47;
	v13 =	vadd.s32 v9, v49  }
0xab2: {  	[tilespmem:v55+s22+$0x0] =	vst.idx.add.f32.msk vm10, v48  }
0xab3: {  	[tilespmem:v55+s23+$0x0] =	vst.idx.add.f32.msk vm10, v4;
	v4 =	vmul.f32 v51, v50;
	v55 =	vadd.s32 v9, v52  }
0xab4: {  	[tilespmem:v44+s22+$0x0] =	vst.idx.add.f32.msk vm11, v51  }
0xab5: {  	v6 =	vadd.s32 v9, v6;
	[tilespmem:v44+s23+$0x0] =	vst.idx.add.f32.msk vm11, v4;
	v4 =	vmul.f32 v54, v53  }
0xab6: {  	[tilespmem:v13+s22+$0x0] =	vst.idx.add.f32.msk vm12, v54  }
0xab7: {  	v0 =	vmul.f32 v8, v0;
	[tilespmem:v13+s23+$0x0] =	vst.idx.add.f32.msk vm12, v4;
	v4 =	vadd.s32 v9, v11  }
0xab8: {  	p0 =	slt.u32 s0, $0x38;
	[tilespmem:v55+s22+$0x0] =	vst.idx.add.f32.msk vm13, v8  }
.Ltmp7:
0xab9: {  	[tilespmem:v55+s23+$0x0] =	vst.idx.add.f32.msk vm13, v0;
	v0 =	vmul.f32 v12, v2;
	(pc) =	sbr.rel @p0 .LBB2_16-.Ltmp7, $4  }
0xaba: {  	[tilespmem:v6+s22+$0x0] =	vst.idx.add.f32.msk vm14, v12;
	v2 =	vpop (erf)  }
0xabb: {  	[tilespmem:v6+s23+$0x0] =	vst.idx.add.f32.msk vm14, v0;
	v0 =	vmul.f32 v2, v10  }
0xabc: {  	[tilespmem:v4+s22+$0x0] =	vst.idx.add.f32.msk vm15, v2  }
0xabd: {  	s31 =	sadd.s32 $0x80, s31;
	[tilespmem:v4+s23+$0x0] =	vst.idx.add.f32.msk vm15, v0  }
0xabe: {  	v0 =	vld [tilespmem:$0x1A000]  }
0xabf: {  	v2 =	vld [tilespmem:$0x1A200]  }
0xac0: {  	v4 =	vld [tilespmem:$0x1A400]  }
0xac1: {  	v6 =	vld [tilespmem:$0x1A020]  }
0xac2: {  	v8 =	vld [tilespmem:$0x1A220]  }
0xac3: {  	v10 =	vld [tilespmem:$0x1A420]  }
0xac4: {  	v13 =	vld [tilespmem:$0x1A040]  }
0xac5: {  	v12 =	vld [tilespmem:$0x1A240]  }
0xac6: {  	v38 =	vld [tilespmem:$0x1A440]  }
0xac7: {  	v41 =	vld [tilespmem:$0x1A060]  }
0xac8: {  	v42 =	vld [tilespmem:$0x1A260]  }
0xac9: {  	v43 =	vld [tilespmem:$0x1A460]  }
0xaca: {  	v44 =	vld [tilespmem:$0x1A080]  }
0xacb: {  	v45 =	vld [tilespmem:$0x1A280]  }
0xacc: {  	v46 =	vld [tilespmem:$0x1A480]  }
0xacd: {  	v47 =	vld [tilespmem:$0x1A0A0]  }
0xace: {  	v48 =	vld [tilespmem:$0x1A2A0]  }
0xacf: {  	v49 =	vld [tilespmem:$0x1A4A0]  }
0xad0: {  	v50 =	vld [tilespmem:$0x1A0C0]  }
0xad1: {  	v51 =	vld [tilespmem:$0x1A2C0]  }
0xad2: {  	v52 =	vld [tilespmem:$0x1A4C0]  }
0xad3: {  	v53 =	vld [tilespmem:$0x1A0E0]  }
0xad4: {  	v54 =	vld [tilespmem:$0x1A2E0]  }
0xad5: {  	v55 =	vld [tilespmem:$0x1A4E0]  }
0xad6: {  	v56 =	vld [tilespmem:$0x1A100]  }
0xad7: {  	v57 =	vld [tilespmem:$0x1A300]  }
0xad8: {  	v58 =	vld [tilespmem:$0x1A500]  }
0xad9: {  	v59 =	vld [tilespmem:$0x1A120]  }
0xada: {  	v60 =	vld [tilespmem:$0x1A320]  }
0xadb: {  	v61 =	vld [tilespmem:$0x1A520]  }
0xadc: {  	v62 =	vld [tilespmem:$0x1A140]  }
0xadd: {  	v63 =	vld [tilespmem:$0x1A340]  }
0xade: {  	v39 =	vld [tilespmem:$0x1A540]  }
0xadf: {  	v40 =	vld [tilespmem:$0x1A160]  }
0xae0: {  	v30 =	vld [tilespmem:$0x1A360]  }
0xae1: {  	v29 =	vld [tilespmem:$0x1A560]  }
0xae2: {  	v28 =	vld [tilespmem:$0x1A180]  }
0xae3: {  	v27 =	vld [tilespmem:$0x1A380]  }
0xae4: {  	v26 =	vld [tilespmem:$0x1A580]  }
0xae5: {  	v24 =	vld [tilespmem:$0x1A1A0]  }
0xae6: {  	v23 =	vld [tilespmem:$0x1A3A0]  }
0xae7: {  	v22 =	vld [tilespmem:$0x1A5A0]  }
0xae8: {  	v21 =	vld [tilespmem:$0x1A1C0]  }
0xae9: {  	v20 =	vld [tilespmem:$0x1A3C0]  }
0xaea: {  	v19 =	vld [tilespmem:$0x1A5C0]  }
0xaeb: {  	v17 =	vld [tilespmem:$0x1A1E0]  }
0xaec: {  	v16 =	vld [tilespmem:$0x1A3E0]  }
0xaed: {  	v14 =	vld [tilespmem:$0x1A5E0]  }
0xaee: {  	v11 =	vld [tilespmem:$0x1A010]  }
0xaef: {  	v31 =	vld [tilespmem:$0x1A270];
	v0 =	vadd.f32 $0.0e+00, v0  }
0xaf0: {  	v32 =	vld [tilespmem:$0x1A470];
	v2 =	vadd.f32 $0.0e+00, v2  }
0xaf1: {  	v4 =	vadd.f32 $0.0e+00, v4;
	v0 =	vadd.f32 v6, v0;
	v6 =	vld [tilespmem:$0x1A210]  }
0xaf2: {  	v2 =	vadd.f32 v8, v2;
	v8 =	vld [tilespmem:$0x1A410]  }
0xaf3: {  	v4 =	vadd.f32 v10, v4;
	v10 =	vld [tilespmem:$0x1A030]  }
0xaf4: {  	v0 =	vadd.f32 v13, v0;
	v2 =	vadd.f32 v12, v2;
	v12 =	vld [tilespmem:$0x1A230]  }
0xaf5: {  	v11 =	vadd.f32 $0.0e+00, v11;
	v4 =	vadd.f32 v38, v4;
	v13 =	vld [tilespmem:$0x1A430]  }
0xaf6: {  	v38 =	vld [tilespmem:$0x1A050];
	v0 =	vadd.f32 v41, v0;
	v2 =	vadd.f32 v42, v2  }
0xaf7: {  	v4 =	vadd.f32 v43, v4;
	v41 =	vld [tilespmem:$0x1A250];
	v6 =	vadd.f32 $0.0e+00, v6  }
0xaf8: {  	v42 =	vld [tilespmem:$0x1A450];
	v8 =	vadd.f32 $0.0e+00, v8;
	v10 =	vadd.f32 v10, v11  }
0xaf9: {  	v43 =	vld [tilespmem:$0x1A070];
	v0 =	vadd.f32 v44, v0;
	v2 =	vadd.f32 v45, v2  }
0xafa: {  	v33 =	vld [tilespmem:$0x1A090];
	v4 =	vadd.f32 v46, v4;
	v6 =	vadd.f32 v12, v6  }
0xafb: {  	v34 =	vld [tilespmem:$0x1A290];
	v8 =	vadd.f32 v13, v8;
	v10 =	vadd.f32 v38, v10  }
0xafc: {  	v35 =	vld [tilespmem:$0x1A490];
	v0 =	vadd.f32 v47, v0;
	v2 =	vadd.f32 v48, v2  }
0xafd: {  	v11 =	vld [tilespmem:$0x1A2F0];
	v4 =	vadd.f32 v49, v4;
	v6 =	vadd.f32 v41, v6  }
0xafe: {  	v12 =	vld [tilespmem:$0x1A4F0];
	v8 =	vadd.f32 v42, v8;
	v10 =	vadd.f32 v43, v10  }
0xaff: {  	v13 =	vld [tilespmem:$0x1A110];
	v0 =	vadd.f32 v50, v0;
	v2 =	vadd.f32 v51, v2  }
0xb00: {  	v4 =	vadd.f32 v52, v4;
	v6 =	vadd.f32 v31, v6;
	v31 =	vld [tilespmem:$0x1A130]  }
0xb01: {  	v8 =	vadd.f32 v32, v8;
	v10 =	vadd.f32 v33, v10;
	v32 =	vld [tilespmem:$0x1A330]  }
0xb02: {  	v33 =	vld [tilespmem:$0x1A530];
	v0 =	vadd.f32 v53, v0;
	v2 =	vadd.f32 v54, v2  }
0xb03: {  	v4 =	vadd.f32 v55, v4;
	v54 =	vld [tilespmem:$0x1A550]  }
0xb04: {  	v0 =	vadd.f32 v56, v0;
	v2 =	vadd.f32 v57, v2;
	v57 =	vld [tilespmem:$0x1A0B0]  }
0xb05: {  	v4 =	vadd.f32 v58, v4;
	v58 =	vld [tilespmem:$0x1A2B0]  }
0xb06: {  	v6 =	vadd.f32 v34, v6;
	v0 =	vadd.f32 v59, v0;
	v59 =	vld [tilespmem:$0x1A4B0]  }
0xb07: {  	v2 =	vadd.f32 v60, v2;
	v4 =	vadd.f32 v61, v4;
	v60 =	vld [tilespmem:$0x1A0D0]  }
0xb08: {  	v8 =	vadd.f32 v35, v8;
	v61 =	vld [tilespmem:$0x1A2D0];
	v0 =	vadd.f32 v62, v0  }
0xb09: {  	v55 =	vld [tilespmem:$0x1A170];
	v2 =	vadd.f32 v63, v2;
	v4 =	vadd.f32 v39, v4  }
0xb0a: {  	v62 =	vld [tilespmem:$0x1A4D0];
	v10 =	vadd.f32 v57, v10;
	v6 =	vadd.f32 v58, v6  }
0xb0b: {  	v63 =	vld [tilespmem:$0x1A0F0];
	v0 =	vadd.f32 v40, v0;
	v2 =	vadd.f32 v30, v2  }
0xb0c: {  	v34 =	vld [tilespmem:$0x1A150];
	v4 =	vadd.f32 v29, v4;
	v8 =	vadd.f32 v59, v8  }
0xb0d: {  	v35 =	vld [tilespmem:$0x1A350];
	v10 =	vadd.f32 v60, v10;
	v6 =	vadd.f32 v61, v6  }
0xb0e: {  	v29 =	vld [tilespmem:$0x1A310];
	v0 =	vadd.f32 v28, v0;
	v2 =	vadd.f32 v27, v2  }
0xb0f: {  	v30 =	vld [tilespmem:$0x1A510];
	v4 =	vadd.f32 v26, v4;
	v8 =	vadd.f32 v62, v8  }
0xb10: {  	v56 =	vld [tilespmem:$0x1A370];
	v10 =	vadd.f32 v63, v10;
	v6 =	vadd.f32 v11, v6  }
0xb11: {  	v57 =	vld [tilespmem:$0x1A590];
	v0 =	vadd.f32 v24, v0;
	v2 =	vadd.f32 v23, v2  }
0xb12: {  	v58 =	vld [tilespmem:$0x1A1B0];
	v8 =	vadd.f32 v12, v8;
	v10 =	vadd.f32 v13, v10  }
0xb13: {  	v59 =	vld [tilespmem:$0x1A3B0];
	v4 =	vadd.f32 v22, v4;
	v6 =	vadd.f32 v29, v6  }
0xb14: {  	v11 =	vld [tilespmem:$0x1A570];
	v8 =	vadd.f32 v30, v8;
	v10 =	vadd.f32 v31, v10  }
0xb15: {  	v12 =	vld [tilespmem:$0x1A190];
	v0 =	vadd.f32 v21, v0;
	v6 =	vadd.f32 v32, v6  }
0xb16: {  	v13 =	vld [tilespmem:$0x1A390];
	v8 =	vadd.f32 v33, v8;
	v10 =	vadd.f32 v34, v10  }
0xb17: {  	v60 =	vld [tilespmem:$0x1A5B0];
	v2 =	vadd.f32 v20, v2;
	v6 =	vadd.f32 v35, v6  }
0xb18: {  	v61 =	vld [tilespmem:$0x1A1D0];
	v8 =	vadd.f32 v54, v8;
	v10 =	vadd.f32 v55, v10  }
0xb19: {  	v62 =	vld [tilespmem:$0x1A3D0];
	v4 =	vadd.f32 v19, v4;
	v6 =	vadd.f32 v56, v6  }
0xb1a: {  	v8 =	vadd.f32 v11, v8;
	v10 =	vadd.f32 v12, v10;
	v11 =	vld [tilespmem:$0x1A5D0]  }
0xb1b: {  	v0 =	vadd.f32 v17, v0;
	v6 =	vadd.f32 v13, v6;
	v12 =	vld [tilespmem:$0x1A1F0]  }
0xb1c: {  	v13 =	vld [tilespmem:$0x1A3F0];
	v8 =	vadd.f32 v57, v8;
	v10 =	vadd.f32 v58, v10  }
0xb1d: {  	v63 =	vld [tilespmem:$0x1A5F0];
	v2 =	vadd.f32 v16, v2;
	v6 =	vadd.f32 v59, v6  }
0xb1e: {  	v8 =	vadd.f32 v60, v8;
	v10 =	vadd.f32 v61, v10  }
0xb1f: {  	v4 =	vadd.f32 v14, v4;
	[tilespmem:$0x1A600] =	vst v0;
	v0 =	vadd.f32 v62, v6  }
0xb20: {  	[tilespmem:$0x1A680] =	vst v2;
	v2 =	vadd.f32 v11, v8;
	v6 =	vadd.f32 v12, v10  }
0xb21: {  	[tilespmem:$0x1A700] =	vst v4;
	v0 =	vadd.f32 v13, v0  }
0xb22: {  	v2 =	vadd.f32 v63, v2;
	[tilespmem:$0x1A610] =	vst v6  }
0xb23: {  	[tilespmem:$0x1A690] =	vst v0  }
0xb24: {  	s0 =	simm.s32 $0x1A600;
	[tilespmem:$0x1A710] =	vst v2  }
0xb25: {  	[hbm4b:s12+s2] =	stream.linear.scatter [tilespmem:s0], [sflag:$0x4], $0x80, $0x38;
	[tilespmem:$0x1A800] =	vst v63  }
0xb26: {  	_ =	swait.ge [sflag:s18], $0x80  }
0xb27: {  	[sflag:s18] =	ssyncset.done $0x0  }
0xb28: {  	s31 =	simm.s32 $0x1A680;
	[sflag:s18] =	ssyncadd.s32 $0xFFFFFF80  }
0xb29: {  	[hbm4b:s13+s2] =	stream.linear.scatter [tilespmem:s31], [sflag:$0x4], $0x80, $0x38;
	[tilespmem:$0x1A800] =	vst v63  }
0xb2a: {  	s30 =	sadd.s32 $0x1, s30;
	_ =	swait.ge [sflag:s18], $0x80  }
0xb2b: {  	p0 =	sne.s32 s30, s15;
	[sflag:s18] =	ssyncset.done $0x0  }
.Ltmp8:
0xb2c: {  	[sflag:s18] =	ssyncadd.s32 $0xFFFFFF80;
	(pc) =	sbr.rel @p0 .LBB2_1-.Ltmp8, $4  }
0xb2d: {  	[hbm4b:s14+s2] =	stream.linear.scatter [tilespmem:s29], [sflag:$0x4], $0x80, $0x38;
	[tilespmem:$0x1A800] =	vst v63  }
0xb2e: {  	_ =	swait.ge [sflag:s18], $0x80  }
0xb2f: {  	[sflag:s18] =	ssyncset.done $0x0  }
0xb30: {  	v13 =	vlaneseq.u32;
	[sflag:s18] =	ssyncadd.s32 $0xFFFFFF80  }
0xb31: {  	_ =	sfence.sel $0x180000  }
0xb32: {  	[bflag:$0x0] =	sbarrier.arrive $0xFFFF  }
0xb33: {  	_ =	strace $0x90000047  }
0xb34: {  	s0 =	stileid.u32;
	[bflag:$0x2] =	sbarrier.arrive $0xFFFF  }
0xb35: {  	p0 =	sne.s32 s0, $0x0;
	s0 =	rddreg [dreg:$0x3]  }
0xb36: {  	s0 =	sadd.s32 @!p0 $0x100000, s0  }
0xb37: {  	[sflag:s0] =	ssyncadd.tile.s32 @!p0 $0x1;
	_ =	shalt  }
.Lfunc_end2:
_tile_overlayer_lowered:
.L_overlay_start_2:
0xb38: {  	(tag) =	ssettag $0x2  }
0xb39: {  	s0 =	rddreg [dreg:$0x0];
	s2 =	stileid.u32  }
0xb3a: {  	s1 =	rddreg [dreg:$0x1];
	p0 =	sne.s32 s2, $0x0  }
0xb3b: {  	s3 =	rddreg [dreg:$0x2];
	[bflag:$0x3] =	sbarrier.arrive $0xFFFF;
	s2 =	simm.s32 @!p0 $0x1C04  }
0xb3c: {  	[timem:s3], [sflag:s2] =	dma.local @!p0 [hbm:s0], s1  }
0xb3d: {  	s0 =	simm.s32 @!p0 $0x4  }
0xb3e: {  	_ =	swait.ge @!p0 [sflag:s0], s1  }
0xb3f: {  	s1 =	ssub.s32 @!p0 $0x0, s1;
	[sflag:s0] =	ssyncset.done @!p0 $0x0  }
0xb40: {  	[sflag:s0] =	ssyncadd.s32 @!p0 s1  }
0xb41: {  	[bflag:$0x3] =	sbarrier.arrive $0xFFFF  }
0xb42: {  	_ =	shalt  }

</sc_bundles>
